<compile_context>
chip_gen: v7x
topology: tpu7x:2x2x1
jax: 0.10.2.dev20260603
libtpu: 0.0.44.dev20260713+nightly
codegen_flags: <defaults>
</compile_context>

<pallas_src>
import jax
import jax.numpy as jnp
from jax import lax
from jax.experimental import pallas as pl
from jax.experimental.pallas import tpu as pltpu
from jax.experimental.pallas import tpu_sc as plsc

_N = 10000
_E = 320000
_H = 128
_NC = 2
_NS = 16
_NW = _NC * _NS
_EPW = _E // _NW
_B = 80
_NSTEP = _EPW // _B
_NB = 3
_NPAD = 10240
_RPT = _NPAD // _NS
_DW = 128
_ROWBLK = 5000
_GRID = _N // _ROWBLK

_mesh = plsc.VectorSubcoreMesh(
    core_axis_name="c", subcore_axis_name="s",
    num_cores=_NC, num_subcores=_NS)



def _agg_body(hn, srcs, dsts, out, sidx, didx, rows,
              gsem, ssem, isem, acc):
    c = lax.axis_index("c")
    s = lax.axis_index("s")
    wid = c * _NS + s
    base = s * _RPT

    pltpu.sync_copy(dsts.at[wid], didx)
    for k in range(3):
        pltpu.async_copy(srcs.at[wid, k], sidx.at[k], isem.at[k])
    for k in range(2):
        pltpu.make_async_copy(srcs.at[wid, 0], sidx.at[k], isem.at[k]).wait()
        pltpu.async_copy(hn.at[sidx.at[k]], rows.at[k], gsem.at[k])

    z16 = jnp.zeros((16,), jnp.float32)

    def zrow(r, carry):
        for j in range(_H // 16):
            rows[2, r, pl.ds(j * 16, 16)] = z16
        return carry

    lax.fori_loop(0, _B, zrow, 0)
    for k in range(_RPT // _B):
        pltpu.sync_copy(rows.at[2], acc.at[pl.ds(base + k * _B, _B)])
    plsc.subcore_barrier()

    def step(i, carry):
        r = lax.rem(i, _NB)
        pltpu.make_async_copy(hn.at[sidx.at[0]], rows.at[r], gsem.at[r]).wait()
        pltpu.async_copy(rows.at[r], acc.at[didx.at[i]], ssem.at[r], add=True)

        @pl.when(i >= 1)
        def _():
            r2 = lax.rem(i + 2, _NB)
            pltpu.make_async_copy(rows.at[r2], acc.at[didx.at[0]],
                                  ssem.at[r2]).wait()

        @pl.when(i < _NSTEP - 3)
        def _():
            kb = lax.rem(i + 3, _NB)
            pltpu.async_copy(srcs.at[wid, i + 3], sidx.at[kb], isem.at[kb])

        @pl.when(i < _NSTEP - 2)
        def _():
            kb = lax.rem(i + 2, _NB)
            pltpu.make_async_copy(srcs.at[wid, 0], sidx.at[kb],
                                  isem.at[kb]).wait()
            pltpu.async_copy(hn.at[sidx.at[kb]], rows.at[kb], gsem.at[kb])

        return carry

    lax.fori_loop(0, _NSTEP, step, 0)
    pltpu.make_async_copy(rows.at[(_NSTEP - 1) % _NB], acc.at[didx.at[0]],
                          ssem.at[(_NSTEP - 1) % _NB]).wait()
    plsc.subcore_barrier()

    pltpu.sync_copy(acc.at[pl.ds(base, _RPT)], out.at[c, pl.ds(base, _RPT)])


_sc_agg = pl.kernel(
    _agg_body,
    out_type=jax.ShapeDtypeStruct((_NC, _NPAD, _H), jnp.float32),
    mesh=_mesh,
    scratch_types=[
        pltpu.VMEM((_NB, _B), jnp.int32),
        pltpu.VMEM((_NSTEP, _B), jnp.int32),
        pltpu.VMEM((_NB, _B, _H), jnp.float32),
        pltpu.SemaphoreType.DMA((_NB,)),
        pltpu.SemaphoreType.DMA((_NB,)),
        pltpu.SemaphoreType.DMA((_NB,)),
        pltpu.VMEM_SHARED((_NPAD, _H), jnp.float32),
    ],
)


def _deg_body(dsts, dz, ones_in, degout, dst_v, ones_v, dacc, sem):
    c = lax.axis_index("c")
    s = lax.axis_index("s")
    wid = c * _NS + s
    base = s * _RPT

    pltpu.sync_copy(dz, dacc.at[pl.ds(base, _RPT)])
    pltpu.sync_copy(ones_in, ones_v)
    pltpu.sync_copy(dsts.at[wid], dst_v)
    plsc.subcore_barrier()

    def fire(i, carry):
        pltpu.async_copy(ones_v, dacc.at[dst_v.at[i]], sem, add=True)
        return carry

    lax.fori_loop(0, _NSTEP, fire, 0)

    def drain(i, carry):
        pltpu.make_async_copy(ones_v, dacc.at[dst_v.at[0]], sem).wait()
        return carry

    lax.fori_loop(0, _NSTEP, drain, 0)
    plsc.subcore_barrier()
    pltpu.sync_copy(dacc.at[pl.ds(base, _RPT)],
                    degout.at[c, pl.ds(base, _RPT)])


_sc_deg = pl.kernel(
    _deg_body,
    out_type=jax.ShapeDtypeStruct((_NC, _NPAD, _DW), jnp.float32),
    mesh=_mesh,
    scratch_types=[
        pltpu.VMEM((_NSTEP, _B), jnp.int32),
        pltpu.VMEM((_B, _DW), jnp.float32),
        pltpu.VMEM_SHARED((_NPAD, _DW), jnp.float32),
        pltpu.SemaphoreType.DMA,
    ],
)



def _row_spec():
    return pl.BlockSpec((_ROWBLK, _H), lambda i: (i, 0))


def _full_spec(shape):
    nd = len(shape)
    return pl.BlockSpec(shape, lambda i: (0,) * nd)


def _part_spec(core):
    return pl.BlockSpec((1, _ROWBLK, _H), lambda i, c=core: (c, i, 0))


def _deg_spec(core):
    return pl.BlockSpec((1, _ROWBLK, _DW), lambda i, c=core: (c, i, 0))


def _rdeg_spec():
    return pl.BlockSpec((_ROWBLK, 1), lambda i: (i, 0))


def _proj_body(x, wl, bl, wn, ws, b0, d0, d1, hn_o, hs_o, rdeg_o):
    h = jnp.dot(x[...], wl[...], preferred_element_type=jnp.float32) + bl[...]
    hn_o[...] = jnp.dot(h, wn[...], preferred_element_type=jnp.float32)
    hs_o[...] = jnp.dot(h, ws[...], preferred_element_type=jnp.float32) + b0[...]
    deg = jnp.max(d0[0] + d1[0], axis=1, keepdims=True)
    rdeg_o[...] = 1.0 / jnp.maximum(deg, 1.0)


def _tc_proj(x, wl, bl, wn, ws, b0, degp):
    return pl.pallas_call(
        _proj_body,
        grid=(_GRID,),
        in_specs=[_row_spec(), _full_spec((_H, _H)), _full_spec((1, _H)),
                  _full_spec((_H, _H)), _full_spec((_H, _H)),
                  _full_spec((1, _H)), _deg_spec(0), _deg_spec(1)],
        out_specs=[_row_spec(), _row_spec(), _rdeg_spec()],
        out_shape=[jax.ShapeDtypeStruct((_N, _H), jnp.float32),
                   jax.ShapeDtypeStruct((_N, _H), jnp.float32),
                   jax.ShapeDtypeStruct((_N, 1), jnp.float32)],
    )(x, wl, bl, wn, ws, b0, degp, degp)


def _relu_mean(p0, p1, rdeg, hs):
    return jnp.maximum(hs[...] + (p0[0] + p1[0]) * rdeg[...], 0.0)


def _combine_body(p0, p1, rdeg, hs, wn, ws, b, hn_o, hs_o):
    h = _relu_mean(p0, p1, rdeg, hs)
    hn_o[...] = jnp.dot(h, wn[...], preferred_element_type=jnp.float32)
    hs_o[...] = jnp.dot(h, ws[...], preferred_element_type=jnp.float32) + b[...]


def _tc_combine(p, rdeg, hs, wn, ws, b):
    return pl.pallas_call(
        _combine_body,
        grid=(_GRID,),
        in_specs=[_part_spec(0), _part_spec(1), _rdeg_spec(),
                  _row_spec(), _full_spec((_H, _H)), _full_spec((_H, _H)),
                  _full_spec((1, _H))],
        out_specs=[_row_spec(), _row_spec()],
        out_shape=[jax.ShapeDtypeStruct((_N, _H), jnp.float32)] * 2,
    )(p, p, rdeg, hs, wn, ws, b)


def _final_body(p0, p1, rdeg, hs, wc, bc, out_o):
    h = _relu_mean(p0, p1, rdeg, hs)
    out_o[...] = jnp.dot(h, wc[...], preferred_element_type=jnp.float32) + bc[...]


def _tc_final(p, rdeg, hs, wc, bc):
    return pl.pallas_call(
        _final_body,
        grid=(_GRID,),
        in_specs=[_part_spec(0), _part_spec(1), _rdeg_spec(),
                  _row_spec(), _full_spec((_H, _H)), _full_spec((1, _H))],
        out_specs=_row_spec(),
        out_shape=jax.ShapeDtypeStruct((_N, _H), jnp.float32),
    )(p, p, rdeg, hs, wc, bc)



def kernel(x, edge_index, W_lin1, b_lin1, W_self, W_neigh, b_layers,
           W_cls, b_cls):
    src3 = edge_index[0].reshape(_NW, _NSTEP, _B)
    dst3 = edge_index[1].reshape(_NW, _NSTEP, _B)
    dz = jnp.zeros((_RPT, _DW), jnp.float32)
    ones_in = jnp.ones((_B, _DW), jnp.float32)

    degp = _sc_deg(dst3, dz, ones_in)
    hn, hs, rdeg = _tc_proj(x, W_lin1, b_lin1.reshape(1, _H),
                            W_neigh[0], W_self[0],
                            b_layers[0].reshape(1, _H), degp)
    p = _sc_agg(hn, src3, dst3)
    for l in (1, 2):
        hn, hs = _tc_combine(p, rdeg, hs, W_neigh[l], W_self[l],
                             b_layers[l].reshape(1, _H))
        p = _sc_agg(hn, src3, dst3)
    return _tc_final(p, rdeg, hs, W_cls, b_cls.reshape(1, _H))

# --- scband reference (transcript-rebuilt; emitter-appended) ---
"""Pipeline reference for scband-nacback-bone-446676599412 (READ-ONLY COPY).

The authoritative reference and input builder live on the scoring server;
editing this copy changes nothing except your own understanding.
"""

import jax, jax.numpy as jnp
import numpy as np

N = 10000
E = 320000
D = 128
H = 128
OUT = 128
L = 3


def setup_inputs(seed: int = 0):
    key = jax.random.key(seed)
    ks = jax.random.split(key, 10)
    rng = np.random.default_rng(0)
    x = jax.random.normal(ks[0], (N, D), dtype=jnp.float32)
    edge_index = jnp.asarray(rng.integers(0, N, size=(2, E)), dtype=jnp.int32)
    s = 1.0 / np.sqrt(H)
    W_lin1 = jax.random.normal(ks[1], (D, H), dtype=jnp.float32) * s
    b_lin1 = jnp.zeros((H,), dtype=jnp.float32)
    W_self = jax.random.normal(ks[2], (L, H, H), dtype=jnp.float32) * s
    W_neigh = jax.random.normal(ks[3], (L, H, H), dtype=jnp.float32) * s
    b_layers = jnp.zeros((L, H), dtype=jnp.float32)
    W_cls = jax.random.normal(ks[4], (H, OUT), dtype=jnp.float32) * s
    b_cls = jnp.zeros((OUT,), dtype=jnp.float32)
    return {"x": x, "edge_index": edge_index, "W_lin1": W_lin1, "b_lin1": b_lin1,
            "W_self": W_self, "W_neigh": W_neigh, "b_layers": b_layers,
            "W_cls": W_cls, "b_cls": b_cls}


def _sage_layer(h, src, dst, Ws, Wn, b):
    # GraphSAGE-mean NaOp: relu(W_self h + W_neigh mean_{j in N(i)} h_j + b)
    msgs = h[src]  # gather over edges
    agg = jax.ops.segment_sum(msgs, dst, num_segments=N)
    deg = jax.ops.segment_sum(jnp.ones((src.shape[0], 1), dtype=h.dtype), dst, num_segments=N)
    agg = agg / jnp.maximum(deg, 1.0)
    return jax.nn.relu(h @ Ws + agg @ Wn + b)


def reference(x, edge_index, W_lin1, b_lin1, W_self, W_neigh, b_layers, W_cls, b_cls):
    src = edge_index[0]
    dst = edge_index[1]
    # lin1 projection; dropout is identity at inference (training=False)
    h = x @ W_lin1 + b_lin1
    for i in range(L):
        h = _sage_layer(h, src, dst, W_self[i], W_neigh[i], b_layers[i])
        # with_layernorm=False, dropout identity at inference
    logits = h @ W_cls + b_cls  # jk=False path: classifier on last layer output
    return logits

if __name__ == "__main__":
    import jax
    _d = setup_inputs()
    print(jax.jit(kernel)(*tuple(_d.values())))

</pallas_src>

<mosaic_0001>
#map = affine_map<(d0, d1) -> (0, 0, 0)>
#map1 = affine_map<(d0, d1) -> (0, 0)>
module attributes {stable_mosaic.version = 14 : i64} {
  func.func @_deg_body(%arg0: i32, %arg1: i32, %arg2: memref<32x125x80xi32, #tpu.memory_space<hbm>>, %arg3: memref<640x128xf32, #tpu.memory_space<hbm>>, %arg4: memref<80x128xf32, #tpu.memory_space<hbm>>, %arg5: memref<2x10240x128xf32, #tpu.memory_space<hbm>>, %arg6: memref<125x80xi32, #tpu.memory_space<vmem>>, %arg7: memref<80x128xf32, #tpu.memory_space<vmem>>, %arg8: memref<10240x128xf32, #tpu.memory_space<vmem_shared>>, %arg9: memref<!tpu.dma_semaphore, #tpu.memory_space<semaphore_mem>>) attributes {dimension_semantics = [#tpu.dimension_semantics<core_parallel>, #tpu.dimension_semantics<subcore_parallel>], iteration_bounds = array<i64: 2, 16>, scalar_prefetch = 0 : i64, scratch_operands = 4 : i64, tpu.core_type = #tpu.core_type<sc_vector_subcore>, window_params = [{transform_indices = #map}, {transform_indices = #map1}, {transform_indices = #map1}, {transform_indices = #map}]} {
    %mul3A = arith.constant 16 : i32
    %mul3A_0 = arith.muli %arg0, %mul3A : i32
    %add3A = arith.addi %mul3A_0, %arg1 : i32
    %mul3A_1 = arith.constant 640 : i32
    %mul3A_2 = arith.muli %arg1, %mul3A_1 : i32
    "tpu.region"() ({
      %run_scoped3A = tpu.sem_alloc : memref<!tpu.dma_semaphore, #tpu.memory_space<semaphore_mem>>
      %dma_start3A = arith.constant 0 : i32
      %dma_start3A_15 = tpu.memref_slice %arg8[%mul3A_2, %dma_start3A] : memref<10240x128xf32, #tpu.memory_space<vmem_shared>> -> memref<640x128xf32, #tpu.memory_space<vmem_shared>>
      tpu.enqueue_dma source(%arg3 : memref<640x128xf32, #tpu.memory_space<hbm>>) target(%dma_start3A_15 : memref<640x128xf32, #tpu.memory_space<vmem_shared>>) target_semaphore(%run_scoped3A : memref<!tpu.dma_semaphore, #tpu.memory_space<semaphore_mem>>)
      %dma_wait3A = arith.constant 0 : i32
      %dma_wait3A_16 = tpu.memref_slice %arg8[%mul3A_2, %dma_wait3A] : memref<10240x128xf32, #tpu.memory_space<vmem_shared>> -> memref<640x128xf32, #tpu.memory_space<vmem_shared>>
      tpu.wait_dma2 semaphore(%run_scoped3A : memref<!tpu.dma_semaphore, #tpu.memory_space<semaphore_mem>>) src(%arg3 : memref<640x128xf32, #tpu.memory_space<hbm>>) dst(%dma_wait3A_16 : memref<640x128xf32, #tpu.memory_space<vmem_shared>>)
      tpu.yield
    }) : () -> ()
    "tpu.region"() ({
      %run_scoped3A = tpu.sem_alloc : memref<!tpu.dma_semaphore, #tpu.memory_space<semaphore_mem>>
      tpu.enqueue_dma source(%arg4 : memref<80x128xf32, #tpu.memory_space<hbm>>) target(%arg7 : memref<80x128xf32, #tpu.memory_space<vmem>>) target_semaphore(%run_scoped3A : memref<!tpu.dma_semaphore, #tpu.memory_space<semaphore_mem>>)
      tpu.wait_dma2 semaphore(%run_scoped3A : memref<!tpu.dma_semaphore, #tpu.memory_space<semaphore_mem>>) src(%arg4 : memref<80x128xf32, #tpu.memory_space<hbm>>) dst(%arg7 : memref<80x128xf32, #tpu.memory_space<vmem>>)
      tpu.yield
    }) : () -> ()
    "tpu.region"() ({
      %run_scoped3A = tpu.sem_alloc : memref<!tpu.dma_semaphore, #tpu.memory_space<semaphore_mem>>
      %dma_start3A = arith.constant 0 : i32
      %dma_start3A_15 = arith.constant 0 : i32
      %dma_start3A_16 = tpu.memref_slice %arg2[%add3A, %dma_start3A, %dma_start3A_15] : memref<32x125x80xi32, #tpu.memory_space<hbm>> -> memref<1x125x80xi32, #tpu.memory_space<hbm>>
      %dma_start3A_17 = tpu.memref_squeeze %dma_start3A_16 : memref<1x125x80xi32, #tpu.memory_space<hbm>> -> memref<125x80xi32, #tpu.memory_space<hbm>>
      %dma_start3A_18 = arith.constant 0 : i32
      %dma_start3A_19 = arith.constant 0 : i32
      %dma_start3A_20 = tpu.memref_slice %arg2[%add3A, %dma_start3A_18, %dma_start3A_19] : memref<32x125x80xi32, #tpu.memory_space<hbm>> -> memref<1x125x80xi32, #tpu.memory_space<hbm>>
      %dma_start3A_21 = tpu.memref_squeeze %dma_start3A_20 : memref<1x125x80xi32, #tpu.memory_space<hbm>> -> memref<125x80xi32, #tpu.memory_space<hbm>>
      tpu.enqueue_dma source(%dma_start3A_21 : memref<125x80xi32, #tpu.memory_space<hbm>>) target(%arg6 : memref<125x80xi32, #tpu.memory_space<vmem>>) target_semaphore(%run_scoped3A : memref<!tpu.dma_semaphore, #tpu.memory_space<semaphore_mem>>)
      %dma_wait3A = arith.constant 0 : i32
      %dma_wait3A_22 = arith.constant 0 : i32
      %dma_wait3A_23 = tpu.memref_slice %arg2[%add3A, %dma_wait3A, %dma_wait3A_22] : memref<32x125x80xi32, #tpu.memory_space<hbm>> -> memref<1x125x80xi32, #tpu.memory_space<hbm>>
      %dma_wait3A_24 = tpu.memref_squeeze %dma_wait3A_23 : memref<1x125x80xi32, #tpu.memory_space<hbm>> -> memref<125x80xi32, #tpu.memory_space<hbm>>
      %dma_wait3A_25 = arith.constant 0 : i32
      %dma_wait3A_26 = arith.constant 0 : i32
      %dma_wait3A_27 = tpu.memref_slice %arg2[%add3A, %dma_wait3A_25, %dma_wait3A_26] : memref<32x125x80xi32, #tpu.memory_space<hbm>> -> memref<1x125x80xi32, #tpu.memory_space<hbm>>
      %dma_wait3A_28 = tpu.memref_squeeze %dma_wait3A_27 : memref<1x125x80xi32, #tpu.memory_space<hbm>> -> memref<125x80xi32, #tpu.memory_space<hbm>>
      tpu.wait_dma2 semaphore(%run_scoped3A : memref<!tpu.dma_semaphore, #tpu.memory_space<semaphore_mem>>) src(%dma_wait3A_28 : memref<125x80xi32, #tpu.memory_space<hbm>>) dst(%arg6 : memref<125x80xi32, #tpu.memory_space<vmem>>)
      tpu.yield
    }) : () -> ()
    %barrier3A = arith.constant 0 : index
    tpu.barrier barrier_id(%barrier3A)
    %scan3A = arith.constant 0 : i32
    %scan3A_3 = arith.constant 0 : i32
    %scan3A_4 = arith.constant 125 : i32
    %scan3A_5 = arith.addi %scan3A_3, %scan3A_4 : i32
    %scan3A_6 = arith.constant 1 : i32
    scf.for %scan3A_15 = %scan3A_3 to %scan3A_5 step %scan3A_6  : i32 {
      %dma_start3A = arith.constant 0 : i32
      %dma_start3A_16 = tpu.memref_slice %arg6[%scan3A_15, %dma_start3A] : memref<125x80xi32, #tpu.memory_space<vmem>> -> memref<1x80xi32, #tpu.memory_space<vmem>>
      %dma_start3A_17 = tpu.memref_squeeze %dma_start3A_16 : memref<1x80xi32, #tpu.memory_space<vmem>> -> memref<80xi32, #tpu.memory_space<vmem>>
      %dma_start3A_18 = arith.constant 0 : i32
      %dma_start3A_19 = arith.constant 0 : i32
      %dma_start3A_20 = tpu.memref_slice %arg8[%dma_start3A_18, %dma_start3A_19] : memref<10240x128xf32, #tpu.memory_space<vmem_shared>> -> memref<10240x128xf32, #tpu.memory_space<vmem_shared>>
      tpu.enqueue_indirect_dma source(%arg7 : memref<80x128xf32, #tpu.memory_space<vmem>>) target(%dma_start3A_20 : memref<10240x128xf32, #tpu.memory_space<vmem_shared>>) offsets(%dma_start3A_17 : memref<80xi32, #tpu.memory_space<vmem>>) semaphore(%arg9 : memref<!tpu.dma_semaphore, #tpu.memory_space<semaphore_mem>>) {add = true}
    }
    %scan3A_7 = arith.constant 125 : i32
    %scan3A_8 = arith.constant 0 : i32
    %scan3A_9 = arith.constant 0 : i32
    %scan3A_10 = arith.constant 125 : i32
    %scan3A_11 = arith.addi %scan3A_9, %scan3A_10 : i32
    %scan3A_12 = arith.constant 1 : i32
    scf.for %scan3A_15 = %scan3A_9 to %scan3A_11 step %scan3A_12  : i32 {
      %dma_wait3A = arith.constant 0 : i32
      %dma_wait3A_16 = arith.constant 0 : i32
      %dma_wait3A_17 = tpu.memref_slice %arg6[%dma_wait3A, %dma_wait3A_16] : memref<125x80xi32, #tpu.memory_space<vmem>> -> memref<1x80xi32, #tpu.memory_space<vmem>>
      %dma_wait3A_18 = tpu.memref_squeeze %dma_wait3A_17 : memref<1x80xi32, #tpu.memory_space<vmem>> -> memref<80xi32, #tpu.memory_space<vmem>>
      %dma_wait3A_19 = arith.constant 0 : i32
      %dma_wait3A_20 = arith.constant 0 : i32
      %dma_wait3A_21 = tpu.memref_slice %arg8[%dma_wait3A_19, %dma_wait3A_20] : memref<10240x128xf32, #tpu.memory_space<vmem_shared>> -> memref<10240x128xf32, #tpu.memory_space<vmem_shared>>
      tpu.wait_indirect_dma semaphore(%arg9 : memref<!tpu.dma_semaphore, #tpu.memory_space<semaphore_mem>>) src(%arg7 : memref<80x128xf32, #tpu.memory_space<vmem>>) dst(%dma_wait3A_21 : memref<10240x128xf32, #tpu.memory_space<vmem_shared>>)
    }
    %scan3A_13 = arith.constant 125 : i32
    %barrier3A_14 = arith.constant 0 : index
    tpu.barrier barrier_id(%barrier3A_14)
    "tpu.region"() ({
      %run_scoped3A = tpu.sem_alloc : memref<!tpu.dma_semaphore, #tpu.memory_space<semaphore_mem>>
      %dma_start3A = arith.constant 0 : i32
      %dma_start3A_15 = tpu.memref_slice %arg5[%arg0, %mul3A_2, %dma_start3A] : memref<2x10240x128xf32, #tpu.memory_space<hbm>> -> memref<1x640x128xf32, #tpu.memory_space<hbm>>
      %dma_start3A_16 = tpu.memref_squeeze %dma_start3A_15 : memref<1x640x128xf32, #tpu.memory_space<hbm>> -> memref<640x128xf32, #tpu.memory_space<hbm>>
      %dma_start3A_17 = arith.constant 0 : i32
      %dma_start3A_18 = tpu.memref_slice %arg8[%mul3A_2, %dma_start3A_17] : memref<10240x128xf32, #tpu.memory_space<vmem_shared>> -> memref<640x128xf32, #tpu.memory_space<vmem_shared>>
      tpu.enqueue_dma source(%dma_start3A_18 : memref<640x128xf32, #tpu.memory_space<vmem_shared>>) target(%dma_start3A_16 : memref<640x128xf32, #tpu.memory_space<hbm>>) target_semaphore(%run_scoped3A : memref<!tpu.dma_semaphore, #tpu.memory_space<semaphore_mem>>)
      %dma_wait3A = arith.constant 0 : i32
      %dma_wait3A_19 = tpu.memref_slice %arg5[%arg0, %mul3A_2, %dma_wait3A] : memref<2x10240x128xf32, #tpu.memory_space<hbm>> -> memref<1x640x128xf32, #tpu.memory_space<hbm>>
      %dma_wait3A_20 = tpu.memref_squeeze %dma_wait3A_19 : memref<1x640x128xf32, #tpu.memory_space<hbm>> -> memref<640x128xf32, #tpu.memory_space<hbm>>
      %dma_wait3A_21 = arith.constant 0 : i32
      %dma_wait3A_22 = tpu.memref_slice %arg8[%mul3A_2, %dma_wait3A_21] : memref<10240x128xf32, #tpu.memory_space<vmem_shared>> -> memref<640x128xf32, #tpu.memory_space<vmem_shared>>
      tpu.wait_dma2 semaphore(%run_scoped3A : memref<!tpu.dma_semaphore, #tpu.memory_space<semaphore_mem>>) src(%dma_wait3A_22 : memref<640x128xf32, #tpu.memory_space<vmem_shared>>) dst(%dma_wait3A_20 : memref<640x128xf32, #tpu.memory_space<hbm>>)
      tpu.yield
    }) : () -> ()
    return
  }
}

#map = affine_map<(d0, d1) -> (0, 0)>
#map1 = affine_map<(d0, d1) -> (0, 0, 0)>
module attributes {stable_mosaic.version = 14 : i64} {
  func.func @_agg_body(%arg0: i32, %arg1: i32, %arg2: memref<10000x128xf32, #tpu.memory_space<hbm>>, %arg3: memref<32x125x80xi32, #tpu.memory_space<hbm>>, %arg4: memref<32x125x80xi32, #tpu.memory_space<hbm>>, %arg5: memref<2x10240x128xf32, #tpu.memory_space<hbm>>, %arg6: memref<3x80xi32, #tpu.memory_space<vmem>>, %arg7: memref<125x80xi32, #tpu.memory_space<vmem>>, %arg8: memref<3x80x128xf32, #tpu.memory_space<vmem>>, %arg9: memref<3x!tpu.dma_semaphore, #tpu.memory_space<semaphore_mem>>, %arg10: memref<3x!tpu.dma_semaphore, #tpu.memory_space<semaphore_mem>>, %arg11: memref<3x!tpu.dma_semaphore, #tpu.memory_space<semaphore_mem>>, %arg12: memref<10240x128xf32, #tpu.memory_space<vmem_shared>>) attributes {dimension_semantics = [#tpu.dimension_semantics<core_parallel>, #tpu.dimension_semantics<subcore_parallel>], iteration_bounds = array<i64: 2, 16>, scalar_prefetch = 0 : i64, scratch_operands = 7 : i64, tpu.core_type = #tpu.core_type<sc_vector_subcore>, window_params = [{transform_indices = #map}, {transform_indices = #map1}, {transform_indices = #map1}, {transform_indices = #map1}]} {
    %mul3A = arith.constant 16 : i32
    %mul3A_0 = arith.muli %arg0, %mul3A : i32
    %add3A = arith.addi %mul3A_0, %arg1 : i32
    %mul3A_1 = arith.constant 640 : i32
    %mul3A_2 = arith.muli %arg1, %mul3A_1 : i32
    "tpu.region"() ({
      %run_scoped3A_167 = tpu.sem_alloc : memref<!tpu.dma_semaphore, #tpu.memory_space<semaphore_mem>>
      %dma_start3A_168 = arith.constant 0 : i32
      %dma_start3A_169 = arith.constant 0 : i32
      %dma_start3A_170 = tpu.memref_slice %arg4[%add3A, %dma_start3A_168, %dma_start3A_169] : memref<32x125x80xi32, #tpu.memory_space<hbm>> -> memref<1x125x80xi32, #tpu.memory_space<hbm>>
      %dma_start3A_171 = tpu.memref_squeeze %dma_start3A_170 : memref<1x125x80xi32, #tpu.memory_space<hbm>> -> memref<125x80xi32, #tpu.memory_space<hbm>>
      %dma_start3A_172 = arith.constant 0 : i32
      %dma_start3A_173 = arith.constant 0 : i32
      %dma_start3A_174 = tpu.memref_slice %arg4[%add3A, %dma_start3A_172, %dma_start3A_173] : memref<32x125x80xi32, #tpu.memory_space<hbm>> -> memref<1x125x80xi32, #tpu.memory_space<hbm>>
      %dma_start3A_175 = tpu.memref_squeeze %dma_start3A_174 : memref<1x125x80xi32, #tpu.memory_space<hbm>> -> memref<125x80xi32, #tpu.memory_space<hbm>>
      tpu.enqueue_dma source(%dma_start3A_175 : memref<125x80xi32, #tpu.memory_space<hbm>>) target(%arg7 : memref<125x80xi32, #tpu.memory_space<vmem>>) target_semaphore(%run_scoped3A_167 : memref<!tpu.dma_semaphore, #tpu.memory_space<semaphore_mem>>)
      %dma_wait3A_176 = arith.constant 0 : i32
      %dma_wait3A_177 = arith.constant 0 : i32
      %dma_wait3A_178 = tpu.memref_slice %arg4[%add3A, %dma_wait3A_176, %dma_wait3A_177] : memref<32x125x80xi32, #tpu.memory_space<hbm>> -> memref<1x125x80xi32, #tpu.memory_space<hbm>>
      %dma_wait3A_179 = tpu.memref_squeeze %dma_wait3A_178 : memref<1x125x80xi32, #tpu.memory_space<hbm>> -> memref<125x80xi32, #tpu.memory_space<hbm>>
      %dma_wait3A_180 = arith.constant 0 : i32
      %dma_wait3A_181 = arith.constant 0 : i32
      %dma_wait3A_182 = tpu.memref_slice %arg4[%add3A, %dma_wait3A_180, %dma_wait3A_181] : memref<32x125x80xi32, #tpu.memory_space<hbm>> -> memref<1x125x80xi32, #tpu.memory_space<hbm>>
      %dma_wait3A_183 = tpu.memref_squeeze %dma_wait3A_182 : memref<1x125x80xi32, #tpu.memory_space<hbm>> -> memref<125x80xi32, #tpu.memory_space<hbm>>
      tpu.wait_dma2 semaphore(%run_scoped3A_167 : memref<!tpu.dma_semaphore, #tpu.memory_space<semaphore_mem>>) src(%dma_wait3A_183 : memref<125x80xi32, #tpu.memory_space<hbm>>) dst(%arg7 : memref<125x80xi32, #tpu.memory_space<vmem>>)
      tpu.yield
    }) : () -> ()
    %dma_start3A = arith.constant 0 : i32
    %dma_start3A_3 = arith.constant 0 : i32
    %dma_start3A_4 = arith.constant 0 : i32
    %dma_start3A_5 = arith.constant 0 : i32
    %dma_start3A_6 = tpu.memref_slice %arg6[%dma_start3A_3, %dma_start3A_5] : memref<3x80xi32, #tpu.memory_space<vmem>> -> memref<1x80xi32, #tpu.memory_space<vmem>>
    %dma_start3A_7 = tpu.memref_squeeze %dma_start3A_6 : memref<1x80xi32, #tpu.memory_space<vmem>> -> memref<80xi32, #tpu.memory_space<vmem>>
    %dma_start3A_8 = arith.constant 0 : i32
    %dma_start3A_9 = tpu.memref_slice %arg3[%add3A, %dma_start3A, %dma_start3A_8] : memref<32x125x80xi32, #tpu.memory_space<hbm>> -> memref<1x1x80xi32, #tpu.memory_space<hbm>>
    %dma_start3A_10 = tpu.memref_squeeze %dma_start3A_9 : memref<1x1x80xi32, #tpu.memory_space<hbm>> -> memref<80xi32, #tpu.memory_space<hbm>>
    %dma_start3A_11 = tpu.memref_slice %arg11[%dma_start3A_4] : memref<3x!tpu.dma_semaphore, #tpu.memory_space<semaphore_mem>> -> memref<1x!tpu.dma_semaphore, #tpu.memory_space<semaphore_mem>>
    %dma_start3A_12 = tpu.memref_squeeze %dma_start3A_11 : memref<1x!tpu.dma_semaphore, #tpu.memory_space<semaphore_mem>> -> memref<!tpu.dma_semaphore, #tpu.memory_space<semaphore_mem>>
    %dma_start3A_13 = arith.constant 0 : i32
    %dma_start3A_14 = tpu.memref_slice %arg6[%dma_start3A_3, %dma_start3A_13] : memref<3x80xi32, #tpu.memory_space<vmem>> -> memref<1x80xi32, #tpu.memory_space<vmem>>
    %dma_start3A_15 = tpu.memref_squeeze %dma_start3A_14 : memref<1x80xi32, #tpu.memory_space<vmem>> -> memref<80xi32, #tpu.memory_space<vmem>>
    %dma_start3A_16 = arith.constant 0 : i32
    %dma_start3A_17 = tpu.memref_slice %arg3[%add3A, %dma_start3A, %dma_start3A_16] : memref<32x125x80xi32, #tpu.memory_space<hbm>> -> memref<1x1x80xi32, #tpu.memory_space<hbm>>
    %dma_start3A_18 = tpu.memref_squeeze %dma_start3A_17 : memref<1x1x80xi32, #tpu.memory_space<hbm>> -> memref<80xi32, #tpu.memory_space<hbm>>
    tpu.enqueue_dma source(%dma_start3A_18 : memref<80xi32, #tpu.memory_space<hbm>>) target(%dma_start3A_15 : memref<80xi32, #tpu.memory_space<vmem>>) target_semaphore(%dma_start3A_12 : memref<!tpu.dma_semaphore, #tpu.memory_space<semaphore_mem>>)
    %dma_start3A_19 = arith.constant 1 : i32
    %dma_start3A_20 = arith.constant 1 : i32
    %dma_start3A_21 = arith.constant 1 : i32
    %dma_start3A_22 = arith.constant 0 : i32
    %dma_start3A_23 = tpu.memref_slice %arg6[%dma_start3A_20, %dma_start3A_22] : memref<3x80xi32, #tpu.memory_space<vmem>> -> memref<1x80xi32, #tpu.memory_space<vmem>>
    %dma_start3A_24 = tpu.memref_squeeze %dma_start3A_23 : memref<1x80xi32, #tpu.memory_space<vmem>> -> memref<80xi32, #tpu.memory_space<vmem>>
    %dma_start3A_25 = arith.constant 0 : i32
    %dma_start3A_26 = tpu.memref_slice %arg3[%add3A, %dma_start3A_19, %dma_start3A_25] : memref<32x125x80xi32, #tpu.memory_space<hbm>> -> memref<1x1x80xi32, #tpu.memory_space<hbm>>
    %dma_start3A_27 = tpu.memref_squeeze %dma_start3A_26 : memref<1x1x80xi32, #tpu.memory_space<hbm>> -> memref<80xi32, #tpu.memory_space<hbm>>
    %dma_start3A_28 = tpu.memref_slice %arg11[%dma_start3A_21] : memref<3x!tpu.dma_semaphore, #tpu.memory_space<semaphore_mem>> -> memref<1x!tpu.dma_semaphore, #tpu.memory_space<semaphore_mem>>
    %dma_start3A_29 = tpu.memref_squeeze %dma_start3A_28 : memref<1x!tpu.dma_semaphore, #tpu.memory_space<semaphore_mem>> -> memref<!tpu.dma_semaphore, #tpu.memory_space<semaphore_mem>>
    %dma_start3A_30 = arith.constant 0 : i32
    %dma_start3A_31 = tpu.memref_slice %arg6[%dma_start3A_20, %dma_start3A_30] : memref<3x80xi32, #tpu.memory_space<vmem>> -> memref<1x80xi32, #tpu.memory_space<vmem>>
    %dma_start3A_32 = tpu.memref_squeeze %dma_start3A_31 : memref<1x80xi32, #tpu.memory_space<vmem>> -> memref<80xi32, #tpu.memory_space<vmem>>
    %dma_start3A_33 = arith.constant 0 : i32
    %dma_start3A_34 = tpu.memref_slice %arg3[%add3A, %dma_start3A_19, %dma_start3A_33] : memref<32x125x80xi32, #tpu.memory_space<hbm>> -> memref<1x1x80xi32, #tpu.memory_space<hbm>>
    %dma_start3A_35 = tpu.memref_squeeze %dma_start3A_34 : memref<1x1x80xi32, #tpu.memory_space<hbm>> -> memref<80xi32, #tpu.memory_space<hbm>>
    tpu.enqueue_dma source(%dma_start3A_35 : memref<80xi32, #tpu.memory_space<hbm>>) target(%dma_start3A_32 : memref<80xi32, #tpu.memory_space<vmem>>) target_semaphore(%dma_start3A_29 : memref<!tpu.dma_semaphore, #tpu.memory_space<semaphore_mem>>)
    %dma_start3A_36 = arith.constant 2 : i32
    %dma_start3A_37 = arith.constant 2 : i32
    %dma_start3A_38 = arith.constant 2 : i32
    %dma_start3A_39 = arith.constant 0 : i32
    %dma_start3A_40 = tpu.memref_slice %arg6[%dma_start3A_37, %dma_start3A_39] : memref<3x80xi32, #tpu.memory_space<vmem>> -> memref<1x80xi32, #tpu.memory_space<vmem>>
    %dma_start3A_41 = tpu.memref_squeeze %dma_start3A_40 : memref<1x80xi32, #tpu.memory_space<vmem>> -> memref<80xi32, #tpu.memory_space<vmem>>
    %dma_start3A_42 = arith.constant 0 : i32
    %dma_start3A_43 = tpu.memref_slice %arg3[%add3A, %dma_start3A_36, %dma_start3A_42] : memref<32x125x80xi32, #tpu.memory_space<hbm>> -> memref<1x1x80xi32, #tpu.memory_space<hbm>>
    %dma_start3A_44 = tpu.memref_squeeze %dma_start3A_43 : memref<1x1x80xi32, #tpu.memory_space<hbm>> -> memref<80xi32, #tpu.memory_space<hbm>>
    %dma_start3A_45 = tpu.memref_slice %arg11[%dma_start3A_38] : memref<3x!tpu.dma_semaphore, #tpu.memory_space<semaphore_mem>> -> memref<1x!tpu.dma_semaphore, #tpu.memory_space<semaphore_mem>>
    %dma_start3A_46 = tpu.memref_squeeze %dma_start3A_45 : memref<1x!tpu.dma_semaphore, #tpu.memory_space<semaphore_mem>> -> memref<!tpu.dma_semaphore, #tpu.memory_space<semaphore_mem>>
    %dma_start3A_47 = arith.constant 0 : i32
    %dma_start3A_48 = tpu.memref_slice %arg6[%dma_start3A_37, %dma_start3A_47] : memref<3x80xi32, #tpu.memory_space<vmem>> -> memref<1x80xi32, #tpu.memory_space<vmem>>
    %dma_start3A_49 = tpu.memref_squeeze %dma_start3A_48 : memref<1x80xi32, #tpu.memory_space<vmem>> -> memref<80xi32, #tpu.memory_space<vmem>>
    %dma_start3A_50 = arith.constant 0 : i32
    %dma_start3A_51 = tpu.memref_slice %arg3[%add3A, %dma_start3A_36, %dma_start3A_50] : memref<32x125x80xi32, #tpu.memory_space<hbm>> -> memref<1x1x80xi32, #tpu.memory_space<hbm>>
    %dma_start3A_52 = tpu.memref_squeeze %dma_start3A_51 : memref<1x1x80xi32, #tpu.memory_space<hbm>> -> memref<80xi32, #tpu.memory_space<hbm>>
    tpu.enqueue_dma source(%dma_start3A_52 : memref<80xi32, #tpu.memory_space<hbm>>) target(%dma_start3A_49 : memref<80xi32, #tpu.memory_space<vmem>>) target_semaphore(%dma_start3A_46 : memref<!tpu.dma_semaphore, #tpu.memory_space<semaphore_mem>>)
    %dma_wait3A = arith.constant 0 : i32
    %dma_wait3A_53 = arith.constant 0 : i32
    %dma_wait3A_54 = arith.constant 0 : i32
    %dma_wait3A_55 = arith.constant 0 : i32
    %dma_wait3A_56 = tpu.memref_slice %arg6[%dma_wait3A_53, %dma_wait3A_55] : memref<3x80xi32, #tpu.memory_space<vmem>> -> memref<1x80xi32, #tpu.memory_space<vmem>>
    %dma_wait3A_57 = tpu.memref_squeeze %dma_wait3A_56 : memref<1x80xi32, #tpu.memory_space<vmem>> -> memref<80xi32, #tpu.memory_space<vmem>>
    %dma_wait3A_58 = arith.constant 0 : i32
    %dma_wait3A_59 = tpu.memref_slice %arg3[%add3A, %dma_wait3A, %dma_wait3A_58] : memref<32x125x80xi32, #tpu.memory_space<hbm>> -> memref<1x1x80xi32, #tpu.memory_space<hbm>>
    %dma_wait3A_60 = tpu.memref_squeeze %dma_wait3A_59 : memref<1x1x80xi32, #tpu.memory_space<hbm>> -> memref<80xi32, #tpu.memory_space<hbm>>
    %dma_wait3A_61 = tpu.memref_slice %arg11[%dma_wait3A_54] : memref<3x!tpu.dma_semaphore, #tpu.memory_space<semaphore_mem>> -> memref<1x!tpu.dma_semaphore, #tpu.memory_space<semaphore_mem>>
    %dma_wait3A_62 = tpu.memref_squeeze %dma_wait3A_61 : memref<1x!tpu.dma_semaphore, #tpu.memory_space<semaphore_mem>> -> memref<!tpu.dma_semaphore, #tpu.memory_space<semaphore_mem>>
    %dma_wait3A_63 = arith.constant 0 : i32
    %dma_wait3A_64 = tpu.memref_slice %arg6[%dma_wait3A_53, %dma_wait3A_63] : memref<3x80xi32, #tpu.memory_space<vmem>> -> memref<1x80xi32, #tpu.memory_space<vmem>>
    %dma_wait3A_65 = tpu.memref_squeeze %dma_wait3A_64 : memref<1x80xi32, #tpu.memory_space<vmem>> -> memref<80xi32, #tpu.memory_space<vmem>>
    %dma_wait3A_66 = arith.constant 0 : i32
    %dma_wait3A_67 = tpu.memref_slice %arg3[%add3A, %dma_wait3A, %dma_wait3A_66] : memref<32x125x80xi32, #tpu.memory_space<hbm>> -> memref<1x1x80xi32, #tpu.memory_space<hbm>>
    %dma_wait3A_68 = tpu.memref_squeeze %dma_wait3A_67 : memref<1x1x80xi32, #tpu.memory_space<hbm>> -> memref<80xi32, #tpu.memory_space<hbm>>
    tpu.wait_dma2 semaphore(%dma_wait3A_62 : memref<!tpu.dma_semaphore, #tpu.memory_space<semaphore_mem>>) src(%dma_wait3A_68 : memref<80xi32, #tpu.memory_space<hbm>>) dst(%dma_wait3A_65 : memref<80xi32, #tpu.memory_space<vmem>>)
    %dma_start3A_69 = arith.constant 0 : i32
    %dma_start3A_70 = arith.constant 0 : i32
    %dma_start3A_71 = arith.constant 0 : i32
    %dma_start3A_72 = arith.constant 0 : i32
    %dma_start3A_73 = arith.constant 0 : i32
    %dma_start3A_74 = tpu.memref_slice %arg8[%dma_start3A_70, %dma_start3A_72, %dma_start3A_73] : memref<3x80x128xf32, #tpu.memory_space<vmem>> -> memref<1x80x128xf32, #tpu.memory_space<vmem>>
    %dma_start3A_75 = tpu.memref_squeeze %dma_start3A_74 : memref<1x80x128xf32, #tpu.memory_space<vmem>> -> memref<80x128xf32, #tpu.memory_space<vmem>>
    %dma_start3A_76 = arith.constant 0 : i32
    %dma_start3A_77 = tpu.memref_slice %arg6[%dma_start3A_69, %dma_start3A_76] : memref<3x80xi32, #tpu.memory_space<vmem>> -> memref<1x80xi32, #tpu.memory_space<vmem>>
    %dma_start3A_78 = tpu.memref_squeeze %dma_start3A_77 : memref<1x80xi32, #tpu.memory_space<vmem>> -> memref<80xi32, #tpu.memory_space<vmem>>
    %dma_start3A_79 = arith.constant 0 : i32
    %dma_start3A_80 = arith.constant 0 : i32
    %dma_start3A_81 = tpu.memref_slice %arg2[%dma_start3A_79, %dma_start3A_80] : memref<10000x128xf32, #tpu.memory_space<hbm>> -> memref<10000x128xf32, #tpu.memory_space<hbm>>
    %dma_start3A_82 = tpu.memref_slice %arg9[%dma_start3A_71] : memref<3x!tpu.dma_semaphore, #tpu.memory_space<semaphore_mem>> -> memref<1x!tpu.dma_semaphore, #tpu.memory_space<semaphore_mem>>
    %dma_start3A_83 = tpu.memref_squeeze %dma_start3A_82 : memref<1x!tpu.dma_semaphore, #tpu.memory_space<semaphore_mem>> -> memref<!tpu.dma_semaphore, #tpu.memory_space<semaphore_mem>>
    tpu.enqueue_indirect_dma source(%dma_start3A_81 : memref<10000x128xf32, #tpu.memory_space<hbm>>) target(%dma_start3A_75 : memref<80x128xf32, #tpu.memory_space<vmem>>) offsets(%dma_start3A_78 : memref<80xi32, #tpu.memory_space<vmem>>) semaphore(%dma_start3A_83 : memref<!tpu.dma_semaphore, #tpu.memory_space<semaphore_mem>>)
    %dma_wait3A_84 = arith.constant 0 : i32
    %dma_wait3A_85 = arith.constant 1 : i32
    %dma_wait3A_86 = arith.constant 1 : i32
    %dma_wait3A_87 = arith.constant 0 : i32
    %dma_wait3A_88 = tpu.memref_slice %arg6[%dma_wait3A_85, %dma_wait3A_87] : memref<3x80xi32, #tpu.memory_space<vmem>> -> memref<1x80xi32, #tpu.memory_space<vmem>>
    %dma_wait3A_89 = tpu.memref_squeeze %dma_wait3A_88 : memref<1x80xi32, #tpu.memory_space<vmem>> -> memref<80xi32, #tpu.memory_space<vmem>>
    %dma_wait3A_90 = arith.constant 0 : i32
    %dma_wait3A_91 = tpu.memref_slice %arg3[%add3A, %dma_wait3A_84, %dma_wait3A_90] : memref<32x125x80xi32, #tpu.memory_space<hbm>> -> memref<1x1x80xi32, #tpu.memory_space<hbm>>
    %dma_wait3A_92 = tpu.memref_squeeze %dma_wait3A_91 : memref<1x1x80xi32, #tpu.memory_space<hbm>> -> memref<80xi32, #tpu.memory_space<hbm>>
    %dma_wait3A_93 = tpu.memref_slice %arg11[%dma_wait3A_86] : memref<3x!tpu.dma_semaphore, #tpu.memory_space<semaphore_mem>> -> memref<1x!tpu.dma_semaphore, #tpu.memory_space<semaphore_mem>>
    %dma_wait3A_94 = tpu.memref_squeeze %dma_wait3A_93 : memref<1x!tpu.dma_semaphore, #tpu.memory_space<semaphore_mem>> -> memref<!tpu.dma_semaphore, #tpu.memory_space<semaphore_mem>>
    %dma_wait3A_95 = arith.constant 0 : i32
    %dma_wait3A_96 = tpu.memref_slice %arg6[%dma_wait3A_85, %dma_wait3A_95] : memref<3x80xi32, #tpu.memory_space<vmem>> -> memref<1x80xi32, #tpu.memory_space<vmem>>
    %dma_wait3A_97 = tpu.memref_squeeze %dma_wait3A_96 : memref<1x80xi32, #tpu.memory_space<vmem>> -> memref<80xi32, #tpu.memory_space<vmem>>
    %dma_wait3A_98 = arith.constant 0 : i32
    %dma_wait3A_99 = tpu.memref_slice %arg3[%add3A, %dma_wait3A_84, %dma_wait3A_98] : memref<32x125x80xi32, #tpu.memory_space<hbm>> -> memref<1x1x80xi32, #tpu.memory_space<hbm>>
    %dma_wait3A_100 = tpu.memref_squeeze %dma_wait3A_99 : memref<1x1x80xi32, #tpu.memory_space<hbm>> -> memref<80xi32, #tpu.memory_space<hbm>>
    tpu.wait_dma2 semaphore(%dma_wait3A_94 : memref<!tpu.dma_semaphore, #tpu.memory_space<semaphore_mem>>) src(%dma_wait3A_100 : memref<80xi32, #tpu.memory_space<hbm>>) dst(%dma_wait3A_97 : memref<80xi32, #tpu.memory_space<vmem>>)
    %dma_start3A_101 = arith.constant 1 : i32
    %dma_start3A_102 = arith.constant 1 : i32
    %dma_start3A_103 = arith.constant 1 : i32
    %dma_start3A_104 = arith.constant 0 : i32
    %dma_start3A_105 = arith.constant 0 : i32
    %dma_start3A_106 = tpu.memref_slice %arg8[%dma_start3A_102, %dma_start3A_104, %dma_start3A_105] : memref<3x80x128xf32, #tpu.memory_space<vmem>> -> memref<1x80x128xf32, #tpu.memory_space<vmem>>
    %dma_start3A_107 = tpu.memref_squeeze %dma_start3A_106 : memref<1x80x128xf32, #tpu.memory_space<vmem>> -> memref<80x128xf32, #tpu.memory_space<vmem>>
    %dma_start3A_108 = arith.constant 0 : i32
    %dma_start3A_109 = tpu.memref_slice %arg6[%dma_start3A_101, %dma_start3A_108] : memref<3x80xi32, #tpu.memory_space<vmem>> -> memref<1x80xi32, #tpu.memory_space<vmem>>
    %dma_start3A_110 = tpu.memref_squeeze %dma_start3A_109 : memref<1x80xi32, #tpu.memory_space<vmem>> -> memref<80xi32, #tpu.memory_space<vmem>>
    %dma_start3A_111 = arith.constant 0 : i32
    %dma_start3A_112 = arith.constant 0 : i32
    %dma_start3A_113 = tpu.memref_slice %arg2[%dma_start3A_111, %dma_start3A_112] : memref<10000x128xf32, #tpu.memory_space<hbm>> -> memref<10000x128xf32, #tpu.memory_space<hbm>>
    %dma_start3A_114 = tpu.memref_slice %arg9[%dma_start3A_103] : memref<3x!tpu.dma_semaphore, #tpu.memory_space<semaphore_mem>> -> memref<1x!tpu.dma_semaphore, #tpu.memory_space<semaphore_mem>>
    %dma_start3A_115 = tpu.memref_squeeze %dma_start3A_114 : memref<1x!tpu.dma_semaphore, #tpu.memory_space<semaphore_mem>> -> memref<!tpu.dma_semaphore, #tpu.memory_space<semaphore_mem>>
    tpu.enqueue_indirect_dma source(%dma_start3A_113 : memref<10000x128xf32, #tpu.memory_space<hbm>>) target(%dma_start3A_107 : memref<80x128xf32, #tpu.memory_space<vmem>>) offsets(%dma_start3A_110 : memref<80xi32, #tpu.memory_space<vmem>>) semaphore(%dma_start3A_115 : memref<!tpu.dma_semaphore, #tpu.memory_space<semaphore_mem>>)
    %broadcast_in_dim3A = arith.constant 0.000000e+00 : f32
    %broadcast_in_dim3A_116 = vector.broadcast %broadcast_in_dim3A : f32 to vector<16xf32>
    %scan3A = arith.constant 0 : i32
    %scan3A_117 = arith.constant 0 : i32
    %scan3A_118 = arith.constant 80 : i32
    %scan3A_119 = arith.addi %scan3A_117, %scan3A_118 : i32
    %scan3A_120 = arith.constant 1 : i32
    scf.for %scan3A_167 = %scan3A_117 to %scan3A_119 step %scan3A_120  : i32 {
      %swap3A = arith.constant 2 : i32
      %swap3A_168 = arith.index_cast %swap3A : i32 to index
      %swap3A_169 = arith.index_cast %scan3A_167 : i32 to index
      %swap3A_170 = arith.constant 0 : index
      %swap3A_171 = tpu.vector_load %arg8[%swap3A_168, %swap3A_169, %swap3A_170] {strides = array<i32>} : memref<3x80x128xf32, #tpu.memory_space<vmem>>, vector<1x1x16xf32>,
      %swap3A_172 = vector.shape_cast %swap3A_171 : vector<1x1x16xf32> to vector<16xf32>
      %swap3A_173 = vector.shape_cast %broadcast_in_dim3A_116 : vector<16xf32> to vector<1x1x16xf32>
      tpu.vector_store %arg8[%swap3A_168, %swap3A_169, %swap3A_170], %swap3A_173 {strides = array<i32>} : memref<3x80x128xf32, #tpu.memory_space<vmem>>, vector<1x1x16xf32>,
      %swap3A_174 = arith.constant 2 : i32
      %swap3A_175 = arith.index_cast %swap3A_174 : i32 to index
      %swap3A_176 = arith.index_cast %scan3A_167 : i32 to index
      %swap3A_177 = arith.constant 16 : index
      %swap3A_178 = tpu.vector_load %arg8[%swap3A_175, %swap3A_176, %swap3A_177] {strides = array<i32>} : memref<3x80x128xf32, #tpu.memory_space<vmem>>, vector<1x1x16xf32>,
      %swap3A_179 = vector.shape_cast %swap3A_178 : vector<1x1x16xf32> to vector<16xf32>
      %swap3A_180 = vector.shape_cast %broadcast_in_dim3A_116 : vector<16xf32> to vector<1x1x16xf32>
      tpu.vector_store %arg8[%swap3A_175, %swap3A_176, %swap3A_177], %swap3A_180 {strides = array<i32>} : memref<3x80x128xf32, #tpu.memory_space<vmem>>, vector<1x1x16xf32>,
      %swap3A_181 = arith.constant 2 : i32
      %swap3A_182 = arith.index_cast %swap3A_181 : i32 to index
      %swap3A_183 = arith.index_cast %scan3A_167 : i32 to index
      %swap3A_184 = arith.constant 32 : index
      %swap3A_185 = tpu.vector_load %arg8[%swap3A_182, %swap3A_183, %swap3A_184] {strides = array<i32>} : memref<3x80x128xf32, #tpu.memory_space<vmem>>, vector<1x1x16xf32>,
      %swap3A_186 = vector.shape_cast %swap3A_185 : vector<1x1x16xf32> to vector<16xf32>
      %swap3A_187 = vector.shape_cast %broadcast_in_dim3A_116 : vector<16xf32> to vector<1x1x16xf32>
      tpu.vector_store %arg8[%swap3A_182, %swap3A_183, %swap3A_184], %swap3A_187 {strides = array<i32>} : memref<3x80x128xf32, #tpu.memory_space<vmem>>, vector<1x1x16xf32>,
      %swap3A_188 = arith.constant 2 : i32
      %swap3A_189 = arith.index_cast %swap3A_188 : i32 to index
      %swap3A_190 = arith.index_cast %scan3A_167 : i32 to index
      %swap3A_191 = arith.constant 48 : index
      %swap3A_192 = tpu.vector_load %arg8[%swap3A_189, %swap3A_190, %swap3A_191] {strides = array<i32>} : memref<3x80x128xf32, #tpu.memory_space<vmem>>, vector<1x1x16xf32>,
      %swap3A_193 = vector.shape_cast %swap3A_192 : vector<1x1x16xf32> to vector<16xf32>
      %swap3A_194 = vector.shape_cast %broadcast_in_dim3A_116 : vector<16xf32> to vector<1x1x16xf32>
      tpu.vector_store %arg8[%swap3A_189, %swap3A_190, %swap3A_191], %swap3A_194 {strides = array<i32>} : memref<3x80x128xf32, #tpu.memory_space<vmem>>, vector<1x1x16xf32>,
      %swap3A_195 = arith.constant 2 : i32
      %swap3A_196 = arith.index_cast %swap3A_195 : i32 to index
      %swap3A_197 = arith.index_cast %scan3A_167 : i32 to index
      %swap3A_198 = arith.constant 64 : index
      %swap3A_199 = tpu.vector_load %arg8[%swap3A_196, %swap3A_197, %swap3A_198] {strides = array<i32>} : memref<3x80x128xf32, #tpu.memory_space<vmem>>, vector<1x1x16xf32>,
      %swap3A_200 = vector.shape_cast %swap3A_199 : vector<1x1x16xf32> to vector<16xf32>
      %swap3A_201 = vector.shape_cast %broadcast_in_dim3A_116 : vector<16xf32> to vector<1x1x16xf32>
      tpu.vector_store %arg8[%swap3A_196, %swap3A_197, %swap3A_198], %swap3A_201 {strides = array<i32>} : memref<3x80x128xf32, #tpu.memory_space<vmem>>, vector<1x1x16xf32>,
      %swap3A_202 = arith.constant 2 : i32
      %swap3A_203 = arith.index_cast %swap3A_202 : i32 to index
      %swap3A_204 = arith.index_cast %scan3A_167 : i32 to index
      %swap3A_205 = arith.constant 80 : index
      %swap3A_206 = tpu.vector_load %arg8[%swap3A_203, %swap3A_204, %swap3A_205] {strides = array<i32>} : memref<3x80x128xf32, #tpu.memory_space<vmem>>, vector<1x1x16xf32>,
      %swap3A_207 = vector.shape_cast %swap3A_206 : vector<1x1x16xf32> to vector<16xf32>
      %swap3A_208 = vector.shape_cast %broadcast_in_dim3A_116 : vector<16xf32> to vector<1x1x16xf32>
      tpu.vector_store %arg8[%swap3A_203, %swap3A_204, %swap3A_205], %swap3A_208 {strides = array<i32>} : memref<3x80x128xf32, #tpu.memory_space<vmem>>, vector<1x1x16xf32>,
      %swap3A_209 = arith.constant 2 : i32
      %swap3A_210 = arith.index_cast %swap3A_209 : i32 to index
      %swap3A_211 = arith.index_cast %scan3A_167 : i32 to index
      %swap3A_212 = arith.constant 96 : index
      %swap3A_213 = tpu.vector_load %arg8[%swap3A_210, %swap3A_211, %swap3A_212] {strides = array<i32>} : memref<3x80x128xf32, #tpu.memory_space<vmem>>, vector<1x1x16xf32>,
      %swap3A_214 = vector.shape_cast %swap3A_213 : vector<1x1x16xf32> to vector<16xf32>
      %swap3A_215 = vector.shape_cast %broadcast_in_dim3A_116 : vector<16xf32> to vector<1x1x16xf32>
      tpu.vector_store %arg8[%swap3A_210, %swap3A_211, %swap3A_212], %swap3A_215 {strides = array<i32>} : memref<3x80x128xf32, #tpu.memory_space<vmem>>, vector<1x1x16xf32>,
      %swap3A_216 = arith.constant 2 : i32
      %swap3A_217 = arith.index_cast %swap3A_216 : i32 to index
      %swap3A_218 = arith.index_cast %scan3A_167 : i32 to index
      %swap3A_219 = arith.constant 112 : index
      %swap3A_220 = tpu.vector_load %arg8[%swap3A_217, %swap3A_218, %swap3A_219] {strides = array<i32>} : memref<3x80x128xf32, #tpu.memory_space<vmem>>, vector<1x1x16xf32>,
      %swap3A_221 = vector.shape_cast %swap3A_220 : vector<1x1x16xf32> to vector<16xf32>
      %swap3A_222 = vector.shape_cast %broadcast_in_dim3A_116 : vector<16xf32> to vector<1x1x16xf32>
      tpu.vector_store %arg8[%swap3A_217, %swap3A_218, %swap3A_219], %swap3A_222 {strides = array<i32>} : memref<3x80x128xf32, #tpu.memory_space<vmem>>, vector<1x1x16xf32>,
    }
    %scan3A_121 = arith.constant 80 : i32
    %add3A_122 = arith.constant 0 : i32
    %add3A_123 = arith.addi %mul3A_2, %add3A_122 : i32
    %run_scoped3A = arith.constant 2 : i32
    "tpu.region"() ({
      %run_scoped3A_167 = tpu.sem_alloc : memref<!tpu.dma_semaphore, #tpu.memory_space<semaphore_mem>>
      %dma_start3A_168 = arith.constant 0 : i32
      %dma_start3A_169 = arith.constant 0 : i32
      %dma_start3A_170 = tpu.memref_slice %arg8[%run_scoped3A, %dma_start3A_168, %dma_start3A_169] : memref<3x80x128xf32, #tpu.memory_space<vmem>> -> memref<1x80x128xf32, #tpu.memory_space<vmem>>
      %dma_start3A_171 = tpu.memref_squeeze %dma_start3A_170 : memref<1x80x128xf32, #tpu.memory_space<vmem>> -> memref<80x128xf32, #tpu.memory_space<vmem>>
      %dma_start3A_172 = arith.constant 0 : i32
      %dma_start3A_173 = tpu.memref_slice %arg12[%add3A_123, %dma_start3A_172] : memref<10240x128xf32, #tpu.memory_space<vmem_shared>> -> memref<80x128xf32, #tpu.memory_space<vmem_shared>>
      %dma_start3A_174 = arith.constant 0 : i32
      %dma_start3A_175 = tpu.memref_slice %arg12[%add3A_123, %dma_start3A_174] : memref<10240x128xf32, #tpu.memory_space<vmem_shared>> -> memref<80x128xf32, #tpu.memory_space<vmem_shared>>
      %dma_start3A_176 = arith.constant 0 : i32
      %dma_start3A_177 = arith.constant 0 : i32
      %dma_start3A_178 = tpu.memref_slice %arg8[%run_scoped3A, %dma_start3A_176, %dma_start3A_177] : memref<3x80x128xf32, #tpu.memory_space<vmem>> -> memref<1x80x128xf32, #tpu.memory_space<vmem>>
      %dma_start3A_179 = tpu.memref_squeeze %dma_start3A_178 : memref<1x80x128xf32, #tpu.memory_space<vmem>> -> memref<80x128xf32, #tpu.memory_space<vmem>>
      tpu.enqueue_dma source(%dma_start3A_179 : memref<80x128xf32, #tpu.memory_space<vmem>>) target(%dma_start3A_175 : memref<80x128xf32, #tpu.memory_space<vmem_shared>>) target_semaphore(%run_scoped3A_167 : memref<!tpu.dma_semaphore, #tpu.memory_space<semaphore_mem>>)
      %dma_wait3A_180 = arith.constant 0 : i32
      %dma_wait3A_181 = arith.constant 0 : i32
      %dma_wait3A_182 = tpu.memref_slice %arg8[%run_scoped3A, %dma_wait3A_180, %dma_wait3A_181] : memref<3x80x128xf32, #tpu.memory_space<vmem>> -> memref<1x80x128xf32, #tpu.memory_space<vmem>>
      %dma_wait3A_183 = tpu.memref_squeeze %dma_wait3A_182 : memref<1x80x128xf32, #tpu.memory_space<vmem>> -> memref<80x128xf32, #tpu.memory_space<vmem>>
      %dma_wait3A_184 = arith.constant 0 : i32
      %dma_wait3A_185 = tpu.memref_slice %arg12[%add3A_123, %dma_wait3A_184] : memref<10240x128xf32, #tpu.memory_space<vmem_shared>> -> memref<80x128xf32, #tpu.memory_space<vmem_shared>>
      %dma_wait3A_186 = arith.constant 0 : i32
      %dma_wait3A_187 = tpu.memref_slice %arg12[%add3A_123, %dma_wait3A_186] : memref<10240x128xf32, #tpu.memory_space<vmem_shared>> -> memref<80x128xf32, #tpu.memory_space<vmem_shared>>
      %dma_wait3A_188 = arith.constant 0 : i32
      %dma_wait3A_189 = arith.constant 0 : i32
      %dma_wait3A_190 = tpu.memref_slice %arg8[%run_scoped3A, %dma_wait3A_188, %dma_wait3A_189] : memref<3x80x128xf32, #tpu.memory_space<vmem>> -> memref<1x80x128xf32, #tpu.memory_space<vmem>>
      %dma_wait3A_191 = tpu.memref_squeeze %dma_wait3A_190 : memref<1x80x128xf32, #tpu.memory_space<vmem>> -> memref<80x128xf32, #tpu.memory_space<vmem>>
      tpu.wait_dma2 semaphore(%run_scoped3A_167 : memref<!tpu.dma_semaphore, #tpu.memory_space<semaphore_mem>>) src(%dma_wait3A_191 : memref<80x128xf32, #tpu.memory_space<vmem>>) dst(%dma_wait3A_187 : memref<80x128xf32, #tpu.memory_space<vmem_shared>>)
      tpu.yield
    }) : () -> ()
    %add3A_124 = arith.constant 80 : i32
    %add3A_125 = arith.addi %mul3A_2, %add3A_124 : i32
    %run_scoped3A_126 = arith.constant 2 : i32
    "tpu.region"() ({
      %run_scoped3A_167 = tpu.sem_alloc : memref<!tpu.dma_semaphore, #tpu.memory_space<semaphore_mem>>
      %dma_start3A_168 = arith.constant 0 : i32
      %dma_start3A_169 = arith.constant 0 : i32
      %dma_start3A_170 = tpu.memref_slice %arg8[%run_scoped3A_126, %dma_start3A_168, %dma_start3A_169] : memref<3x80x128xf32, #tpu.memory_space<vmem>> -> memref<1x80x128xf32, #tpu.memory_space<vmem>>
      %dma_start3A_171 = tpu.memref_squeeze %dma_start3A_170 : memref<1x80x128xf32, #tpu.memory_space<vmem>> -> memref<80x128xf32, #tpu.memory_space<vmem>>
      %dma_start3A_172 = arith.constant 0 : i32
      %dma_start3A_173 = tpu.memref_slice %arg12[%add3A_125, %dma_start3A_172] : memref<10240x128xf32, #tpu.memory_space<vmem_shared>> -> memref<80x128xf32, #tpu.memory_space<vmem_shared>>
      %dma_start3A_174 = arith.constant 0 : i32
      %dma_start3A_175 = tpu.memref_slice %arg12[%add3A_125, %dma_start3A_174] : memref<10240x128xf32, #tpu.memory_space<vmem_shared>> -> memref<80x128xf32, #tpu.memory_space<vmem_shared>>
      %dma_start3A_176 = arith.constant 0 : i32
      %dma_start3A_177 = arith.constant 0 : i32
      %dma_start3A_178 = tpu.memref_slice %arg8[%run_scoped3A_126, %dma_start3A_176, %dma_start3A_177] : memref<3x80x128xf32, #tpu.memory_space<vmem>> -> memref<1x80x128xf32, #tpu.memory_space<vmem>>
      %dma_start3A_179 = tpu.memref_squeeze %dma_start3A_178 : memref<1x80x128xf32, #tpu.memory_space<vmem>> -> memref<80x128xf32, #tpu.memory_space<vmem>>
      tpu.enqueue_dma source(%dma_start3A_179 : memref<80x128xf32, #tpu.memory_space<vmem>>) target(%dma_start3A_175 : memref<80x128xf32, #tpu.memory_space<vmem_shared>>) target_semaphore(%run_scoped3A_167 : memref<!tpu.dma_semaphore, #tpu.memory_space<semaphore_mem>>)
      %dma_wait3A_180 = arith.constant 0 : i32
      %dma_wait3A_181 = arith.constant 0 : i32
      %dma_wait3A_182 = tpu.memref_slice %arg8[%run_scoped3A_126, %dma_wait3A_180, %dma_wait3A_181] : memref<3x80x128xf32, #tpu.memory_space<vmem>> -> memref<1x80x128xf32, #tpu.memory_space<vmem>>
      %dma_wait3A_183 = tpu.memref_squeeze %dma_wait3A_182 : memref<1x80x128xf32, #tpu.memory_space<vmem>> -> memref<80x128xf32, #tpu.memory_space<vmem>>
      %dma_wait3A_184 = arith.constant 0 : i32
      %dma_wait3A_185 = tpu.memref_slice %arg12[%add3A_125, %dma_wait3A_184] : memref<10240x128xf32, #tpu.memory_space<vmem_shared>> -> memref<80x128xf32, #tpu.memory_space<vmem_shared>>
      %dma_wait3A_186 = arith.constant 0 : i32
      %dma_wait3A_187 = tpu.memref_slice %arg12[%add3A_125, %dma_wait3A_186] : memref<10240x128xf32, #tpu.memory_space<vmem_shared>> -> memref<80x128xf32, #tpu.memory_space<vmem_shared>>
      %dma_wait3A_188 = arith.constant 0 : i32
      %dma_wait3A_189 = arith.constant 0 : i32
      %dma_wait3A_190 = tpu.memref_slice %arg8[%run_scoped3A_126, %dma_wait3A_188, %dma_wait3A_189] : memref<3x80x128xf32, #tpu.memory_space<vmem>> -> memref<1x80x128xf32, #tpu.memory_space<vmem>>
      %dma_wait3A_191 = tpu.memref_squeeze %dma_wait3A_190 : memref<1x80x128xf32, #tpu.memory_space<vmem>> -> memref<80x128xf32, #tpu.memory_space<vmem>>
      tpu.wait_dma2 semaphore(%run_scoped3A_167 : memref<!tpu.dma_semaphore, #tpu.memory_space<semaphore_mem>>) src(%dma_wait3A_191 : memref<80x128xf32, #tpu.memory_space<vmem>>) dst(%dma_wait3A_187 : memref<80x128xf32, #tpu.memory_space<vmem_shared>>)
      tpu.yield
    }) : () -> ()
    %add3A_127 = arith.constant 160 : i32
    %add3A_128 = arith.addi %mul3A_2, %add3A_127 : i32
    %run_scoped3A_129 = arith.constant 2 : i32
    "tpu.region"() ({
      %run_scoped3A_167 = tpu.sem_alloc : memref<!tpu.dma_semaphore, #tpu.memory_space<semaphore_mem>>
      %dma_start3A_168 = arith.constant 0 : i32
      %dma_start3A_169 = arith.constant 0 : i32
      %dma_start3A_170 = tpu.memref_slice %arg8[%run_scoped3A_129, %dma_start3A_168, %dma_start3A_169] : memref<3x80x128xf32, #tpu.memory_space<vmem>> -> memref<1x80x128xf32, #tpu.memory_space<vmem>>
      %dma_start3A_171 = tpu.memref_squeeze %dma_start3A_170 : memref<1x80x128xf32, #tpu.memory_space<vmem>> -> memref<80x128xf32, #tpu.memory_space<vmem>>
      %dma_start3A_172 = arith.constant 0 : i32
      %dma_start3A_173 = tpu.memref_slice %arg12[%add3A_128, %dma_start3A_172] : memref<10240x128xf32, #tpu.memory_space<vmem_shared>> -> memref<80x128xf32, #tpu.memory_space<vmem_shared>>
      %dma_start3A_174 = arith.constant 0 : i32
      %dma_start3A_175 = tpu.memref_slice %arg12[%add3A_128, %dma_start3A_174] : memref<10240x128xf32, #tpu.memory_space<vmem_shared>> -> memref<80x128xf32, #tpu.memory_space<vmem_shared>>
      %dma_start3A_176 = arith.constant 0 : i32
      %dma_start3A_177 = arith.constant 0 : i32
      %dma_start3A_178 = tpu.memref_slice %arg8[%run_scoped3A_129, %dma_start3A_176, %dma_start3A_177] : memref<3x80x128xf32, #tpu.memory_space<vmem>> -> memref<1x80x128xf32, #tpu.memory_space<vmem>>
      %dma_start3A_179 = tpu.memref_squeeze %dma_start3A_178 : memref<1x80x128xf32, #tpu.memory_space<vmem>> -> memref<80x128xf32, #tpu.memory_space<vmem>>
      tpu.enqueue_dma source(%dma_start3A_179 : memref<80x128xf32, #tpu.memory_space<vmem>>) target(%dma_start3A_175 : memref<80x128xf32, #tpu.memory_space<vmem_shared>>) target_semaphore(%run_scoped3A_167 : memref<!tpu.dma_semaphore, #tpu.memory_space<semaphore_mem>>)
      %dma_wait3A_180 = arith.constant 0 : i32
      %dma_wait3A_181 = arith.constant 0 : i32
      %dma_wait3A_182 = tpu.memref_slice %arg8[%run_scoped3A_129, %dma_wait3A_180, %dma_wait3A_181] : memref<3x80x128xf32, #tpu.memory_space<vmem>> -> memref<1x80x128xf32, #tpu.memory_space<vmem>>
      %dma_wait3A_183 = tpu.memref_squeeze %dma_wait3A_182 : memref<1x80x128xf32, #tpu.memory_space<vmem>> -> memref<80x128xf32, #tpu.memory_space<vmem>>
      %dma_wait3A_184 = arith.constant 0 : i32
      %dma_wait3A_185 = tpu.memref_slice %arg12[%add3A_128, %dma_wait3A_184] : memref<10240x128xf32, #tpu.memory_space<vmem_shared>> -> memref<80x128xf32, #tpu.memory_space<vmem_shared>>
      %dma_wait3A_186 = arith.constant 0 : i32
      %dma_wait3A_187 = tpu.memref_slice %arg12[%add3A_128, %dma_wait3A_186] : memref<10240x128xf32, #tpu.memory_space<vmem_shared>> -> memref<80x128xf32, #tpu.memory_space<vmem_shared>>
      %dma_wait3A_188 = arith.constant 0 : i32
      %dma_wait3A_189 = arith.constant 0 : i32
      %dma_wait3A_190 = tpu.memref_slice %arg8[%run_scoped3A_129, %dma_wait3A_188, %dma_wait3A_189] : memref<3x80x128xf32, #tpu.memory_space<vmem>> -> memref<1x80x128xf32, #tpu.memory_space<vmem>>
      %dma_wait3A_191 = tpu.memref_squeeze %dma_wait3A_190 : memref<1x80x128xf32, #tpu.memory_space<vmem>> -> memref<80x128xf32, #tpu.memory_space<vmem>>
      tpu.wait_dma2 semaphore(%run_scoped3A_167 : memref<!tpu.dma_semaphore, #tpu.memory_space<semaphore_mem>>) src(%dma_wait3A_191 : memref<80x128xf32, #tpu.memory_space<vmem>>) dst(%dma_wait3A_187 : memref<80x128xf32, #tpu.memory_space<vmem_shared>>)
      tpu.yield
    }) : () -> ()
    %add3A_130 = arith.constant 240 : i32
    %add3A_131 = arith.addi %mul3A_2, %add3A_130 : i32
    %run_scoped3A_132 = arith.constant 2 : i32
    "tpu.region"() ({
      %run_scoped3A_167 = tpu.sem_alloc : memref<!tpu.dma_semaphore, #tpu.memory_space<semaphore_mem>>
      %dma_start3A_168 = arith.constant 0 : i32
      %dma_start3A_169 = arith.constant 0 : i32
      %dma_start3A_170 = tpu.memref_slice %arg8[%run_scoped3A_132, %dma_start3A_168, %dma_start3A_169] : memref<3x80x128xf32, #tpu.memory_space<vmem>> -> memref<1x80x128xf32, #tpu.memory_space<vmem>>
      %dma_start3A_171 = tpu.memref_squeeze %dma_start3A_170 : memref<1x80x128xf32, #tpu.memory_space<vmem>> -> memref<80x128xf32, #tpu.memory_space<vmem>>
      %dma_start3A_172 = arith.constant 0 : i32
      %dma_start3A_173 = tpu.memref_slice %arg12[%add3A_131, %dma_start3A_172] : memref<10240x128xf32, #tpu.memory_space<vmem_shared>> -> memref<80x128xf32, #tpu.memory_space<vmem_shared>>
      %dma_start3A_174 = arith.constant 0 : i32
      %dma_start3A_175 = tpu.memref_slice %arg12[%add3A_131, %dma_start3A_174] : memref<10240x128xf32, #tpu.memory_space<vmem_shared>> -> memref<80x128xf32, #tpu.memory_space<vmem_shared>>
      %dma_start3A_176 = arith.constant 0 : i32
      %dma_start3A_177 = arith.constant 0 : i32
      %dma_start3A_178 = tpu.memref_slice %arg8[%run_scoped3A_132, %dma_start3A_176, %dma_start3A_177] : memref<3x80x128xf32, #tpu.memory_space<vmem>> -> memref<1x80x128xf32, #tpu.memory_space<vmem>>
      %dma_start3A_179 = tpu.memref_squeeze %dma_start3A_178 : memref<1x80x128xf32, #tpu.memory_space<vmem>> -> memref<80x128xf32, #tpu.memory_space<vmem>>
      tpu.enqueue_dma source(%dma_start3A_179 : memref<80x128xf32, #tpu.memory_space<vmem>>) target(%dma_start3A_175 : memref<80x128xf32, #tpu.memory_space<vmem_shared>>) target_semaphore(%run_scoped3A_167 : memref<!tpu.dma_semaphore, #tpu.memory_space<semaphore_mem>>)
      %dma_wait3A_180 = arith.constant 0 : i32
      %dma_wait3A_181 = arith.constant 0 : i32
      %dma_wait3A_182 = tpu.memref_slice %arg8[%run_scoped3A_132, %dma_wait3A_180, %dma_wait3A_181] : memref<3x80x128xf32, #tpu.memory_space<vmem>> -> memref<1x80x128xf32, #tpu.memory_space<vmem>>
      %dma_wait3A_183 = tpu.memref_squeeze %dma_wait3A_182 : memref<1x80x128xf32, #tpu.memory_space<vmem>> -> memref<80x128xf32, #tpu.memory_space<vmem>>
      %dma_wait3A_184 = arith.constant 0 : i32
      %dma_wait3A_185 = tpu.memref_slice %arg12[%add3A_131, %dma_wait3A_184] : memref<10240x128xf32, #tpu.memory_space<vmem_shared>> -> memref<80x128xf32, #tpu.memory_space<vmem_shared>>
      %dma_wait3A_186 = arith.constant 0 : i32
      %dma_wait3A_187 = tpu.memref_slice %arg12[%add3A_131, %dma_wait3A_186] : memref<10240x128xf32, #tpu.memory_space<vmem_shared>> -> memref<80x128xf32, #tpu.memory_space<vmem_shared>>
      %dma_wait3A_188 = arith.constant 0 : i32
      %dma_wait3A_189 = arith.constant 0 : i32
      %dma_wait3A_190 = tpu.memref_slice %arg8[%run_scoped3A_132, %dma_wait3A_188, %dma_wait3A_189] : memref<3x80x128xf32, #tpu.memory_space<vmem>> -> memref<1x80x128xf32, #tpu.memory_space<vmem>>
      %dma_wait3A_191 = tpu.memref_squeeze %dma_wait3A_190 : memref<1x80x128xf32, #tpu.memory_space<vmem>> -> memref<80x128xf32, #tpu.memory_space<vmem>>
      tpu.wait_dma2 semaphore(%run_scoped3A_167 : memref<!tpu.dma_semaphore, #tpu.memory_space<semaphore_mem>>) src(%dma_wait3A_191 : memref<80x128xf32, #tpu.memory_space<vmem>>) dst(%dma_wait3A_187 : memref<80x128xf32, #tpu.memory_space<vmem_shared>>)
      tpu.yield
    }) : () -> ()
    %add3A_133 = arith.constant 320 : i32
    %add3A_134 = arith.addi %mul3A_2, %add3A_133 : i32
    %run_scoped3A_135 = arith.constant 2 : i32
    "tpu.region"() ({
      %run_scoped3A_167 = tpu.sem_alloc : memref<!tpu.dma_semaphore, #tpu.memory_space<semaphore_mem>>
      %dma_start3A_168 = arith.constant 0 : i32
      %dma_start3A_169 = arith.constant 0 : i32
      %dma_start3A_170 = tpu.memref_slice %arg8[%run_scoped3A_135, %dma_start3A_168, %dma_start3A_169] : memref<3x80x128xf32, #tpu.memory_space<vmem>> -> memref<1x80x128xf32, #tpu.memory_space<vmem>>
      %dma_start3A_171 = tpu.memref_squeeze %dma_start3A_170 : memref<1x80x128xf32, #tpu.memory_space<vmem>> -> memref<80x128xf32, #tpu.memory_space<vmem>>
      %dma_start3A_172 = arith.constant 0 : i32
      %dma_start3A_173 = tpu.memref_slice %arg12[%add3A_134, %dma_start3A_172] : memref<10240x128xf32, #tpu.memory_space<vmem_shared>> -> memref<80x128xf32, #tpu.memory_space<vmem_shared>>
      %dma_start3A_174 = arith.constant 0 : i32
      %dma_start3A_175 = tpu.memref_slice %arg12[%add3A_134, %dma_start3A_174] : memref<10240x128xf32, #tpu.memory_space<vmem_shared>> -> memref<80x128xf32, #tpu.memory_space<vmem_shared>>
      %dma_start3A_176 = arith.constant 0 : i32
      %dma_start3A_177 = arith.constant 0 : i32
      %dma_start3A_178 = tpu.memref_slice %arg8[%run_scoped3A_135, %dma_start3A_176, %dma_start3A_177] : memref<3x80x128xf32, #tpu.memory_space<vmem>> -> memref<1x80x128xf32, #tpu.memory_space<vmem>>
      %dma_start3A_179 = tpu.memref_squeeze %dma_start3A_178 : memref<1x80x128xf32, #tpu.memory_space<vmem>> -> memref<80x128xf32, #tpu.memory_space<vmem>>
      tpu.enqueue_dma source(%dma_start3A_179 : memref<80x128xf32, #tpu.memory_space<vmem>>) target(%dma_start3A_175 : memref<80x128xf32, #tpu.memory_space<vmem_shared>>) target_semaphore(%run_scoped3A_167 : memref<!tpu.dma_semaphore, #tpu.memory_space<semaphore_mem>>)
      %dma_wait3A_180 = arith.constant 0 : i32
      %dma_wait3A_181 = arith.constant 0 : i32
      %dma_wait3A_182 = tpu.memref_slice %arg8[%run_scoped3A_135, %dma_wait3A_180, %dma_wait3A_181] : memref<3x80x128xf32, #tpu.memory_space<vmem>> -> memref<1x80x128xf32, #tpu.memory_space<vmem>>
      %dma_wait3A_183 = tpu.memref_squeeze %dma_wait3A_182 : memref<1x80x128xf32, #tpu.memory_space<vmem>> -> memref<80x128xf32, #tpu.memory_space<vmem>>
      %dma_wait3A_184 = arith.constant 0 : i32
      %dma_wait3A_185 = tpu.memref_slice %arg12[%add3A_134, %dma_wait3A_184] : memref<10240x128xf32, #tpu.memory_space<vmem_shared>> -> memref<80x128xf32, #tpu.memory_space<vmem_shared>>
      %dma_wait3A_186 = arith.constant 0 : i32
      %dma_wait3A_187 = tpu.memref_slice %arg12[%add3A_134, %dma_wait3A_186] : memref<10240x128xf32, #tpu.memory_space<vmem_shared>> -> memref<80x128xf32, #tpu.memory_space<vmem_shared>>
      %dma_wait3A_188 = arith.constant 0 : i32
      %dma_wait3A_189 = arith.constant 0 : i32
      %dma_wait3A_190 = tpu.memref_slice %arg8[%run_scoped3A_135, %dma_wait3A_188, %dma_wait3A_189] : memref<3x80x128xf32, #tpu.memory_space<vmem>> -> memref<1x80x128xf32, #tpu.memory_space<vmem>>
      %dma_wait3A_191 = tpu.memref_squeeze %dma_wait3A_190 : memref<1x80x128xf32, #tpu.memory_space<vmem>> -> memref<80x128xf32, #tpu.memory_space<vmem>>
      tpu.wait_dma2 semaphore(%run_scoped3A_167 : memref<!tpu.dma_semaphore, #tpu.memory_space<semaphore_mem>>) src(%dma_wait3A_191 : memref<80x128xf32, #tpu.memory_space<vmem>>) dst(%dma_wait3A_187 : memref<80x128xf32, #tpu.memory_space<vmem_shared>>)
      tpu.yield
    }) : () -> ()
    %add3A_136 = arith.constant 400 : i32
    %add3A_137 = arith.addi %mul3A_2, %add3A_136 : i32
    %run_scoped3A_138 = arith.constant 2 : i32
    "tpu.region"() ({
      %run_scoped3A_167 = tpu.sem_alloc : memref<!tpu.dma_semaphore, #tpu.memory_space<semaphore_mem>>
      %dma_start3A_168 = arith.constant 0 : i32
      %dma_start3A_169 = arith.constant 0 : i32
      %dma_start3A_170 = tpu.memref_slice %arg8[%run_scoped3A_138, %dma_start3A_168, %dma_start3A_169] : memref<3x80x128xf32, #tpu.memory_space<vmem>> -> memref<1x80x128xf32, #tpu.memory_space<vmem>>
      %dma_start3A_171 = tpu.memref_squeeze %dma_start3A_170 : memref<1x80x128xf32, #tpu.memory_space<vmem>> -> memref<80x128xf32, #tpu.memory_space<vmem>>
      %dma_start3A_172 = arith.constant 0 : i32
      %dma_start3A_173 = tpu.memref_slice %arg12[%add3A_137, %dma_start3A_172] : memref<10240x128xf32, #tpu.memory_space<vmem_shared>> -> memref<80x128xf32, #tpu.memory_space<vmem_shared>>
      %dma_start3A_174 = arith.constant 0 : i32
      %dma_start3A_175 = tpu.memref_slice %arg12[%add3A_137, %dma_start3A_174] : memref<10240x128xf32, #tpu.memory_space<vmem_shared>> -> memref<80x128xf32, #tpu.memory_space<vmem_shared>>
      %dma_start3A_176 = arith.constant 0 : i32
      %dma_start3A_177 = arith.constant 0 : i32
      %dma_start3A_178 = tpu.memref_slice %arg8[%run_scoped3A_138, %dma_start3A_176, %dma_start3A_177] : memref<3x80x128xf32, #tpu.memory_space<vmem>> -> memref<1x80x128xf32, #tpu.memory_space<vmem>>
      %dma_start3A_179 = tpu.memref_squeeze %dma_start3A_178 : memref<1x80x128xf32, #tpu.memory_space<vmem>> -> memref<80x128xf32, #tpu.memory_space<vmem>>
      tpu.enqueue_dma source(%dma_start3A_179 : memref<80x128xf32, #tpu.memory_space<vmem>>) target(%dma_start3A_175 : memref<80x128xf32, #tpu.memory_space<vmem_shared>>) target_semaphore(%run_scoped3A_167 : memref<!tpu.dma_semaphore, #tpu.memory_space<semaphore_mem>>)
      %dma_wait3A_180 = arith.constant 0 : i32
      %dma_wait3A_181 = arith.constant 0 : i32
      %dma_wait3A_182 = tpu.memref_slice %arg8[%run_scoped3A_138, %dma_wait3A_180, %dma_wait3A_181] : memref<3x80x128xf32, #tpu.memory_space<vmem>> -> memref<1x80x128xf32, #tpu.memory_space<vmem>>
      %dma_wait3A_183 = tpu.memref_squeeze %dma_wait3A_182 : memref<1x80x128xf32, #tpu.memory_space<vmem>> -> memref<80x128xf32, #tpu.memory_space<vmem>>
      %dma_wait3A_184 = arith.constant 0 : i32
      %dma_wait3A_185 = tpu.memref_slice %arg12[%add3A_137, %dma_wait3A_184] : memref<10240x128xf32, #tpu.memory_space<vmem_shared>> -> memref<80x128xf32, #tpu.memory_space<vmem_shared>>
      %dma_wait3A_186 = arith.constant 0 : i32
      %dma_wait3A_187 = tpu.memref_slice %arg12[%add3A_137, %dma_wait3A_186] : memref<10240x128xf32, #tpu.memory_space<vmem_shared>> -> memref<80x128xf32, #tpu.memory_space<vmem_shared>>
      %dma_wait3A_188 = arith.constant 0 : i32
      %dma_wait3A_189 = arith.constant 0 : i32
      %dma_wait3A_190 = tpu.memref_slice %arg8[%run_scoped3A_138, %dma_wait3A_188, %dma_wait3A_189] : memref<3x80x128xf32, #tpu.memory_space<vmem>> -> memref<1x80x128xf32, #tpu.memory_space<vmem>>
      %dma_wait3A_191 = tpu.memref_squeeze %dma_wait3A_190 : memref<1x80x128xf32, #tpu.memory_space<vmem>> -> memref<80x128xf32, #tpu.memory_space<vmem>>
      tpu.wait_dma2 semaphore(%run_scoped3A_167 : memref<!tpu.dma_semaphore, #tpu.memory_space<semaphore_mem>>) src(%dma_wait3A_191 : memref<80x128xf32, #tpu.memory_space<vmem>>) dst(%dma_wait3A_187 : memref<80x128xf32, #tpu.memory_space<vmem_shared>>)
      tpu.yield
    }) : () -> ()
    %add3A_139 = arith.constant 480 : i32
    %add3A_140 = arith.addi %mul3A_2, %add3A_139 : i32
    %run_scoped3A_141 = arith.constant 2 : i32
    "tpu.region"() ({
      %run_scoped3A_167 = tpu.sem_alloc : memref<!tpu.dma_semaphore, #tpu.memory_space<semaphore_mem>>
      %dma_start3A_168 = arith.constant 0 : i32
      %dma_start3A_169 = arith.constant 0 : i32
      %dma_start3A_170 = tpu.memref_slice %arg8[%run_scoped3A_141, %dma_start3A_168, %dma_start3A_169] : memref<3x80x128xf32, #tpu.memory_space<vmem>> -> memref<1x80x128xf32, #tpu.memory_space<vmem>>
      %dma_start3A_171 = tpu.memref_squeeze %dma_start3A_170 : memref<1x80x128xf32, #tpu.memory_space<vmem>> -> memref<80x128xf32, #tpu.memory_space<vmem>>
      %dma_start3A_172 = arith.constant 0 : i32
      %dma_start3A_173 = tpu.memref_slice %arg12[%add3A_140, %dma_start3A_172] : memref<10240x128xf32, #tpu.memory_space<vmem_shared>> -> memref<80x128xf32, #tpu.memory_space<vmem_shared>>
      %dma_start3A_174 = arith.constant 0 : i32
      %dma_start3A_175 = tpu.memref_slice %arg12[%add3A_140, %dma_start3A_174] : memref<10240x128xf32, #tpu.memory_space<vmem_shared>> -> memref<80x128xf32, #tpu.memory_space<vmem_shared>>
      %dma_start3A_176 = arith.constant 0 : i32
      %dma_start3A_177 = arith.constant 0 : i32
      %dma_start3A_178 = tpu.memref_slice %arg8[%run_scoped3A_141, %dma_start3A_176, %dma_start3A_177] : memref<3x80x128xf32, #tpu.memory_space<vmem>> -> memref<1x80x128xf32, #tpu.memory_space<vmem>>
      %dma_start3A_179 = tpu.memref_squeeze %dma_start3A_178 : memref<1x80x128xf32, #tpu.memory_space<vmem>> -> memref<80x128xf32, #tpu.memory_space<vmem>>
      tpu.enqueue_dma source(%dma_start3A_179 : memref<80x128xf32, #tpu.memory_space<vmem>>) target(%dma_start3A_175 : memref<80x128xf32, #tpu.memory_space<vmem_shared>>) target_semaphore(%run_scoped3A_167 : memref<!tpu.dma_semaphore, #tpu.memory_space<semaphore_mem>>)
      %dma_wait3A_180 = arith.constant 0 : i32
      %dma_wait3A_181 = arith.constant 0 : i32
      %dma_wait3A_182 = tpu.memref_slice %arg8[%run_scoped3A_141, %dma_wait3A_180, %dma_wait3A_181] : memref<3x80x128xf32, #tpu.memory_space<vmem>> -> memref<1x80x128xf32, #tpu.memory_space<vmem>>
      %dma_wait3A_183 = tpu.memref_squeeze %dma_wait3A_182 : memref<1x80x128xf32, #tpu.memory_space<vmem>> -> memref<80x128xf32, #tpu.memory_space<vmem>>
      %dma_wait3A_184 = arith.constant 0 : i32
      %dma_wait3A_185 = tpu.memref_slice %arg12[%add3A_140, %dma_wait3A_184] : memref<10240x128xf32, #tpu.memory_space<vmem_shared>> -> memref<80x128xf32, #tpu.memory_space<vmem_shared>>
      %dma_wait3A_186 = arith.constant 0 : i32
      %dma_wait3A_187 = tpu.memref_slice %arg12[%add3A_140, %dma_wait3A_186] : memref<10240x128xf32, #tpu.memory_space<vmem_shared>> -> memref<80x128xf32, #tpu.memory_space<vmem_shared>>
      %dma_wait3A_188 = arith.constant 0 : i32
      %dma_wait3A_189 = arith.constant 0 : i32
      %dma_wait3A_190 = tpu.memref_slice %arg8[%run_scoped3A_141, %dma_wait3A_188, %dma_wait3A_189] : memref<3x80x128xf32, #tpu.memory_space<vmem>> -> memref<1x80x128xf32, #tpu.memory_space<vmem>>
      %dma_wait3A_191 = tpu.memref_squeeze %dma_wait3A_190 : memref<1x80x128xf32, #tpu.memory_space<vmem>> -> memref<80x128xf32, #tpu.memory_space<vmem>>
      tpu.wait_dma2 semaphore(%run_scoped3A_167 : memref<!tpu.dma_semaphore, #tpu.memory_space<semaphore_mem>>) src(%dma_wait3A_191 : memref<80x128xf32, #tpu.memory_space<vmem>>) dst(%dma_wait3A_187 : memref<80x128xf32, #tpu.memory_space<vmem_shared>>)
      tpu.yield
    }) : () -> ()
    %add3A_142 = arith.constant 560 : i32
    %add3A_143 = arith.addi %mul3A_2, %add3A_142 : i32
    %run_scoped3A_144 = arith.constant 2 : i32
    "tpu.region"() ({
      %run_scoped3A_167 = tpu.sem_alloc : memref<!tpu.dma_semaphore, #tpu.memory_space<semaphore_mem>>
      %dma_start3A_168 = arith.constant 0 : i32
      %dma_start3A_169 = arith.constant 0 : i32
      %dma_start3A_170 = tpu.memref_slice %arg8[%run_scoped3A_144, %dma_start3A_168, %dma_start3A_169] : memref<3x80x128xf32, #tpu.memory_space<vmem>> -> memref<1x80x128xf32, #tpu.memory_space<vmem>>
      %dma_start3A_171 = tpu.memref_squeeze %dma_start3A_170 : memref<1x80x128xf32, #tpu.memory_space<vmem>> -> memref<80x128xf32, #tpu.memory_space<vmem>>
      %dma_start3A_172 = arith.constant 0 : i32
      %dma_start3A_173 = tpu.memref_slice %arg12[%add3A_143, %dma_start3A_172] : memref<10240x128xf32, #tpu.memory_space<vmem_shared>> -> memref<80x128xf32, #tpu.memory_space<vmem_shared>>
      %dma_start3A_174 = arith.constant 0 : i32
      %dma_start3A_175 = tpu.memref_slice %arg12[%add3A_143, %dma_start3A_174] : memref<10240x128xf32, #tpu.memory_space<vmem_shared>> -> memref<80x128xf32, #tpu.memory_space<vmem_shared>>
      %dma_start3A_176 = arith.constant 0 : i32
      %dma_start3A_177 = arith.constant 0 : i32
      %dma_start3A_178 = tpu.memref_slice %arg8[%run_scoped3A_144, %dma_start3A_176, %dma_start3A_177] : memref<3x80x128xf32, #tpu.memory_space<vmem>> -> memref<1x80x128xf32, #tpu.memory_space<vmem>>
      %dma_start3A_179 = tpu.memref_squeeze %dma_start3A_178 : memref<1x80x128xf32, #tpu.memory_space<vmem>> -> memref<80x128xf32, #tpu.memory_space<vmem>>
      tpu.enqueue_dma source(%dma_start3A_179 : memref<80x128xf32, #tpu.memory_space<vmem>>) target(%dma_start3A_175 : memref<80x128xf32, #tpu.memory_space<vmem_shared>>) target_semaphore(%run_scoped3A_167 : memref<!tpu.dma_semaphore, #tpu.memory_space<semaphore_mem>>)
      %dma_wait3A_180 = arith.constant 0 : i32
      %dma_wait3A_181 = arith.constant 0 : i32
      %dma_wait3A_182 = tpu.memref_slice %arg8[%run_scoped3A_144, %dma_wait3A_180, %dma_wait3A_181] : memref<3x80x128xf32, #tpu.memory_space<vmem>> -> memref<1x80x128xf32, #tpu.memory_space<vmem>>
      %dma_wait3A_183 = tpu.memref_squeeze %dma_wait3A_182 : memref<1x80x128xf32, #tpu.memory_space<vmem>> -> memref<80x128xf32, #tpu.memory_space<vmem>>
      %dma_wait3A_184 = arith.constant 0 : i32
      %dma_wait3A_185 = tpu.memref_slice %arg12[%add3A_143, %dma_wait3A_184] : memref<10240x128xf32, #tpu.memory_space<vmem_shared>> -> memref<80x128xf32, #tpu.memory_space<vmem_shared>>
      %dma_wait3A_186 = arith.constant 0 : i32
      %dma_wait3A_187 = tpu.memref_slice %arg12[%add3A_143, %dma_wait3A_186] : memref<10240x128xf32, #tpu.memory_space<vmem_shared>> -> memref<80x128xf32, #tpu.memory_space<vmem_shared>>
      %dma_wait3A_188 = arith.constant 0 : i32
      %dma_wait3A_189 = arith.constant 0 : i32
      %dma_wait3A_190 = tpu.memref_slice %arg8[%run_scoped3A_144, %dma_wait3A_188, %dma_wait3A_189] : memref<3x80x128xf32, #tpu.memory_space<vmem>> -> memref<1x80x128xf32, #tpu.memory_space<vmem>>
      %dma_wait3A_191 = tpu.memref_squeeze %dma_wait3A_190 : memref<1x80x128xf32, #tpu.memory_space<vmem>> -> memref<80x128xf32, #tpu.memory_space<vmem>>
      tpu.wait_dma2 semaphore(%run_scoped3A_167 : memref<!tpu.dma_semaphore, #tpu.memory_space<semaphore_mem>>) src(%dma_wait3A_191 : memref<80x128xf32, #tpu.memory_space<vmem>>) dst(%dma_wait3A_187 : memref<80x128xf32, #tpu.memory_space<vmem_shared>>)
      tpu.yield
    }) : () -> ()
    %barrier3A = arith.constant 0 : index
    tpu.barrier barrier_id(%barrier3A)
    %scan3A_145 = arith.constant 0 : i32
    %scan3A_146 = arith.constant 0 : i32
    %scan3A_147 = arith.constant 125 : i32
    %scan3A_148 = arith.addi %scan3A_146, %scan3A_147 : i32
    %scan3A_149 = arith.constant 1 : i32
    scf.for %scan3A_167 = %scan3A_146 to %scan3A_148 step %scan3A_149  : i32 {
      %rem3A = arith.constant 3 : i32
      %rem3A_168 = arith.remsi %scan3A_167, %rem3A : i32
      %dma_wait3A_169 = arith.constant 0 : i32
      %dma_wait3A_170 = arith.constant 0 : i32
      %dma_wait3A_171 = arith.constant 0 : i32
      %dma_wait3A_172 = tpu.memref_slice %arg8[%rem3A_168, %dma_wait3A_170, %dma_wait3A_171] : memref<3x80x128xf32, #tpu.memory_space<vmem>> -> memref<1x80x128xf32, #tpu.memory_space<vmem>>
      %dma_wait3A_173 = tpu.memref_squeeze %dma_wait3A_172 : memref<1x80x128xf32, #tpu.memory_space<vmem>> -> memref<80x128xf32, #tpu.memory_space<vmem>>
      %dma_wait3A_174 = arith.constant 0 : i32
      %dma_wait3A_175 = tpu.memref_slice %arg6[%dma_wait3A_169, %dma_wait3A_174] : memref<3x80xi32, #tpu.memory_space<vmem>> -> memref<1x80xi32, #tpu.memory_space<vmem>>
      %dma_wait3A_176 = tpu.memref_squeeze %dma_wait3A_175 : memref<1x80xi32, #tpu.memory_space<vmem>> -> memref<80xi32, #tpu.memory_space<vmem>>
      %dma_wait3A_177 = arith.constant 0 : i32
      %dma_wait3A_178 = arith.constant 0 : i32
      %dma_wait3A_179 = tpu.memref_slice %arg2[%dma_wait3A_177, %dma_wait3A_178] : memref<10000x128xf32, #tpu.memory_space<hbm>> -> memref<10000x128xf32, #tpu.memory_space<hbm>>
      %dma_wait3A_180 = tpu.memref_slice %arg9[%rem3A_168] : memref<3x!tpu.dma_semaphore, #tpu.memory_space<semaphore_mem>> -> memref<1x!tpu.dma_semaphore, #tpu.memory_space<semaphore_mem>>
      %dma_wait3A_181 = tpu.memref_squeeze %dma_wait3A_180 : memref<1x!tpu.dma_semaphore, #tpu.memory_space<semaphore_mem>> -> memref<!tpu.dma_semaphore, #tpu.memory_space<semaphore_mem>>
      tpu.wait_indirect_dma semaphore(%dma_wait3A_181 : memref<!tpu.dma_semaphore, #tpu.memory_space<semaphore_mem>>) src(%dma_wait3A_179 : memref<10000x128xf32, #tpu.memory_space<hbm>>) dst(%dma_wait3A_173 : memref<80x128xf32, #tpu.memory_space<vmem>>)
      %dma_start3A_182 = arith.constant 0 : i32
      %dma_start3A_183 = arith.constant 0 : i32
      %dma_start3A_184 = tpu.memref_slice %arg8[%rem3A_168, %dma_start3A_182, %dma_start3A_183] : memref<3x80x128xf32, #tpu.memory_space<vmem>> -> memref<1x80x128xf32, #tpu.memory_space<vmem>>
      %dma_start3A_185 = tpu.memref_squeeze %dma_start3A_184 : memref<1x80x128xf32, #tpu.memory_space<vmem>> -> memref<80x128xf32, #tpu.memory_space<vmem>>
      %dma_start3A_186 = arith.constant 0 : i32
      %dma_start3A_187 = tpu.memref_slice %arg7[%scan3A_167, %dma_start3A_186] : memref<125x80xi32, #tpu.memory_space<vmem>> -> memref<1x80xi32, #tpu.memory_space<vmem>>
      %dma_start3A_188 = tpu.memref_squeeze %dma_start3A_187 : memref<1x80xi32, #tpu.memory_space<vmem>> -> memref<80xi32, #tpu.memory_space<vmem>>
      %dma_start3A_189 = arith.constant 0 : i32
      %dma_start3A_190 = arith.constant 0 : i32
      %dma_start3A_191 = tpu.memref_slice %arg12[%dma_start3A_189, %dma_start3A_190] : memref<10240x128xf32, #tpu.memory_space<vmem_shared>> -> memref<10240x128xf32, #tpu.memory_space<vmem_shared>>
      %dma_start3A_192 = tpu.memref_slice %arg10[%rem3A_168] : memref<3x!tpu.dma_semaphore, #tpu.memory_space<semaphore_mem>> -> memref<1x!tpu.dma_semaphore, #tpu.memory_space<semaphore_mem>>
      %dma_start3A_193 = tpu.memref_squeeze %dma_start3A_192 : memref<1x!tpu.dma_semaphore, #tpu.memory_space<semaphore_mem>> -> memref<!tpu.dma_semaphore, #tpu.memory_space<semaphore_mem>>
      tpu.enqueue_indirect_dma source(%dma_start3A_185 : memref<80x128xf32, #tpu.memory_space<vmem>>) target(%dma_start3A_191 : memref<10240x128xf32, #tpu.memory_space<vmem_shared>>) offsets(%dma_start3A_188 : memref<80xi32, #tpu.memory_space<vmem>>) semaphore(%dma_start3A_193 : memref<!tpu.dma_semaphore, #tpu.memory_space<semaphore_mem>>) {add = true}
      %ge3A = arith.constant 1 : i32
      %ge3A_194 = arith.cmpi sge, %scan3A_167, %ge3A : i32
      %convert_element_type3A = arith.extui %ge3A_194 : i1 to i32
      %cond3A = arith.constant 0 : i32
      %cond3A_195 = arith.cmpi ne, %convert_element_type3A, %cond3A : i32
      scf.if %cond3A_195 {
        %add3A_205 = arith.constant 2 : i32
        %add3A_206 = arith.addi %scan3A_167, %add3A_205 : i32
        %rem3A_207 = arith.constant 3 : i32
        %rem3A_208 = arith.remsi %add3A_206, %rem3A_207 : i32
        %dma_wait3A_209 = arith.constant 0 : i32
        %dma_wait3A_210 = arith.constant 0 : i32
        %dma_wait3A_211 = arith.constant 0 : i32
        %dma_wait3A_212 = tpu.memref_slice %arg8[%rem3A_208, %dma_wait3A_210, %dma_wait3A_211] : memref<3x80x128xf32, #tpu.memory_space<vmem>> -> memref<1x80x128xf32, #tpu.memory_space<vmem>>
        %dma_wait3A_213 = tpu.memref_squeeze %dma_wait3A_212 : memref<1x80x128xf32, #tpu.memory_space<vmem>> -> memref<80x128xf32, #tpu.memory_space<vmem>>
        %dma_wait3A_214 = arith.constant 0 : i32
        %dma_wait3A_215 = tpu.memref_slice %arg7[%dma_wait3A_209, %dma_wait3A_214] : memref<125x80xi32, #tpu.memory_space<vmem>> -> memref<1x80xi32, #tpu.memory_space<vmem>>
        %dma_wait3A_216 = tpu.memref_squeeze %dma_wait3A_215 : memref<1x80xi32, #tpu.memory_space<vmem>> -> memref<80xi32, #tpu.memory_space<vmem>>
        %dma_wait3A_217 = arith.constant 0 : i32
        %dma_wait3A_218 = arith.constant 0 : i32
        %dma_wait3A_219 = tpu.memref_slice %arg12[%dma_wait3A_217, %dma_wait3A_218] : memref<10240x128xf32, #tpu.memory_space<vmem_shared>> -> memref<10240x128xf32, #tpu.memory_space<vmem_shared>>
        %dma_wait3A_220 = tpu.memref_slice %arg10[%rem3A_208] : memref<3x!tpu.dma_semaphore, #tpu.memory_space<semaphore_mem>> -> memref<1x!tpu.dma_semaphore, #tpu.memory_space<semaphore_mem>>
        %dma_wait3A_221 = tpu.memref_squeeze %dma_wait3A_220 : memref<1x!tpu.dma_semaphore, #tpu.memory_space<semaphore_mem>> -> memref<!tpu.dma_semaphore, #tpu.memory_space<semaphore_mem>>
        tpu.wait_indirect_dma semaphore(%dma_wait3A_221 : memref<!tpu.dma_semaphore, #tpu.memory_space<semaphore_mem>>) src(%dma_wait3A_213 : memref<80x128xf32, #tpu.memory_space<vmem>>) dst(%dma_wait3A_219 : memref<10240x128xf32, #tpu.memory_space<vmem_shared>>)
      } else {
      }
      %lt3A = arith.constant 122 : i32
      %lt3A_196 = arith.cmpi slt, %scan3A_167, %lt3A : i32
      %convert_element_type3A_197 = arith.extui %lt3A_196 : i1 to i32
      %cond3A_198 = arith.constant 0 : i32
      %cond3A_199 = arith.cmpi ne, %convert_element_type3A_197, %cond3A_198 : i32
      scf.if %cond3A_199 {
        %add3A_205 = arith.constant 3 : i32
        %add3A_206 = arith.addi %scan3A_167, %add3A_205 : i32
        %rem3A_207 = arith.constant 3 : i32
        %rem3A_208 = arith.remsi %add3A_206, %rem3A_207 : i32
        %add3A_209 = arith.constant 3 : i32
        %add3A_210 = arith.addi %scan3A_167, %add3A_209 : i32
        %dma_start3A_211 = arith.constant 0 : i32
        %dma_start3A_212 = tpu.memref_slice %arg6[%rem3A_208, %dma_start3A_211] : memref<3x80xi32, #tpu.memory_space<vmem>> -> memref<1x80xi32, #tpu.memory_space<vmem>>
        %dma_start3A_213 = tpu.memref_squeeze %dma_start3A_212 : memref<1x80xi32, #tpu.memory_space<vmem>> -> memref<80xi32, #tpu.memory_space<vmem>>
        %dma_start3A_214 = arith.constant 0 : i32
        %dma_start3A_215 = tpu.memref_slice %arg3[%add3A, %add3A_210, %dma_start3A_214] : memref<32x125x80xi32, #tpu.memory_space<hbm>> -> memref<1x1x80xi32, #tpu.memory_space<hbm>>
        %dma_start3A_216 = tpu.memref_squeeze %dma_start3A_215 : memref<1x1x80xi32, #tpu.memory_space<hbm>> -> memref<80xi32, #tpu.memory_space<hbm>>
        %dma_start3A_217 = tpu.memref_slice %arg11[%rem3A_208] : memref<3x!tpu.dma_semaphore, #tpu.memory_space<semaphore_mem>> -> memref<1x!tpu.dma_semaphore, #tpu.memory_space<semaphore_mem>>
        %dma_start3A_218 = tpu.memref_squeeze %dma_start3A_217 : memref<1x!tpu.dma_semaphore, #tpu.memory_space<semaphore_mem>> -> memref<!tpu.dma_semaphore, #tpu.memory_space<semaphore_mem>>
        %dma_start3A_219 = arith.constant 0 : i32
        %dma_start3A_220 = tpu.memref_slice %arg6[%rem3A_208, %dma_start3A_219] : memref<3x80xi32, #tpu.memory_space<vmem>> -> memref<1x80xi32, #tpu.memory_space<vmem>>
        %dma_start3A_221 = tpu.memref_squeeze %dma_start3A_220 : memref<1x80xi32, #tpu.memory_space<vmem>> -> memref<80xi32, #tpu.memory_space<vmem>>
        %dma_start3A_222 = arith.constant 0 : i32
        %dma_start3A_223 = tpu.memref_slice %arg3[%add3A, %add3A_210, %dma_start3A_222] : memref<32x125x80xi32, #tpu.memory_space<hbm>> -> memref<1x1x80xi32, #tpu.memory_space<hbm>>
        %dma_start3A_224 = tpu.memref_squeeze %dma_start3A_223 : memref<1x1x80xi32, #tpu.memory_space<hbm>> -> memref<80xi32, #tpu.memory_space<hbm>>
        tpu.enqueue_dma source(%dma_start3A_224 : memref<80xi32, #tpu.memory_space<hbm>>) target(%dma_start3A_221 : memref<80xi32, #tpu.memory_space<vmem>>) target_semaphore(%dma_start3A_218 : memref<!tpu.dma_semaphore, #tpu.memory_space<semaphore_mem>>)
      } else {
      }
      %lt3A_200 = arith.constant 123 : i32
      %lt3A_201 = arith.cmpi slt, %scan3A_167, %lt3A_200 : i32
      %convert_element_type3A_202 = arith.extui %lt3A_201 : i1 to i32
      %cond3A_203 = arith.constant 0 : i32
      %cond3A_204 = arith.cmpi ne, %convert_element_type3A_202, %cond3A_203 : i32
      scf.if %cond3A_204 {
        %add3A_205 = arith.constant 2 : i32
        %add3A_206 = arith.addi %scan3A_167, %add3A_205 : i32
        %rem3A_207 = arith.constant 3 : i32
        %rem3A_208 = arith.remsi %add3A_206, %rem3A_207 : i32
        %dma_wait3A_209 = arith.constant 0 : i32
        %dma_wait3A_210 = arith.constant 0 : i32
        %dma_wait3A_211 = tpu.memref_slice %arg6[%rem3A_208, %dma_wait3A_210] : memref<3x80xi32, #tpu.memory_space<vmem>> -> memref<1x80xi32, #tpu.memory_space<vmem>>
        %dma_wait3A_212 = tpu.memref_squeeze %dma_wait3A_211 : memref<1x80xi32, #tpu.memory_space<vmem>> -> memref<80xi32, #tpu.memory_space<vmem>>
        %dma_wait3A_213 = arith.constant 0 : i32
        %dma_wait3A_214 = tpu.memref_slice %arg3[%add3A, %dma_wait3A_209, %dma_wait3A_213] : memref<32x125x80xi32, #tpu.memory_space<hbm>> -> memref<1x1x80xi32, #tpu.memory_space<hbm>>
        %dma_wait3A_215 = tpu.memref_squeeze %dma_wait3A_214 : memref<1x1x80xi32, #tpu.memory_space<hbm>> -> memref<80xi32, #tpu.memory_space<hbm>>
        %dma_wait3A_216 = tpu.memref_slice %arg11[%rem3A_208] : memref<3x!tpu.dma_semaphore, #tpu.memory_space<semaphore_mem>> -> memref<1x!tpu.dma_semaphore, #tpu.memory_space<semaphore_mem>>
        %dma_wait3A_217 = tpu.memref_squeeze %dma_wait3A_216 : memref<1x!tpu.dma_semaphore, #tpu.memory_space<semaphore_mem>> -> memref<!tpu.dma_semaphore, #tpu.memory_space<semaphore_mem>>
        %dma_wait3A_218 = arith.constant 0 : i32
        %dma_wait3A_219 = tpu.memref_slice %arg6[%rem3A_208, %dma_wait3A_218] : memref<3x80xi32, #tpu.memory_space<vmem>> -> memref<1x80xi32, #tpu.memory_space<vmem>>
        %dma_wait3A_220 = tpu.memref_squeeze %dma_wait3A_219 : memref<1x80xi32, #tpu.memory_space<vmem>> -> memref<80xi32, #tpu.memory_space<vmem>>
        %dma_wait3A_221 = arith.constant 0 : i32
        %dma_wait3A_222 = tpu.memref_slice %arg3[%add3A, %dma_wait3A_209, %dma_wait3A_221] : memref<32x125x80xi32, #tpu.memory_space<hbm>> -> memref<1x1x80xi32, #tpu.memory_space<hbm>>
        %dma_wait3A_223 = tpu.memref_squeeze %dma_wait3A_222 : memref<1x1x80xi32, #tpu.memory_space<hbm>> -> memref<80xi32, #tpu.memory_space<hbm>>
        tpu.wait_dma2 semaphore(%dma_wait3A_217 : memref<!tpu.dma_semaphore, #tpu.memory_space<semaphore_mem>>) src(%dma_wait3A_223 : memref<80xi32, #tpu.memory_space<hbm>>) dst(%dma_wait3A_220 : memref<80xi32, #tpu.memory_space<vmem>>)
        %dma_start3A_224 = arith.constant 0 : i32
        %dma_start3A_225 = arith.constant 0 : i32
        %dma_start3A_226 = tpu.memref_slice %arg8[%rem3A_208, %dma_start3A_224, %dma_start3A_225] : memref<3x80x128xf32, #tpu.memory_space<vmem>> -> memref<1x80x128xf32, #tpu.memory_space<vmem>>
        %dma_start3A_227 = tpu.memref_squeeze %dma_start3A_226 : memref<1x80x128xf32, #tpu.memory_space<vmem>> -> memref<80x128xf32, #tpu.memory_space<vmem>>
        %dma_start3A_228 = arith.constant 0 : i32
        %dma_start3A_229 = tpu.memref_slice %arg6[%rem3A_208, %dma_start3A_228] : memref<3x80xi32, #tpu.memory_space<vmem>> -> memref<1x80xi32, #tpu.memory_space<vmem>>
        %dma_start3A_230 = tpu.memref_squeeze %dma_start3A_229 : memref<1x80xi32, #tpu.memory_space<vmem>> -> memref<80xi32, #tpu.memory_space<vmem>>
        %dma_start3A_231 = arith.constant 0 : i32
        %dma_start3A_232 = arith.constant 0 : i32
        %dma_start3A_233 = tpu.memref_slice %arg2[%dma_start3A_231, %dma_start3A_232] : memref<10000x128xf32, #tpu.memory_space<hbm>> -> memref<10000x128xf32, #tpu.memory_space<hbm>>
        %dma_start3A_234 = tpu.memref_slice %arg9[%rem3A_208] : memref<3x!tpu.dma_semaphore, #tpu.memory_space<semaphore_mem>> -> memref<1x!tpu.dma_semaphore, #tpu.memory_space<semaphore_mem>>
        %dma_start3A_235 = tpu.memref_squeeze %dma_start3A_234 : memref<1x!tpu.dma_semaphore, #tpu.memory_space<semaphore_mem>> -> memref<!tpu.dma_semaphore, #tpu.memory_space<semaphore_mem>>
        tpu.enqueue_indirect_dma source(%dma_start3A_233 : memref<10000x128xf32, #tpu.memory_space<hbm>>) target(%dma_start3A_227 : memref<80x128xf32, #tpu.memory_space<vmem>>) offsets(%dma_start3A_230 : memref<80xi32, #tpu.memory_space<vmem>>) semaphore(%dma_start3A_235 : memref<!tpu.dma_semaphore, #tpu.memory_space<semaphore_mem>>)
      } else {
      }
    }
    %scan3A_150 = arith.constant 125 : i32
    %dma_wait3A_151 = arith.constant 1 : i32
    %dma_wait3A_152 = arith.constant 0 : i32
    %dma_wait3A_153 = arith.constant 1 : i32
    %dma_wait3A_154 = arith.constant 0 : i32
    %dma_wait3A_155 = arith.constant 0 : i32
    %dma_wait3A_156 = tpu.memref_slice %arg8[%dma_wait3A_151, %dma_wait3A_154, %dma_wait3A_155] : memref<3x80x128xf32, #tpu.memory_space<vmem>> -> memref<1x80x128xf32, #tpu.memory_space<vmem>>
    %dma_wait3A_157 = tpu.memref_squeeze %dma_wait3A_156 : memref<1x80x128xf32, #tpu.memory_space<vmem>> -> memref<80x128xf32, #tpu.memory_space<vmem>>
    %dma_wait3A_158 = arith.constant 0 : i32
    %dma_wait3A_159 = tpu.memref_slice %arg7[%dma_wait3A_152, %dma_wait3A_158] : memref<125x80xi32, #tpu.memory_space<vmem>> -> memref<1x80xi32, #tpu.memory_space<vmem>>
    %dma_wait3A_160 = tpu.memref_squeeze %dma_wait3A_159 : memref<1x80xi32, #tpu.memory_space<vmem>> -> memref<80xi32, #tpu.memory_space<vmem>>
    %dma_wait3A_161 = arith.constant 0 : i32
    %dma_wait3A_162 = arith.constant 0 : i32
    %dma_wait3A_163 = tpu.memref_slice %arg12[%dma_wait3A_161, %dma_wait3A_162] : memref<10240x128xf32, #tpu.memory_space<vmem_shared>> -> memref<10240x128xf32, #tpu.memory_space<vmem_shared>>
    %dma_wait3A_164 = tpu.memref_slice %arg10[%dma_wait3A_153] : memref<3x!tpu.dma_semaphore, #tpu.memory_space<semaphore_mem>> -> memref<1x!tpu.dma_semaphore, #tpu.memory_space<semaphore_mem>>
    %dma_wait3A_165 = tpu.memref_squeeze %dma_wait3A_164 : memref<1x!tpu.dma_semaphore, #tpu.memory_space<semaphore_mem>> -> memref<!tpu.dma_semaphore, #tpu.memory_space<semaphore_mem>>
    tpu.wait_indirect_dma semaphore(%dma_wait3A_165 : memref<!tpu.dma_semaphore, #tpu.memory_space<semaphore_mem>>) src(%dma_wait3A_157 : memref<80x128xf32, #tpu.memory_space<vmem>>) dst(%dma_wait3A_163 : memref<10240x128xf32, #tpu.memory_space<vmem_shared>>)
    %barrier3A_166 = arith.constant 0 : index
    tpu.barrier barrier_id(%barrier3A_166)
    "tpu.region"() ({
      %run_scoped3A_167 = tpu.sem_alloc : memref<!tpu.dma_semaphore, #tpu.memory_space<semaphore_mem>>
      %dma_start3A_168 = arith.constant 0 : i32
      %dma_start3A_169 = tpu.memref_slice %arg5[%arg0, %mul3A_2, %dma_start3A_168] : memref<2x10240x128xf32, #tpu.memory_space<hbm>> -> memref<1x640x128xf32, #tpu.memory_space<hbm>>
      %dma_start3A_170 = tpu.memref_squeeze %dma_start3A_169 : memref<1x640x128xf32, #tpu.memory_space<hbm>> -> memref<640x128xf32, #tpu.memory_space<hbm>>
      %dma_start3A_171 = arith.constant 0 : i32
      %dma_start3A_172 = tpu.memref_slice %arg12[%mul3A_2, %dma_start3A_171] : memref<10240x128xf32, #tpu.memory_space<vmem_shared>> -> memref<640x128xf32, #tpu.memory_space<vmem_shared>>
      tpu.enqueue_dma source(%dma_start3A_172 : memref<640x128xf32, #tpu.memory_space<vmem_shared>>) target(%dma_start3A_170 : memref<640x128xf32, #tpu.memory_space<hbm>>) target_semaphore(%run_scoped3A_167 : memref<!tpu.dma_semaphore, #tpu.memory_space<semaphore_mem>>)
      %dma_wait3A_173 = arith.constant 0 : i32
      %dma_wait3A_174 = tpu.memref_slice %arg5[%arg0, %mul3A_2, %dma_wait3A_173] : memref<2x10240x128xf32, #tpu.memory_space<hbm>> -> memref<1x640x128xf32, #tpu.memory_space<hbm>>
      %dma_wait3A_175 = tpu.memref_squeeze %dma_wait3A_174 : memref<1x640x128xf32, #tpu.memory_space<hbm>> -> memref<640x128xf32, #tpu.memory_space<hbm>>
      %dma_wait3A_176 = arith.constant 0 : i32
      %dma_wait3A_177 = tpu.memref_slice %arg12[%mul3A_2, %dma_wait3A_176] : memref<10240x128xf32, #tpu.memory_space<vmem_shared>> -> memref<640x128xf32, #tpu.memory_space<vmem_shared>>
      tpu.wait_dma2 semaphore(%run_scoped3A_167 : memref<!tpu.dma_semaphore, #tpu.memory_space<semaphore_mem>>) src(%dma_wait3A_177 : memref<640x128xf32, #tpu.memory_space<vmem_shared>>) dst(%dma_wait3A_175 : memref<640x128xf32, #tpu.memory_space<hbm>>)
      tpu.yield
    }) : () -> ()
    return
  }
}

#map = affine_map<(d0, d1) -> (0, 0)>
#map1 = affine_map<(d0, d1) -> (0, 0, 0)>
module attributes {stable_mosaic.version = 14 : i64} {
  func.func @_agg_body(%arg0: i32, %arg1: i32, %arg2: memref<10000x128xf32, #tpu.memory_space<hbm>>, %arg3: memref<32x125x80xi32, #tpu.memory_space<hbm>>, %arg4: memref<32x125x80xi32, #tpu.memory_space<hbm>>, %arg5: memref<2x10240x128xf32, #tpu.memory_space<hbm>>, %arg6: memref<3x80xi32, #tpu.memory_space<vmem>>, %arg7: memref<125x80xi32, #tpu.memory_space<vmem>>, %arg8: memref<3x80x128xf32, #tpu.memory_space<vmem>>, %arg9: memref<3x!tpu.dma_semaphore, #tpu.memory_space<semaphore_mem>>, %arg10: memref<3x!tpu.dma_semaphore, #tpu.memory_space<semaphore_mem>>, %arg11: memref<3x!tpu.dma_semaphore, #tpu.memory_space<semaphore_mem>>, %arg12: memref<10240x128xf32, #tpu.memory_space<vmem_shared>>) attributes {dimension_semantics = [#tpu.dimension_semantics<core_parallel>, #tpu.dimension_semantics<subcore_parallel>], iteration_bounds = array<i64: 2, 16>, scalar_prefetch = 0 : i64, scratch_operands = 7 : i64, tpu.core_type = #tpu.core_type<sc_vector_subcore>, window_params = [{transform_indices = #map}, {transform_indices = #map1}, {transform_indices = #map1}, {transform_indices = #map1}]} {
    %mul3A = arith.constant 16 : i32
    %mul3A_0 = arith.muli %arg0, %mul3A : i32
    %add3A = arith.addi %mul3A_0, %arg1 : i32
    %mul3A_1 = arith.constant 640 : i32
    %mul3A_2 = arith.muli %arg1, %mul3A_1 : i32
    "tpu.region"() ({
      %run_scoped3A_167 = tpu.sem_alloc : memref<!tpu.dma_semaphore, #tpu.memory_space<semaphore_mem>>
      %dma_start3A_168 = arith.constant 0 : i32
      %dma_start3A_169 = arith.constant 0 : i32
      %dma_start3A_170 = tpu.memref_slice %arg4[%add3A, %dma_start3A_168, %dma_start3A_169] : memref<32x125x80xi32, #tpu.memory_space<hbm>> -> memref<1x125x80xi32, #tpu.memory_space<hbm>>
      %dma_start3A_171 = tpu.memref_squeeze %dma_start3A_170 : memref<1x125x80xi32, #tpu.memory_space<hbm>> -> memref<125x80xi32, #tpu.memory_space<hbm>>
      %dma_start3A_172 = arith.constant 0 : i32
      %dma_start3A_173 = arith.constant 0 : i32
      %dma_start3A_174 = tpu.memref_slice %arg4[%add3A, %dma_start3A_172, %dma_start3A_173] : memref<32x125x80xi32, #tpu.memory_space<hbm>> -> memref<1x125x80xi32, #tpu.memory_space<hbm>>
      %dma_start3A_175 = tpu.memref_squeeze %dma_start3A_174 : memref<1x125x80xi32, #tpu.memory_space<hbm>> -> memref<125x80xi32, #tpu.memory_space<hbm>>
      tpu.enqueue_dma source(%dma_start3A_175 : memref<125x80xi32, #tpu.memory_space<hbm>>) target(%arg7 : memref<125x80xi32, #tpu.memory_space<vmem>>) target_semaphore(%run_scoped3A_167 : memref<!tpu.dma_semaphore, #tpu.memory_space<semaphore_mem>>)
      %dma_wait3A_176 = arith.constant 0 : i32
      %dma_wait3A_177 = arith.constant 0 : i32
      %dma_wait3A_178 = tpu.memref_slice %arg4[%add3A, %dma_wait3A_176, %dma_wait3A_177] : memref<32x125x80xi32, #tpu.memory_space<hbm>> -> memref<1x125x80xi32, #tpu.memory_space<hbm>>
      %dma_wait3A_179 = tpu.memref_squeeze %dma_wait3A_178 : memref<1x125x80xi32, #tpu.memory_space<hbm>> -> memref<125x80xi32, #tpu.memory_space<hbm>>
      %dma_wait3A_180 = arith.constant 0 : i32
      %dma_wait3A_181 = arith.constant 0 : i32
      %dma_wait3A_182 = tpu.memref_slice %arg4[%add3A, %dma_wait3A_180, %dma_wait3A_181] : memref<32x125x80xi32, #tpu.memory_space<hbm>> -> memref<1x125x80xi32, #tpu.memory_space<hbm>>
      %dma_wait3A_183 = tpu.memref_squeeze %dma_wait3A_182 : memref<1x125x80xi32, #tpu.memory_space<hbm>> -> memref<125x80xi32, #tpu.memory_space<hbm>>
      tpu.wait_dma2 semaphore(%run_scoped3A_167 : memref<!tpu.dma_semaphore, #tpu.memory_space<semaphore_mem>>) src(%dma_wait3A_183 : memref<125x80xi32, #tpu.memory_space<hbm>>) dst(%arg7 : memref<125x80xi32, #tpu.memory_space<vmem>>)
      tpu.yield
    }) : () -> ()
    %dma_start3A = arith.constant 0 : i32
    %dma_start3A_3 = arith.constant 0 : i32
    %dma_start3A_4 = arith.constant 0 : i32
    %dma_start3A_5 = arith.constant 0 : i32
    %dma_start3A_6 = tpu.memref_slice %arg6[%dma_start3A_3, %dma_start3A_5] : memref<3x80xi32, #tpu.memory_space<vmem>> -> memref<1x80xi32, #tpu.memory_space<vmem>>
    %dma_start3A_7 = tpu.memref_squeeze %dma_start3A_6 : memref<1x80xi32, #tpu.memory_space<vmem>> -> memref<80xi32, #tpu.memory_space<vmem>>
    %dma_start3A_8 = arith.constant 0 : i32
    %dma_start3A_9 = tpu.memref_slice %arg3[%add3A, %dma_start3A, %dma_start3A_8] : memref<32x125x80xi32, #tpu.memory_space<hbm>> -> memref<1x1x80xi32, #tpu.memory_space<hbm>>
    %dma_start3A_10 = tpu.memref_squeeze %dma_start3A_9 : memref<1x1x80xi32, #tpu.memory_space<hbm>> -> memref<80xi32, #tpu.memory_space<hbm>>
    %dma_start3A_11 = tpu.memref_slice %arg11[%dma_start3A_4] : memref<3x!tpu.dma_semaphore, #tpu.memory_space<semaphore_mem>> -> memref<1x!tpu.dma_semaphore, #tpu.memory_space<semaphore_mem>>
    %dma_start3A_12 = tpu.memref_squeeze %dma_start3A_11 : memref<1x!tpu.dma_semaphore, #tpu.memory_space<semaphore_mem>> -> memref<!tpu.dma_semaphore, #tpu.memory_space<semaphore_mem>>
    %dma_start3A_13 = arith.constant 0 : i32
    %dma_start3A_14 = tpu.memref_slice %arg6[%dma_start3A_3, %dma_start3A_13] : memref<3x80xi32, #tpu.memory_space<vmem>> -> memref<1x80xi32, #tpu.memory_space<vmem>>
    %dma_start3A_15 = tpu.memref_squeeze %dma_start3A_14 : memref<1x80xi32, #tpu.memory_space<vmem>> -> memref<80xi32, #tpu.memory_space<vmem>>
    %dma_start3A_16 = arith.constant 0 : i32
    %dma_start3A_17 = tpu.memref_slice %arg3[%add3A, %dma_start3A, %dma_start3A_16] : memref<32x125x80xi32, #tpu.memory_space<hbm>> -> memref<1x1x80xi32, #tpu.memory_space<hbm>>
    %dma_start3A_18 = tpu.memref_squeeze %dma_start3A_17 : memref<1x1x80xi32, #tpu.memory_space<hbm>> -> memref<80xi32, #tpu.memory_space<hbm>>
    tpu.enqueue_dma source(%dma_start3A_18 : memref<80xi32, #tpu.memory_space<hbm>>) target(%dma_start3A_15 : memref<80xi32, #tpu.memory_space<vmem>>) target_semaphore(%dma_start3A_12 : memref<!tpu.dma_semaphore, #tpu.memory_space<semaphore_mem>>)
    %dma_start3A_19 = arith.constant 1 : i32
    %dma_start3A_20 = arith.constant 1 : i32
    %dma_start3A_21 = arith.constant 1 : i32
    %dma_start3A_22 = arith.constant 0 : i32
    %dma_start3A_23 = tpu.memref_slice %arg6[%dma_start3A_20, %dma_start3A_22] : memref<3x80xi32, #tpu.memory_space<vmem>> -> memref<1x80xi32, #tpu.memory_space<vmem>>
    %dma_start3A_24 = tpu.memref_squeeze %dma_start3A_23 : memref<1x80xi32, #tpu.memory_space<vmem>> -> memref<80xi32, #tpu.memory_space<vmem>>
    %dma_start3A_25 = arith.constant 0 : i32
    %dma_start3A_26 = tpu.memref_slice %arg3[%add3A, %dma_start3A_19, %dma_start3A_25] : memref<32x125x80xi32, #tpu.memory_space<hbm>> -> memref<1x1x80xi32, #tpu.memory_space<hbm>>
    %dma_start3A_27 = tpu.memref_squeeze %dma_start3A_26 : memref<1x1x80xi32, #tpu.memory_space<hbm>> -> memref<80xi32, #tpu.memory_space<hbm>>
    %dma_start3A_28 = tpu.memref_slice %arg11[%dma_start3A_21] : memref<3x!tpu.dma_semaphore, #tpu.memory_space<semaphore_mem>> -> memref<1x!tpu.dma_semaphore, #tpu.memory_space<semaphore_mem>>
    %dma_start3A_29 = tpu.memref_squeeze %dma_start3A_28 : memref<1x!tpu.dma_semaphore, #tpu.memory_space<semaphore_mem>> -> memref<!tpu.dma_semaphore, #tpu.memory_space<semaphore_mem>>
    %dma_start3A_30 = arith.constant 0 : i32
    %dma_start3A_31 = tpu.memref_slice %arg6[%dma_start3A_20, %dma_start3A_30] : memref<3x80xi32, #tpu.memory_space<vmem>> -> memref<1x80xi32, #tpu.memory_space<vmem>>
    %dma_start3A_32 = tpu.memref_squeeze %dma_start3A_31 : memref<1x80xi32, #tpu.memory_space<vmem>> -> memref<80xi32, #tpu.memory_space<vmem>>
    %dma_start3A_33 = arith.constant 0 : i32
    %dma_start3A_34 = tpu.memref_slice %arg3[%add3A, %dma_start3A_19, %dma_start3A_33] : memref<32x125x80xi32, #tpu.memory_space<hbm>> -> memref<1x1x80xi32, #tpu.memory_space<hbm>>
    %dma_start3A_35 = tpu.memref_squeeze %dma_start3A_34 : memref<1x1x80xi32, #tpu.memory_space<hbm>> -> memref<80xi32, #tpu.memory_space<hbm>>
    tpu.enqueue_dma source(%dma_start3A_35 : memref<80xi32, #tpu.memory_space<hbm>>) target(%dma_start3A_32 : memref<80xi32, #tpu.memory_space<vmem>>) target_semaphore(%dma_start3A_29 : memref<!tpu.dma_semaphore, #tpu.memory_space<semaphore_mem>>)
    %dma_start3A_36 = arith.constant 2 : i32
    %dma_start3A_37 = arith.constant 2 : i32
    %dma_start3A_38 = arith.constant 2 : i32
    %dma_start3A_39 = arith.constant 0 : i32
    %dma_start3A_40 = tpu.memref_slice %arg6[%dma_start3A_37, %dma_start3A_39] : memref<3x80xi32, #tpu.memory_space<vmem>> -> memref<1x80xi32, #tpu.memory_space<vmem>>
    %dma_start3A_41 = tpu.memref_squeeze %dma_start3A_40 : memref<1x80xi32, #tpu.memory_space<vmem>> -> memref<80xi32, #tpu.memory_space<vmem>>
    %dma_start3A_42 = arith.constant 0 : i32
    %dma_start3A_43 = tpu.memref_slice %arg3[%add3A, %dma_start3A_36, %dma_start3A_42] : memref<32x125x80xi32, #tpu.memory_space<hbm>> -> memref<1x1x80xi32, #tpu.memory_space<hbm>>
    %dma_start3A_44 = tpu.memref_squeeze %dma_start3A_43 : memref<1x1x80xi32, #tpu.memory_space<hbm>> -> memref<80xi32, #tpu.memory_space<hbm>>
    %dma_start3A_45 = tpu.memref_slice %arg11[%dma_start3A_38] : memref<3x!tpu.dma_semaphore, #tpu.memory_space<semaphore_mem>> -> memref<1x!tpu.dma_semaphore, #tpu.memory_space<semaphore_mem>>
    %dma_start3A_46 = tpu.memref_squeeze %dma_start3A_45 : memref<1x!tpu.dma_semaphore, #tpu.memory_space<semaphore_mem>> -> memref<!tpu.dma_semaphore, #tpu.memory_space<semaphore_mem>>
    %dma_start3A_47 = arith.constant 0 : i32
    %dma_start3A_48 = tpu.memref_slice %arg6[%dma_start3A_37, %dma_start3A_47] : memref<3x80xi32, #tpu.memory_space<vmem>> -> memref<1x80xi32, #tpu.memory_space<vmem>>
    %dma_start3A_49 = tpu.memref_squeeze %dma_start3A_48 : memref<1x80xi32, #tpu.memory_space<vmem>> -> memref<80xi32, #tpu.memory_space<vmem>>
    %dma_start3A_50 = arith.constant 0 : i32
    %dma_start3A_51 = tpu.memref_slice %arg3[%add3A, %dma_start3A_36, %dma_start3A_50] : memref<32x125x80xi32, #tpu.memory_space<hbm>> -> memref<1x1x80xi32, #tpu.memory_space<hbm>>
    %dma_start3A_52 = tpu.memref_squeeze %dma_start3A_51 : memref<1x1x80xi32, #tpu.memory_space<hbm>> -> memref<80xi32, #tpu.memory_space<hbm>>
    tpu.enqueue_dma source(%dma_start3A_52 : memref<80xi32, #tpu.memory_space<hbm>>) target(%dma_start3A_49 : memref<80xi32, #tpu.memory_space<vmem>>) target_semaphore(%dma_start3A_46 : memref<!tpu.dma_semaphore, #tpu.memory_space<semaphore_mem>>)
    %dma_wait3A = arith.constant 0 : i32
    %dma_wait3A_53 = arith.constant 0 : i32
    %dma_wait3A_54 = arith.constant 0 : i32
    %dma_wait3A_55 = arith.constant 0 : i32
    %dma_wait3A_56 = tpu.memref_slice %arg6[%dma_wait3A_53, %dma_wait3A_55] : memref<3x80xi32, #tpu.memory_space<vmem>> -> memref<1x80xi32, #tpu.memory_space<vmem>>
    %dma_wait3A_57 = tpu.memref_squeeze %dma_wait3A_56 : memref<1x80xi32, #tpu.memory_space<vmem>> -> memref<80xi32, #tpu.memory_space<vmem>>
    %dma_wait3A_58 = arith.constant 0 : i32
    %dma_wait3A_59 = tpu.memref_slice %arg3[%add3A, %dma_wait3A, %dma_wait3A_58] : memref<32x125x80xi32, #tpu.memory_space<hbm>> -> memref<1x1x80xi32, #tpu.memory_space<hbm>>
    %dma_wait3A_60 = tpu.memref_squeeze %dma_wait3A_59 : memref<1x1x80xi32, #tpu.memory_space<hbm>> -> memref<80xi32, #tpu.memory_space<hbm>>
    %dma_wait3A_61 = tpu.memref_slice %arg11[%dma_wait3A_54] : memref<3x!tpu.dma_semaphore, #tpu.memory_space<semaphore_mem>> -> memref<1x!tpu.dma_semaphore, #tpu.memory_space<semaphore_mem>>
    %dma_wait3A_62 = tpu.memref_squeeze %dma_wait3A_61 : memref<1x!tpu.dma_semaphore, #tpu.memory_space<semaphore_mem>> -> memref<!tpu.dma_semaphore, #tpu.memory_space<semaphore_mem>>
    %dma_wait3A_63 = arith.constant 0 : i32
    %dma_wait3A_64 = tpu.memref_slice %arg6[%dma_wait3A_53, %dma_wait3A_63] : memref<3x80xi32, #tpu.memory_space<vmem>> -> memref<1x80xi32, #tpu.memory_space<vmem>>
    %dma_wait3A_65 = tpu.memref_squeeze %dma_wait3A_64 : memref<1x80xi32, #tpu.memory_space<vmem>> -> memref<80xi32, #tpu.memory_space<vmem>>
    %dma_wait3A_66 = arith.constant 0 : i32
    %dma_wait3A_67 = tpu.memref_slice %arg3[%add3A, %dma_wait3A, %dma_wait3A_66] : memref<32x125x80xi32, #tpu.memory_space<hbm>> -> memref<1x1x80xi32, #tpu.memory_space<hbm>>
    %dma_wait3A_68 = tpu.memref_squeeze %dma_wait3A_67 : memref<1x1x80xi32, #tpu.memory_space<hbm>> -> memref<80xi32, #tpu.memory_space<hbm>>
    tpu.wait_dma2 semaphore(%dma_wait3A_62 : memref<!tpu.dma_semaphore, #tpu.memory_space<semaphore_mem>>) src(%dma_wait3A_68 : memref<80xi32, #tpu.memory_space<hbm>>) dst(%dma_wait3A_65 : memref<80xi32, #tpu.memory_space<vmem>>)
    %dma_start3A_69 = arith.constant 0 : i32
    %dma_start3A_70 = arith.constant 0 : i32
    %dma_start3A_71 = arith.constant 0 : i32
    %dma_start3A_72 = arith.constant 0 : i32
    %dma_start3A_73 = arith.constant 0 : i32
    %dma_start3A_74 = tpu.memref_slice %arg8[%dma_start3A_70, %dma_start3A_72, %dma_start3A_73] : memref<3x80x128xf32, #tpu.memory_space<vmem>> -> memref<1x80x128xf32, #tpu.memory_space<vmem>>
    %dma_start3A_75 = tpu.memref_squeeze %dma_start3A_74 : memref<1x80x128xf32, #tpu.memory_space<vmem>> -> memref<80x128xf32, #tpu.memory_space<vmem>>
    %dma_start3A_76 = arith.constant 0 : i32
    %dma_start3A_77 = tpu.memref_slice %arg6[%dma_start3A_69, %dma_start3A_76] : memref<3x80xi32, #tpu.memory_space<vmem>> -> memref<1x80xi32, #tpu.memory_space<vmem>>
    %dma_start3A_78 = tpu.memref_squeeze %dma_start3A_77 : memref<1x80xi32, #tpu.memory_space<vmem>> -> memref<80xi32, #tpu.memory_space<vmem>>
    %dma_start3A_79 = arith.constant 0 : i32
    %dma_start3A_80 = arith.constant 0 : i32
    %dma_start3A_81 = tpu.memref_slice %arg2[%dma_start3A_79, %dma_start3A_80] : memref<10000x128xf32, #tpu.memory_space<hbm>> -> memref<10000x128xf32, #tpu.memory_space<hbm>>
    %dma_start3A_82 = tpu.memref_slice %arg9[%dma_start3A_71] : memref<3x!tpu.dma_semaphore, #tpu.memory_space<semaphore_mem>> -> memref<1x!tpu.dma_semaphore, #tpu.memory_space<semaphore_mem>>
    %dma_start3A_83 = tpu.memref_squeeze %dma_start3A_82 : memref<1x!tpu.dma_semaphore, #tpu.memory_space<semaphore_mem>> -> memref<!tpu.dma_semaphore, #tpu.memory_space<semaphore_mem>>
    tpu.enqueue_indirect_dma source(%dma_start3A_81 : memref<10000x128xf32, #tpu.memory_space<hbm>>) target(%dma_start3A_75 : memref<80x128xf32, #tpu.memory_space<vmem>>) offsets(%dma_start3A_78 : memref<80xi32, #tpu.memory_space<vmem>>) semaphore(%dma_start3A_83 : memref<!tpu.dma_semaphore, #tpu.memory_space<semaphore_mem>>)
    %dma_wait3A_84 = arith.constant 0 : i32
    %dma_wait3A_85 = arith.constant 1 : i32
    %dma_wait3A_86 = arith.constant 1 : i32
    %dma_wait3A_87 = arith.constant 0 : i32
    %dma_wait3A_88 = tpu.memref_slice %arg6[%dma_wait3A_85, %dma_wait3A_87] : memref<3x80xi32, #tpu.memory_space<vmem>> -> memref<1x80xi32, #tpu.memory_space<vmem>>
    %dma_wait3A_89 = tpu.memref_squeeze %dma_wait3A_88 : memref<1x80xi32, #tpu.memory_space<vmem>> -> memref<80xi32, #tpu.memory_space<vmem>>
    %dma_wait3A_90 = arith.constant 0 : i32
    %dma_wait3A_91 = tpu.memref_slice %arg3[%add3A, %dma_wait3A_84, %dma_wait3A_90] : memref<32x125x80xi32, #tpu.memory_space<hbm>> -> memref<1x1x80xi32, #tpu.memory_space<hbm>>
    %dma_wait3A_92 = tpu.memref_squeeze %dma_wait3A_91 : memref<1x1x80xi32, #tpu.memory_space<hbm>> -> memref<80xi32, #tpu.memory_space<hbm>>
    %dma_wait3A_93 = tpu.memref_slice %arg11[%dma_wait3A_86] : memref<3x!tpu.dma_semaphore, #tpu.memory_space<semaphore_mem>> -> memref<1x!tpu.dma_semaphore, #tpu.memory_space<semaphore_mem>>
    %dma_wait3A_94 = tpu.memref_squeeze %dma_wait3A_93 : memref<1x!tpu.dma_semaphore, #tpu.memory_space<semaphore_mem>> -> memref<!tpu.dma_semaphore, #tpu.memory_space<semaphore_mem>>
    %dma_wait3A_95 = arith.constant 0 : i32
    %dma_wait3A_96 = tpu.memref_slice %arg6[%dma_wait3A_85, %dma_wait3A_95] : memref<3x80xi32, #tpu.memory_space<vmem>> -> memref<1x80xi32, #tpu.memory_space<vmem>>
    %dma_wait3A_97 = tpu.memref_squeeze %dma_wait3A_96 : memref<1x80xi32, #tpu.memory_space<vmem>> -> memref<80xi32, #tpu.memory_space<vmem>>
    %dma_wait3A_98 = arith.constant 0 : i32
    %dma_wait3A_99 = tpu.memref_slice %arg3[%add3A, %dma_wait3A_84, %dma_wait3A_98] : memref<32x125x80xi32, #tpu.memory_space<hbm>> -> memref<1x1x80xi32, #tpu.memory_space<hbm>>
    %dma_wait3A_100 = tpu.memref_squeeze %dma_wait3A_99 : memref<1x1x80xi32, #tpu.memory_space<hbm>> -> memref<80xi32, #tpu.memory_space<hbm>>
    tpu.wait_dma2 semaphore(%dma_wait3A_94 : memref<!tpu.dma_semaphore, #tpu.memory_space<semaphore_mem>>) src(%dma_wait3A_100 : memref<80xi32, #tpu.memory_space<hbm>>) dst(%dma_wait3A_97 : memref<80xi32, #tpu.memory_space<vmem>>)
    %dma_start3A_101 = arith.constant 1 : i32
    %dma_start3A_102 = arith.constant 1 : i32
    %dma_start3A_103 = arith.constant 1 : i32
    %dma_start3A_104 = arith.constant 0 : i32
    %dma_start3A_105 = arith.constant 0 : i32
    %dma_start3A_106 = tpu.memref_slice %arg8[%dma_start3A_102, %dma_start3A_104, %dma_start3A_105] : memref<3x80x128xf32, #tpu.memory_space<vmem>> -> memref<1x80x128xf32, #tpu.memory_space<vmem>>
    %dma_start3A_107 = tpu.memref_squeeze %dma_start3A_106 : memref<1x80x128xf32, #tpu.memory_space<vmem>> -> memref<80x128xf32, #tpu.memory_space<vmem>>
    %dma_start3A_108 = arith.constant 0 : i32
    %dma_start3A_109 = tpu.memref_slice %arg6[%dma_start3A_101, %dma_start3A_108] : memref<3x80xi32, #tpu.memory_space<vmem>> -> memref<1x80xi32, #tpu.memory_space<vmem>>
    %dma_start3A_110 = tpu.memref_squeeze %dma_start3A_109 : memref<1x80xi32, #tpu.memory_space<vmem>> -> memref<80xi32, #tpu.memory_space<vmem>>
    %dma_start3A_111 = arith.constant 0 : i32
    %dma_start3A_112 = arith.constant 0 : i32
    %dma_start3A_113 = tpu.memref_slice %arg2[%dma_start3A_111, %dma_start3A_112] : memref<10000x128xf32, #tpu.memory_space<hbm>> -> memref<10000x128xf32, #tpu.memory_space<hbm>>
    %dma_start3A_114 = tpu.memref_slice %arg9[%dma_start3A_103] : memref<3x!tpu.dma_semaphore, #tpu.memory_space<semaphore_mem>> -> memref<1x!tpu.dma_semaphore, #tpu.memory_space<semaphore_mem>>
    %dma_start3A_115 = tpu.memref_squeeze %dma_start3A_114 : memref<1x!tpu.dma_semaphore, #tpu.memory_space<semaphore_mem>> -> memref<!tpu.dma_semaphore, #tpu.memory_space<semaphore_mem>>
    tpu.enqueue_indirect_dma source(%dma_start3A_113 : memref<10000x128xf32, #tpu.memory_space<hbm>>) target(%dma_start3A_107 : memref<80x128xf32, #tpu.memory_space<vmem>>) offsets(%dma_start3A_110 : memref<80xi32, #tpu.memory_space<vmem>>) semaphore(%dma_start3A_115 : memref<!tpu.dma_semaphore, #tpu.memory_space<semaphore_mem>>)
    %broadcast_in_dim3A = arith.constant 0.000000e+00 : f32
    %broadcast_in_dim3A_116 = vector.broadcast %broadcast_in_dim3A : f32 to vector<16xf32>
    %scan3A = arith.constant 0 : i32
    %scan3A_117 = arith.constant 0 : i32
    %scan3A_118 = arith.constant 80 : i32
    %scan3A_119 = arith.addi %scan3A_117, %scan3A_118 : i32
    %scan3A_120 = arith.constant 1 : i32
    scf.for %scan3A_167 = %scan3A_117 to %scan3A_119 step %scan3A_120  : i32 {
      %swap3A = arith.constant 2 : i32
      %swap3A_168 = arith.index_cast %swap3A : i32 to index
      %swap3A_169 = arith.index_cast %scan3A_167 : i32 to index
      %swap3A_170 = arith.constant 0 : index
      %swap3A_171 = tpu.vector_load %arg8[%swap3A_168, %swap3A_169, %swap3A_170] {strides = array<i32>} : memref<3x80x128xf32, #tpu.memory_space<vmem>>, vector<1x1x16xf32>,
      %swap3A_172 = vector.shape_cast %swap3A_171 : vector<1x1x16xf32> to vector<16xf32>
      %swap3A_173 = vector.shape_cast %broadcast_in_dim3A_116 : vector<16xf32> to vector<1x1x16xf32>
      tpu.vector_store %arg8[%swap3A_168, %swap3A_169, %swap3A_170], %swap3A_173 {strides = array<i32>} : memref<3x80x128xf32, #tpu.memory_space<vmem>>, vector<1x1x16xf32>,
      %swap3A_174 = arith.constant 2 : i32
      %swap3A_175 = arith.index_cast %swap3A_174 : i32 to index
      %swap3A_176 = arith.index_cast %scan3A_167 : i32 to index
      %swap3A_177 = arith.constant 16 : index
      %swap3A_178 = tpu.vector_load %arg8[%swap3A_175, %swap3A_176, %swap3A_177] {strides = array<i32>} : memref<3x80x128xf32, #tpu.memory_space<vmem>>, vector<1x1x16xf32>,
      %swap3A_179 = vector.shape_cast %swap3A_178 : vector<1x1x16xf32> to vector<16xf32>
      %swap3A_180 = vector.shape_cast %broadcast_in_dim3A_116 : vector<16xf32> to vector<1x1x16xf32>
      tpu.vector_store %arg8[%swap3A_175, %swap3A_176, %swap3A_177], %swap3A_180 {strides = array<i32>} : memref<3x80x128xf32, #tpu.memory_space<vmem>>, vector<1x1x16xf32>,
      %swap3A_181 = arith.constant 2 : i32
      %swap3A_182 = arith.index_cast %swap3A_181 : i32 to index
      %swap3A_183 = arith.index_cast %scan3A_167 : i32 to index
      %swap3A_184 = arith.constant 32 : index
      %swap3A_185 = tpu.vector_load %arg8[%swap3A_182, %swap3A_183, %swap3A_184] {strides = array<i32>} : memref<3x80x128xf32, #tpu.memory_space<vmem>>, vector<1x1x16xf32>,
      %swap3A_186 = vector.shape_cast %swap3A_185 : vector<1x1x16xf32> to vector<16xf32>
      %swap3A_187 = vector.shape_cast %broadcast_in_dim3A_116 : vector<16xf32> to vector<1x1x16xf32>
      tpu.vector_store %arg8[%swap3A_182, %swap3A_183, %swap3A_184], %swap3A_187 {strides = array<i32>} : memref<3x80x128xf32, #tpu.memory_space<vmem>>, vector<1x1x16xf32>,
      %swap3A_188 = arith.constant 2 : i32
      %swap3A_189 = arith.index_cast %swap3A_188 : i32 to index
      %swap3A_190 = arith.index_cast %scan3A_167 : i32 to index
      %swap3A_191 = arith.constant 48 : index
      %swap3A_192 = tpu.vector_load %arg8[%swap3A_189, %swap3A_190, %swap3A_191] {strides = array<i32>} : memref<3x80x128xf32, #tpu.memory_space<vmem>>, vector<1x1x16xf32>,
      %swap3A_193 = vector.shape_cast %swap3A_192 : vector<1x1x16xf32> to vector<16xf32>
      %swap3A_194 = vector.shape_cast %broadcast_in_dim3A_116 : vector<16xf32> to vector<1x1x16xf32>
      tpu.vector_store %arg8[%swap3A_189, %swap3A_190, %swap3A_191], %swap3A_194 {strides = array<i32>} : memref<3x80x128xf32, #tpu.memory_space<vmem>>, vector<1x1x16xf32>,
      %swap3A_195 = arith.constant 2 : i32
      %swap3A_196 = arith.index_cast %swap3A_195 : i32 to index
      %swap3A_197 = arith.index_cast %scan3A_167 : i32 to index
      %swap3A_198 = arith.constant 64 : index
      %swap3A_199 = tpu.vector_load %arg8[%swap3A_196, %swap3A_197, %swap3A_198] {strides = array<i32>} : memref<3x80x128xf32, #tpu.memory_space<vmem>>, vector<1x1x16xf32>,
      %swap3A_200 = vector.shape_cast %swap3A_199 : vector<1x1x16xf32> to vector<16xf32>
      %swap3A_201 = vector.shape_cast %broadcast_in_dim3A_116 : vector<16xf32> to vector<1x1x16xf32>
      tpu.vector_store %arg8[%swap3A_196, %swap3A_197, %swap3A_198], %swap3A_201 {strides = array<i32>} : memref<3x80x128xf32, #tpu.memory_space<vmem>>, vector<1x1x16xf32>,
      %swap3A_202 = arith.constant 2 : i32
      %swap3A_203 = arith.index_cast %swap3A_202 : i32 to index
      %swap3A_204 = arith.index_cast %scan3A_167 : i32 to index
      %swap3A_205 = arith.constant 80 : index
      %swap3A_206 = tpu.vector_load %arg8[%swap3A_203, %swap3A_204, %swap3A_205] {strides = array<i32>} : memref<3x80x128xf32, #tpu.memory_space<vmem>>, vector<1x1x16xf32>,
      %swap3A_207 = vector.shape_cast %swap3A_206 : vector<1x1x16xf32> to vector<16xf32>
      %swap3A_208 = vector.shape_cast %broadcast_in_dim3A_116 : vector<16xf32> to vector<1x1x16xf32>
      tpu.vector_store %arg8[%swap3A_203, %swap3A_204, %swap3A_205], %swap3A_208 {strides = array<i32>} : memref<3x80x128xf32, #tpu.memory_space<vmem>>, vector<1x1x16xf32>,
      %swap3A_209 = arith.constant 2 : i32
      %swap3A_210 = arith.index_cast %swap3A_209 : i32 to index
      %swap3A_211 = arith.index_cast %scan3A_167 : i32 to index
      %swap3A_212 = arith.constant 96 : index
      %swap3A_213 = tpu.vector_load %arg8[%swap3A_210, %swap3A_211, %swap3A_212] {strides = array<i32>} : memref<3x80x128xf32, #tpu.memory_space<vmem>>, vector<1x1x16xf32>,
      %swap3A_214 = vector.shape_cast %swap3A_213 : vector<1x1x16xf32> to vector<16xf32>
      %swap3A_215 = vector.shape_cast %broadcast_in_dim3A_116 : vector<16xf32> to vector<1x1x16xf32>
      tpu.vector_store %arg8[%swap3A_210, %swap3A_211, %swap3A_212], %swap3A_215 {strides = array<i32>} : memref<3x80x128xf32, #tpu.memory_space<vmem>>, vector<1x1x16xf32>,
      %swap3A_216 = arith.constant 2 : i32
      %swap3A_217 = arith.index_cast %swap3A_216 : i32 to index
      %swap3A_218 = arith.index_cast %scan3A_167 : i32 to index
      %swap3A_219 = arith.constant 112 : index
      %swap3A_220 = tpu.vector_load %arg8[%swap3A_217, %swap3A_218, %swap3A_219] {strides = array<i32>} : memref<3x80x128xf32, #tpu.memory_space<vmem>>, vector<1x1x16xf32>,
      %swap3A_221 = vector.shape_cast %swap3A_220 : vector<1x1x16xf32> to vector<16xf32>
      %swap3A_222 = vector.shape_cast %broadcast_in_dim3A_116 : vector<16xf32> to vector<1x1x16xf32>
      tpu.vector_store %arg8[%swap3A_217, %swap3A_218, %swap3A_219], %swap3A_222 {strides = array<i32>} : memref<3x80x128xf32, #tpu.memory_space<vmem>>, vector<1x1x16xf32>,
    }
    %scan3A_121 = arith.constant 80 : i32
    %add3A_122 = arith.constant 0 : i32
    %add3A_123 = arith.addi %mul3A_2, %add3A_122 : i32
    %run_scoped3A = arith.constant 2 : i32
    "tpu.region"() ({
      %run_scoped3A_167 = tpu.sem_alloc : memref<!tpu.dma_semaphore, #tpu.memory_space<semaphore_mem>>
      %dma_start3A_168 = arith.constant 0 : i32
      %dma_start3A_169 = arith.constant 0 : i32
      %dma_start3A_170 = tpu.memref_slice %arg8[%run_scoped3A, %dma_start3A_168, %dma_start3A_169] : memref<3x80x128xf32, #tpu.memory_space<vmem>> -> memref<1x80x128xf32, #tpu.memory_space<vmem>>
      %dma_start3A_171 = tpu.memref_squeeze %dma_start3A_170 : memref<1x80x128xf32, #tpu.memory_space<vmem>> -> memref<80x128xf32, #tpu.memory_space<vmem>>
      %dma_start3A_172 = arith.constant 0 : i32
      %dma_start3A_173 = tpu.memref_slice %arg12[%add3A_123, %dma_start3A_172] : memref<10240x128xf32, #tpu.memory_space<vmem_shared>> -> memref<80x128xf32, #tpu.memory_space<vmem_shared>>
      %dma_start3A_174 = arith.constant 0 : i32
      %dma_start3A_175 = tpu.memref_slice %arg12[%add3A_123, %dma_start3A_174] : memref<10240x128xf32, #tpu.memory_space<vmem_shared>> -> memref<80x128xf32, #tpu.memory_space<vmem_shared>>
      %dma_start3A_176 = arith.constant 0 : i32
      %dma_start3A_177 = arith.constant 0 : i32
      %dma_start3A_178 = tpu.memref_slice %arg8[%run_scoped3A, %dma_start3A_176, %dma_start3A_177] : memref<3x80x128xf32, #tpu.memory_space<vmem>> -> memref<1x80x128xf32, #tpu.memory_space<vmem>>
      %dma_start3A_179 = tpu.memref_squeeze %dma_start3A_178 : memref<1x80x128xf32, #tpu.memory_space<vmem>> -> memref<80x128xf32, #tpu.memory_space<vmem>>
      tpu.enqueue_dma source(%dma_start3A_179 : memref<80x128xf32, #tpu.memory_space<vmem>>) target(%dma_start3A_175 : memref<80x128xf32, #tpu.memory_space<vmem_shared>>) target_semaphore(%run_scoped3A_167 : memref<!tpu.dma_semaphore, #tpu.memory_space<semaphore_mem>>)
      %dma_wait3A_180 = arith.constant 0 : i32
      %dma_wait3A_181 = arith.constant 0 : i32
      %dma_wait3A_182 = tpu.memref_slice %arg8[%run_scoped3A, %dma_wait3A_180, %dma_wait3A_181] : memref<3x80x128xf32, #tpu.memory_space<vmem>> -> memref<1x80x128xf32, #tpu.memory_space<vmem>>
      %dma_wait3A_183 = tpu.memref_squeeze %dma_wait3A_182 : memref<1x80x128xf32, #tpu.memory_space<vmem>> -> memref<80x128xf32, #tpu.memory_space<vmem>>
      %dma_wait3A_184 = arith.constant 0 : i32
      %dma_wait3A_185 = tpu.memref_slice %arg12[%add3A_123, %dma_wait3A_184] : memref<10240x128xf32, #tpu.memory_space<vmem_shared>> -> memref<80x128xf32, #tpu.memory_space<vmem_shared>>
      %dma_wait3A_186 = arith.constant 0 : i32
      %dma_wait3A_187 = tpu.memref_slice %arg12[%add3A_123, %dma_wait3A_186] : memref<10240x128xf32, #tpu.memory_space<vmem_shared>> -> memref<80x128xf32, #tpu.memory_space<vmem_shared>>
      %dma_wait3A_188 = arith.constant 0 : i32
      %dma_wait3A_189 = arith.constant 0 : i32
      %dma_wait3A_190 = tpu.memref_slice %arg8[%run_scoped3A, %dma_wait3A_188, %dma_wait3A_189] : memref<3x80x128xf32, #tpu.memory_space<vmem>> -> memref<1x80x128xf32, #tpu.memory_space<vmem>>
      %dma_wait3A_191 = tpu.memref_squeeze %dma_wait3A_190 : memref<1x80x128xf32, #tpu.memory_space<vmem>> -> memref<80x128xf32, #tpu.memory_space<vmem>>
      tpu.wait_dma2 semaphore(%run_scoped3A_167 : memref<!tpu.dma_semaphore, #tpu.memory_space<semaphore_mem>>) src(%dma_wait3A_191 : memref<80x128xf32, #tpu.memory_space<vmem>>) dst(%dma_wait3A_187 : memref<80x128xf32, #tpu.memory_space<vmem_shared>>)
      tpu.yield
    }) : () -> ()
    %add3A_124 = arith.constant 80 : i32
    %add3A_125 = arith.addi %mul3A_2, %add3A_124 : i32
    %run_scoped3A_126 = arith.constant 2 : i32
    "tpu.region"() ({
      %run_scoped3A_167 = tpu.sem_alloc : memref<!tpu.dma_semaphore, #tpu.memory_space<semaphore_mem>>
      %dma_start3A_168 = arith.constant 0 : i32
      %dma_start3A_169 = arith.constant 0 : i32
      %dma_start3A_170 = tpu.memref_slice %arg8[%run_scoped3A_126, %dma_start3A_168, %dma_start3A_169] : memref<3x80x128xf32, #tpu.memory_space<vmem>> -> memref<1x80x128xf32, #tpu.memory_space<vmem>>
      %dma_start3A_171 = tpu.memref_squeeze %dma_start3A_170 : memref<1x80x128xf32, #tpu.memory_space<vmem>> -> memref<80x128xf32, #tpu.memory_space<vmem>>
      %dma_start3A_172 = arith.constant 0 : i32
      %dma_start3A_173 = tpu.memref_slice %arg12[%add3A_125, %dma_start3A_172] : memref<10240x128xf32, #tpu.memory_space<vmem_shared>> -> memref<80x128xf32, #tpu.memory_space<vmem_shared>>
      %dma_start3A_174 = arith.constant 0 : i32
      %dma_start3A_175 = tpu.memref_slice %arg12[%add3A_125, %dma_start3A_174] : memref<10240x128xf32, #tpu.memory_space<vmem_shared>> -> memref<80x128xf32, #tpu.memory_space<vmem_shared>>
      %dma_start3A_176 = arith.constant 0 : i32
      %dma_start3A_177 = arith.constant 0 : i32
      %dma_start3A_178 = tpu.memref_slice %arg8[%run_scoped3A_126, %dma_start3A_176, %dma_start3A_177] : memref<3x80x128xf32, #tpu.memory_space<vmem>> -> memref<1x80x128xf32, #tpu.memory_space<vmem>>
      %dma_start3A_179 = tpu.memref_squeeze %dma_start3A_178 : memref<1x80x128xf32, #tpu.memory_space<vmem>> -> memref<80x128xf32, #tpu.memory_space<vmem>>
      tpu.enqueue_dma source(%dma_start3A_179 : memref<80x128xf32, #tpu.memory_space<vmem>>) target(%dma_start3A_175 : memref<80x128xf32, #tpu.memory_space<vmem_shared>>) target_semaphore(%run_scoped3A_167 : memref<!tpu.dma_semaphore, #tpu.memory_space<semaphore_mem>>)
      %dma_wait3A_180 = arith.constant 0 : i32
      %dma_wait3A_181 = arith.constant 0 : i32
      %dma_wait3A_182 = tpu.memref_slice %arg8[%run_scoped3A_126, %dma_wait3A_180, %dma_wait3A_181] : memref<3x80x128xf32, #tpu.memory_space<vmem>> -> memref<1x80x128xf32, #tpu.memory_space<vmem>>
      %dma_wait3A_183 = tpu.memref_squeeze %dma_wait3A_182 : memref<1x80x128xf32, #tpu.memory_space<vmem>> -> memref<80x128xf32, #tpu.memory_space<vmem>>
      %dma_wait3A_184 = arith.constant 0 : i32
      %dma_wait3A_185 = tpu.memref_slice %arg12[%add3A_125, %dma_wait3A_184] : memref<10240x128xf32, #tpu.memory_space<vmem_shared>> -> memref<80x128xf32, #tpu.memory_space<vmem_shared>>
      %dma_wait3A_186 = arith.constant 0 : i32
      %dma_wait3A_187 = tpu.memref_slice %arg12[%add3A_125, %dma_wait3A_186] : memref<10240x128xf32, #tpu.memory_space<vmem_shared>> -> memref<80x128xf32, #tpu.memory_space<vmem_shared>>
      %dma_wait3A_188 = arith.constant 0 : i32
      %dma_wait3A_189 = arith.constant 0 : i32
      %dma_wait3A_190 = tpu.memref_slice %arg8[%run_scoped3A_126, %dma_wait3A_188, %dma_wait3A_189] : memref<3x80x128xf32, #tpu.memory_space<vmem>> -> memref<1x80x128xf32, #tpu.memory_space<vmem>>
      %dma_wait3A_191 = tpu.memref_squeeze %dma_wait3A_190 : memref<1x80x128xf32, #tpu.memory_space<vmem>> -> memref<80x128xf32, #tpu.memory_space<vmem>>
      tpu.wait_dma2 semaphore(%run_scoped3A_167 : memref<!tpu.dma_semaphore, #tpu.memory_space<semaphore_mem>>) src(%dma_wait3A_191 : memref<80x128xf32, #tpu.memory_space<vmem>>) dst(%dma_wait3A_187 : memref<80x128xf32, #tpu.memory_space<vmem_shared>>)
      tpu.yield
    }) : () -> ()
    %add3A_127 = arith.constant 160 : i32
    %add3A_128 = arith.addi %mul3A_2, %add3A_127 : i32
    %run_scoped3A_129 = arith.constant 2 : i32
    "tpu.region"() ({
      %run_scoped3A_167 = tpu.sem_alloc : memref<!tpu.dma_semaphore, #tpu.memory_space<semaphore_mem>>
      %dma_start3A_168 = arith.constant 0 : i32
      %dma_start3A_169 = arith.constant 0 : i32
      %dma_start3A_170 = tpu.memref_slice %arg8[%run_scoped3A_129, %dma_start3A_168, %dma_start3A_169] : memref<3x80x128xf32, #tpu.memory_space<vmem>> -> memref<1x80x128xf32, #tpu.memory_space<vmem>>
      %dma_start3A_171 = tpu.memref_squeeze %dma_start3A_170 : memref<1x80x128xf32, #tpu.memory_space<vmem>> -> memref<80x128xf32, #tpu.memory_space<vmem>>
      %dma_start3A_172 = arith.constant 0 : i32
      %dma_start3A_173 = tpu.memref_slice %arg12[%add3A_128, %dma_start3A_172] : memref<10240x128xf32, #tpu.memory_space<vmem_shared>> -> memref<80x128xf32, #tpu.memory_space<vmem_shared>>
      %dma_start3A_174 = arith.constant 0 : i32
      %dma_start3A_175 = tpu.memref_slice %arg12[%add3A_128, %dma_start3A_174] : memref<10240x128xf32, #tpu.memory_space<vmem_shared>> -> memref<80x128xf32, #tpu.memory_space<vmem_shared>>
      %dma_start3A_176 = arith.constant 0 : i32
      %dma_start3A_177 = arith.constant 0 : i32
      %dma_start3A_178 = tpu.memref_slice %arg8[%run_scoped3A_129, %dma_start3A_176, %dma_start3A_177] : memref<3x80x128xf32, #tpu.memory_space<vmem>> -> memref<1x80x128xf32, #tpu.memory_space<vmem>>
      %dma_start3A_179 = tpu.memref_squeeze %dma_start3A_178 : memref<1x80x128xf32, #tpu.memory_space<vmem>> -> memref<80x128xf32, #tpu.memory_space<vmem>>
      tpu.enqueue_dma source(%dma_start3A_179 : memref<80x128xf32, #tpu.memory_space<vmem>>) target(%dma_start3A_175 : memref<80x128xf32, #tpu.memory_space<vmem_shared>>) target_semaphore(%run_scoped3A_167 : memref<!tpu.dma_semaphore, #tpu.memory_space<semaphore_mem>>)
      %dma_wait3A_180 = arith.constant 0 : i32
      %dma_wait3A_181 = arith.constant 0 : i32
      %dma_wait3A_182 = tpu.memref_slice %arg8[%run_scoped3A_129, %dma_wait3A_180, %dma_wait3A_181] : memref<3x80x128xf32, #tpu.memory_space<vmem>> -> memref<1x80x128xf32, #tpu.memory_space<vmem>>
      %dma_wait3A_183 = tpu.memref_squeeze %dma_wait3A_182 : memref<1x80x128xf32, #tpu.memory_space<vmem>> -> memref<80x128xf32, #tpu.memory_space<vmem>>
      %dma_wait3A_184 = arith.constant 0 : i32
      %dma_wait3A_185 = tpu.memref_slice %arg12[%add3A_128, %dma_wait3A_184] : memref<10240x128xf32, #tpu.memory_space<vmem_shared>> -> memref<80x128xf32, #tpu.memory_space<vmem_shared>>
      %dma_wait3A_186 = arith.constant 0 : i32
      %dma_wait3A_187 = tpu.memref_slice %arg12[%add3A_128, %dma_wait3A_186] : memref<10240x128xf32, #tpu.memory_space<vmem_shared>> -> memref<80x128xf32, #tpu.memory_space<vmem_shared>>
      %dma_wait3A_188 = arith.constant 0 : i32
      %dma_wait3A_189 = arith.constant 0 : i32
      %dma_wait3A_190 = tpu.memref_slice %arg8[%run_scoped3A_129, %dma_wait3A_188, %dma_wait3A_189] : memref<3x80x128xf32, #tpu.memory_space<vmem>> -> memref<1x80x128xf32, #tpu.memory_space<vmem>>
      %dma_wait3A_191 = tpu.memref_squeeze %dma_wait3A_190 : memref<1x80x128xf32, #tpu.memory_space<vmem>> -> memref<80x128xf32, #tpu.memory_space<vmem>>
      tpu.wait_dma2 semaphore(%run_scoped3A_167 : memref<!tpu.dma_semaphore, #tpu.memory_space<semaphore_mem>>) src(%dma_wait3A_191 : memref<80x128xf32, #tpu.memory_space<vmem>>) dst(%dma_wait3A_187 : memref<80x128xf32, #tpu.memory_space<vmem_shared>>)
      tpu.yield
    }) : () -> ()
    %add3A_130 = arith.constant 240 : i32
    %add3A_131 = arith.addi %mul3A_2, %add3A_130 : i32
    %run_scoped3A_132 = arith.constant 2 : i32
    "tpu.region"() ({
      %run_scoped3A_167 = tpu.sem_alloc : memref<!tpu.dma_semaphore, #tpu.memory_space<semaphore_mem>>
      %dma_start3A_168 = arith.constant 0 : i32
      %dma_start3A_169 = arith.constant 0 : i32
      %dma_start3A_170 = tpu.memref_slice %arg8[%run_scoped3A_132, %dma_start3A_168, %dma_start3A_169] : memref<3x80x128xf32, #tpu.memory_space<vmem>> -> memref<1x80x128xf32, #tpu.memory_space<vmem>>
      %dma_start3A_171 = tpu.memref_squeeze %dma_start3A_170 : memref<1x80x128xf32, #tpu.memory_space<vmem>> -> memref<80x128xf32, #tpu.memory_space<vmem>>
      %dma_start3A_172 = arith.constant 0 : i32
      %dma_start3A_173 = tpu.memref_slice %arg12[%add3A_131, %dma_start3A_172] : memref<10240x128xf32, #tpu.memory_space<vmem_shared>> -> memref<80x128xf32, #tpu.memory_space<vmem_shared>>
      %dma_start3A_174 = arith.constant 0 : i32
      %dma_start3A_175 = tpu.memref_slice %arg12[%add3A_131, %dma_start3A_174] : memref<10240x128xf32, #tpu.memory_space<vmem_shared>> -> memref<80x128xf32, #tpu.memory_space<vmem_shared>>
      %dma_start3A_176 = arith.constant 0 : i32
      %dma_start3A_177 = arith.constant 0 : i32
      %dma_start3A_178 = tpu.memref_slice %arg8[%run_scoped3A_132, %dma_start3A_176, %dma_start3A_177] : memref<3x80x128xf32, #tpu.memory_space<vmem>> -> memref<1x80x128xf32, #tpu.memory_space<vmem>>
      %dma_start3A_179 = tpu.memref_squeeze %dma_start3A_178 : memref<1x80x128xf32, #tpu.memory_space<vmem>> -> memref<80x128xf32, #tpu.memory_space<vmem>>
      tpu.enqueue_dma source(%dma_start3A_179 : memref<80x128xf32, #tpu.memory_space<vmem>>) target(%dma_start3A_175 : memref<80x128xf32, #tpu.memory_space<vmem_shared>>) target_semaphore(%run_scoped3A_167 : memref<!tpu.dma_semaphore, #tpu.memory_space<semaphore_mem>>)
      %dma_wait3A_180 = arith.constant 0 : i32
      %dma_wait3A_181 = arith.constant 0 : i32
      %dma_wait3A_182 = tpu.memref_slice %arg8[%run_scoped3A_132, %dma_wait3A_180, %dma_wait3A_181] : memref<3x80x128xf32, #tpu.memory_space<vmem>> -> memref<1x80x128xf32, #tpu.memory_space<vmem>>
      %dma_wait3A_183 = tpu.memref_squeeze %dma_wait3A_182 : memref<1x80x128xf32, #tpu.memory_space<vmem>> -> memref<80x128xf32, #tpu.memory_space<vmem>>
      %dma_wait3A_184 = arith.constant 0 : i32
      %dma_wait3A_185 = tpu.memref_slice %arg12[%add3A_131, %dma_wait3A_184] : memref<10240x128xf32, #tpu.memory_space<vmem_shared>> -> memref<80x128xf32, #tpu.memory_space<vmem_shared>>
      %dma_wait3A_186 = arith.constant 0 : i32
      %dma_wait3A_187 = tpu.memref_slice %arg12[%add3A_131, %dma_wait3A_186] : memref<10240x128xf32, #tpu.memory_space<vmem_shared>> -> memref<80x128xf32, #tpu.memory_space<vmem_shared>>
      %dma_wait3A_188 = arith.constant 0 : i32
      %dma_wait3A_189 = arith.constant 0 : i32
      %dma_wait3A_190 = tpu.memref_slice %arg8[%run_scoped3A_132, %dma_wait3A_188, %dma_wait3A_189] : memref<3x80x128xf32, #tpu.memory_space<vmem>> -> memref<1x80x128xf32, #tpu.memory_space<vmem>>
      %dma_wait3A_191 = tpu.memref_squeeze %dma_wait3A_190 : memref<1x80x128xf32, #tpu.memory_space<vmem>> -> memref<80x128xf32, #tpu.memory_space<vmem>>
      tpu.wait_dma2 semaphore(%run_scoped3A_167 : memref<!tpu.dma_semaphore, #tpu.memory_space<semaphore_mem>>) src(%dma_wait3A_191 : memref<80x128xf32, #tpu.memory_space<vmem>>) dst(%dma_wait3A_187 : memref<80x128xf32, #tpu.memory_space<vmem_shared>>)
      tpu.yield
    }) : () -> ()
    %add3A_133 = arith.constant 320 : i32
    %add3A_134 = arith.addi %mul3A_2, %add3A_133 : i32
    %run_scoped3A_135 = arith.constant 2 : i32
    "tpu.region"() ({
      %run_scoped3A_167 = tpu.sem_alloc : memref<!tpu.dma_semaphore, #tpu.memory_space<semaphore_mem>>
      %dma_start3A_168 = arith.constant 0 : i32
      %dma_start3A_169 = arith.constant 0 : i32
      %dma_start3A_170 = tpu.memref_slice %arg8[%run_scoped3A_135, %dma_start3A_168, %dma_start3A_169] : memref<3x80x128xf32, #tpu.memory_space<vmem>> -> memref<1x80x128xf32, #tpu.memory_space<vmem>>
      %dma_start3A_171 = tpu.memref_squeeze %dma_start3A_170 : memref<1x80x128xf32, #tpu.memory_space<vmem>> -> memref<80x128xf32, #tpu.memory_space<vmem>>
      %dma_start3A_172 = arith.constant 0 : i32
      %dma_start3A_173 = tpu.memref_slice %arg12[%add3A_134, %dma_start3A_172] : memref<10240x128xf32, #tpu.memory_space<vmem_shared>> -> memref<80x128xf32, #tpu.memory_space<vmem_shared>>
      %dma_start3A_174 = arith.constant 0 : i32
      %dma_start3A_175 = tpu.memref_slice %arg12[%add3A_134, %dma_start3A_174] : memref<10240x128xf32, #tpu.memory_space<vmem_shared>> -> memref<80x128xf32, #tpu.memory_space<vmem_shared>>
      %dma_start3A_176 = arith.constant 0 : i32
      %dma_start3A_177 = arith.constant 0 : i32
      %dma_start3A_178 = tpu.memref_slice %arg8[%run_scoped3A_135, %dma_start3A_176, %dma_start3A_177] : memref<3x80x128xf32, #tpu.memory_space<vmem>> -> memref<1x80x128xf32, #tpu.memory_space<vmem>>
      %dma_start3A_179 = tpu.memref_squeeze %dma_start3A_178 : memref<1x80x128xf32, #tpu.memory_space<vmem>> -> memref<80x128xf32, #tpu.memory_space<vmem>>
      tpu.enqueue_dma source(%dma_start3A_179 : memref<80x128xf32, #tpu.memory_space<vmem>>) target(%dma_start3A_175 : memref<80x128xf32, #tpu.memory_space<vmem_shared>>) target_semaphore(%run_scoped3A_167 : memref<!tpu.dma_semaphore, #tpu.memory_space<semaphore_mem>>)
      %dma_wait3A_180 = arith.constant 0 : i32
      %dma_wait3A_181 = arith.constant 0 : i32
      %dma_wait3A_182 = tpu.memref_slice %arg8[%run_scoped3A_135, %dma_wait3A_180, %dma_wait3A_181] : memref<3x80x128xf32, #tpu.memory_space<vmem>> -> memref<1x80x128xf32, #tpu.memory_space<vmem>>
      %dma_wait3A_183 = tpu.memref_squeeze %dma_wait3A_182 : memref<1x80x128xf32, #tpu.memory_space<vmem>> -> memref<80x128xf32, #tpu.memory_space<vmem>>
      %dma_wait3A_184 = arith.constant 0 : i32
      %dma_wait3A_185 = tpu.memref_slice %arg12[%add3A_134, %dma_wait3A_184] : memref<10240x128xf32, #tpu.memory_space<vmem_shared>> -> memref<80x128xf32, #tpu.memory_space<vmem_shared>>
      %dma_wait3A_186 = arith.constant 0 : i32
      %dma_wait3A_187 = tpu.memref_slice %arg12[%add3A_134, %dma_wait3A_186] : memref<10240x128xf32, #tpu.memory_space<vmem_shared>> -> memref<80x128xf32, #tpu.memory_space<vmem_shared>>
      %dma_wait3A_188 = arith.constant 0 : i32
      %dma_wait3A_189 = arith.constant 0 : i32
      %dma_wait3A_190 = tpu.memref_slice %arg8[%run_scoped3A_135, %dma_wait3A_188, %dma_wait3A_189] : memref<3x80x128xf32, #tpu.memory_space<vmem>> -> memref<1x80x128xf32, #tpu.memory_space<vmem>>
      %dma_wait3A_191 = tpu.memref_squeeze %dma_wait3A_190 : memref<1x80x128xf32, #tpu.memory_space<vmem>> -> memref<80x128xf32, #tpu.memory_space<vmem>>
      tpu.wait_dma2 semaphore(%run_scoped3A_167 : memref<!tpu.dma_semaphore, #tpu.memory_space<semaphore_mem>>) src(%dma_wait3A_191 : memref<80x128xf32, #tpu.memory_space<vmem>>) dst(%dma_wait3A_187 : memref<80x128xf32, #tpu.memory_space<vmem_shared>>)
      tpu.yield
    }) : () -> ()
    %add3A_136 = arith.constant 400 : i32
    %add3A_137 = arith.addi %mul3A_2, %add3A_136 : i32
    %run_scoped3A_138 = arith.constant 2 : i32
    "tpu.region"() ({
      %run_scoped3A_167 = tpu.sem_alloc : memref<!tpu.dma_semaphore, #tpu.memory_space<semaphore_mem>>
      %dma_start3A_168 = arith.constant 0 : i32
      %dma_start3A_169 = arith.constant 0 : i32
      %dma_start3A_170 = tpu.memref_slice %arg8[%run_scoped3A_138, %dma_start3A_168, %dma_start3A_169] : memref<3x80x128xf32, #tpu.memory_space<vmem>> -> memref<1x80x128xf32, #tpu.memory_space<vmem>>
      %dma_start3A_171 = tpu.memref_squeeze %dma_start3A_170 : memref<1x80x128xf32, #tpu.memory_space<vmem>> -> memref<80x128xf32, #tpu.memory_space<vmem>>
      %dma_start3A_172 = arith.constant 0 : i32
      %dma_start3A_173 = tpu.memref_slice %arg12[%add3A_137, %dma_start3A_172] : memref<10240x128xf32, #tpu.memory_space<vmem_shared>> -> memref<80x128xf32, #tpu.memory_space<vmem_shared>>
      %dma_start3A_174 = arith.constant 0 : i32
      %dma_start3A_175 = tpu.memref_slice %arg12[%add3A_137, %dma_start3A_174] : memref<10240x128xf32, #tpu.memory_space<vmem_shared>> -> memref<80x128xf32, #tpu.memory_space<vmem_shared>>
      %dma_start3A_176 = arith.constant 0 : i32
      %dma_start3A_177 = arith.constant 0 : i32
      %dma_start3A_178 = tpu.memref_slice %arg8[%run_scoped3A_138, %dma_start3A_176, %dma_start3A_177] : memref<3x80x128xf32, #tpu.memory_space<vmem>> -> memref<1x80x128xf32, #tpu.memory_space<vmem>>
      %dma_start3A_179 = tpu.memref_squeeze %dma_start3A_178 : memref<1x80x128xf32, #tpu.memory_space<vmem>> -> memref<80x128xf32, #tpu.memory_space<vmem>>
      tpu.enqueue_dma source(%dma_start3A_179 : memref<80x128xf32, #tpu.memory_space<vmem>>) target(%dma_start3A_175 : memref<80x128xf32, #tpu.memory_space<vmem_shared>>) target_semaphore(%run_scoped3A_167 : memref<!tpu.dma_semaphore, #tpu.memory_space<semaphore_mem>>)
      %dma_wait3A_180 = arith.constant 0 : i32
      %dma_wait3A_181 = arith.constant 0 : i32
      %dma_wait3A_182 = tpu.memref_slice %arg8[%run_scoped3A_138, %dma_wait3A_180, %dma_wait3A_181] : memref<3x80x128xf32, #tpu.memory_space<vmem>> -> memref<1x80x128xf32, #tpu.memory_space<vmem>>
      %dma_wait3A_183 = tpu.memref_squeeze %dma_wait3A_182 : memref<1x80x128xf32, #tpu.memory_space<vmem>> -> memref<80x128xf32, #tpu.memory_space<vmem>>
      %dma_wait3A_184 = arith.constant 0 : i32
      %dma_wait3A_185 = tpu.memref_slice %arg12[%add3A_137, %dma_wait3A_184] : memref<10240x128xf32, #tpu.memory_space<vmem_shared>> -> memref<80x128xf32, #tpu.memory_space<vmem_shared>>
      %dma_wait3A_186 = arith.constant 0 : i32
      %dma_wait3A_187 = tpu.memref_slice %arg12[%add3A_137, %dma_wait3A_186] : memref<10240x128xf32, #tpu.memory_space<vmem_shared>> -> memref<80x128xf32, #tpu.memory_space<vmem_shared>>
      %dma_wait3A_188 = arith.constant 0 : i32
      %dma_wait3A_189 = arith.constant 0 : i32
      %dma_wait3A_190 = tpu.memref_slice %arg8[%run_scoped3A_138, %dma_wait3A_188, %dma_wait3A_189] : memref<3x80x128xf32, #tpu.memory_space<vmem>> -> memref<1x80x128xf32, #tpu.memory_space<vmem>>
      %dma_wait3A_191 = tpu.memref_squeeze %dma_wait3A_190 : memref<1x80x128xf32, #tpu.memory_space<vmem>> -> memref<80x128xf32, #tpu.memory_space<vmem>>
      tpu.wait_dma2 semaphore(%run_scoped3A_167 : memref<!tpu.dma_semaphore, #tpu.memory_space<semaphore_mem>>) src(%dma_wait3A_191 : memref<80x128xf32, #tpu.memory_space<vmem>>) dst(%dma_wait3A_187 : memref<80x128xf32, #tpu.memory_space<vmem_shared>>)
      tpu.yield
    }) : () -> ()
    %add3A_139 = arith.constant 480 : i32
    %add3A_140 = arith.addi %mul3A_2, %add3A_139 : i32
    %run_scoped3A_141 = arith.constant 2 : i32
    "tpu.region"() ({
      %run_scoped3A_167 = tpu.sem_alloc : memref<!tpu.dma_semaphore, #tpu.memory_space<semaphore_mem>>
      %dma_start3A_168 = arith.constant 0 : i32
      %dma_start3A_169 = arith.constant 0 : i32
      %dma_start3A_170 = tpu.memref_slice %arg8[%run_scoped3A_141, %dma_start3A_168, %dma_start3A_169] : memref<3x80x128xf32, #tpu.memory_space<vmem>> -> memref<1x80x128xf32, #tpu.memory_space<vmem>>
      %dma_start3A_171 = tpu.memref_squeeze %dma_start3A_170 : memref<1x80x128xf32, #tpu.memory_space<vmem>> -> memref<80x128xf32, #tpu.memory_space<vmem>>
      %dma_start3A_172 = arith.constant 0 : i32
      %dma_start3A_173 = tpu.memref_slice %arg12[%add3A_140, %dma_start3A_172] : memref<10240x128xf32, #tpu.memory_space<vmem_shared>> -> memref<80x128xf32, #tpu.memory_space<vmem_shared>>
      %dma_start3A_174 = arith.constant 0 : i32
      %dma_start3A_175 = tpu.memref_slice %arg12[%add3A_140, %dma_start3A_174] : memref<10240x128xf32, #tpu.memory_space<vmem_shared>> -> memref<80x128xf32, #tpu.memory_space<vmem_shared>>
      %dma_start3A_176 = arith.constant 0 : i32
      %dma_start3A_177 = arith.constant 0 : i32
      %dma_start3A_178 = tpu.memref_slice %arg8[%run_scoped3A_141, %dma_start3A_176, %dma_start3A_177] : memref<3x80x128xf32, #tpu.memory_space<vmem>> -> memref<1x80x128xf32, #tpu.memory_space<vmem>>
      %dma_start3A_179 = tpu.memref_squeeze %dma_start3A_178 : memref<1x80x128xf32, #tpu.memory_space<vmem>> -> memref<80x128xf32, #tpu.memory_space<vmem>>
      tpu.enqueue_dma source(%dma_start3A_179 : memref<80x128xf32, #tpu.memory_space<vmem>>) target(%dma_start3A_175 : memref<80x128xf32, #tpu.memory_space<vmem_shared>>) target_semaphore(%run_scoped3A_167 : memref<!tpu.dma_semaphore, #tpu.memory_space<semaphore_mem>>)
      %dma_wait3A_180 = arith.constant 0 : i32
      %dma_wait3A_181 = arith.constant 0 : i32
      %dma_wait3A_182 = tpu.memref_slice %arg8[%run_scoped3A_141, %dma_wait3A_180, %dma_wait3A_181] : memref<3x80x128xf32, #tpu.memory_space<vmem>> -> memref<1x80x128xf32, #tpu.memory_space<vmem>>
      %dma_wait3A_183 = tpu.memref_squeeze %dma_wait3A_182 : memref<1x80x128xf32, #tpu.memory_space<vmem>> -> memref<80x128xf32, #tpu.memory_space<vmem>>
      %dma_wait3A_184 = arith.constant 0 : i32
      %dma_wait3A_185 = tpu.memref_slice %arg12[%add3A_140, %dma_wait3A_184] : memref<10240x128xf32, #tpu.memory_space<vmem_shared>> -> memref<80x128xf32, #tpu.memory_space<vmem_shared>>
      %dma_wait3A_186 = arith.constant 0 : i32
      %dma_wait3A_187 = tpu.memref_slice %arg12[%add3A_140, %dma_wait3A_186] : memref<10240x128xf32, #tpu.memory_space<vmem_shared>> -> memref<80x128xf32, #tpu.memory_space<vmem_shared>>
      %dma_wait3A_188 = arith.constant 0 : i32
      %dma_wait3A_189 = arith.constant 0 : i32
      %dma_wait3A_190 = tpu.memref_slice %arg8[%run_scoped3A_141, %dma_wait3A_188, %dma_wait3A_189] : memref<3x80x128xf32, #tpu.memory_space<vmem>> -> memref<1x80x128xf32, #tpu.memory_space<vmem>>
      %dma_wait3A_191 = tpu.memref_squeeze %dma_wait3A_190 : memref<1x80x128xf32, #tpu.memory_space<vmem>> -> memref<80x128xf32, #tpu.memory_space<vmem>>
      tpu.wait_dma2 semaphore(%run_scoped3A_167 : memref<!tpu.dma_semaphore, #tpu.memory_space<semaphore_mem>>) src(%dma_wait3A_191 : memref<80x128xf32, #tpu.memory_space<vmem>>) dst(%dma_wait3A_187 : memref<80x128xf32, #tpu.memory_space<vmem_shared>>)
      tpu.yield
    }) : () -> ()
    %add3A_142 = arith.constant 560 : i32
    %add3A_143 = arith.addi %mul3A_2, %add3A_142 : i32
    %run_scoped3A_144 = arith.constant 2 : i32
    "tpu.region"() ({
      %run_scoped3A_167 = tpu.sem_alloc : memref<!tpu.dma_semaphore, #tpu.memory_space<semaphore_mem>>
      %dma_start3A_168 = arith.constant 0 : i32
      %dma_start3A_169 = arith.constant 0 : i32
      %dma_start3A_170 = tpu.memref_slice %arg8[%run_scoped3A_144, %dma_start3A_168, %dma_start3A_169] : memref<3x80x128xf32, #tpu.memory_space<vmem>> -> memref<1x80x128xf32, #tpu.memory_space<vmem>>
      %dma_start3A_171 = tpu.memref_squeeze %dma_start3A_170 : memref<1x80x128xf32, #tpu.memory_space<vmem>> -> memref<80x128xf32, #tpu.memory_space<vmem>>
      %dma_start3A_172 = arith.constant 0 : i32
      %dma_start3A_173 = tpu.memref_slice %arg12[%add3A_143, %dma_start3A_172] : memref<10240x128xf32, #tpu.memory_space<vmem_shared>> -> memref<80x128xf32, #tpu.memory_space<vmem_shared>>
      %dma_start3A_174 = arith.constant 0 : i32
      %dma_start3A_175 = tpu.memref_slice %arg12[%add3A_143, %dma_start3A_174] : memref<10240x128xf32, #tpu.memory_space<vmem_shared>> -> memref<80x128xf32, #tpu.memory_space<vmem_shared>>
      %dma_start3A_176 = arith.constant 0 : i32
      %dma_start3A_177 = arith.constant 0 : i32
      %dma_start3A_178 = tpu.memref_slice %arg8[%run_scoped3A_144, %dma_start3A_176, %dma_start3A_177] : memref<3x80x128xf32, #tpu.memory_space<vmem>> -> memref<1x80x128xf32, #tpu.memory_space<vmem>>
      %dma_start3A_179 = tpu.memref_squeeze %dma_start3A_178 : memref<1x80x128xf32, #tpu.memory_space<vmem>> -> memref<80x128xf32, #tpu.memory_space<vmem>>
      tpu.enqueue_dma source(%dma_start3A_179 : memref<80x128xf32, #tpu.memory_space<vmem>>) target(%dma_start3A_175 : memref<80x128xf32, #tpu.memory_space<vmem_shared>>) target_semaphore(%run_scoped3A_167 : memref<!tpu.dma_semaphore, #tpu.memory_space<semaphore_mem>>)
      %dma_wait3A_180 = arith.constant 0 : i32
      %dma_wait3A_181 = arith.constant 0 : i32
      %dma_wait3A_182 = tpu.memref_slice %arg8[%run_scoped3A_144, %dma_wait3A_180, %dma_wait3A_181] : memref<3x80x128xf32, #tpu.memory_space<vmem>> -> memref<1x80x128xf32, #tpu.memory_space<vmem>>
      %dma_wait3A_183 = tpu.memref_squeeze %dma_wait3A_182 : memref<1x80x128xf32, #tpu.memory_space<vmem>> -> memref<80x128xf32, #tpu.memory_space<vmem>>
      %dma_wait3A_184 = arith.constant 0 : i32
      %dma_wait3A_185 = tpu.memref_slice %arg12[%add3A_143, %dma_wait3A_184] : memref<10240x128xf32, #tpu.memory_space<vmem_shared>> -> memref<80x128xf32, #tpu.memory_space<vmem_shared>>
      %dma_wait3A_186 = arith.constant 0 : i32
      %dma_wait3A_187 = tpu.memref_slice %arg12[%add3A_143, %dma_wait3A_186] : memref<10240x128xf32, #tpu.memory_space<vmem_shared>> -> memref<80x128xf32, #tpu.memory_space<vmem_shared>>
      %dma_wait3A_188 = arith.constant 0 : i32
      %dma_wait3A_189 = arith.constant 0 : i32
      %dma_wait3A_190 = tpu.memref_slice %arg8[%run_scoped3A_144, %dma_wait3A_188, %dma_wait3A_189] : memref<3x80x128xf32, #tpu.memory_space<vmem>> -> memref<1x80x128xf32, #tpu.memory_space<vmem>>
      %dma_wait3A_191 = tpu.memref_squeeze %dma_wait3A_190 : memref<1x80x128xf32, #tpu.memory_space<vmem>> -> memref<80x128xf32, #tpu.memory_space<vmem>>
      tpu.wait_dma2 semaphore(%run_scoped3A_167 : memref<!tpu.dma_semaphore, #tpu.memory_space<semaphore_mem>>) src(%dma_wait3A_191 : memref<80x128xf32, #tpu.memory_space<vmem>>) dst(%dma_wait3A_187 : memref<80x128xf32, #tpu.memory_space<vmem_shared>>)
      tpu.yield
    }) : () -> ()
    %barrier3A = arith.constant 0 : index
    tpu.barrier barrier_id(%barrier3A)
    %scan3A_145 = arith.constant 0 : i32
    %scan3A_146 = arith.constant 0 : i32
    %scan3A_147 = arith.constant 125 : i32
    %scan3A_148 = arith.addi %scan3A_146, %scan3A_147 : i32
    %scan3A_149 = arith.constant 1 : i32
    scf.for %scan3A_167 = %scan3A_146 to %scan3A_148 step %scan3A_149  : i32 {
      %rem3A = arith.constant 3 : i32
      %rem3A_168 = arith.remsi %scan3A_167, %rem3A : i32
      %dma_wait3A_169 = arith.constant 0 : i32
      %dma_wait3A_170 = arith.constant 0 : i32
      %dma_wait3A_171 = arith.constant 0 : i32
      %dma_wait3A_172 = tpu.memref_slice %arg8[%rem3A_168, %dma_wait3A_170, %dma_wait3A_171] : memref<3x80x128xf32, #tpu.memory_space<vmem>> -> memref<1x80x128xf32, #tpu.memory_space<vmem>>
      %dma_wait3A_173 = tpu.memref_squeeze %dma_wait3A_172 : memref<1x80x128xf32, #tpu.memory_space<vmem>> -> memref<80x128xf32, #tpu.memory_space<vmem>>
      %dma_wait3A_174 = arith.constant 0 : i32
      %dma_wait3A_175 = tpu.memref_slice %arg6[%dma_wait3A_169, %dma_wait3A_174] : memref<3x80xi32, #tpu.memory_space<vmem>> -> memref<1x80xi32, #tpu.memory_space<vmem>>
      %dma_wait3A_176 = tpu.memref_squeeze %dma_wait3A_175 : memref<1x80xi32, #tpu.memory_space<vmem>> -> memref<80xi32, #tpu.memory_space<vmem>>
      %dma_wait3A_177 = arith.constant 0 : i32
      %dma_wait3A_178 = arith.constant 0 : i32
      %dma_wait3A_179 = tpu.memref_slice %arg2[%dma_wait3A_177, %dma_wait3A_178] : memref<10000x128xf32, #tpu.memory_space<hbm>> -> memref<10000x128xf32, #tpu.memory_space<hbm>>
      %dma_wait3A_180 = tpu.memref_slice %arg9[%rem3A_168] : memref<3x!tpu.dma_semaphore, #tpu.memory_space<semaphore_mem>> -> memref<1x!tpu.dma_semaphore, #tpu.memory_space<semaphore_mem>>
      %dma_wait3A_181 = tpu.memref_squeeze %dma_wait3A_180 : memref<1x!tpu.dma_semaphore, #tpu.memory_space<semaphore_mem>> -> memref<!tpu.dma_semaphore, #tpu.memory_space<semaphore_mem>>
      tpu.wait_indirect_dma semaphore(%dma_wait3A_181 : memref<!tpu.dma_semaphore, #tpu.memory_space<semaphore_mem>>) src(%dma_wait3A_179 : memref<10000x128xf32, #tpu.memory_space<hbm>>) dst(%dma_wait3A_173 : memref<80x128xf32, #tpu.memory_space<vmem>>)
      %dma_start3A_182 = arith.constant 0 : i32
      %dma_start3A_183 = arith.constant 0 : i32
      %dma_start3A_184 = tpu.memref_slice %arg8[%rem3A_168, %dma_start3A_182, %dma_start3A_183] : memref<3x80x128xf32, #tpu.memory_space<vmem>> -> memref<1x80x128xf32, #tpu.memory_space<vmem>>
      %dma_start3A_185 = tpu.memref_squeeze %dma_start3A_184 : memref<1x80x128xf32, #tpu.memory_space<vmem>> -> memref<80x128xf32, #tpu.memory_space<vmem>>
      %dma_start3A_186 = arith.constant 0 : i32
      %dma_start3A_187 = tpu.memref_slice %arg7[%scan3A_167, %dma_start3A_186] : memref<125x80xi32, #tpu.memory_space<vmem>> -> memref<1x80xi32, #tpu.memory_space<vmem>>
      %dma_start3A_188 = tpu.memref_squeeze %dma_start3A_187 : memref<1x80xi32, #tpu.memory_space<vmem>> -> memref<80xi32, #tpu.memory_space<vmem>>
      %dma_start3A_189 = arith.constant 0 : i32
      %dma_start3A_190 = arith.constant 0 : i32
      %dma_start3A_191 = tpu.memref_slice %arg12[%dma_start3A_189, %dma_start3A_190] : memref<10240x128xf32, #tpu.memory_space<vmem_shared>> -> memref<10240x128xf32, #tpu.memory_space<vmem_shared>>
      %dma_start3A_192 = tpu.memref_slice %arg10[%rem3A_168] : memref<3x!tpu.dma_semaphore, #tpu.memory_space<semaphore_mem>> -> memref<1x!tpu.dma_semaphore, #tpu.memory_space<semaphore_mem>>
      %dma_start3A_193 = tpu.memref_squeeze %dma_start3A_192 : memref<1x!tpu.dma_semaphore, #tpu.memory_space<semaphore_mem>> -> memref<!tpu.dma_semaphore, #tpu.memory_space<semaphore_mem>>
      tpu.enqueue_indirect_dma source(%dma_start3A_185 : memref<80x128xf32, #tpu.memory_space<vmem>>) target(%dma_start3A_191 : memref<10240x128xf32, #tpu.memory_space<vmem_shared>>) offsets(%dma_start3A_188 : memref<80xi32, #tpu.memory_space<vmem>>) semaphore(%dma_start3A_193 : memref<!tpu.dma_semaphore, #tpu.memory_space<semaphore_mem>>) {add = true}
      %ge3A = arith.constant 1 : i32
      %ge3A_194 = arith.cmpi sge, %scan3A_167, %ge3A : i32
      %convert_element_type3A = arith.extui %ge3A_194 : i1 to i32
      %cond3A = arith.constant 0 : i32
      %cond3A_195 = arith.cmpi ne, %convert_element_type3A, %cond3A : i32
      scf.if %cond3A_195 {
        %add3A_205 = arith.constant 2 : i32
        %add3A_206 = arith.addi %scan3A_167, %add3A_205 : i32
        %rem3A_207 = arith.constant 3 : i32
        %rem3A_208 = arith.remsi %add3A_206, %rem3A_207 : i32
        %dma_wait3A_209 = arith.constant 0 : i32
        %dma_wait3A_210 = arith.constant 0 : i32
        %dma_wait3A_211 = arith.constant 0 : i32
        %dma_wait3A_212 = tpu.memref_slice %arg8[%rem3A_208, %dma_wait3A_210, %dma_wait3A_211] : memref<3x80x128xf32, #tpu.memory_space<vmem>> -> memref<1x80x128xf32, #tpu.memory_space<vmem>>
        %dma_wait3A_213 = tpu.memref_squeeze %dma_wait3A_212 : memref<1x80x128xf32, #tpu.memory_space<vmem>> -> memref<80x128xf32, #tpu.memory_space<vmem>>
        %dma_wait3A_214 = arith.constant 0 : i32
        %dma_wait3A_215 = tpu.memref_slice %arg7[%dma_wait3A_209, %dma_wait3A_214] : memref<125x80xi32, #tpu.memory_space<vmem>> -> memref<1x80xi32, #tpu.memory_space<vmem>>
        %dma_wait3A_216 = tpu.memref_squeeze %dma_wait3A_215 : memref<1x80xi32, #tpu.memory_space<vmem>> -> memref<80xi32, #tpu.memory_space<vmem>>
        %dma_wait3A_217 = arith.constant 0 : i32
        %dma_wait3A_218 = arith.constant 0 : i32
        %dma_wait3A_219 = tpu.memref_slice %arg12[%dma_wait3A_217, %dma_wait3A_218] : memref<10240x128xf32, #tpu.memory_space<vmem_shared>> -> memref<10240x128xf32, #tpu.memory_space<vmem_shared>>
        %dma_wait3A_220 = tpu.memref_slice %arg10[%rem3A_208] : memref<3x!tpu.dma_semaphore, #tpu.memory_space<semaphore_mem>> -> memref<1x!tpu.dma_semaphore, #tpu.memory_space<semaphore_mem>>
        %dma_wait3A_221 = tpu.memref_squeeze %dma_wait3A_220 : memref<1x!tpu.dma_semaphore, #tpu.memory_space<semaphore_mem>> -> memref<!tpu.dma_semaphore, #tpu.memory_space<semaphore_mem>>
        tpu.wait_indirect_dma semaphore(%dma_wait3A_221 : memref<!tpu.dma_semaphore, #tpu.memory_space<semaphore_mem>>) src(%dma_wait3A_213 : memref<80x128xf32, #tpu.memory_space<vmem>>) dst(%dma_wait3A_219 : memref<10240x128xf32, #tpu.memory_space<vmem_shared>>)
      } else {
      }
      %lt3A = arith.constant 122 : i32
      %lt3A_196 = arith.cmpi slt, %scan3A_167, %lt3A : i32
      %convert_element_type3A_197 = arith.extui %lt3A_196 : i1 to i32
      %cond3A_198 = arith.constant 0 : i32
      %cond3A_199 = arith.cmpi ne, %convert_element_type3A_197, %cond3A_198 : i32
      scf.if %cond3A_199 {
        %add3A_205 = arith.constant 3 : i32
        %add3A_206 = arith.addi %scan3A_167, %add3A_205 : i32
        %rem3A_207 = arith.constant 3 : i32
        %rem3A_208 = arith.remsi %add3A_206, %rem3A_207 : i32
        %add3A_209 = arith.constant 3 : i32
        %add3A_210 = arith.addi %scan3A_167, %add3A_209 : i32
        %dma_start3A_211 = arith.constant 0 : i32
        %dma_start3A_212 = tpu.memref_slice %arg6[%rem3A_208, %dma_start3A_211] : memref<3x80xi32, #tpu.memory_space<vmem>> -> memref<1x80xi32, #tpu.memory_space<vmem>>
        %dma_start3A_213 = tpu.memref_squeeze %dma_start3A_212 : memref<1x80xi32, #tpu.memory_space<vmem>> -> memref<80xi32, #tpu.memory_space<vmem>>
        %dma_start3A_214 = arith.constant 0 : i32
        %dma_start3A_215 = tpu.memref_slice %arg3[%add3A, %add3A_210, %dma_start3A_214] : memref<32x125x80xi32, #tpu.memory_space<hbm>> -> memref<1x1x80xi32, #tpu.memory_space<hbm>>
        %dma_start3A_216 = tpu.memref_squeeze %dma_start3A_215 : memref<1x1x80xi32, #tpu.memory_space<hbm>> -> memref<80xi32, #tpu.memory_space<hbm>>
        %dma_start3A_217 = tpu.memref_slice %arg11[%rem3A_208] : memref<3x!tpu.dma_semaphore, #tpu.memory_space<semaphore_mem>> -> memref<1x!tpu.dma_semaphore, #tpu.memory_space<semaphore_mem>>
        %dma_start3A_218 = tpu.memref_squeeze %dma_start3A_217 : memref<1x!tpu.dma_semaphore, #tpu.memory_space<semaphore_mem>> -> memref<!tpu.dma_semaphore, #tpu.memory_space<semaphore_mem>>
        %dma_start3A_219 = arith.constant 0 : i32
        %dma_start3A_220 = tpu.memref_slice %arg6[%rem3A_208, %dma_start3A_219] : memref<3x80xi32, #tpu.memory_space<vmem>> -> memref<1x80xi32, #tpu.memory_space<vmem>>
        %dma_start3A_221 = tpu.memref_squeeze %dma_start3A_220 : memref<1x80xi32, #tpu.memory_space<vmem>> -> memref<80xi32, #tpu.memory_space<vmem>>
        %dma_start3A_222 = arith.constant 0 : i32
        %dma_start3A_223 = tpu.memref_slice %arg3[%add3A, %add3A_210, %dma_start3A_222] : memref<32x125x80xi32, #tpu.memory_space<hbm>> -> memref<1x1x80xi32, #tpu.memory_space<hbm>>
        %dma_start3A_224 = tpu.memref_squeeze %dma_start3A_223 : memref<1x1x80xi32, #tpu.memory_space<hbm>> -> memref<80xi32, #tpu.memory_space<hbm>>
        tpu.enqueue_dma source(%dma_start3A_224 : memref<80xi32, #tpu.memory_space<hbm>>) target(%dma_start3A_221 : memref<80xi32, #tpu.memory_space<vmem>>) target_semaphore(%dma_start3A_218 : memref<!tpu.dma_semaphore, #tpu.memory_space<semaphore_mem>>)
      } else {
      }
      %lt3A_200 = arith.constant 123 : i32
      %lt3A_201 = arith.cmpi slt, %scan3A_167, %lt3A_200 : i32
      %convert_element_type3A_202 = arith.extui %lt3A_201 : i1 to i32
      %cond3A_203 = arith.constant 0 : i32
      %cond3A_204 = arith.cmpi ne, %convert_element_type3A_202, %cond3A_203 : i32
      scf.if %cond3A_204 {
        %add3A_205 = arith.constant 2 : i32
        %add3A_206 = arith.addi %scan3A_167, %add3A_205 : i32
        %rem3A_207 = arith.constant 3 : i32
        %rem3A_208 = arith.remsi %add3A_206, %rem3A_207 : i32
        %dma_wait3A_209 = arith.constant 0 : i32
        %dma_wait3A_210 = arith.constant 0 : i32
        %dma_wait3A_211 = tpu.memref_slice %arg6[%rem3A_208, %dma_wait3A_210] : memref<3x80xi32, #tpu.memory_space<vmem>> -> memref<1x80xi32, #tpu.memory_space<vmem>>
        %dma_wait3A_212 = tpu.memref_squeeze %dma_wait3A_211 : memref<1x80xi32, #tpu.memory_space<vmem>> -> memref<80xi32, #tpu.memory_space<vmem>>
        %dma_wait3A_213 = arith.constant 0 : i32
        %dma_wait3A_214 = tpu.memref_slice %arg3[%add3A, %dma_wait3A_209, %dma_wait3A_213] : memref<32x125x80xi32, #tpu.memory_space<hbm>> -> memref<1x1x80xi32, #tpu.memory_space<hbm>>
        %dma_wait3A_215 = tpu.memref_squeeze %dma_wait3A_214 : memref<1x1x80xi32, #tpu.memory_space<hbm>> -> memref<80xi32, #tpu.memory_space<hbm>>
        %dma_wait3A_216 = tpu.memref_slice %arg11[%rem3A_208] : memref<3x!tpu.dma_semaphore, #tpu.memory_space<semaphore_mem>> -> memref<1x!tpu.dma_semaphore, #tpu.memory_space<semaphore_mem>>
        %dma_wait3A_217 = tpu.memref_squeeze %dma_wait3A_216 : memref<1x!tpu.dma_semaphore, #tpu.memory_space<semaphore_mem>> -> memref<!tpu.dma_semaphore, #tpu.memory_space<semaphore_mem>>
        %dma_wait3A_218 = arith.constant 0 : i32
        %dma_wait3A_219 = tpu.memref_slice %arg6[%rem3A_208, %dma_wait3A_218] : memref<3x80xi32, #tpu.memory_space<vmem>> -> memref<1x80xi32, #tpu.memory_space<vmem>>
        %dma_wait3A_220 = tpu.memref_squeeze %dma_wait3A_219 : memref<1x80xi32, #tpu.memory_space<vmem>> -> memref<80xi32, #tpu.memory_space<vmem>>
        %dma_wait3A_221 = arith.constant 0 : i32
        %dma_wait3A_222 = tpu.memref_slice %arg3[%add3A, %dma_wait3A_209, %dma_wait3A_221] : memref<32x125x80xi32, #tpu.memory_space<hbm>> -> memref<1x1x80xi32, #tpu.memory_space<hbm>>
        %dma_wait3A_223 = tpu.memref_squeeze %dma_wait3A_222 : memref<1x1x80xi32, #tpu.memory_space<hbm>> -> memref<80xi32, #tpu.memory_space<hbm>>
        tpu.wait_dma2 semaphore(%dma_wait3A_217 : memref<!tpu.dma_semaphore, #tpu.memory_space<semaphore_mem>>) src(%dma_wait3A_223 : memref<80xi32, #tpu.memory_space<hbm>>) dst(%dma_wait3A_220 : memref<80xi32, #tpu.memory_space<vmem>>)
        %dma_start3A_224 = arith.constant 0 : i32
        %dma_start3A_225 = arith.constant 0 : i32
        %dma_start3A_226 = tpu.memref_slice %arg8[%rem3A_208, %dma_start3A_224, %dma_start3A_225] : memref<3x80x128xf32, #tpu.memory_space<vmem>> -> memref<1x80x128xf32, #tpu.memory_space<vmem>>
        %dma_start3A_227 = tpu.memref_squeeze %dma_start3A_226 : memref<1x80x128xf32, #tpu.memory_space<vmem>> -> memref<80x128xf32, #tpu.memory_space<vmem>>
        %dma_start3A_228 = arith.constant 0 : i32
        %dma_start3A_229 = tpu.memref_slice %arg6[%rem3A_208, %dma_start3A_228] : memref<3x80xi32, #tpu.memory_space<vmem>> -> memref<1x80xi32, #tpu.memory_space<vmem>>
        %dma_start3A_230 = tpu.memref_squeeze %dma_start3A_229 : memref<1x80xi32, #tpu.memory_space<vmem>> -> memref<80xi32, #tpu.memory_space<vmem>>
        %dma_start3A_231 = arith.constant 0 : i32
        %dma_start3A_232 = arith.constant 0 : i32
        %dma_start3A_233 = tpu.memref_slice %arg2[%dma_start3A_231, %dma_start3A_232] : memref<10000x128xf32, #tpu.memory_space<hbm>> -> memref<10000x128xf32, #tpu.memory_space<hbm>>
        %dma_start3A_234 = tpu.memref_slice %arg9[%rem3A_208] : memref<3x!tpu.dma_semaphore, #tpu.memory_space<semaphore_mem>> -> memref<1x!tpu.dma_semaphore, #tpu.memory_space<semaphore_mem>>
        %dma_start3A_235 = tpu.memref_squeeze %dma_start3A_234 : memref<1x!tpu.dma_semaphore, #tpu.memory_space<semaphore_mem>> -> memref<!tpu.dma_semaphore, #tpu.memory_space<semaphore_mem>>
        tpu.enqueue_indirect_dma source(%dma_start3A_233 : memref<10000x128xf32, #tpu.memory_space<hbm>>) target(%dma_start3A_227 : memref<80x128xf32, #tpu.memory_space<vmem>>) offsets(%dma_start3A_230 : memref<80xi32, #tpu.memory_space<vmem>>) semaphore(%dma_start3A_235 : memref<!tpu.dma_semaphore, #tpu.memory_space<semaphore_mem>>)
      } else {
      }
    }
    %scan3A_150 = arith.constant 125 : i32
    %dma_wait3A_151 = arith.constant 1 : i32
    %dma_wait3A_152 = arith.constant 0 : i32
    %dma_wait3A_153 = arith.constant 1 : i32
    %dma_wait3A_154 = arith.constant 0 : i32
    %dma_wait3A_155 = arith.constant 0 : i32
    %dma_wait3A_156 = tpu.memref_slice %arg8[%dma_wait3A_151, %dma_wait3A_154, %dma_wait3A_155] : memref<3x80x128xf32, #tpu.memory_space<vmem>> -> memref<1x80x128xf32, #tpu.memory_space<vmem>>
    %dma_wait3A_157 = tpu.memref_squeeze %dma_wait3A_156 : memref<1x80x128xf32, #tpu.memory_space<vmem>> -> memref<80x128xf32, #tpu.memory_space<vmem>>
    %dma_wait3A_158 = arith.constant 0 : i32
    %dma_wait3A_159 = tpu.memref_slice %arg7[%dma_wait3A_152, %dma_wait3A_158] : memref<125x80xi32, #tpu.memory_space<vmem>> -> memref<1x80xi32, #tpu.memory_space<vmem>>
    %dma_wait3A_160 = tpu.memref_squeeze %dma_wait3A_159 : memref<1x80xi32, #tpu.memory_space<vmem>> -> memref<80xi32, #tpu.memory_space<vmem>>
    %dma_wait3A_161 = arith.constant 0 : i32
    %dma_wait3A_162 = arith.constant 0 : i32
    %dma_wait3A_163 = tpu.memref_slice %arg12[%dma_wait3A_161, %dma_wait3A_162] : memref<10240x128xf32, #tpu.memory_space<vmem_shared>> -> memref<10240x128xf32, #tpu.memory_space<vmem_shared>>
    %dma_wait3A_164 = tpu.memref_slice %arg10[%dma_wait3A_153] : memref<3x!tpu.dma_semaphore, #tpu.memory_space<semaphore_mem>> -> memref<1x!tpu.dma_semaphore, #tpu.memory_space<semaphore_mem>>
    %dma_wait3A_165 = tpu.memref_squeeze %dma_wait3A_164 : memref<1x!tpu.dma_semaphore, #tpu.memory_space<semaphore_mem>> -> memref<!tpu.dma_semaphore, #tpu.memory_space<semaphore_mem>>
    tpu.wait_indirect_dma semaphore(%dma_wait3A_165 : memref<!tpu.dma_semaphore, #tpu.memory_space<semaphore_mem>>) src(%dma_wait3A_157 : memref<80x128xf32, #tpu.memory_space<vmem>>) dst(%dma_wait3A_163 : memref<10240x128xf32, #tpu.memory_space<vmem_shared>>)
    %barrier3A_166 = arith.constant 0 : index
    tpu.barrier barrier_id(%barrier3A_166)
    "tpu.region"() ({
      %run_scoped3A_167 = tpu.sem_alloc : memref<!tpu.dma_semaphore, #tpu.memory_space<semaphore_mem>>
      %dma_start3A_168 = arith.constant 0 : i32
      %dma_start3A_169 = tpu.memref_slice %arg5[%arg0, %mul3A_2, %dma_start3A_168] : memref<2x10240x128xf32, #tpu.memory_space<hbm>> -> memref<1x640x128xf32, #tpu.memory_space<hbm>>
      %dma_start3A_170 = tpu.memref_squeeze %dma_start3A_169 : memref<1x640x128xf32, #tpu.memory_space<hbm>> -> memref<640x128xf32, #tpu.memory_space<hbm>>
      %dma_start3A_171 = arith.constant 0 : i32
      %dma_start3A_172 = tpu.memref_slice %arg12[%mul3A_2, %dma_start3A_171] : memref<10240x128xf32, #tpu.memory_space<vmem_shared>> -> memref<640x128xf32, #tpu.memory_space<vmem_shared>>
      tpu.enqueue_dma source(%dma_start3A_172 : memref<640x128xf32, #tpu.memory_space<vmem_shared>>) target(%dma_start3A_170 : memref<640x128xf32, #tpu.memory_space<hbm>>) target_semaphore(%run_scoped3A_167 : memref<!tpu.dma_semaphore, #tpu.memory_space<semaphore_mem>>)
      %dma_wait3A_173 = arith.constant 0 : i32
      %dma_wait3A_174 = tpu.memref_slice %arg5[%arg0, %mul3A_2, %dma_wait3A_173] : memref<2x10240x128xf32, #tpu.memory_space<hbm>> -> memref<1x640x128xf32, #tpu.memory_space<hbm>>
      %dma_wait3A_175 = tpu.memref_squeeze %dma_wait3A_174 : memref<1x640x128xf32, #tpu.memory_space<hbm>> -> memref<640x128xf32, #tpu.memory_space<hbm>>
      %dma_wait3A_176 = arith.constant 0 : i32
      %dma_wait3A_177 = tpu.memref_slice %arg12[%mul3A_2, %dma_wait3A_176] : memref<10240x128xf32, #tpu.memory_space<vmem_shared>> -> memref<640x128xf32, #tpu.memory_space<vmem_shared>>
      tpu.wait_dma2 semaphore(%run_scoped3A_167 : memref<!tpu.dma_semaphore, #tpu.memory_space<semaphore_mem>>) src(%dma_wait3A_177 : memref<640x128xf32, #tpu.memory_space<vmem_shared>>) dst(%dma_wait3A_175 : memref<640x128xf32, #tpu.memory_space<hbm>>)
      tpu.yield
    }) : () -> ()
    return
  }
}

#map = affine_map<(d0, d1) -> (0, 0)>
#map1 = affine_map<(d0, d1) -> (0, 0, 0)>
module attributes {stable_mosaic.version = 14 : i64} {
  func.func @_agg_body(%arg0: i32, %arg1: i32, %arg2: memref<10000x128xf32, #tpu.memory_space<hbm>>, %arg3: memref<32x125x80xi32, #tpu.memory_space<hbm>>, %arg4: memref<32x125x80xi32, #tpu.memory_space<hbm>>, %arg5: memref<2x10240x128xf32, #tpu.memory_space<hbm>>, %arg6: memref<3x80xi32, #tpu.memory_space<vmem>>, %arg7: memref<125x80xi32, #tpu.memory_space<vmem>>, %arg8: memref<3x80x128xf32, #tpu.memory_space<vmem>>, %arg9: memref<3x!tpu.dma_semaphore, #tpu.memory_space<semaphore_mem>>, %arg10: memref<3x!tpu.dma_semaphore, #tpu.memory_space<semaphore_mem>>, %arg11: memref<3x!tpu.dma_semaphore, #tpu.memory_space<semaphore_mem>>, %arg12: memref<10240x128xf32, #tpu.memory_space<vmem_shared>>) attributes {dimension_semantics = [#tpu.dimension_semantics<core_parallel>, #tpu.dimension_semantics<subcore_parallel>], iteration_bounds = array<i64: 2, 16>, scalar_prefetch = 0 : i64, scratch_operands = 7 : i64, tpu.core_type = #tpu.core_type<sc_vector_subcore>, window_params = [{transform_indices = #map}, {transform_indices = #map1}, {transform_indices = #map1}, {transform_indices = #map1}]} {
    %mul3A = arith.constant 16 : i32
    %mul3A_0 = arith.muli %arg0, %mul3A : i32
    %add3A = arith.addi %mul3A_0, %arg1 : i32
    %mul3A_1 = arith.constant 640 : i32
    %mul3A_2 = arith.muli %arg1, %mul3A_1 : i32
    "tpu.region"() ({
      %run_scoped3A_167 = tpu.sem_alloc : memref<!tpu.dma_semaphore, #tpu.memory_space<semaphore_mem>>
      %dma_start3A_168 = arith.constant 0 : i32
      %dma_start3A_169 = arith.constant 0 : i32
      %dma_start3A_170 = tpu.memref_slice %arg4[%add3A, %dma_start3A_168, %dma_start3A_169] : memref<32x125x80xi32, #tpu.memory_space<hbm>> -> memref<1x125x80xi32, #tpu.memory_space<hbm>>
      %dma_start3A_171 = tpu.memref_squeeze %dma_start3A_170 : memref<1x125x80xi32, #tpu.memory_space<hbm>> -> memref<125x80xi32, #tpu.memory_space<hbm>>
      %dma_start3A_172 = arith.constant 0 : i32
      %dma_start3A_173 = arith.constant 0 : i32
      %dma_start3A_174 = tpu.memref_slice %arg4[%add3A, %dma_start3A_172, %dma_start3A_173] : memref<32x125x80xi32, #tpu.memory_space<hbm>> -> memref<1x125x80xi32, #tpu.memory_space<hbm>>
      %dma_start3A_175 = tpu.memref_squeeze %dma_start3A_174 : memref<1x125x80xi32, #tpu.memory_space<hbm>> -> memref<125x80xi32, #tpu.memory_space<hbm>>
      tpu.enqueue_dma source(%dma_start3A_175 : memref<125x80xi32, #tpu.memory_space<hbm>>) target(%arg7 : memref<125x80xi32, #tpu.memory_space<vmem>>) target_semaphore(%run_scoped3A_167 : memref<!tpu.dma_semaphore, #tpu.memory_space<semaphore_mem>>)
      %dma_wait3A_176 = arith.constant 0 : i32
      %dma_wait3A_177 = arith.constant 0 : i32
      %dma_wait3A_178 = tpu.memref_slice %arg4[%add3A, %dma_wait3A_176, %dma_wait3A_177] : memref<32x125x80xi32, #tpu.memory_space<hbm>> -> memref<1x125x80xi32, #tpu.memory_space<hbm>>
      %dma_wait3A_179 = tpu.memref_squeeze %dma_wait3A_178 : memref<1x125x80xi32, #tpu.memory_space<hbm>> -> memref<125x80xi32, #tpu.memory_space<hbm>>
      %dma_wait3A_180 = arith.constant 0 : i32
      %dma_wait3A_181 = arith.constant 0 : i32
      %dma_wait3A_182 = tpu.memref_slice %arg4[%add3A, %dma_wait3A_180, %dma_wait3A_181] : memref<32x125x80xi32, #tpu.memory_space<hbm>> -> memref<1x125x80xi32, #tpu.memory_space<hbm>>
      %dma_wait3A_183 = tpu.memref_squeeze %dma_wait3A_182 : memref<1x125x80xi32, #tpu.memory_space<hbm>> -> memref<125x80xi32, #tpu.memory_space<hbm>>
      tpu.wait_dma2 semaphore(%run_scoped3A_167 : memref<!tpu.dma_semaphore, #tpu.memory_space<semaphore_mem>>) src(%dma_wait3A_183 : memref<125x80xi32, #tpu.memory_space<hbm>>) dst(%arg7 : memref<125x80xi32, #tpu.memory_space<vmem>>)
      tpu.yield
    }) : () -> ()
    %dma_start3A = arith.constant 0 : i32
    %dma_start3A_3 = arith.constant 0 : i32
    %dma_start3A_4 = arith.constant 0 : i32
    %dma_start3A_5 = arith.constant 0 : i32
    %dma_start3A_6 = tpu.memref_slice %arg6[%dma_start3A_3, %dma_start3A_5] : memref<3x80xi32, #tpu.memory_space<vmem>> -> memref<1x80xi32, #tpu.memory_space<vmem>>
    %dma_start3A_7 = tpu.memref_squeeze %dma_start3A_6 : memref<1x80xi32, #tpu.memory_space<vmem>> -> memref<80xi32, #tpu.memory_space<vmem>>
    %dma_start3A_8 = arith.constant 0 : i32
    %dma_start3A_9 = tpu.memref_slice %arg3[%add3A, %dma_start3A, %dma_start3A_8] : memref<32x125x80xi32, #tpu.memory_space<hbm>> -> memref<1x1x80xi32, #tpu.memory_space<hbm>>
    %dma_start3A_10 = tpu.memref_squeeze %dma_start3A_9 : memref<1x1x80xi32, #tpu.memory_space<hbm>> -> memref<80xi32, #tpu.memory_space<hbm>>
    %dma_start3A_11 = tpu.memref_slice %arg11[%dma_start3A_4] : memref<3x!tpu.dma_semaphore, #tpu.memory_space<semaphore_mem>> -> memref<1x!tpu.dma_semaphore, #tpu.memory_space<semaphore_mem>>
    %dma_start3A_12 = tpu.memref_squeeze %dma_start3A_11 : memref<1x!tpu.dma_semaphore, #tpu.memory_space<semaphore_mem>> -> memref<!tpu.dma_semaphore, #tpu.memory_space<semaphore_mem>>
    %dma_start3A_13 = arith.constant 0 : i32
    %dma_start3A_14 = tpu.memref_slice %arg6[%dma_start3A_3, %dma_start3A_13] : memref<3x80xi32, #tpu.memory_space<vmem>> -> memref<1x80xi32, #tpu.memory_space<vmem>>
    %dma_start3A_15 = tpu.memref_squeeze %dma_start3A_14 : memref<1x80xi32, #tpu.memory_space<vmem>> -> memref<80xi32, #tpu.memory_space<vmem>>
    %dma_start3A_16 = arith.constant 0 : i32
    %dma_start3A_17 = tpu.memref_slice %arg3[%add3A, %dma_start3A, %dma_start3A_16] : memref<32x125x80xi32, #tpu.memory_space<hbm>> -> memref<1x1x80xi32, #tpu.memory_space<hbm>>
    %dma_start3A_18 = tpu.memref_squeeze %dma_start3A_17 : memref<1x1x80xi32, #tpu.memory_space<hbm>> -> memref<80xi32, #tpu.memory_space<hbm>>
    tpu.enqueue_dma source(%dma_start3A_18 : memref<80xi32, #tpu.memory_space<hbm>>) target(%dma_start3A_15 : memref<80xi32, #tpu.memory_space<vmem>>) target_semaphore(%dma_start3A_12 : memref<!tpu.dma_semaphore, #tpu.memory_space<semaphore_mem>>)
    %dma_start3A_19 = arith.constant 1 : i32
    %dma_start3A_20 = arith.constant 1 : i32
    %dma_start3A_21 = arith.constant 1 : i32
    %dma_start3A_22 = arith.constant 0 : i32
    %dma_start3A_23 = tpu.memref_slice %arg6[%dma_start3A_20, %dma_start3A_22] : memref<3x80xi32, #tpu.memory_space<vmem>> -> memref<1x80xi32, #tpu.memory_space<vmem>>
    %dma_start3A_24 = tpu.memref_squeeze %dma_start3A_23 : memref<1x80xi32, #tpu.memory_space<vmem>> -> memref<80xi32, #tpu.memory_space<vmem>>
    %dma_start3A_25 = arith.constant 0 : i32
    %dma_start3A_26 = tpu.memref_slice %arg3[%add3A, %dma_start3A_19, %dma_start3A_25] : memref<32x125x80xi32, #tpu.memory_space<hbm>> -> memref<1x1x80xi32, #tpu.memory_space<hbm>>
    %dma_start3A_27 = tpu.memref_squeeze %dma_start3A_26 : memref<1x1x80xi32, #tpu.memory_space<hbm>> -> memref<80xi32, #tpu.memory_space<hbm>>
    %dma_start3A_28 = tpu.memref_slice %arg11[%dma_start3A_21] : memref<3x!tpu.dma_semaphore, #tpu.memory_space<semaphore_mem>> -> memref<1x!tpu.dma_semaphore, #tpu.memory_space<semaphore_mem>>
    %dma_start3A_29 = tpu.memref_squeeze %dma_start3A_28 : memref<1x!tpu.dma_semaphore, #tpu.memory_space<semaphore_mem>> -> memref<!tpu.dma_semaphore, #tpu.memory_space<semaphore_mem>>
    %dma_start3A_30 = arith.constant 0 : i32
    %dma_start3A_31 = tpu.memref_slice %arg6[%dma_start3A_20, %dma_start3A_30] : memref<3x80xi32, #tpu.memory_space<vmem>> -> memref<1x80xi32, #tpu.memory_space<vmem>>
    %dma_start3A_32 = tpu.memref_squeeze %dma_start3A_31 : memref<1x80xi32, #tpu.memory_space<vmem>> -> memref<80xi32, #tpu.memory_space<vmem>>
    %dma_start3A_33 = arith.constant 0 : i32
    %dma_start3A_34 = tpu.memref_slice %arg3[%add3A, %dma_start3A_19, %dma_start3A_33] : memref<32x125x80xi32, #tpu.memory_space<hbm>> -> memref<1x1x80xi32, #tpu.memory_space<hbm>>
    %dma_start3A_35 = tpu.memref_squeeze %dma_start3A_34 : memref<1x1x80xi32, #tpu.memory_space<hbm>> -> memref<80xi32, #tpu.memory_space<hbm>>
    tpu.enqueue_dma source(%dma_start3A_35 : memref<80xi32, #tpu.memory_space<hbm>>) target(%dma_start3A_32 : memref<80xi32, #tpu.memory_space<vmem>>) target_semaphore(%dma_start3A_29 : memref<!tpu.dma_semaphore, #tpu.memory_space<semaphore_mem>>)
    %dma_start3A_36 = arith.constant 2 : i32
    %dma_start3A_37 = arith.constant 2 : i32
    %dma_start3A_38 = arith.constant 2 : i32
    %dma_start3A_39 = arith.constant 0 : i32
    %dma_start3A_40 = tpu.memref_slice %arg6[%dma_start3A_37, %dma_start3A_39] : memref<3x80xi32, #tpu.memory_space<vmem>> -> memref<1x80xi32, #tpu.memory_space<vmem>>
    %dma_start3A_41 = tpu.memref_squeeze %dma_start3A_40 : memref<1x80xi32, #tpu.memory_space<vmem>> -> memref<80xi32, #tpu.memory_space<vmem>>
    %dma_start3A_42 = arith.constant 0 : i32
    %dma_start3A_43 = tpu.memref_slice %arg3[%add3A, %dma_start3A_36, %dma_start3A_42] : memref<32x125x80xi32, #tpu.memory_space<hbm>> -> memref<1x1x80xi32, #tpu.memory_space<hbm>>
    %dma_start3A_44 = tpu.memref_squeeze %dma_start3A_43 : memref<1x1x80xi32, #tpu.memory_space<hbm>> -> memref<80xi32, #tpu.memory_space<hbm>>
    %dma_start3A_45 = tpu.memref_slice %arg11[%dma_start3A_38] : memref<3x!tpu.dma_semaphore, #tpu.memory_space<semaphore_mem>> -> memref<1x!tpu.dma_semaphore, #tpu.memory_space<semaphore_mem>>
    %dma_start3A_46 = tpu.memref_squeeze %dma_start3A_45 : memref<1x!tpu.dma_semaphore, #tpu.memory_space<semaphore_mem>> -> memref<!tpu.dma_semaphore, #tpu.memory_space<semaphore_mem>>
    %dma_start3A_47 = arith.constant 0 : i32
    %dma_start3A_48 = tpu.memref_slice %arg6[%dma_start3A_37, %dma_start3A_47] : memref<3x80xi32, #tpu.memory_space<vmem>> -> memref<1x80xi32, #tpu.memory_space<vmem>>
    %dma_start3A_49 = tpu.memref_squeeze %dma_start3A_48 : memref<1x80xi32, #tpu.memory_space<vmem>> -> memref<80xi32, #tpu.memory_space<vmem>>
    %dma_start3A_50 = arith.constant 0 : i32
    %dma_start3A_51 = tpu.memref_slice %arg3[%add3A, %dma_start3A_36, %dma_start3A_50] : memref<32x125x80xi32, #tpu.memory_space<hbm>> -> memref<1x1x80xi32, #tpu.memory_space<hbm>>
    %dma_start3A_52 = tpu.memref_squeeze %dma_start3A_51 : memref<1x1x80xi32, #tpu.memory_space<hbm>> -> memref<80xi32, #tpu.memory_space<hbm>>
    tpu.enqueue_dma source(%dma_start3A_52 : memref<80xi32, #tpu.memory_space<hbm>>) target(%dma_start3A_49 : memref<80xi32, #tpu.memory_space<vmem>>) target_semaphore(%dma_start3A_46 : memref<!tpu.dma_semaphore, #tpu.memory_space<semaphore_mem>>)
    %dma_wait3A = arith.constant 0 : i32
    %dma_wait3A_53 = arith.constant 0 : i32
    %dma_wait3A_54 = arith.constant 0 : i32
    %dma_wait3A_55 = arith.constant 0 : i32
    %dma_wait3A_56 = tpu.memref_slice %arg6[%dma_wait3A_53, %dma_wait3A_55] : memref<3x80xi32, #tpu.memory_space<vmem>> -> memref<1x80xi32, #tpu.memory_space<vmem>>
    %dma_wait3A_57 = tpu.memref_squeeze %dma_wait3A_56 : memref<1x80xi32, #tpu.memory_space<vmem>> -> memref<80xi32, #tpu.memory_space<vmem>>
    %dma_wait3A_58 = arith.constant 0 : i32
    %dma_wait3A_59 = tpu.memref_slice %arg3[%add3A, %dma_wait3A, %dma_wait3A_58] : memref<32x125x80xi32, #tpu.memory_space<hbm>> -> memref<1x1x80xi32, #tpu.memory_space<hbm>>
    %dma_wait3A_60 = tpu.memref_squeeze %dma_wait3A_59 : memref<1x1x80xi32, #tpu.memory_space<hbm>> -> memref<80xi32, #tpu.memory_space<hbm>>
    %dma_wait3A_61 = tpu.memref_slice %arg11[%dma_wait3A_54] : memref<3x!tpu.dma_semaphore, #tpu.memory_space<semaphore_mem>> -> memref<1x!tpu.dma_semaphore, #tpu.memory_space<semaphore_mem>>
    %dma_wait3A_62 = tpu.memref_squeeze %dma_wait3A_61 : memref<1x!tpu.dma_semaphore, #tpu.memory_space<semaphore_mem>> -> memref<!tpu.dma_semaphore, #tpu.memory_space<semaphore_mem>>
    %dma_wait3A_63 = arith.constant 0 : i32
    %dma_wait3A_64 = tpu.memref_slice %arg6[%dma_wait3A_53, %dma_wait3A_63] : memref<3x80xi32, #tpu.memory_space<vmem>> -> memref<1x80xi32, #tpu.memory_space<vmem>>
    %dma_wait3A_65 = tpu.memref_squeeze %dma_wait3A_64 : memref<1x80xi32, #tpu.memory_space<vmem>> -> memref<80xi32, #tpu.memory_space<vmem>>
    %dma_wait3A_66 = arith.constant 0 : i32
    %dma_wait3A_67 = tpu.memref_slice %arg3[%add3A, %dma_wait3A, %dma_wait3A_66] : memref<32x125x80xi32, #tpu.memory_space<hbm>> -> memref<1x1x80xi32, #tpu.memory_space<hbm>>
    %dma_wait3A_68 = tpu.memref_squeeze %dma_wait3A_67 : memref<1x1x80xi32, #tpu.memory_space<hbm>> -> memref<80xi32, #tpu.memory_space<hbm>>
    tpu.wait_dma2 semaphore(%dma_wait3A_62 : memref<!tpu.dma_semaphore, #tpu.memory_space<semaphore_mem>>) src(%dma_wait3A_68 : memref<80xi32, #tpu.memory_space<hbm>>) dst(%dma_wait3A_65 : memref<80xi32, #tpu.memory_space<vmem>>)
    %dma_start3A_69 = arith.constant 0 : i32
    %dma_start3A_70 = arith.constant 0 : i32
    %dma_start3A_71 = arith.constant 0 : i32
    %dma_start3A_72 = arith.constant 0 : i32
    %dma_start3A_73 = arith.constant 0 : i32
    %dma_start3A_74 = tpu.memref_slice %arg8[%dma_start3A_70, %dma_start3A_72, %dma_start3A_73] : memref<3x80x128xf32, #tpu.memory_space<vmem>> -> memref<1x80x128xf32, #tpu.memory_space<vmem>>
    %dma_start3A_75 = tpu.memref_squeeze %dma_start3A_74 : memref<1x80x128xf32, #tpu.memory_space<vmem>> -> memref<80x128xf32, #tpu.memory_space<vmem>>
    %dma_start3A_76 = arith.constant 0 : i32
    %dma_start3A_77 = tpu.memref_slice %arg6[%dma_start3A_69, %dma_start3A_76] : memref<3x80xi32, #tpu.memory_space<vmem>> -> memref<1x80xi32, #tpu.memory_space<vmem>>
    %dma_start3A_78 = tpu.memref_squeeze %dma_start3A_77 : memref<1x80xi32, #tpu.memory_space<vmem>> -> memref<80xi32, #tpu.memory_space<vmem>>
    %dma_start3A_79 = arith.constant 0 : i32
    %dma_start3A_80 = arith.constant 0 : i32
    %dma_start3A_81 = tpu.memref_slice %arg2[%dma_start3A_79, %dma_start3A_80] : memref<10000x128xf32, #tpu.memory_space<hbm>> -> memref<10000x128xf32, #tpu.memory_space<hbm>>
    %dma_start3A_82 = tpu.memref_slice %arg9[%dma_start3A_71] : memref<3x!tpu.dma_semaphore, #tpu.memory_space<semaphore_mem>> -> memref<1x!tpu.dma_semaphore, #tpu.memory_space<semaphore_mem>>
    %dma_start3A_83 = tpu.memref_squeeze %dma_start3A_82 : memref<1x!tpu.dma_semaphore, #tpu.memory_space<semaphore_mem>> -> memref<!tpu.dma_semaphore, #tpu.memory_space<semaphore_mem>>
    tpu.enqueue_indirect_dma source(%dma_start3A_81 : memref<10000x128xf32, #tpu.memory_space<hbm>>) target(%dma_start3A_75 : memref<80x128xf32, #tpu.memory_space<vmem>>) offsets(%dma_start3A_78 : memref<80xi32, #tpu.memory_space<vmem>>) semaphore(%dma_start3A_83 : memref<!tpu.dma_semaphore, #tpu.memory_space<semaphore_mem>>)
    %dma_wait3A_84 = arith.constant 0 : i32
    %dma_wait3A_85 = arith.constant 1 : i32
    %dma_wait3A_86 = arith.constant 1 : i32
    %dma_wait3A_87 = arith.constant 0 : i32
    %dma_wait3A_88 = tpu.memref_slice %arg6[%dma_wait3A_85, %dma_wait3A_87] : memref<3x80xi32, #tpu.memory_space<vmem>> -> memref<1x80xi32, #tpu.memory_space<vmem>>
    %dma_wait3A_89 = tpu.memref_squeeze %dma_wait3A_88 : memref<1x80xi32, #tpu.memory_space<vmem>> -> memref<80xi32, #tpu.memory_space<vmem>>
    %dma_wait3A_90 = arith.constant 0 : i32
    %dma_wait3A_91 = tpu.memref_slice %arg3[%add3A, %dma_wait3A_84, %dma_wait3A_90] : memref<32x125x80xi32, #tpu.memory_space<hbm>> -> memref<1x1x80xi32, #tpu.memory_space<hbm>>
    %dma_wait3A_92 = tpu.memref_squeeze %dma_wait3A_91 : memref<1x1x80xi32, #tpu.memory_space<hbm>> -> memref<80xi32, #tpu.memory_space<hbm>>
    %dma_wait3A_93 = tpu.memref_slice %arg11[%dma_wait3A_86] : memref<3x!tpu.dma_semaphore, #tpu.memory_space<semaphore_mem>> -> memref<1x!tpu.dma_semaphore, #tpu.memory_space<semaphore_mem>>
    %dma_wait3A_94 = tpu.memref_squeeze %dma_wait3A_93 : memref<1x!tpu.dma_semaphore, #tpu.memory_space<semaphore_mem>> -> memref<!tpu.dma_semaphore, #tpu.memory_space<semaphore_mem>>
    %dma_wait3A_95 = arith.constant 0 : i32
    %dma_wait3A_96 = tpu.memref_slice %arg6[%dma_wait3A_85, %dma_wait3A_95] : memref<3x80xi32, #tpu.memory_space<vmem>> -> memref<1x80xi32, #tpu.memory_space<vmem>>
    %dma_wait3A_97 = tpu.memref_squeeze %dma_wait3A_96 : memref<1x80xi32, #tpu.memory_space<vmem>> -> memref<80xi32, #tpu.memory_space<vmem>>
    %dma_wait3A_98 = arith.constant 0 : i32
    %dma_wait3A_99 = tpu.memref_slice %arg3[%add3A, %dma_wait3A_84, %dma_wait3A_98] : memref<32x125x80xi32, #tpu.memory_space<hbm>> -> memref<1x1x80xi32, #tpu.memory_space<hbm>>
    %dma_wait3A_100 = tpu.memref_squeeze %dma_wait3A_99 : memref<1x1x80xi32, #tpu.memory_space<hbm>> -> memref<80xi32, #tpu.memory_space<hbm>>
    tpu.wait_dma2 semaphore(%dma_wait3A_94 : memref<!tpu.dma_semaphore, #tpu.memory_space<semaphore_mem>>) src(%dma_wait3A_100 : memref<80xi32, #tpu.memory_space<hbm>>) dst(%dma_wait3A_97 : memref<80xi32, #tpu.memory_space<vmem>>)
    %dma_start3A_101 = arith.constant 1 : i32
    %dma_start3A_102 = arith.constant 1 : i32
    %dma_start3A_103 = arith.constant 1 : i32
    %dma_start3A_104 = arith.constant 0 : i32
    %dma_start3A_105 = arith.constant 0 : i32
    %dma_start3A_106 = tpu.memref_slice %arg8[%dma_start3A_102, %dma_start3A_104, %dma_start3A_105] : memref<3x80x128xf32, #tpu.memory_space<vmem>> -> memref<1x80x128xf32, #tpu.memory_space<vmem>>
    %dma_start3A_107 = tpu.memref_squeeze %dma_start3A_106 : memref<1x80x128xf32, #tpu.memory_space<vmem>> -> memref<80x128xf32, #tpu.memory_space<vmem>>
    %dma_start3A_108 = arith.constant 0 : i32
    %dma_start3A_109 = tpu.memref_slice %arg6[%dma_start3A_101, %dma_start3A_108] : memref<3x80xi32, #tpu.memory_space<vmem>> -> memref<1x80xi32, #tpu.memory_space<vmem>>
    %dma_start3A_110 = tpu.memref_squeeze %dma_start3A_109 : memref<1x80xi32, #tpu.memory_space<vmem>> -> memref<80xi32, #tpu.memory_space<vmem>>
    %dma_start3A_111 = arith.constant 0 : i32
    %dma_start3A_112 = arith.constant 0 : i32
    %dma_start3A_113 = tpu.memref_slice %arg2[%dma_start3A_111, %dma_start3A_112] : memref<10000x128xf32, #tpu.memory_space<hbm>> -> memref<10000x128xf32, #tpu.memory_space<hbm>>
    %dma_start3A_114 = tpu.memref_slice %arg9[%dma_start3A_103] : memref<3x!tpu.dma_semaphore, #tpu.memory_space<semaphore_mem>> -> memref<1x!tpu.dma_semaphore, #tpu.memory_space<semaphore_mem>>
    %dma_start3A_115 = tpu.memref_squeeze %dma_start3A_114 : memref<1x!tpu.dma_semaphore, #tpu.memory_space<semaphore_mem>> -> memref<!tpu.dma_semaphore, #tpu.memory_space<semaphore_mem>>
    tpu.enqueue_indirect_dma source(%dma_start3A_113 : memref<10000x128xf32, #tpu.memory_space<hbm>>) target(%dma_start3A_107 : memref<80x128xf32, #tpu.memory_space<vmem>>) offsets(%dma_start3A_110 : memref<80xi32, #tpu.memory_space<vmem>>) semaphore(%dma_start3A_115 : memref<!tpu.dma_semaphore, #tpu.memory_space<semaphore_mem>>)
    %broadcast_in_dim3A = arith.constant 0.000000e+00 : f32
    %broadcast_in_dim3A_116 = vector.broadcast %broadcast_in_dim3A : f32 to vector<16xf32>
    %scan3A = arith.constant 0 : i32
    %scan3A_117 = arith.constant 0 : i32
    %scan3A_118 = arith.constant 80 : i32
    %scan3A_119 = arith.addi %scan3A_117, %scan3A_118 : i32
    %scan3A_120 = arith.constant 1 : i32
    scf.for %scan3A_167 = %scan3A_117 to %scan3A_119 step %scan3A_120  : i32 {
      %swap3A = arith.constant 2 : i32
      %swap3A_168 = arith.index_cast %swap3A : i32 to index
      %swap3A_169 = arith.index_cast %scan3A_167 : i32 to index
      %swap3A_170 = arith.constant 0 : index
      %swap3A_171 = tpu.vector_load %arg8[%swap3A_168, %swap3A_169, %swap3A_170] {strides = array<i32>} : memref<3x80x128xf32, #tpu.memory_space<vmem>>, vector<1x1x16xf32>,
      %swap3A_172 = vector.shape_cast %swap3A_171 : vector<1x1x16xf32> to vector<16xf32>
      %swap3A_173 = vector.shape_cast %broadcast_in_dim3A_116 : vector<16xf32> to vector<1x1x16xf32>
      tpu.vector_store %arg8[%swap3A_168, %swap3A_169, %swap3A_170], %swap3A_173 {strides = array<i32>} : memref<3x80x128xf32, #tpu.memory_space<vmem>>, vector<1x1x16xf32>,
      %swap3A_174 = arith.constant 2 : i32
      %swap3A_175 = arith.index_cast %swap3A_174 : i32 to index
      %swap3A_176 = arith.index_cast %scan3A_167 : i32 to index
      %swap3A_177 = arith.constant 16 : index
      %swap3A_178 = tpu.vector_load %arg8[%swap3A_175, %swap3A_176, %swap3A_177] {strides = array<i32>} : memref<3x80x128xf32, #tpu.memory_space<vmem>>, vector<1x1x16xf32>,
      %swap3A_179 = vector.shape_cast %swap3A_178 : vector<1x1x16xf32> to vector<16xf32>
      %swap3A_180 = vector.shape_cast %broadcast_in_dim3A_116 : vector<16xf32> to vector<1x1x16xf32>
      tpu.vector_store %arg8[%swap3A_175, %swap3A_176, %swap3A_177], %swap3A_180 {strides = array<i32>} : memref<3x80x128xf32, #tpu.memory_space<vmem>>, vector<1x1x16xf32>,
      %swap3A_181 = arith.constant 2 : i32
      %swap3A_182 = arith.index_cast %swap3A_181 : i32 to index
      %swap3A_183 = arith.index_cast %scan3A_167 : i32 to index
      %swap3A_184 = arith.constant 32 : index
      %swap3A_185 = tpu.vector_load %arg8[%swap3A_182, %swap3A_183, %swap3A_184] {strides = array<i32>} : memref<3x80x128xf32, #tpu.memory_space<vmem>>, vector<1x1x16xf32>,
      %swap3A_186 = vector.shape_cast %swap3A_185 : vector<1x1x16xf32> to vector<16xf32>
      %swap3A_187 = vector.shape_cast %broadcast_in_dim3A_116 : vector<16xf32> to vector<1x1x16xf32>
      tpu.vector_store %arg8[%swap3A_182, %swap3A_183, %swap3A_184], %swap3A_187 {strides = array<i32>} : memref<3x80x128xf32, #tpu.memory_space<vmem>>, vector<1x1x16xf32>,
      %swap3A_188 = arith.constant 2 : i32
      %swap3A_189 = arith.index_cast %swap3A_188 : i32 to index
      %swap3A_190 = arith.index_cast %scan3A_167 : i32 to index
      %swap3A_191 = arith.constant 48 : index
      %swap3A_192 = tpu.vector_load %arg8[%swap3A_189, %swap3A_190, %swap3A_191] {strides = array<i32>} : memref<3x80x128xf32, #tpu.memory_space<vmem>>, vector<1x1x16xf32>,
      %swap3A_193 = vector.shape_cast %swap3A_192 : vector<1x1x16xf32> to vector<16xf32>
      %swap3A_194 = vector.shape_cast %broadcast_in_dim3A_116 : vector<16xf32> to vector<1x1x16xf32>
      tpu.vector_store %arg8[%swap3A_189, %swap3A_190, %swap3A_191], %swap3A_194 {strides = array<i32>} : memref<3x80x128xf32, #tpu.memory_space<vmem>>, vector<1x1x16xf32>,
      %swap3A_195 = arith.constant 2 : i32
      %swap3A_196 = arith.index_cast %swap3A_195 : i32 to index
      %swap3A_197 = arith.index_cast %scan3A_167 : i32 to index
      %swap3A_198 = arith.constant 64 : index
      %swap3A_199 = tpu.vector_load %arg8[%swap3A_196, %swap3A_197, %swap3A_198] {strides = array<i32>} : memref<3x80x128xf32, #tpu.memory_space<vmem>>, vector<1x1x16xf32>,
      %swap3A_200 = vector.shape_cast %swap3A_199 : vector<1x1x16xf32> to vector<16xf32>
      %swap3A_201 = vector.shape_cast %broadcast_in_dim3A_116 : vector<16xf32> to vector<1x1x16xf32>
      tpu.vector_store %arg8[%swap3A_196, %swap3A_197, %swap3A_198], %swap3A_201 {strides = array<i32>} : memref<3x80x128xf32, #tpu.memory_space<vmem>>, vector<1x1x16xf32>,
      %swap3A_202 = arith.constant 2 : i32
      %swap3A_203 = arith.index_cast %swap3A_202 : i32 to index
      %swap3A_204 = arith.index_cast %scan3A_167 : i32 to index
      %swap3A_205 = arith.constant 80 : index
      %swap3A_206 = tpu.vector_load %arg8[%swap3A_203, %swap3A_204, %swap3A_205] {strides = array<i32>} : memref<3x80x128xf32, #tpu.memory_space<vmem>>, vector<1x1x16xf32>,
      %swap3A_207 = vector.shape_cast %swap3A_206 : vector<1x1x16xf32> to vector<16xf32>
      %swap3A_208 = vector.shape_cast %broadcast_in_dim3A_116 : vector<16xf32> to vector<1x1x16xf32>
      tpu.vector_store %arg8[%swap3A_203, %swap3A_204, %swap3A_205], %swap3A_208 {strides = array<i32>} : memref<3x80x128xf32, #tpu.memory_space<vmem>>, vector<1x1x16xf32>,
      %swap3A_209 = arith.constant 2 : i32
      %swap3A_210 = arith.index_cast %swap3A_209 : i32 to index
      %swap3A_211 = arith.index_cast %scan3A_167 : i32 to index
      %swap3A_212 = arith.constant 96 : index
      %swap3A_213 = tpu.vector_load %arg8[%swap3A_210, %swap3A_211, %swap3A_212] {strides = array<i32>} : memref<3x80x128xf32, #tpu.memory_space<vmem>>, vector<1x1x16xf32>,
      %swap3A_214 = vector.shape_cast %swap3A_213 : vector<1x1x16xf32> to vector<16xf32>
      %swap3A_215 = vector.shape_cast %broadcast_in_dim3A_116 : vector<16xf32> to vector<1x1x16xf32>
      tpu.vector_store %arg8[%swap3A_210, %swap3A_211, %swap3A_212], %swap3A_215 {strides = array<i32>} : memref<3x80x128xf32, #tpu.memory_space<vmem>>, vector<1x1x16xf32>,
      %swap3A_216 = arith.constant 2 : i32
      %swap3A_217 = arith.index_cast %swap3A_216 : i32 to index
      %swap3A_218 = arith.index_cast %scan3A_167 : i32 to index
      %swap3A_219 = arith.constant 112 : index
      %swap3A_220 = tpu.vector_load %arg8[%swap3A_217, %swap3A_218, %swap3A_219] {strides = array<i32>} : memref<3x80x128xf32, #tpu.memory_space<vmem>>, vector<1x1x16xf32>,
      %swap3A_221 = vector.shape_cast %swap3A_220 : vector<1x1x16xf32> to vector<16xf32>
      %swap3A_222 = vector.shape_cast %broadcast_in_dim3A_116 : vector<16xf32> to vector<1x1x16xf32>
      tpu.vector_store %arg8[%swap3A_217, %swap3A_218, %swap3A_219], %swap3A_222 {strides = array<i32>} : memref<3x80x128xf32, #tpu.memory_space<vmem>>, vector<1x1x16xf32>,
    }
    %scan3A_121 = arith.constant 80 : i32
    %add3A_122 = arith.constant 0 : i32
    %add3A_123 = arith.addi %mul3A_2, %add3A_122 : i32
    %run_scoped3A = arith.constant 2 : i32
    "tpu.region"() ({
      %run_scoped3A_167 = tpu.sem_alloc : memref<!tpu.dma_semaphore, #tpu.memory_space<semaphore_mem>>
      %dma_start3A_168 = arith.constant 0 : i32
      %dma_start3A_169 = arith.constant 0 : i32
      %dma_start3A_170 = tpu.memref_slice %arg8[%run_scoped3A, %dma_start3A_168, %dma_start3A_169] : memref<3x80x128xf32, #tpu.memory_space<vmem>> -> memref<1x80x128xf32, #tpu.memory_space<vmem>>
      %dma_start3A_171 = tpu.memref_squeeze %dma_start3A_170 : memref<1x80x128xf32, #tpu.memory_space<vmem>> -> memref<80x128xf32, #tpu.memory_space<vmem>>
      %dma_start3A_172 = arith.constant 0 : i32
      %dma_start3A_173 = tpu.memref_slice %arg12[%add3A_123, %dma_start3A_172] : memref<10240x128xf32, #tpu.memory_space<vmem_shared>> -> memref<80x128xf32, #tpu.memory_space<vmem_shared>>
      %dma_start3A_174 = arith.constant 0 : i32
      %dma_start3A_175 = tpu.memref_slice %arg12[%add3A_123, %dma_start3A_174] : memref<10240x128xf32, #tpu.memory_space<vmem_shared>> -> memref<80x128xf32, #tpu.memory_space<vmem_shared>>
      %dma_start3A_176 = arith.constant 0 : i32
      %dma_start3A_177 = arith.constant 0 : i32
      %dma_start3A_178 = tpu.memref_slice %arg8[%run_scoped3A, %dma_start3A_176, %dma_start3A_177] : memref<3x80x128xf32, #tpu.memory_space<vmem>> -> memref<1x80x128xf32, #tpu.memory_space<vmem>>
      %dma_start3A_179 = tpu.memref_squeeze %dma_start3A_178 : memref<1x80x128xf32, #tpu.memory_space<vmem>> -> memref<80x128xf32, #tpu.memory_space<vmem>>
      tpu.enqueue_dma source(%dma_start3A_179 : memref<80x128xf32, #tpu.memory_space<vmem>>) target(%dma_start3A_175 : memref<80x128xf32, #tpu.memory_space<vmem_shared>>) target_semaphore(%run_scoped3A_167 : memref<!tpu.dma_semaphore, #tpu.memory_space<semaphore_mem>>)
      %dma_wait3A_180 = arith.constant 0 : i32
      %dma_wait3A_181 = arith.constant 0 : i32
      %dma_wait3A_182 = tpu.memref_slice %arg8[%run_scoped3A, %dma_wait3A_180, %dma_wait3A_181] : memref<3x80x128xf32, #tpu.memory_space<vmem>> -> memref<1x80x128xf32, #tpu.memory_space<vmem>>
      %dma_wait3A_183 = tpu.memref_squeeze %dma_wait3A_182 : memref<1x80x128xf32, #tpu.memory_space<vmem>> -> memref<80x128xf32, #tpu.memory_space<vmem>>
      %dma_wait3A_184 = arith.constant 0 : i32
      %dma_wait3A_185 = tpu.memref_slice %arg12[%add3A_123, %dma_wait3A_184] : memref<10240x128xf32, #tpu.memory_space<vmem_shared>> -> memref<80x128xf32, #tpu.memory_space<vmem_shared>>
      %dma_wait3A_186 = arith.constant 0 : i32
      %dma_wait3A_187 = tpu.memref_slice %arg12[%add3A_123, %dma_wait3A_186] : memref<10240x128xf32, #tpu.memory_space<vmem_shared>> -> memref<80x128xf32, #tpu.memory_space<vmem_shared>>
      %dma_wait3A_188 = arith.constant 0 : i32
      %dma_wait3A_189 = arith.constant 0 : i32
      %dma_wait3A_190 = tpu.memref_slice %arg8[%run_scoped3A, %dma_wait3A_188, %dma_wait3A_189] : memref<3x80x128xf32, #tpu.memory_space<vmem>> -> memref<1x80x128xf32, #tpu.memory_space<vmem>>
      %dma_wait3A_191 = tpu.memref_squeeze %dma_wait3A_190 : memref<1x80x128xf32, #tpu.memory_space<vmem>> -> memref<80x128xf32, #tpu.memory_space<vmem>>
      tpu.wait_dma2 semaphore(%run_scoped3A_167 : memref<!tpu.dma_semaphore, #tpu.memory_space<semaphore_mem>>) src(%dma_wait3A_191 : memref<80x128xf32, #tpu.memory_space<vmem>>) dst(%dma_wait3A_187 : memref<80x128xf32, #tpu.memory_space<vmem_shared>>)
      tpu.yield
    }) : () -> ()
    %add3A_124 = arith.constant 80 : i32
    %add3A_125 = arith.addi %mul3A_2, %add3A_124 : i32
    %run_scoped3A_126 = arith.constant 2 : i32
    "tpu.region"() ({
      %run_scoped3A_167 = tpu.sem_alloc : memref<!tpu.dma_semaphore, #tpu.memory_space<semaphore_mem>>
      %dma_start3A_168 = arith.constant 0 : i32
      %dma_start3A_169 = arith.constant 0 : i32
      %dma_start3A_170 = tpu.memref_slice %arg8[%run_scoped3A_126, %dma_start3A_168, %dma_start3A_169] : memref<3x80x128xf32, #tpu.memory_space<vmem>> -> memref<1x80x128xf32, #tpu.memory_space<vmem>>
      %dma_start3A_171 = tpu.memref_squeeze %dma_start3A_170 : memref<1x80x128xf32, #tpu.memory_space<vmem>> -> memref<80x128xf32, #tpu.memory_space<vmem>>
      %dma_start3A_172 = arith.constant 0 : i32
      %dma_start3A_173 = tpu.memref_slice %arg12[%add3A_125, %dma_start3A_172] : memref<10240x128xf32, #tpu.memory_space<vmem_shared>> -> memref<80x128xf32, #tpu.memory_space<vmem_shared>>
      %dma_start3A_174 = arith.constant 0 : i32
      %dma_start3A_175 = tpu.memref_slice %arg12[%add3A_125, %dma_start3A_174] : memref<10240x128xf32, #tpu.memory_space<vmem_shared>> -> memref<80x128xf32, #tpu.memory_space<vmem_shared>>
      %dma_start3A_176 = arith.constant 0 : i32
      %dma_start3A_177 = arith.constant 0 : i32
      %dma_start3A_178 = tpu.memref_slice %arg8[%run_scoped3A_126, %dma_start3A_176, %dma_start3A_177] : memref<3x80x128xf32, #tpu.memory_space<vmem>> -> memref<1x80x128xf32, #tpu.memory_space<vmem>>
      %dma_start3A_179 = tpu.memref_squeeze %dma_start3A_178 : memref<1x80x128xf32, #tpu.memory_space<vmem>> -> memref<80x128xf32, #tpu.memory_space<vmem>>
      tpu.enqueue_dma source(%dma_start3A_179 : memref<80x128xf32, #tpu.memory_space<vmem>>) target(%dma_start3A_175 : memref<80x128xf32, #tpu.memory_space<vmem_shared>>) target_semaphore(%run_scoped3A_167 : memref<!tpu.dma_semaphore, #tpu.memory_space<semaphore_mem>>)
      %dma_wait3A_180 = arith.constant 0 : i32
      %dma_wait3A_181 = arith.constant 0 : i32
      %dma_wait3A_182 = tpu.memref_slice %arg8[%run_scoped3A_126, %dma_wait3A_180, %dma_wait3A_181] : memref<3x80x128xf32, #tpu.memory_space<vmem>> -> memref<1x80x128xf32, #tpu.memory_space<vmem>>
      %dma_wait3A_183 = tpu.memref_squeeze %dma_wait3A_182 : memref<1x80x128xf32, #tpu.memory_space<vmem>> -> memref<80x128xf32, #tpu.memory_space<vmem>>
      %dma_wait3A_184 = arith.constant 0 : i32
      %dma_wait3A_185 = tpu.memref_slice %arg12[%add3A_125, %dma_wait3A_184] : memref<10240x128xf32, #tpu.memory_space<vmem_shared>> -> memref<80x128xf32, #tpu.memory_space<vmem_shared>>
      %dma_wait3A_186 = arith.constant 0 : i32
      %dma_wait3A_187 = tpu.memref_slice %arg12[%add3A_125, %dma_wait3A_186] : memref<10240x128xf32, #tpu.memory_space<vmem_shared>> -> memref<80x128xf32, #tpu.memory_space<vmem_shared>>
      %dma_wait3A_188 = arith.constant 0 : i32
      %dma_wait3A_189 = arith.constant 0 : i32
      %dma_wait3A_190 = tpu.memref_slice %arg8[%run_scoped3A_126, %dma_wait3A_188, %dma_wait3A_189] : memref<3x80x128xf32, #tpu.memory_space<vmem>> -> memref<1x80x128xf32, #tpu.memory_space<vmem>>
      %dma_wait3A_191 = tpu.memref_squeeze %dma_wait3A_190 : memref<1x80x128xf32, #tpu.memory_space<vmem>> -> memref<80x128xf32, #tpu.memory_space<vmem>>
      tpu.wait_dma2 semaphore(%run_scoped3A_167 : memref<!tpu.dma_semaphore, #tpu.memory_space<semaphore_mem>>) src(%dma_wait3A_191 : memref<80x128xf32, #tpu.memory_space<vmem>>) dst(%dma_wait3A_187 : memref<80x128xf32, #tpu.memory_space<vmem_shared>>)
      tpu.yield
    }) : () -> ()
    %add3A_127 = arith.constant 160 : i32
    %add3A_128 = arith.addi %mul3A_2, %add3A_127 : i32
    %run_scoped3A_129 = arith.constant 2 : i32
    "tpu.region"() ({
      %run_scoped3A_167 = tpu.sem_alloc : memref<!tpu.dma_semaphore, #tpu.memory_space<semaphore_mem>>
      %dma_start3A_168 = arith.constant 0 : i32
      %dma_start3A_169 = arith.constant 0 : i32
      %dma_start3A_170 = tpu.memref_slice %arg8[%run_scoped3A_129, %dma_start3A_168, %dma_start3A_169] : memref<3x80x128xf32, #tpu.memory_space<vmem>> -> memref<1x80x128xf32, #tpu.memory_space<vmem>>
      %dma_start3A_171 = tpu.memref_squeeze %dma_start3A_170 : memref<1x80x128xf32, #tpu.memory_space<vmem>> -> memref<80x128xf32, #tpu.memory_space<vmem>>
      %dma_start3A_172 = arith.constant 0 : i32
      %dma_start3A_173 = tpu.memref_slice %arg12[%add3A_128, %dma_start3A_172] : memref<10240x128xf32, #tpu.memory_space<vmem_shared>> -> memref<80x128xf32, #tpu.memory_space<vmem_shared>>
      %dma_start3A_174 = arith.constant 0 : i32
      %dma_start3A_175 = tpu.memref_slice %arg12[%add3A_128, %dma_start3A_174] : memref<10240x128xf32, #tpu.memory_space<vmem_shared>> -> memref<80x128xf32, #tpu.memory_space<vmem_shared>>
      %dma_start3A_176 = arith.constant 0 : i32
      %dma_start3A_177 = arith.constant 0 : i32
      %dma_start3A_178 = tpu.memref_slice %arg8[%run_scoped3A_129, %dma_start3A_176, %dma_start3A_177] : memref<3x80x128xf32, #tpu.memory_space<vmem>> -> memref<1x80x128xf32, #tpu.memory_space<vmem>>
      %dma_start3A_179 = tpu.memref_squeeze %dma_start3A_178 : memref<1x80x128xf32, #tpu.memory_space<vmem>> -> memref<80x128xf32, #tpu.memory_space<vmem>>
      tpu.enqueue_dma source(%dma_start3A_179 : memref<80x128xf32, #tpu.memory_space<vmem>>) target(%dma_start3A_175 : memref<80x128xf32, #tpu.memory_space<vmem_shared>>) target_semaphore(%run_scoped3A_167 : memref<!tpu.dma_semaphore, #tpu.memory_space<semaphore_mem>>)
      %dma_wait3A_180 = arith.constant 0 : i32
      %dma_wait3A_181 = arith.constant 0 : i32
      %dma_wait3A_182 = tpu.memref_slice %arg8[%run_scoped3A_129, %dma_wait3A_180, %dma_wait3A_181] : memref<3x80x128xf32, #tpu.memory_space<vmem>> -> memref<1x80x128xf32, #tpu.memory_space<vmem>>
      %dma_wait3A_183 = tpu.memref_squeeze %dma_wait3A_182 : memref<1x80x128xf32, #tpu.memory_space<vmem>> -> memref<80x128xf32, #tpu.memory_space<vmem>>
      %dma_wait3A_184 = arith.constant 0 : i32
      %dma_wait3A_185 = tpu.memref_slice %arg12[%add3A_128, %dma_wait3A_184] : memref<10240x128xf32, #tpu.memory_space<vmem_shared>> -> memref<80x128xf32, #tpu.memory_space<vmem_shared>>
      %dma_wait3A_186 = arith.constant 0 : i32
      %dma_wait3A_187 = tpu.memref_slice %arg12[%add3A_128, %dma_wait3A_186] : memref<10240x128xf32, #tpu.memory_space<vmem_shared>> -> memref<80x128xf32, #tpu.memory_space<vmem_shared>>
      %dma_wait3A_188 = arith.constant 0 : i32
      %dma_wait3A_189 = arith.constant 0 : i32
      %dma_wait3A_190 = tpu.memref_slice %arg8[%run_scoped3A_129, %dma_wait3A_188, %dma_wait3A_189] : memref<3x80x128xf32, #tpu.memory_space<vmem>> -> memref<1x80x128xf32, #tpu.memory_space<vmem>>
      %dma_wait3A_191 = tpu.memref_squeeze %dma_wait3A_190 : memref<1x80x128xf32, #tpu.memory_space<vmem>> -> memref<80x128xf32, #tpu.memory_space<vmem>>
      tpu.wait_dma2 semaphore(%run_scoped3A_167 : memref<!tpu.dma_semaphore, #tpu.memory_space<semaphore_mem>>) src(%dma_wait3A_191 : memref<80x128xf32, #tpu.memory_space<vmem>>) dst(%dma_wait3A_187 : memref<80x128xf32, #tpu.memory_space<vmem_shared>>)
      tpu.yield
    }) : () -> ()
    %add3A_130 = arith.constant 240 : i32
    %add3A_131 = arith.addi %mul3A_2, %add3A_130 : i32
    %run_scoped3A_132 = arith.constant 2 : i32
    "tpu.region"() ({
      %run_scoped3A_167 = tpu.sem_alloc : memref<!tpu.dma_semaphore, #tpu.memory_space<semaphore_mem>>
      %dma_start3A_168 = arith.constant 0 : i32
      %dma_start3A_169 = arith.constant 0 : i32
      %dma_start3A_170 = tpu.memref_slice %arg8[%run_scoped3A_132, %dma_start3A_168, %dma_start3A_169] : memref<3x80x128xf32, #tpu.memory_space<vmem>> -> memref<1x80x128xf32, #tpu.memory_space<vmem>>
      %dma_start3A_171 = tpu.memref_squeeze %dma_start3A_170 : memref<1x80x128xf32, #tpu.memory_space<vmem>> -> memref<80x128xf32, #tpu.memory_space<vmem>>
      %dma_start3A_172 = arith.constant 0 : i32
      %dma_start3A_173 = tpu.memref_slice %arg12[%add3A_131, %dma_start3A_172] : memref<10240x128xf32, #tpu.memory_space<vmem_shared>> -> memref<80x128xf32, #tpu.memory_space<vmem_shared>>
      %dma_start3A_174 = arith.constant 0 : i32
      %dma_start3A_175 = tpu.memref_slice %arg12[%add3A_131, %dma_start3A_174] : memref<10240x128xf32, #tpu.memory_space<vmem_shared>> -> memref<80x128xf32, #tpu.memory_space<vmem_shared>>
      %dma_start3A_176 = arith.constant 0 : i32
      %dma_start3A_177 = arith.constant 0 : i32
      %dma_start3A_178 = tpu.memref_slice %arg8[%run_scoped3A_132, %dma_start3A_176, %dma_start3A_177] : memref<3x80x128xf32, #tpu.memory_space<vmem>> -> memref<1x80x128xf32, #tpu.memory_space<vmem>>
      %dma_start3A_179 = tpu.memref_squeeze %dma_start3A_178 : memref<1x80x128xf32, #tpu.memory_space<vmem>> -> memref<80x128xf32, #tpu.memory_space<vmem>>
      tpu.enqueue_dma source(%dma_start3A_179 : memref<80x128xf32, #tpu.memory_space<vmem>>) target(%dma_start3A_175 : memref<80x128xf32, #tpu.memory_space<vmem_shared>>) target_semaphore(%run_scoped3A_167 : memref<!tpu.dma_semaphore, #tpu.memory_space<semaphore_mem>>)
      %dma_wait3A_180 = arith.constant 0 : i32
      %dma_wait3A_181 = arith.constant 0 : i32
      %dma_wait3A_182 = tpu.memref_slice %arg8[%run_scoped3A_132, %dma_wait3A_180, %dma_wait3A_181] : memref<3x80x128xf32, #tpu.memory_space<vmem>> -> memref<1x80x128xf32, #tpu.memory_space<vmem>>
      %dma_wait3A_183 = tpu.memref_squeeze %dma_wait3A_182 : memref<1x80x128xf32, #tpu.memory_space<vmem>> -> memref<80x128xf32, #tpu.memory_space<vmem>>
      %dma_wait3A_184 = arith.constant 0 : i32
      %dma_wait3A_185 = tpu.memref_slice %arg12[%add3A_131, %dma_wait3A_184] : memref<10240x128xf32, #tpu.memory_space<vmem_shared>> -> memref<80x128xf32, #tpu.memory_space<vmem_shared>>
      %dma_wait3A_186 = arith.constant 0 : i32
      %dma_wait3A_187 = tpu.memref_slice %arg12[%add3A_131, %dma_wait3A_186] : memref<10240x128xf32, #tpu.memory_space<vmem_shared>> -> memref<80x128xf32, #tpu.memory_space<vmem_shared>>
      %dma_wait3A_188 = arith.constant 0 : i32
      %dma_wait3A_189 = arith.constant 0 : i32
      %dma_wait3A_190 = tpu.memref_slice %arg8[%run_scoped3A_132, %dma_wait3A_188, %dma_wait3A_189] : memref<3x80x128xf32, #tpu.memory_space<vmem>> -> memref<1x80x128xf32, #tpu.memory_space<vmem>>
      %dma_wait3A_191 = tpu.memref_squeeze %dma_wait3A_190 : memref<1x80x128xf32, #tpu.memory_space<vmem>> -> memref<80x128xf32, #tpu.memory_space<vmem>>
      tpu.wait_dma2 semaphore(%run_scoped3A_167 : memref<!tpu.dma_semaphore, #tpu.memory_space<semaphore_mem>>) src(%dma_wait3A_191 : memref<80x128xf32, #tpu.memory_space<vmem>>) dst(%dma_wait3A_187 : memref<80x128xf32, #tpu.memory_space<vmem_shared>>)
      tpu.yield
    }) : () -> ()
    %add3A_133 = arith.constant 320 : i32
    %add3A_134 = arith.addi %mul3A_2, %add3A_133 : i32
    %run_scoped3A_135 = arith.constant 2 : i32
    "tpu.region"() ({
      %run_scoped3A_167 = tpu.sem_alloc : memref<!tpu.dma_semaphore, #tpu.memory_space<semaphore_mem>>
      %dma_start3A_168 = arith.constant 0 : i32
      %dma_start3A_169 = arith.constant 0 : i32
      %dma_start3A_170 = tpu.memref_slice %arg8[%run_scoped3A_135, %dma_start3A_168, %dma_start3A_169] : memref<3x80x128xf32, #tpu.memory_space<vmem>> -> memref<1x80x128xf32, #tpu.memory_space<vmem>>
      %dma_start3A_171 = tpu.memref_squeeze %dma_start3A_170 : memref<1x80x128xf32, #tpu.memory_space<vmem>> -> memref<80x128xf32, #tpu.memory_space<vmem>>
      %dma_start3A_172 = arith.constant 0 : i32
      %dma_start3A_173 = tpu.memref_slice %arg12[%add3A_134, %dma_start3A_172] : memref<10240x128xf32, #tpu.memory_space<vmem_shared>> -> memref<80x128xf32, #tpu.memory_space<vmem_shared>>
      %dma_start3A_174 = arith.constant 0 : i32
      %dma_start3A_175 = tpu.memref_slice %arg12[%add3A_134, %dma_start3A_174] : memref<10240x128xf32, #tpu.memory_space<vmem_shared>> -> memref<80x128xf32, #tpu.memory_space<vmem_shared>>
      %dma_start3A_176 = arith.constant 0 : i32
      %dma_start3A_177 = arith.constant 0 : i32
      %dma_start3A_178 = tpu.memref_slice %arg8[%run_scoped3A_135, %dma_start3A_176, %dma_start3A_177] : memref<3x80x128xf32, #tpu.memory_space<vmem>> -> memref<1x80x128xf32, #tpu.memory_space<vmem>>
      %dma_start3A_179 = tpu.memref_squeeze %dma_start3A_178 : memref<1x80x128xf32, #tpu.memory_space<vmem>> -> memref<80x128xf32, #tpu.memory_space<vmem>>
      tpu.enqueue_dma source(%dma_start3A_179 : memref<80x128xf32, #tpu.memory_space<vmem>>) target(%dma_start3A_175 : memref<80x128xf32, #tpu.memory_space<vmem_shared>>) target_semaphore(%run_scoped3A_167 : memref<!tpu.dma_semaphore, #tpu.memory_space<semaphore_mem>>)
      %dma_wait3A_180 = arith.constant 0 : i32
      %dma_wait3A_181 = arith.constant 0 : i32
      %dma_wait3A_182 = tpu.memref_slice %arg8[%run_scoped3A_135, %dma_wait3A_180, %dma_wait3A_181] : memref<3x80x128xf32, #tpu.memory_space<vmem>> -> memref<1x80x128xf32, #tpu.memory_space<vmem>>
      %dma_wait3A_183 = tpu.memref_squeeze %dma_wait3A_182 : memref<1x80x128xf32, #tpu.memory_space<vmem>> -> memref<80x128xf32, #tpu.memory_space<vmem>>
      %dma_wait3A_184 = arith.constant 0 : i32
      %dma_wait3A_185 = tpu.memref_slice %arg12[%add3A_134, %dma_wait3A_184] : memref<10240x128xf32, #tpu.memory_space<vmem_shared>> -> memref<80x128xf32, #tpu.memory_space<vmem_shared>>
      %dma_wait3A_186 = arith.constant 0 : i32
      %dma_wait3A_187 = tpu.memref_slice %arg12[%add3A_134, %dma_wait3A_186] : memref<10240x128xf32, #tpu.memory_space<vmem_shared>> -> memref<80x128xf32, #tpu.memory_space<vmem_shared>>
      %dma_wait3A_188 = arith.constant 0 : i32
      %dma_wait3A_189 = arith.constant 0 : i32
      %dma_wait3A_190 = tpu.memref_slice %arg8[%run_scoped3A_135, %dma_wait3A_188, %dma_wait3A_189] : memref<3x80x128xf32, #tpu.memory_space<vmem>> -> memref<1x80x128xf32, #tpu.memory_space<vmem>>
      %dma_wait3A_191 = tpu.memref_squeeze %dma_wait3A_190 : memref<1x80x128xf32, #tpu.memory_space<vmem>> -> memref<80x128xf32, #tpu.memory_space<vmem>>
      tpu.wait_dma2 semaphore(%run_scoped3A_167 : memref<!tpu.dma_semaphore, #tpu.memory_space<semaphore_mem>>) src(%dma_wait3A_191 : memref<80x128xf32, #tpu.memory_space<vmem>>) dst(%dma_wait3A_187 : memref<80x128xf32, #tpu.memory_space<vmem_shared>>)
      tpu.yield
    }) : () -> ()
    %add3A_136 = arith.constant 400 : i32
    %add3A_137 = arith.addi %mul3A_2, %add3A_136 : i32
    %run_scoped3A_138 = arith.constant 2 : i32
    "tpu.region"() ({
      %run_scoped3A_167 = tpu.sem_alloc : memref<!tpu.dma_semaphore, #tpu.memory_space<semaphore_mem>>
      %dma_start3A_168 = arith.constant 0 : i32
      %dma_start3A_169 = arith.constant 0 : i32
      %dma_start3A_170 = tpu.memref_slice %arg8[%run_scoped3A_138, %dma_start3A_168, %dma_start3A_169] : memref<3x80x128xf32, #tpu.memory_space<vmem>> -> memref<1x80x128xf32, #tpu.memory_space<vmem>>
      %dma_start3A_171 = tpu.memref_squeeze %dma_start3A_170 : memref<1x80x128xf32, #tpu.memory_space<vmem>> -> memref<80x128xf32, #tpu.memory_space<vmem>>
      %dma_start3A_172 = arith.constant 0 : i32
      %dma_start3A_173 = tpu.memref_slice %arg12[%add3A_137, %dma_start3A_172] : memref<10240x128xf32, #tpu.memory_space<vmem_shared>> -> memref<80x128xf32, #tpu.memory_space<vmem_shared>>
      %dma_start3A_174 = arith.constant 0 : i32
      %dma_start3A_175 = tpu.memref_slice %arg12[%add3A_137, %dma_start3A_174] : memref<10240x128xf32, #tpu.memory_space<vmem_shared>> -> memref<80x128xf32, #tpu.memory_space<vmem_shared>>
      %dma_start3A_176 = arith.constant 0 : i32
      %dma_start3A_177 = arith.constant 0 : i32
      %dma_start3A_178 = tpu.memref_slice %arg8[%run_scoped3A_138, %dma_start3A_176, %dma_start3A_177] : memref<3x80x128xf32, #tpu.memory_space<vmem>> -> memref<1x80x128xf32, #tpu.memory_space<vmem>>
      %dma_start3A_179 = tpu.memref_squeeze %dma_start3A_178 : memref<1x80x128xf32, #tpu.memory_space<vmem>> -> memref<80x128xf32, #tpu.memory_space<vmem>>
      tpu.enqueue_dma source(%dma_start3A_179 : memref<80x128xf32, #tpu.memory_space<vmem>>) target(%dma_start3A_175 : memref<80x128xf32, #tpu.memory_space<vmem_shared>>) target_semaphore(%run_scoped3A_167 : memref<!tpu.dma_semaphore, #tpu.memory_space<semaphore_mem>>)
      %dma_wait3A_180 = arith.constant 0 : i32
      %dma_wait3A_181 = arith.constant 0 : i32
      %dma_wait3A_182 = tpu.memref_slice %arg8[%run_scoped3A_138, %dma_wait3A_180, %dma_wait3A_181] : memref<3x80x128xf32, #tpu.memory_space<vmem>> -> memref<1x80x128xf32, #tpu.memory_space<vmem>>
      %dma_wait3A_183 = tpu.memref_squeeze %dma_wait3A_182 : memref<1x80x128xf32, #tpu.memory_space<vmem>> -> memref<80x128xf32, #tpu.memory_space<vmem>>
      %dma_wait3A_184 = arith.constant 0 : i32
      %dma_wait3A_185 = tpu.memref_slice %arg12[%add3A_137, %dma_wait3A_184] : memref<10240x128xf32, #tpu.memory_space<vmem_shared>> -> memref<80x128xf32, #tpu.memory_space<vmem_shared>>
      %dma_wait3A_186 = arith.constant 0 : i32
      %dma_wait3A_187 = tpu.memref_slice %arg12[%add3A_137, %dma_wait3A_186] : memref<10240x128xf32, #tpu.memory_space<vmem_shared>> -> memref<80x128xf32, #tpu.memory_space<vmem_shared>>
      %dma_wait3A_188 = arith.constant 0 : i32
      %dma_wait3A_189 = arith.constant 0 : i32
      %dma_wait3A_190 = tpu.memref_slice %arg8[%run_scoped3A_138, %dma_wait3A_188, %dma_wait3A_189] : memref<3x80x128xf32, #tpu.memory_space<vmem>> -> memref<1x80x128xf32, #tpu.memory_space<vmem>>
      %dma_wait3A_191 = tpu.memref_squeeze %dma_wait3A_190 : memref<1x80x128xf32, #tpu.memory_space<vmem>> -> memref<80x128xf32, #tpu.memory_space<vmem>>
      tpu.wait_dma2 semaphore(%run_scoped3A_167 : memref<!tpu.dma_semaphore, #tpu.memory_space<semaphore_mem>>) src(%dma_wait3A_191 : memref<80x128xf32, #tpu.memory_space<vmem>>) dst(%dma_wait3A_187 : memref<80x128xf32, #tpu.memory_space<vmem_shared>>)
      tpu.yield
    }) : () -> ()
    %add3A_139 = arith.constant 480 : i32
    %add3A_140 = arith.addi %mul3A_2, %add3A_139 : i32
    %run_scoped3A_141 = arith.constant 2 : i32
    "tpu.region"() ({
      %run_scoped3A_167 = tpu.sem_alloc : memref<!tpu.dma_semaphore, #tpu.memory_space<semaphore_mem>>
      %dma_start3A_168 = arith.constant 0 : i32
      %dma_start3A_169 = arith.constant 0 : i32
      %dma_start3A_170 = tpu.memref_slice %arg8[%run_scoped3A_141, %dma_start3A_168, %dma_start3A_169] : memref<3x80x128xf32, #tpu.memory_space<vmem>> -> memref<1x80x128xf32, #tpu.memory_space<vmem>>
      %dma_start3A_171 = tpu.memref_squeeze %dma_start3A_170 : memref<1x80x128xf32, #tpu.memory_space<vmem>> -> memref<80x128xf32, #tpu.memory_space<vmem>>
      %dma_start3A_172 = arith.constant 0 : i32
      %dma_start3A_173 = tpu.memref_slice %arg12[%add3A_140, %dma_start3A_172] : memref<10240x128xf32, #tpu.memory_space<vmem_shared>> -> memref<80x128xf32, #tpu.memory_space<vmem_shared>>
      %dma_start3A_174 = arith.constant 0 : i32
      %dma_start3A_175 = tpu.memref_slice %arg12[%add3A_140, %dma_start3A_174] : memref<10240x128xf32, #tpu.memory_space<vmem_shared>> -> memref<80x128xf32, #tpu.memory_space<vmem_shared>>
      %dma_start3A_176 = arith.constant 0 : i32
      %dma_start3A_177 = arith.constant 0 : i32
      %dma_start3A_178 = tpu.memref_slice %arg8[%run_scoped3A_141, %dma_start3A_176, %dma_start3A_177] : memref<3x80x128xf32, #tpu.memory_space<vmem>> -> memref<1x80x128xf32, #tpu.memory_space<vmem>>
      %dma_start3A_179 = tpu.memref_squeeze %dma_start3A_178 : memref<1x80x128xf32, #tpu.memory_space<vmem>> -> memref<80x128xf32, #tpu.memory_space<vmem>>
      tpu.enqueue_dma source(%dma_start3A_179 : memref<80x128xf32, #tpu.memory_space<vmem>>) target(%dma_start3A_175 : memref<80x128xf32, #tpu.memory_space<vmem_shared>>) target_semaphore(%run_scoped3A_167 : memref<!tpu.dma_semaphore, #tpu.memory_space<semaphore_mem>>)
      %dma_wait3A_180 = arith.constant 0 : i32
      %dma_wait3A_181 = arith.constant 0 : i32
      %dma_wait3A_182 = tpu.memref_slice %arg8[%run_scoped3A_141, %dma_wait3A_180, %dma_wait3A_181] : memref<3x80x128xf32, #tpu.memory_space<vmem>> -> memref<1x80x128xf32, #tpu.memory_space<vmem>>
      %dma_wait3A_183 = tpu.memref_squeeze %dma_wait3A_182 : memref<1x80x128xf32, #tpu.memory_space<vmem>> -> memref<80x128xf32, #tpu.memory_space<vmem>>
      %dma_wait3A_184 = arith.constant 0 : i32
      %dma_wait3A_185 = tpu.memref_slice %arg12[%add3A_140, %dma_wait3A_184] : memref<10240x128xf32, #tpu.memory_space<vmem_shared>> -> memref<80x128xf32, #tpu.memory_space<vmem_shared>>
      %dma_wait3A_186 = arith.constant 0 : i32
      %dma_wait3A_187 = tpu.memref_slice %arg12[%add3A_140, %dma_wait3A_186] : memref<10240x128xf32, #tpu.memory_space<vmem_shared>> -> memref<80x128xf32, #tpu.memory_space<vmem_shared>>
      %dma_wait3A_188 = arith.constant 0 : i32
      %dma_wait3A_189 = arith.constant 0 : i32
      %dma_wait3A_190 = tpu.memref_slice %arg8[%run_scoped3A_141, %dma_wait3A_188, %dma_wait3A_189] : memref<3x80x128xf32, #tpu.memory_space<vmem>> -> memref<1x80x128xf32, #tpu.memory_space<vmem>>
      %dma_wait3A_191 = tpu.memref_squeeze %dma_wait3A_190 : memref<1x80x128xf32, #tpu.memory_space<vmem>> -> memref<80x128xf32, #tpu.memory_space<vmem>>
      tpu.wait_dma2 semaphore(%run_scoped3A_167 : memref<!tpu.dma_semaphore, #tpu.memory_space<semaphore_mem>>) src(%dma_wait3A_191 : memref<80x128xf32, #tpu.memory_space<vmem>>) dst(%dma_wait3A_187 : memref<80x128xf32, #tpu.memory_space<vmem_shared>>)
      tpu.yield
    }) : () -> ()
    %add3A_142 = arith.constant 560 : i32
    %add3A_143 = arith.addi %mul3A_2, %add3A_142 : i32
    %run_scoped3A_144 = arith.constant 2 : i32
    "tpu.region"() ({
      %run_scoped3A_167 = tpu.sem_alloc : memref<!tpu.dma_semaphore, #tpu.memory_space<semaphore_mem>>
      %dma_start3A_168 = arith.constant 0 : i32
      %dma_start3A_169 = arith.constant 0 : i32
      %dma_start3A_170 = tpu.memref_slice %arg8[%run_scoped3A_144, %dma_start3A_168, %dma_start3A_169] : memref<3x80x128xf32, #tpu.memory_space<vmem>> -> memref<1x80x128xf32, #tpu.memory_space<vmem>>
      %dma_start3A_171 = tpu.memref_squeeze %dma_start3A_170 : memref<1x80x128xf32, #tpu.memory_space<vmem>> -> memref<80x128xf32, #tpu.memory_space<vmem>>
      %dma_start3A_172 = arith.constant 0 : i32
      %dma_start3A_173 = tpu.memref_slice %arg12[%add3A_143, %dma_start3A_172] : memref<10240x128xf32, #tpu.memory_space<vmem_shared>> -> memref<80x128xf32, #tpu.memory_space<vmem_shared>>
      %dma_start3A_174 = arith.constant 0 : i32
      %dma_start3A_175 = tpu.memref_slice %arg12[%add3A_143, %dma_start3A_174] : memref<10240x128xf32, #tpu.memory_space<vmem_shared>> -> memref<80x128xf32, #tpu.memory_space<vmem_shared>>
      %dma_start3A_176 = arith.constant 0 : i32
      %dma_start3A_177 = arith.constant 0 : i32
      %dma_start3A_178 = tpu.memref_slice %arg8[%run_scoped3A_144, %dma_start3A_176, %dma_start3A_177] : memref<3x80x128xf32, #tpu.memory_space<vmem>> -> memref<1x80x128xf32, #tpu.memory_space<vmem>>
      %dma_start3A_179 = tpu.memref_squeeze %dma_start3A_178 : memref<1x80x128xf32, #tpu.memory_space<vmem>> -> memref<80x128xf32, #tpu.memory_space<vmem>>
      tpu.enqueue_dma source(%dma_start3A_179 : memref<80x128xf32, #tpu.memory_space<vmem>>) target(%dma_start3A_175 : memref<80x128xf32, #tpu.memory_space<vmem_shared>>) target_semaphore(%run_scoped3A_167 : memref<!tpu.dma_semaphore, #tpu.memory_space<semaphore_mem>>)
      %dma_wait3A_180 = arith.constant 0 : i32
      %dma_wait3A_181 = arith.constant 0 : i32
      %dma_wait3A_182 = tpu.memref_slice %arg8[%run_scoped3A_144, %dma_wait3A_180, %dma_wait3A_181] : memref<3x80x128xf32, #tpu.memory_space<vmem>> -> memref<1x80x128xf32, #tpu.memory_space<vmem>>
      %dma_wait3A_183 = tpu.memref_squeeze %dma_wait3A_182 : memref<1x80x128xf32, #tpu.memory_space<vmem>> -> memref<80x128xf32, #tpu.memory_space<vmem>>
      %dma_wait3A_184 = arith.constant 0 : i32
      %dma_wait3A_185 = tpu.memref_slice %arg12[%add3A_143, %dma_wait3A_184] : memref<10240x128xf32, #tpu.memory_space<vmem_shared>> -> memref<80x128xf32, #tpu.memory_space<vmem_shared>>
      %dma_wait3A_186 = arith.constant 0 : i32
      %dma_wait3A_187 = tpu.memref_slice %arg12[%add3A_143, %dma_wait3A_186] : memref<10240x128xf32, #tpu.memory_space<vmem_shared>> -> memref<80x128xf32, #tpu.memory_space<vmem_shared>>
      %dma_wait3A_188 = arith.constant 0 : i32
      %dma_wait3A_189 = arith.constant 0 : i32
      %dma_wait3A_190 = tpu.memref_slice %arg8[%run_scoped3A_144, %dma_wait3A_188, %dma_wait3A_189] : memref<3x80x128xf32, #tpu.memory_space<vmem>> -> memref<1x80x128xf32, #tpu.memory_space<vmem>>
      %dma_wait3A_191 = tpu.memref_squeeze %dma_wait3A_190 : memref<1x80x128xf32, #tpu.memory_space<vmem>> -> memref<80x128xf32, #tpu.memory_space<vmem>>
      tpu.wait_dma2 semaphore(%run_scoped3A_167 : memref<!tpu.dma_semaphore, #tpu.memory_space<semaphore_mem>>) src(%dma_wait3A_191 : memref<80x128xf32, #tpu.memory_space<vmem>>) dst(%dma_wait3A_187 : memref<80x128xf32, #tpu.memory_space<vmem_shared>>)
      tpu.yield
    }) : () -> ()
    %barrier3A = arith.constant 0 : index
    tpu.barrier barrier_id(%barrier3A)
    %scan3A_145 = arith.constant 0 : i32
    %scan3A_146 = arith.constant 0 : i32
    %scan3A_147 = arith.constant 125 : i32
    %scan3A_148 = arith.addi %scan3A_146, %scan3A_147 : i32
    %scan3A_149 = arith.constant 1 : i32
    scf.for %scan3A_167 = %scan3A_146 to %scan3A_148 step %scan3A_149  : i32 {
      %rem3A = arith.constant 3 : i32
      %rem3A_168 = arith.remsi %scan3A_167, %rem3A : i32
      %dma_wait3A_169 = arith.constant 0 : i32
      %dma_wait3A_170 = arith.constant 0 : i32
      %dma_wait3A_171 = arith.constant 0 : i32
      %dma_wait3A_172 = tpu.memref_slice %arg8[%rem3A_168, %dma_wait3A_170, %dma_wait3A_171] : memref<3x80x128xf32, #tpu.memory_space<vmem>> -> memref<1x80x128xf32, #tpu.memory_space<vmem>>
      %dma_wait3A_173 = tpu.memref_squeeze %dma_wait3A_172 : memref<1x80x128xf32, #tpu.memory_space<vmem>> -> memref<80x128xf32, #tpu.memory_space<vmem>>
      %dma_wait3A_174 = arith.constant 0 : i32
      %dma_wait3A_175 = tpu.memref_slice %arg6[%dma_wait3A_169, %dma_wait3A_174] : memref<3x80xi32, #tpu.memory_space<vmem>> -> memref<1x80xi32, #tpu.memory_space<vmem>>
      %dma_wait3A_176 = tpu.memref_squeeze %dma_wait3A_175 : memref<1x80xi32, #tpu.memory_space<vmem>> -> memref<80xi32, #tpu.memory_space<vmem>>
      %dma_wait3A_177 = arith.constant 0 : i32
      %dma_wait3A_178 = arith.constant 0 : i32
      %dma_wait3A_179 = tpu.memref_slice %arg2[%dma_wait3A_177, %dma_wait3A_178] : memref<10000x128xf32, #tpu.memory_space<hbm>> -> memref<10000x128xf32, #tpu.memory_space<hbm>>
      %dma_wait3A_180 = tpu.memref_slice %arg9[%rem3A_168] : memref<3x!tpu.dma_semaphore, #tpu.memory_space<semaphore_mem>> -> memref<1x!tpu.dma_semaphore, #tpu.memory_space<semaphore_mem>>
      %dma_wait3A_181 = tpu.memref_squeeze %dma_wait3A_180 : memref<1x!tpu.dma_semaphore, #tpu.memory_space<semaphore_mem>> -> memref<!tpu.dma_semaphore, #tpu.memory_space<semaphore_mem>>
      tpu.wait_indirect_dma semaphore(%dma_wait3A_181 : memref<!tpu.dma_semaphore, #tpu.memory_space<semaphore_mem>>) src(%dma_wait3A_179 : memref<10000x128xf32, #tpu.memory_space<hbm>>) dst(%dma_wait3A_173 : memref<80x128xf32, #tpu.memory_space<vmem>>)
      %dma_start3A_182 = arith.constant 0 : i32
      %dma_start3A_183 = arith.constant 0 : i32
      %dma_start3A_184 = tpu.memref_slice %arg8[%rem3A_168, %dma_start3A_182, %dma_start3A_183] : memref<3x80x128xf32, #tpu.memory_space<vmem>> -> memref<1x80x128xf32, #tpu.memory_space<vmem>>
      %dma_start3A_185 = tpu.memref_squeeze %dma_start3A_184 : memref<1x80x128xf32, #tpu.memory_space<vmem>> -> memref<80x128xf32, #tpu.memory_space<vmem>>
      %dma_start3A_186 = arith.constant 0 : i32
      %dma_start3A_187 = tpu.memref_slice %arg7[%scan3A_167, %dma_start3A_186] : memref<125x80xi32, #tpu.memory_space<vmem>> -> memref<1x80xi32, #tpu.memory_space<vmem>>
      %dma_start3A_188 = tpu.memref_squeeze %dma_start3A_187 : memref<1x80xi32, #tpu.memory_space<vmem>> -> memref<80xi32, #tpu.memory_space<vmem>>
      %dma_start3A_189 = arith.constant 0 : i32
      %dma_start3A_190 = arith.constant 0 : i32
      %dma_start3A_191 = tpu.memref_slice %arg12[%dma_start3A_189, %dma_start3A_190] : memref<10240x128xf32, #tpu.memory_space<vmem_shared>> -> memref<10240x128xf32, #tpu.memory_space<vmem_shared>>
      %dma_start3A_192 = tpu.memref_slice %arg10[%rem3A_168] : memref<3x!tpu.dma_semaphore, #tpu.memory_space<semaphore_mem>> -> memref<1x!tpu.dma_semaphore, #tpu.memory_space<semaphore_mem>>
      %dma_start3A_193 = tpu.memref_squeeze %dma_start3A_192 : memref<1x!tpu.dma_semaphore, #tpu.memory_space<semaphore_mem>> -> memref<!tpu.dma_semaphore, #tpu.memory_space<semaphore_mem>>
      tpu.enqueue_indirect_dma source(%dma_start3A_185 : memref<80x128xf32, #tpu.memory_space<vmem>>) target(%dma_start3A_191 : memref<10240x128xf32, #tpu.memory_space<vmem_shared>>) offsets(%dma_start3A_188 : memref<80xi32, #tpu.memory_space<vmem>>) semaphore(%dma_start3A_193 : memref<!tpu.dma_semaphore, #tpu.memory_space<semaphore_mem>>) {add = true}
      %ge3A = arith.constant 1 : i32
      %ge3A_194 = arith.cmpi sge, %scan3A_167, %ge3A : i32
      %convert_element_type3A = arith.extui %ge3A_194 : i1 to i32
      %cond3A = arith.constant 0 : i32
      %cond3A_195 = arith.cmpi ne, %convert_element_type3A, %cond3A : i32
      scf.if %cond3A_195 {
        %add3A_205 = arith.constant 2 : i32
        %add3A_206 = arith.addi %scan3A_167, %add3A_205 : i32
        %rem3A_207 = arith.constant 3 : i32
        %rem3A_208 = arith.remsi %add3A_206, %rem3A_207 : i32
        %dma_wait3A_209 = arith.constant 0 : i32
        %dma_wait3A_210 = arith.constant 0 : i32
        %dma_wait3A_211 = arith.constant 0 : i32
        %dma_wait3A_212 = tpu.memref_slice %arg8[%rem3A_208, %dma_wait3A_210, %dma_wait3A_211] : memref<3x80x128xf32, #tpu.memory_space<vmem>> -> memref<1x80x128xf32, #tpu.memory_space<vmem>>
        %dma_wait3A_213 = tpu.memref_squeeze %dma_wait3A_212 : memref<1x80x128xf32, #tpu.memory_space<vmem>> -> memref<80x128xf32, #tpu.memory_space<vmem>>
        %dma_wait3A_214 = arith.constant 0 : i32
        %dma_wait3A_215 = tpu.memref_slice %arg7[%dma_wait3A_209, %dma_wait3A_214] : memref<125x80xi32, #tpu.memory_space<vmem>> -> memref<1x80xi32, #tpu.memory_space<vmem>>
        %dma_wait3A_216 = tpu.memref_squeeze %dma_wait3A_215 : memref<1x80xi32, #tpu.memory_space<vmem>> -> memref<80xi32, #tpu.memory_space<vmem>>
        %dma_wait3A_217 = arith.constant 0 : i32
        %dma_wait3A_218 = arith.constant 0 : i32
        %dma_wait3A_219 = tpu.memref_slice %arg12[%dma_wait3A_217, %dma_wait3A_218] : memref<10240x128xf32, #tpu.memory_space<vmem_shared>> -> memref<10240x128xf32, #tpu.memory_space<vmem_shared>>
        %dma_wait3A_220 = tpu.memref_slice %arg10[%rem3A_208] : memref<3x!tpu.dma_semaphore, #tpu.memory_space<semaphore_mem>> -> memref<1x!tpu.dma_semaphore, #tpu.memory_space<semaphore_mem>>
        %dma_wait3A_221 = tpu.memref_squeeze %dma_wait3A_220 : memref<1x!tpu.dma_semaphore, #tpu.memory_space<semaphore_mem>> -> memref<!tpu.dma_semaphore, #tpu.memory_space<semaphore_mem>>
        tpu.wait_indirect_dma semaphore(%dma_wait3A_221 : memref<!tpu.dma_semaphore, #tpu.memory_space<semaphore_mem>>) src(%dma_wait3A_213 : memref<80x128xf32, #tpu.memory_space<vmem>>) dst(%dma_wait3A_219 : memref<10240x128xf32, #tpu.memory_space<vmem_shared>>)
      } else {
      }
      %lt3A = arith.constant 122 : i32
      %lt3A_196 = arith.cmpi slt, %scan3A_167, %lt3A : i32
      %convert_element_type3A_197 = arith.extui %lt3A_196 : i1 to i32
      %cond3A_198 = arith.constant 0 : i32
      %cond3A_199 = arith.cmpi ne, %convert_element_type3A_197, %cond3A_198 : i32
      scf.if %cond3A_199 {
        %add3A_205 = arith.constant 3 : i32
        %add3A_206 = arith.addi %scan3A_167, %add3A_205 : i32
        %rem3A_207 = arith.constant 3 : i32
        %rem3A_208 = arith.remsi %add3A_206, %rem3A_207 : i32
        %add3A_209 = arith.constant 3 : i32
        %add3A_210 = arith.addi %scan3A_167, %add3A_209 : i32
        %dma_start3A_211 = arith.constant 0 : i32
        %dma_start3A_212 = tpu.memref_slice %arg6[%rem3A_208, %dma_start3A_211] : memref<3x80xi32, #tpu.memory_space<vmem>> -> memref<1x80xi32, #tpu.memory_space<vmem>>
        %dma_start3A_213 = tpu.memref_squeeze %dma_start3A_212 : memref<1x80xi32, #tpu.memory_space<vmem>> -> memref<80xi32, #tpu.memory_space<vmem>>
        %dma_start3A_214 = arith.constant 0 : i32
        %dma_start3A_215 = tpu.memref_slice %arg3[%add3A, %add3A_210, %dma_start3A_214] : memref<32x125x80xi32, #tpu.memory_space<hbm>> -> memref<1x1x80xi32, #tpu.memory_space<hbm>>
        %dma_start3A_216 = tpu.memref_squeeze %dma_start3A_215 : memref<1x1x80xi32, #tpu.memory_space<hbm>> -> memref<80xi32, #tpu.memory_space<hbm>>
        %dma_start3A_217 = tpu.memref_slice %arg11[%rem3A_208] : memref<3x!tpu.dma_semaphore, #tpu.memory_space<semaphore_mem>> -> memref<1x!tpu.dma_semaphore, #tpu.memory_space<semaphore_mem>>
        %dma_start3A_218 = tpu.memref_squeeze %dma_start3A_217 : memref<1x!tpu.dma_semaphore, #tpu.memory_space<semaphore_mem>> -> memref<!tpu.dma_semaphore, #tpu.memory_space<semaphore_mem>>
        %dma_start3A_219 = arith.constant 0 : i32
        %dma_start3A_220 = tpu.memref_slice %arg6[%rem3A_208, %dma_start3A_219] : memref<3x80xi32, #tpu.memory_space<vmem>> -> memref<1x80xi32, #tpu.memory_space<vmem>>
        %dma_start3A_221 = tpu.memref_squeeze %dma_start3A_220 : memref<1x80xi32, #tpu.memory_space<vmem>> -> memref<80xi32, #tpu.memory_space<vmem>>
        %dma_start3A_222 = arith.constant 0 : i32
        %dma_start3A_223 = tpu.memref_slice %arg3[%add3A, %add3A_210, %dma_start3A_222] : memref<32x125x80xi32, #tpu.memory_space<hbm>> -> memref<1x1x80xi32, #tpu.memory_space<hbm>>
        %dma_start3A_224 = tpu.memref_squeeze %dma_start3A_223 : memref<1x1x80xi32, #tpu.memory_space<hbm>> -> memref<80xi32, #tpu.memory_space<hbm>>
        tpu.enqueue_dma source(%dma_start3A_224 : memref<80xi32, #tpu.memory_space<hbm>>) target(%dma_start3A_221 : memref<80xi32, #tpu.memory_space<vmem>>) target_semaphore(%dma_start3A_218 : memref<!tpu.dma_semaphore, #tpu.memory_space<semaphore_mem>>)
      } else {
      }
      %lt3A_200 = arith.constant 123 : i32
      %lt3A_201 = arith.cmpi slt, %scan3A_167, %lt3A_200 : i32
      %convert_element_type3A_202 = arith.extui %lt3A_201 : i1 to i32
      %cond3A_203 = arith.constant 0 : i32
      %cond3A_204 = arith.cmpi ne, %convert_element_type3A_202, %cond3A_203 : i32
      scf.if %cond3A_204 {
        %add3A_205 = arith.constant 2 : i32
        %add3A_206 = arith.addi %scan3A_167, %add3A_205 : i32
        %rem3A_207 = arith.constant 3 : i32
        %rem3A_208 = arith.remsi %add3A_206, %rem3A_207 : i32
        %dma_wait3A_209 = arith.constant 0 : i32
        %dma_wait3A_210 = arith.constant 0 : i32
        %dma_wait3A_211 = tpu.memref_slice %arg6[%rem3A_208, %dma_wait3A_210] : memref<3x80xi32, #tpu.memory_space<vmem>> -> memref<1x80xi32, #tpu.memory_space<vmem>>
        %dma_wait3A_212 = tpu.memref_squeeze %dma_wait3A_211 : memref<1x80xi32, #tpu.memory_space<vmem>> -> memref<80xi32, #tpu.memory_space<vmem>>
        %dma_wait3A_213 = arith.constant 0 : i32
        %dma_wait3A_214 = tpu.memref_slice %arg3[%add3A, %dma_wait3A_209, %dma_wait3A_213] : memref<32x125x80xi32, #tpu.memory_space<hbm>> -> memref<1x1x80xi32, #tpu.memory_space<hbm>>
        %dma_wait3A_215 = tpu.memref_squeeze %dma_wait3A_214 : memref<1x1x80xi32, #tpu.memory_space<hbm>> -> memref<80xi32, #tpu.memory_space<hbm>>
        %dma_wait3A_216 = tpu.memref_slice %arg11[%rem3A_208] : memref<3x!tpu.dma_semaphore, #tpu.memory_space<semaphore_mem>> -> memref<1x!tpu.dma_semaphore, #tpu.memory_space<semaphore_mem>>
        %dma_wait3A_217 = tpu.memref_squeeze %dma_wait3A_216 : memref<1x!tpu.dma_semaphore, #tpu.memory_space<semaphore_mem>> -> memref<!tpu.dma_semaphore, #tpu.memory_space<semaphore_mem>>
        %dma_wait3A_218 = arith.constant 0 : i32
        %dma_wait3A_219 = tpu.memref_slice %arg6[%rem3A_208, %dma_wait3A_218] : memref<3x80xi32, #tpu.memory_space<vmem>> -> memref<1x80xi32, #tpu.memory_space<vmem>>
        %dma_wait3A_220 = tpu.memref_squeeze %dma_wait3A_219 : memref<1x80xi32, #tpu.memory_space<vmem>> -> memref<80xi32, #tpu.memory_space<vmem>>
        %dma_wait3A_221 = arith.constant 0 : i32
        %dma_wait3A_222 = tpu.memref_slice %arg3[%add3A, %dma_wait3A_209, %dma_wait3A_221] : memref<32x125x80xi32, #tpu.memory_space<hbm>> -> memref<1x1x80xi32, #tpu.memory_space<hbm>>
        %dma_wait3A_223 = tpu.memref_squeeze %dma_wait3A_222 : memref<1x1x80xi32, #tpu.memory_space<hbm>> -> memref<80xi32, #tpu.memory_space<hbm>>
        tpu.wait_dma2 semaphore(%dma_wait3A_217 : memref<!tpu.dma_semaphore, #tpu.memory_space<semaphore_mem>>) src(%dma_wait3A_223 : memref<80xi32, #tpu.memory_space<hbm>>) dst(%dma_wait3A_220 : memref<80xi32, #tpu.memory_space<vmem>>)
        %dma_start3A_224 = arith.constant 0 : i32
        %dma_start3A_225 = arith.constant 0 : i32
        %dma_start3A_226 = tpu.memref_slice %arg8[%rem3A_208, %dma_start3A_224, %dma_start3A_225] : memref<3x80x128xf32, #tpu.memory_space<vmem>> -> memref<1x80x128xf32, #tpu.memory_space<vmem>>
        %dma_start3A_227 = tpu.memref_squeeze %dma_start3A_226 : memref<1x80x128xf32, #tpu.memory_space<vmem>> -> memref<80x128xf32, #tpu.memory_space<vmem>>
        %dma_start3A_228 = arith.constant 0 : i32
        %dma_start3A_229 = tpu.memref_slice %arg6[%rem3A_208, %dma_start3A_228] : memref<3x80xi32, #tpu.memory_space<vmem>> -> memref<1x80xi32, #tpu.memory_space<vmem>>
        %dma_start3A_230 = tpu.memref_squeeze %dma_start3A_229 : memref<1x80xi32, #tpu.memory_space<vmem>> -> memref<80xi32, #tpu.memory_space<vmem>>
        %dma_start3A_231 = arith.constant 0 : i32
        %dma_start3A_232 = arith.constant 0 : i32
        %dma_start3A_233 = tpu.memref_slice %arg2[%dma_start3A_231, %dma_start3A_232] : memref<10000x128xf32, #tpu.memory_space<hbm>> -> memref<10000x128xf32, #tpu.memory_space<hbm>>
        %dma_start3A_234 = tpu.memref_slice %arg9[%rem3A_208] : memref<3x!tpu.dma_semaphore, #tpu.memory_space<semaphore_mem>> -> memref<1x!tpu.dma_semaphore, #tpu.memory_space<semaphore_mem>>
        %dma_start3A_235 = tpu.memref_squeeze %dma_start3A_234 : memref<1x!tpu.dma_semaphore, #tpu.memory_space<semaphore_mem>> -> memref<!tpu.dma_semaphore, #tpu.memory_space<semaphore_mem>>
        tpu.enqueue_indirect_dma source(%dma_start3A_233 : memref<10000x128xf32, #tpu.memory_space<hbm>>) target(%dma_start3A_227 : memref<80x128xf32, #tpu.memory_space<vmem>>) offsets(%dma_start3A_230 : memref<80xi32, #tpu.memory_space<vmem>>) semaphore(%dma_start3A_235 : memref<!tpu.dma_semaphore, #tpu.memory_space<semaphore_mem>>)
      } else {
      }
    }
    %scan3A_150 = arith.constant 125 : i32
    %dma_wait3A_151 = arith.constant 1 : i32
    %dma_wait3A_152 = arith.constant 0 : i32
    %dma_wait3A_153 = arith.constant 1 : i32
    %dma_wait3A_154 = arith.constant 0 : i32
    %dma_wait3A_155 = arith.constant 0 : i32
    %dma_wait3A_156 = tpu.memref_slice %arg8[%dma_wait3A_151, %dma_wait3A_154, %dma_wait3A_155] : memref<3x80x128xf32, #tpu.memory_space<vmem>> -> memref<1x80x128xf32, #tpu.memory_space<vmem>>
    %dma_wait3A_157 = tpu.memref_squeeze %dma_wait3A_156 : memref<1x80x128xf32, #tpu.memory_space<vmem>> -> memref<80x128xf32, #tpu.memory_space<vmem>>
    %dma_wait3A_158 = arith.constant 0 : i32
    %dma_wait3A_159 = tpu.memref_slice %arg7[%dma_wait3A_152, %dma_wait3A_158] : memref<125x80xi32, #tpu.memory_space<vmem>> -> memref<1x80xi32, #tpu.memory_space<vmem>>
    %dma_wait3A_160 = tpu.memref_squeeze %dma_wait3A_159 : memref<1x80xi32, #tpu.memory_space<vmem>> -> memref<80xi32, #tpu.memory_space<vmem>>
    %dma_wait3A_161 = arith.constant 0 : i32
    %dma_wait3A_162 = arith.constant 0 : i32
    %dma_wait3A_163 = tpu.memref_slice %arg12[%dma_wait3A_161, %dma_wait3A_162] : memref<10240x128xf32, #tpu.memory_space<vmem_shared>> -> memref<10240x128xf32, #tpu.memory_space<vmem_shared>>
    %dma_wait3A_164 = tpu.memref_slice %arg10[%dma_wait3A_153] : memref<3x!tpu.dma_semaphore, #tpu.memory_space<semaphore_mem>> -> memref<1x!tpu.dma_semaphore, #tpu.memory_space<semaphore_mem>>
    %dma_wait3A_165 = tpu.memref_squeeze %dma_wait3A_164 : memref<1x!tpu.dma_semaphore, #tpu.memory_space<semaphore_mem>> -> memref<!tpu.dma_semaphore, #tpu.memory_space<semaphore_mem>>
    tpu.wait_indirect_dma semaphore(%dma_wait3A_165 : memref<!tpu.dma_semaphore, #tpu.memory_space<semaphore_mem>>) src(%dma_wait3A_157 : memref<80x128xf32, #tpu.memory_space<vmem>>) dst(%dma_wait3A_163 : memref<10240x128xf32, #tpu.memory_space<vmem_shared>>)
    %barrier3A_166 = arith.constant 0 : index
    tpu.barrier barrier_id(%barrier3A_166)
    "tpu.region"() ({
      %run_scoped3A_167 = tpu.sem_alloc : memref<!tpu.dma_semaphore, #tpu.memory_space<semaphore_mem>>
      %dma_start3A_168 = arith.constant 0 : i32
      %dma_start3A_169 = tpu.memref_slice %arg5[%arg0, %mul3A_2, %dma_start3A_168] : memref<2x10240x128xf32, #tpu.memory_space<hbm>> -> memref<1x640x128xf32, #tpu.memory_space<hbm>>
      %dma_start3A_170 = tpu.memref_squeeze %dma_start3A_169 : memref<1x640x128xf32, #tpu.memory_space<hbm>> -> memref<640x128xf32, #tpu.memory_space<hbm>>
      %dma_start3A_171 = arith.constant 0 : i32
      %dma_start3A_172 = tpu.memref_slice %arg12[%mul3A_2, %dma_start3A_171] : memref<10240x128xf32, #tpu.memory_space<vmem_shared>> -> memref<640x128xf32, #tpu.memory_space<vmem_shared>>
      tpu.enqueue_dma source(%dma_start3A_172 : memref<640x128xf32, #tpu.memory_space<vmem_shared>>) target(%dma_start3A_170 : memref<640x128xf32, #tpu.memory_space<hbm>>) target_semaphore(%run_scoped3A_167 : memref<!tpu.dma_semaphore, #tpu.memory_space<semaphore_mem>>)
      %dma_wait3A_173 = arith.constant 0 : i32
      %dma_wait3A_174 = tpu.memref_slice %arg5[%arg0, %mul3A_2, %dma_wait3A_173] : memref<2x10240x128xf32, #tpu.memory_space<hbm>> -> memref<1x640x128xf32, #tpu.memory_space<hbm>>
      %dma_wait3A_175 = tpu.memref_squeeze %dma_wait3A_174 : memref<1x640x128xf32, #tpu.memory_space<hbm>> -> memref<640x128xf32, #tpu.memory_space<hbm>>
      %dma_wait3A_176 = arith.constant 0 : i32
      %dma_wait3A_177 = tpu.memref_slice %arg12[%mul3A_2, %dma_wait3A_176] : memref<10240x128xf32, #tpu.memory_space<vmem_shared>> -> memref<640x128xf32, #tpu.memory_space<vmem_shared>>
      tpu.wait_dma2 semaphore(%run_scoped3A_167 : memref<!tpu.dma_semaphore, #tpu.memory_space<semaphore_mem>>) src(%dma_wait3A_177 : memref<640x128xf32, #tpu.memory_space<vmem_shared>>) dst(%dma_wait3A_175 : memref<640x128xf32, #tpu.memory_space<hbm>>)
      tpu.yield
    }) : () -> ()
    return
  }
}

module attributes {stable_mosaic.version = 14 : i64} {
  func.func @_proj_body(%arg0: i32, %arg1: memref<5000x128xf32, #tpu.memory_space<vmem>>, %arg2: memref<128x128xf32, #tpu.memory_space<vmem>>, %arg3: memref<1x128xf32, #tpu.memory_space<vmem>>, %arg4: memref<128x128xf32, #tpu.memory_space<vmem>>, %arg5: memref<128x128xf32, #tpu.memory_space<vmem>>, %arg6: memref<1x128xf32, #tpu.memory_space<vmem>>, %arg7: memref<1x5000x128xf32, #tpu.memory_space<vmem>>, %arg8: memref<1x5000x128xf32, #tpu.memory_space<vmem>>, %arg9: memref<5000x128xf32, #tpu.memory_space<vmem>>, %arg10: memref<5000x128xf32, #tpu.memory_space<vmem>>, %arg11: memref<5000x1xf32, #tpu.memory_space<vmem>>) attributes {dimension_semantics = [#tpu.dimension_semantics<arbitrary>], iteration_bounds = array<i64: 2>, scalar_prefetch = 0 : i64, scratch_operands = 0 : i64, tpu.core_type = #tpu.core_type<tc>, window_params = [{transform_indices = @transform_0, window_bounds = array<i64: 5000, 128>}, {pipeline_mode = #tpu.pipeline_mode<synchronous>, transform_indices = @transform_1, window_bounds = array<i64: 128, 128>}, {pipeline_mode = #tpu.pipeline_mode<synchronous>, transform_indices = @transform_2, window_bounds = array<i64: 1, 128>}, {pipeline_mode = #tpu.pipeline_mode<synchronous>, transform_indices = @transform_3, window_bounds = array<i64: 128, 128>}, {pipeline_mode = #tpu.pipeline_mode<synchronous>, transform_indices = @transform_4, window_bounds = array<i64: 128, 128>}, {pipeline_mode = #tpu.pipeline_mode<synchronous>, transform_indices = @transform_5, window_bounds = array<i64: 1, 128>}, {transform_indices = @transform_6, window_bounds = array<i64: 1, 5000, 128>}, {transform_indices = @transform_7, window_bounds = array<i64: 1, 5000, 128>}, {transform_indices = @transform_8, window_bounds = array<i64: 5000, 128>}, {transform_indices = @transform_9, window_bounds = array<i64: 5000, 128>}, {transform_indices = @transform_10, window_bounds = array<i64: 5000, 1>}]} {
    %get3A = arith.constant 0 : index
    %get3A_0 = arith.constant 0 : index
    %get3A_1 = vector.load %arg1[%get3A, %get3A_0] : memref<5000x128xf32, #tpu.memory_space<vmem>>, vector<5000x128xf32>
    %get3A_2 = arith.constant 0 : index
    %get3A_3 = arith.constant 0 : index
    %get3A_4 = vector.load %arg2[%get3A_2, %get3A_3] : memref<128x128xf32, #tpu.memory_space<vmem>>, vector<128x128xf32>
    %dot_general3A = arith.constant dense<0.000000e+00> : vector<5000x128xf32>
    %dot_general3A_5 = tpu.matmul %get3A_1, %get3A_4, %dot_general3A {dimension_numbers = #tpu.dot_dimension_numbers<[1], [0], [0], [1], [0, 0, 1, 1], [], []>, transpose_lhs_hint = false} : vector<5000x128xf32>, vector<128x128xf32>, vector<5000x128xf32> -> vector<5000x128xf32>
    %get3A_6 = arith.constant 0 : index
    %get3A_7 = arith.constant 0 : index
    %get3A_8 = vector.load %arg3[%get3A_6, %get3A_7] : memref<1x128xf32, #tpu.memory_space<vmem>>, vector<1x128xf32>
    %add3A = vector.broadcast %get3A_8 : vector<1x128xf32> to vector<5000x128xf32>
    %add3A_9 = arith.addf %dot_general3A_5, %add3A : vector<5000x128xf32>
    %get3A_10 = arith.constant 0 : index
    %get3A_11 = arith.constant 0 : index
    %get3A_12 = vector.load %arg4[%get3A_10, %get3A_11] : memref<128x128xf32, #tpu.memory_space<vmem>>, vector<128x128xf32>
    %dot_general3A_13 = arith.constant dense<0.000000e+00> : vector<5000x128xf32>
    %dot_general3A_14 = tpu.matmul %add3A_9, %get3A_12, %dot_general3A_13 {dimension_numbers = #tpu.dot_dimension_numbers<[1], [0], [0], [1], [0, 0, 1, 1], [], []>, transpose_lhs_hint = false} : vector<5000x128xf32>, vector<128x128xf32>, vector<5000x128xf32> -> vector<5000x128xf32>
    %swap3A = arith.constant 0 : index
    %swap3A_15 = arith.constant 0 : index
    %swap3A_16 = vector.load %arg9[%swap3A, %swap3A_15] : memref<5000x128xf32, #tpu.memory_space<vmem>>, vector<5000x128xf32>
    tpu.vector_store %arg9[%swap3A, %swap3A_15], %dot_general3A_14 {strides = array<i32>} : memref<5000x128xf32, #tpu.memory_space<vmem>>, vector<5000x128xf32>,
    %get3A_17 = arith.constant 0 : index
    %get3A_18 = arith.constant 0 : index
    %get3A_19 = vector.load %arg5[%get3A_17, %get3A_18] : memref<128x128xf32, #tpu.memory_space<vmem>>, vector<128x128xf32>
    %dot_general3A_20 = arith.constant dense<0.000000e+00> : vector<5000x128xf32>
    %dot_general3A_21 = tpu.matmul %add3A_9, %get3A_19, %dot_general3A_20 {dimension_numbers = #tpu.dot_dimension_numbers<[1], [0], [0], [1], [0, 0, 1, 1], [], []>, transpose_lhs_hint = false} : vector<5000x128xf32>, vector<128x128xf32>, vector<5000x128xf32> -> vector<5000x128xf32>
    %get3A_22 = arith.constant 0 : index
    %get3A_23 = arith.constant 0 : index
    %get3A_24 = vector.load %arg6[%get3A_22, %get3A_23] : memref<1x128xf32, #tpu.memory_space<vmem>>, vector<1x128xf32>
    %add3A_25 = vector.broadcast %get3A_24 : vector<1x128xf32> to vector<5000x128xf32>
    %add3A_26 = arith.addf %dot_general3A_21, %add3A_25 : vector<5000x128xf32>
    %swap3A_27 = arith.constant 0 : index
    %swap3A_28 = arith.constant 0 : index
    %swap3A_29 = vector.load %arg10[%swap3A_27, %swap3A_28] : memref<5000x128xf32, #tpu.memory_space<vmem>>, vector<5000x128xf32>
    tpu.vector_store %arg10[%swap3A_27, %swap3A_28], %add3A_26 {strides = array<i32>} : memref<5000x128xf32, #tpu.memory_space<vmem>>, vector<5000x128xf32>,
    %get3A_30 = arith.constant 0 : index
    %get3A_31 = arith.constant 0 : index
    %get3A_32 = arith.constant 0 : index
    %get3A_33 = vector.load %arg7[%get3A_30, %get3A_31, %get3A_32] : memref<1x5000x128xf32, #tpu.memory_space<vmem>>, vector<1x5000x128xf32>
    %get3A_34 = vector.shape_cast %get3A_33 : vector<1x5000x128xf32> to vector<5000x128xf32>
    %get3A_35 = arith.constant 0 : index
    %get3A_36 = arith.constant 0 : index
    %get3A_37 = arith.constant 0 : index
    %get3A_38 = vector.load %arg8[%get3A_35, %get3A_36, %get3A_37] : memref<1x5000x128xf32, #tpu.memory_space<vmem>>, vector<1x5000x128xf32>
    %get3A_39 = vector.shape_cast %get3A_38 : vector<1x5000x128xf32> to vector<5000x128xf32>
    %add3A_40 = arith.addf %get3A_34, %get3A_39 : vector<5000x128xf32>
    %reduce_max3A = arith.constant dense<0xFF800000> : vector<5000xf32>
    %reduce_max3A_41 = vector.multi_reduction <maximumf>, %add3A_40, %reduce_max3A [1] : vector<5000x128xf32> to vector<5000xf32>
    %broadcast_in_dim3A = vector.shape_cast %reduce_max3A_41 : vector<5000xf32> to vector<5000x1xf32>
    %max3A = arith.constant 1.000000e+00 : f32
    %max3A_42 = vector.broadcast %max3A : f32 to vector<5000x1xf32>
    %max3A_43 = arith.maximumf %broadcast_in_dim3A, %max3A_42 : vector<5000x1xf32>
    %div3A = arith.constant 1.000000e+00 : f32
    %div3A_44 = vector.broadcast %div3A : f32 to vector<5000x1xf32>
    %div3A_45 = arith.divf %div3A_44, %max3A_43 : vector<5000x1xf32>
    %swap3A_46 = arith.constant 0 : index
    %swap3A_47 = arith.constant 0 : index
    %swap3A_48 = vector.load %arg11[%swap3A_46, %swap3A_47] : memref<5000x1xf32, #tpu.memory_space<vmem>>, vector<5000x1xf32>
    tpu.vector_store %arg11[%swap3A_46, %swap3A_47], %div3A_45 {strides = array<i32>} : memref<5000x1xf32, #tpu.memory_space<vmem>>, vector<5000x1xf32>,
    return
  }
  func.func @transform_0(%arg0: i32) -> (i32, i32) {
    %c0_i32 = arith.constant 0 : i32
    %c0_i32_0 = arith.constant 0 : i32
    return %arg0, %c0_i32 : i32, i32
  }
  func.func @transform_1(%arg0: i32) -> (i32, i32) {
    %c0_i32 = arith.constant 0 : i32
    %c0_i32_0 = arith.constant 0 : i32
    %c0_i32_1 = arith.constant 0 : i32
    return %c0_i32, %c0_i32_0 : i32, i32
  }
  func.func @transform_2(%arg0: i32) -> (i32, i32) {
    %c0_i32 = arith.constant 0 : i32
    %c0_i32_0 = arith.constant 0 : i32
    %c0_i32_1 = arith.constant 0 : i32
    return %c0_i32, %c0_i32_0 : i32, i32
  }
  func.func @transform_3(%arg0: i32) -> (i32, i32) {
    %c0_i32 = arith.constant 0 : i32
    %c0_i32_0 = arith.constant 0 : i32
    %c0_i32_1 = arith.constant 0 : i32
    return %c0_i32, %c0_i32_0 : i32, i32
  }
  func.func @transform_4(%arg0: i32) -> (i32, i32) {
    %c0_i32 = arith.constant 0 : i32
    %c0_i32_0 = arith.constant 0 : i32
    %c0_i32_1 = arith.constant 0 : i32
    return %c0_i32, %c0_i32_0 : i32, i32
  }
  func.func @transform_5(%arg0: i32) -> (i32, i32) {
    %c0_i32 = arith.constant 0 : i32
    %c0_i32_0 = arith.constant 0 : i32
    %c0_i32_1 = arith.constant 0 : i32
    return %c0_i32, %c0_i32_0 : i32, i32
  }
  func.func @transform_6(%arg0: i32) -> (i32, i32, i32) {
    %c0_i32 = arith.constant 0 : i32
    %c0_i32_0 = arith.constant 0 : i32
    %c0_i32_1 = arith.constant 0 : i32
    return %c0_i32, %arg0, %c0_i32_0 : i32, i32, i32
  }
  func.func @transform_7(%arg0: i32) -> (i32, i32, i32) {
    %c1_i32 = arith.constant 1 : i32
    %c0_i32 = arith.constant 0 : i32
    %c0_i32_0 = arith.constant 0 : i32
    return %c1_i32, %arg0, %c0_i32 : i32, i32, i32
  }
  func.func @transform_8(%arg0: i32) -> (i32, i32) {
    %c0_i32 = arith.constant 0 : i32
    %c0_i32_0 = arith.constant 0 : i32
    return %arg0, %c0_i32 : i32, i32
  }
  func.func @transform_9(%arg0: i32) -> (i32, i32) {
    %c0_i32 = arith.constant 0 : i32
    %c0_i32_0 = arith.constant 0 : i32
    return %arg0, %c0_i32 : i32, i32
  }
  func.func @transform_10(%arg0: i32) -> (i32, i32) {
    %c0_i32 = arith.constant 0 : i32
    %c0_i32_0 = arith.constant 0 : i32
    return %arg0, %c0_i32 : i32, i32
  }
}

module attributes {stable_mosaic.version = 14 : i64} {
  func.func @_combine_body(%arg0: i32, %arg1: memref<1x5000x128xf32, #tpu.memory_space<vmem>>, %arg2: memref<1x5000x128xf32, #tpu.memory_space<vmem>>, %arg3: memref<5000x1xf32, #tpu.memory_space<vmem>>, %arg4: memref<5000x128xf32, #tpu.memory_space<vmem>>, %arg5: memref<128x128xf32, #tpu.memory_space<vmem>>, %arg6: memref<128x128xf32, #tpu.memory_space<vmem>>, %arg7: memref<1x128xf32, #tpu.memory_space<vmem>>, %arg8: memref<5000x128xf32, #tpu.memory_space<vmem>>, %arg9: memref<5000x128xf32, #tpu.memory_space<vmem>>) attributes {dimension_semantics = [#tpu.dimension_semantics<arbitrary>], iteration_bounds = array<i64: 2>, scalar_prefetch = 0 : i64, scratch_operands = 0 : i64, tpu.core_type = #tpu.core_type<tc>, window_params = [{transform_indices = @transform_0, window_bounds = array<i64: 1, 5000, 128>}, {transform_indices = @transform_1, window_bounds = array<i64: 1, 5000, 128>}, {transform_indices = @transform_2, window_bounds = array<i64: 5000, 1>}, {transform_indices = @transform_3, window_bounds = array<i64: 5000, 128>}, {pipeline_mode = #tpu.pipeline_mode<synchronous>, transform_indices = @transform_4, window_bounds = array<i64: 128, 128>}, {pipeline_mode = #tpu.pipeline_mode<synchronous>, transform_indices = @transform_5, window_bounds = array<i64: 128, 128>}, {pipeline_mode = #tpu.pipeline_mode<synchronous>, transform_indices = @transform_6, window_bounds = array<i64: 1, 128>}, {transform_indices = @transform_7, window_bounds = array<i64: 5000, 128>}, {transform_indices = @transform_8, window_bounds = array<i64: 5000, 128>}]} {
    %get3A = arith.constant 0 : index
    %get3A_0 = arith.constant 0 : index
    %get3A_1 = vector.load %arg4[%get3A, %get3A_0] : memref<5000x128xf32, #tpu.memory_space<vmem>>, vector<5000x128xf32>
    %get3A_2 = arith.constant 0 : index
    %get3A_3 = arith.constant 0 : index
    %get3A_4 = arith.constant 0 : index
    %get3A_5 = vector.load %arg1[%get3A_2, %get3A_3, %get3A_4] : memref<1x5000x128xf32, #tpu.memory_space<vmem>>, vector<1x5000x128xf32>
    %get3A_6 = vector.shape_cast %get3A_5 : vector<1x5000x128xf32> to vector<5000x128xf32>
    %get3A_7 = arith.constant 0 : index
    %get3A_8 = arith.constant 0 : index
    %get3A_9 = arith.constant 0 : index
    %get3A_10 = vector.load %arg2[%get3A_7, %get3A_8, %get3A_9] : memref<1x5000x128xf32, #tpu.memory_space<vmem>>, vector<1x5000x128xf32>
    %get3A_11 = vector.shape_cast %get3A_10 : vector<1x5000x128xf32> to vector<5000x128xf32>
    %add3A = arith.addf %get3A_6, %get3A_11 : vector<5000x128xf32>
    %get3A_12 = arith.constant 0 : index
    %get3A_13 = arith.constant 0 : index
    %get3A_14 = vector.load %arg3[%get3A_12, %get3A_13] : memref<5000x1xf32, #tpu.memory_space<vmem>>, vector<5000x1xf32>
    %mul3A = vector.broadcast %get3A_14 : vector<5000x1xf32> to vector<5000x128xf32>
    %mul3A_15 = arith.mulf %add3A, %mul3A : vector<5000x128xf32>
    %add3A_16 = arith.addf %get3A_1, %mul3A_15 : vector<5000x128xf32>
    %max3A = arith.constant 0.000000e+00 : f32
    %max3A_17 = vector.broadcast %max3A : f32 to vector<5000x128xf32>
    %max3A_18 = arith.maximumf %add3A_16, %max3A_17 : vector<5000x128xf32>
    %get3A_19 = arith.constant 0 : index
    %get3A_20 = arith.constant 0 : index
    %get3A_21 = vector.load %arg5[%get3A_19, %get3A_20] : memref<128x128xf32, #tpu.memory_space<vmem>>, vector<128x128xf32>
    %dot_general3A = arith.constant dense<0.000000e+00> : vector<5000x128xf32>
    %dot_general3A_22 = tpu.matmul %max3A_18, %get3A_21, %dot_general3A {dimension_numbers = #tpu.dot_dimension_numbers<[1], [0], [0], [1], [0, 0, 1, 1], [], []>, transpose_lhs_hint = false} : vector<5000x128xf32>, vector<128x128xf32>, vector<5000x128xf32> -> vector<5000x128xf32>
    %swap3A = arith.constant 0 : index
    %swap3A_23 = arith.constant 0 : index
    %swap3A_24 = vector.load %arg8[%swap3A, %swap3A_23] : memref<5000x128xf32, #tpu.memory_space<vmem>>, vector<5000x128xf32>
    tpu.vector_store %arg8[%swap3A, %swap3A_23], %dot_general3A_22 {strides = array<i32>} : memref<5000x128xf32, #tpu.memory_space<vmem>>, vector<5000x128xf32>,
    %get3A_25 = arith.constant 0 : index
    %get3A_26 = arith.constant 0 : index
    %get3A_27 = vector.load %arg6[%get3A_25, %get3A_26] : memref<128x128xf32, #tpu.memory_space<vmem>>, vector<128x128xf32>
    %dot_general3A_28 = arith.constant dense<0.000000e+00> : vector<5000x128xf32>
    %dot_general3A_29 = tpu.matmul %max3A_18, %get3A_27, %dot_general3A_28 {dimension_numbers = #tpu.dot_dimension_numbers<[1], [0], [0], [1], [0, 0, 1, 1], [], []>, transpose_lhs_hint = false} : vector<5000x128xf32>, vector<128x128xf32>, vector<5000x128xf32> -> vector<5000x128xf32>
    %get3A_30 = arith.constant 0 : index
    %get3A_31 = arith.constant 0 : index
    %get3A_32 = vector.load %arg7[%get3A_30, %get3A_31] : memref<1x128xf32, #tpu.memory_space<vmem>>, vector<1x128xf32>
    %add3A_33 = vector.broadcast %get3A_32 : vector<1x128xf32> to vector<5000x128xf32>
    %add3A_34 = arith.addf %dot_general3A_29, %add3A_33 : vector<5000x128xf32>
    %swap3A_35 = arith.constant 0 : index
    %swap3A_36 = arith.constant 0 : index
    %swap3A_37 = vector.load %arg9[%swap3A_35, %swap3A_36] : memref<5000x128xf32, #tpu.memory_space<vmem>>, vector<5000x128xf32>
    tpu.vector_store %arg9[%swap3A_35, %swap3A_36], %add3A_34 {strides = array<i32>} : memref<5000x128xf32, #tpu.memory_space<vmem>>, vector<5000x128xf32>,
    return
  }
  func.func @transform_0(%arg0: i32) -> (i32, i32, i32) {
    %c0_i32 = arith.constant 0 : i32
    %c0_i32_0 = arith.constant 0 : i32
    %c0_i32_1 = arith.constant 0 : i32
    return %c0_i32, %arg0, %c0_i32_0 : i32, i32, i32
  }
  func.func @transform_1(%arg0: i32) -> (i32, i32, i32) {
    %c1_i32 = arith.constant 1 : i32
    %c0_i32 = arith.constant 0 : i32
    %c0_i32_0 = arith.constant 0 : i32
    return %c1_i32, %arg0, %c0_i32 : i32, i32, i32
  }
  func.func @transform_2(%arg0: i32) -> (i32, i32) {
    %c0_i32 = arith.constant 0 : i32
    %c0_i32_0 = arith.constant 0 : i32
    return %arg0, %c0_i32 : i32, i32
  }
  func.func @transform_3(%arg0: i32) -> (i32, i32) {
    %c0_i32 = arith.constant 0 : i32
    %c0_i32_0 = arith.constant 0 : i32
    return %arg0, %c0_i32 : i32, i32
  }
  func.func @transform_4(%arg0: i32) -> (i32, i32) {
    %c0_i32 = arith.constant 0 : i32
    %c0_i32_0 = arith.constant 0 : i32
    %c0_i32_1 = arith.constant 0 : i32
    return %c0_i32, %c0_i32_0 : i32, i32
  }
  func.func @transform_5(%arg0: i32) -> (i32, i32) {
    %c0_i32 = arith.constant 0 : i32
    %c0_i32_0 = arith.constant 0 : i32
    %c0_i32_1 = arith.constant 0 : i32
    return %c0_i32, %c0_i32_0 : i32, i32
  }
  func.func @transform_6(%arg0: i32) -> (i32, i32) {
    %c0_i32 = arith.constant 0 : i32
    %c0_i32_0 = arith.constant 0 : i32
    %c0_i32_1 = arith.constant 0 : i32
    return %c0_i32, %c0_i32_0 : i32, i32
  }
  func.func @transform_7(%arg0: i32) -> (i32, i32) {
    %c0_i32 = arith.constant 0 : i32
    %c0_i32_0 = arith.constant 0 : i32
    return %arg0, %c0_i32 : i32, i32
  }
  func.func @transform_8(%arg0: i32) -> (i32, i32) {
    %c0_i32 = arith.constant 0 : i32
    %c0_i32_0 = arith.constant 0 : i32
    return %arg0, %c0_i32 : i32, i32
  }
}

module attributes {stable_mosaic.version = 14 : i64} {
  func.func @_final_body(%arg0: i32, %arg1: memref<1x5000x128xf32, #tpu.memory_space<vmem>>, %arg2: memref<1x5000x128xf32, #tpu.memory_space<vmem>>, %arg3: memref<5000x1xf32, #tpu.memory_space<vmem>>, %arg4: memref<5000x128xf32, #tpu.memory_space<vmem>>, %arg5: memref<128x128xf32, #tpu.memory_space<vmem>>, %arg6: memref<1x128xf32, #tpu.memory_space<vmem>>, %arg7: memref<5000x128xf32, #tpu.memory_space<vmem>>) attributes {dimension_semantics = [#tpu.dimension_semantics<arbitrary>], iteration_bounds = array<i64: 2>, scalar_prefetch = 0 : i64, scratch_operands = 0 : i64, tpu.core_type = #tpu.core_type<tc>, window_params = [{transform_indices = @transform_0, window_bounds = array<i64: 1, 5000, 128>}, {transform_indices = @transform_1, window_bounds = array<i64: 1, 5000, 128>}, {transform_indices = @transform_2, window_bounds = array<i64: 5000, 1>}, {transform_indices = @transform_3, window_bounds = array<i64: 5000, 128>}, {pipeline_mode = #tpu.pipeline_mode<synchronous>, transform_indices = @transform_4, window_bounds = array<i64: 128, 128>}, {pipeline_mode = #tpu.pipeline_mode<synchronous>, transform_indices = @transform_5, window_bounds = array<i64: 1, 128>}, {transform_indices = @transform_6, window_bounds = array<i64: 5000, 128>}]} {
    %get3A = arith.constant 0 : index
    %get3A_0 = arith.constant 0 : index
    %get3A_1 = vector.load %arg4[%get3A, %get3A_0] : memref<5000x128xf32, #tpu.memory_space<vmem>>, vector<5000x128xf32>
    %get3A_2 = arith.constant 0 : index
    %get3A_3 = arith.constant 0 : index
    %get3A_4 = arith.constant 0 : index
    %get3A_5 = vector.load %arg1[%get3A_2, %get3A_3, %get3A_4] : memref<1x5000x128xf32, #tpu.memory_space<vmem>>, vector<1x5000x128xf32>
    %get3A_6 = vector.shape_cast %get3A_5 : vector<1x5000x128xf32> to vector<5000x128xf32>
    %get3A_7 = arith.constant 0 : index
    %get3A_8 = arith.constant 0 : index
    %get3A_9 = arith.constant 0 : index
    %get3A_10 = vector.load %arg2[%get3A_7, %get3A_8, %get3A_9] : memref<1x5000x128xf32, #tpu.memory_space<vmem>>, vector<1x5000x128xf32>
    %get3A_11 = vector.shape_cast %get3A_10 : vector<1x5000x128xf32> to vector<5000x128xf32>
    %add3A = arith.addf %get3A_6, %get3A_11 : vector<5000x128xf32>
    %get3A_12 = arith.constant 0 : index
    %get3A_13 = arith.constant 0 : index
    %get3A_14 = vector.load %arg3[%get3A_12, %get3A_13] : memref<5000x1xf32, #tpu.memory_space<vmem>>, vector<5000x1xf32>
    %mul3A = vector.broadcast %get3A_14 : vector<5000x1xf32> to vector<5000x128xf32>
    %mul3A_15 = arith.mulf %add3A, %mul3A : vector<5000x128xf32>
    %add3A_16 = arith.addf %get3A_1, %mul3A_15 : vector<5000x128xf32>
    %max3A = arith.constant 0.000000e+00 : f32
    %max3A_17 = vector.broadcast %max3A : f32 to vector<5000x128xf32>
    %max3A_18 = arith.maximumf %add3A_16, %max3A_17 : vector<5000x128xf32>
    %get3A_19 = arith.constant 0 : index
    %get3A_20 = arith.constant 0 : index
    %get3A_21 = vector.load %arg5[%get3A_19, %get3A_20] : memref<128x128xf32, #tpu.memory_space<vmem>>, vector<128x128xf32>
    %dot_general3A = arith.constant dense<0.000000e+00> : vector<5000x128xf32>
    %dot_general3A_22 = tpu.matmul %max3A_18, %get3A_21, %dot_general3A {dimension_numbers = #tpu.dot_dimension_numbers<[1], [0], [0], [1], [0, 0, 1, 1], [], []>, transpose_lhs_hint = false} : vector<5000x128xf32>, vector<128x128xf32>, vector<5000x128xf32> -> vector<5000x128xf32>
    %get3A_23 = arith.constant 0 : index
    %get3A_24 = arith.constant 0 : index
    %get3A_25 = vector.load %arg6[%get3A_23, %get3A_24] : memref<1x128xf32, #tpu.memory_space<vmem>>, vector<1x128xf32>
    %add3A_26 = vector.broadcast %get3A_25 : vector<1x128xf32> to vector<5000x128xf32>
    %add3A_27 = arith.addf %dot_general3A_22, %add3A_26 : vector<5000x128xf32>
    %swap3A = arith.constant 0 : index
    %swap3A_28 = arith.constant 0 : index
    %swap3A_29 = vector.load %arg7[%swap3A, %swap3A_28] : memref<5000x128xf32, #tpu.memory_space<vmem>>, vector<5000x128xf32>
    tpu.vector_store %arg7[%swap3A, %swap3A_28], %add3A_27 {strides = array<i32>} : memref<5000x128xf32, #tpu.memory_space<vmem>>, vector<5000x128xf32>,
    return
  }
  func.func @transform_0(%arg0: i32) -> (i32, i32, i32) {
    %c0_i32 = arith.constant 0 : i32
    %c0_i32_0 = arith.constant 0 : i32
    %c0_i32_1 = arith.constant 0 : i32
    return %c0_i32, %arg0, %c0_i32_0 : i32, i32, i32
  }
  func.func @transform_1(%arg0: i32) -> (i32, i32, i32) {
    %c1_i32 = arith.constant 1 : i32
    %c0_i32 = arith.constant 0 : i32
    %c0_i32_0 = arith.constant 0 : i32
    return %c1_i32, %arg0, %c0_i32 : i32, i32, i32
  }
  func.func @transform_2(%arg0: i32) -> (i32, i32) {
    %c0_i32 = arith.constant 0 : i32
    %c0_i32_0 = arith.constant 0 : i32
    return %arg0, %c0_i32 : i32, i32
  }
  func.func @transform_3(%arg0: i32) -> (i32, i32) {
    %c0_i32 = arith.constant 0 : i32
    %c0_i32_0 = arith.constant 0 : i32
    return %arg0, %c0_i32 : i32, i32
  }
  func.func @transform_4(%arg0: i32) -> (i32, i32) {
    %c0_i32 = arith.constant 0 : i32
    %c0_i32_0 = arith.constant 0 : i32
    %c0_i32_1 = arith.constant 0 : i32
    return %c0_i32, %c0_i32_0 : i32, i32
  }
  func.func @transform_5(%arg0: i32) -> (i32, i32) {
    %c0_i32 = arith.constant 0 : i32
    %c0_i32_0 = arith.constant 0 : i32
    %c0_i32_1 = arith.constant 0 : i32
    return %c0_i32, %c0_i32_0 : i32, i32
  }
  func.func @transform_6(%arg0: i32) -> (i32, i32) {
    %c0_i32 = arith.constant 0 : i32
    %c0_i32_0 = arith.constant 0 : i32
    return %arg0, %c0_i32 : i32, i32
  }
}

</mosaic_0001>

<sc_bundles>
// kernel: kernel.10.cloned.1.call-start
scs
__scs_entry_jumppad:
0x0: {  	(pc) =	sbr.rel $0x88, $3  }
0x1: {  	(tag) =	ssettag $0x0;
	lr =	simm.s32 $0x1  }
0x2: {  	[smem:$0x3F98] =	sst lr;
	_ =	strace $0xD0000000  }
0x3: {  	_ = 	snop  }
0x4: {  	_ = 	snop  }
0x5: {  	_ = 	snop  }
0x6: {  	_ = 	snop  }
0x7: {  	_ = 	snop  }
__scs_overlays_trampoline_lowered:
0x8: {  	[smem:$0x3FA7] =	sst s0  }
0x9: {  	[smem:$0x3FA8] =	sst s1  }
0xa: {  	[smem:$0x3FA9] =	sst s2  }
0xb: {  	[smem:$0x3FAA] =	sst s3  }
0xc: {  	[smem:$0x3FAB] =	sst s4  }
0xd: {  	[smem:$0x3FAC] =	sst s5  }
0xe: {  	[smem:$0x3FAD] =	sst s6  }
0xf: {  	[smem:$0x3FAE] =	sst s7  }
0x10: {  	[smem:$0x3FAF] =	sst s8  }
0x11: {  	[smem:$0x3FB0] =	sst s9;
	s0 =	simm.s32 @!p0 $0x0  }
0x12: {  	s1 =	sld [smem:$0x3F96];
	s0 =	simm.s32 @p0 $0x1  }
0x13: {  	[smem:$0x3FB1] =	sst s0;
	s0 =	simm.s32 @!p1 $0x0  }
0x14: {  	s2 =	sld [smem:$0x3F95];
	s0 =	simm.s32 @p1 $0x1  }
0x15: {  	[smem:$0x3FB2] =	sst s0;
	s0 =	simm.s32 @!p2 $0x0  }
0x16: {  	s3 =	sld [smem:$0x3FDB];
	s0 =	simm.s32 @p2 $0x1  }
0x17: {  	s4 =	simm.s32 $0x1BF5;
	[smem:$0x3FB4] =	sst s0  }
0x18: {  	s0 =	sld [smem:$0x3F97];
	_ =	swait.ge [sflag:s4], $0x0  }
0x19: {  	s7 =	sld [smem:$0x3F98]  }
0x1a: {  	s8 =	sadd.s32 $0xFFFFE003, lr  }
0x1b: {  	s9 =	sadd.s32 $0xFFFFFEF7, lr;
	s5 =	simm.s32 $0xFFFFFFFF;
	p2 =	slt.u32 s8, $0xFFFFF086  }
0x1c: {  	p1 =	slt.u32 s9, $0xF7A;
	s5 =	simm.s32 @!p2 $0x0  }
0x1d: {  	s5 =	simm.s32 @p1 $0x1;
	p0 =	seq.s32 s7, s2  }
0x1e: {  	s7 =	smul.u32 @!p0 $0xF7A, s2;
	p2 =	seq.s32 @!p0 s5, $0x0  }
0x1f: {  	s9 =	smul.u32 $0xF7A, s1;
	s8 =	simm.s32 @!p0 $0x1BF5;
	p2 =	por !p2, p0  }
0x20: {  	[sflag:s8] =	ssyncset.s32 @!p0 $0xFFFFF086;
	s6 =	sadd.s32 @!p0 s3, s7;
	s7 =	simm.s32 @!p0 $0x108  }
0x21: {  	s3 =	sadd.s32 s3, s9;
	s6 =	sadd.s32 @!p0 $0x88, s6;
	s7 =	simm.s32 @p2 $0x1082  }
0x22: {  	[simem:s7], [sflag:s8] =	dma.local @!p0 [hbm:s6], $0xF7A  }
0x23: {  	s9 =	sor.u32 $0xD0000000, s2;
	s6 =	simm.s32 $0x108;
	_ =	swait.ge @!p0 [sflag:s8], $0x0  }
0x24: {  	s3 =	sadd.s32 $0x88, s3;
	s6 =	simm.s32 @!p1 $0x1082;
	[sflag:s4] =	ssyncset.s32 $0xFFFFF086  }
0x25: {  	[simem:s6], [sflag:s4] =	dma.local [hbm:s3], $0xF7A  }
0x26: {  	[smem:$0x3F98] =	sst s1;
	(tag) =	ssettag s2;
	_ =	strace s9  }
0x27: {  	s1 =	sld [smem:$0x3FA8]  }
0x28: {  	s2 =	sld [smem:$0x3FA9]  }
0x29: {  	s4 =	sld [smem:$0x3FAB]  }
0x2a: {  	p0 =	seq.s32 s5, $0x0;
	s5 =	sld [smem:$0x3FAC]  }
0x2b: {  	s6 =	sld [smem:$0x3FAD]  }
0x2c: {  	s7 =	sld [smem:$0x3FAE]  }
0x2d: {  	s3 =	simm.s32 $0x108;
	s8 =	sld [smem:$0x3FAF]  }
0x2e: {  	s3 =	simm.s32 @!p0 $0x1082;
	s9 =	sld [smem:$0x3FB0]  }
0x2f: {  	lr =	sadd.s32 s0, s3;
	s0 =	sld [smem:$0x3FA7]  }
0x30: {  	s3 =	sld [smem:$0x3FAA]  }
0x31: {  	[smem:$0x3FB3] =	sst s10  }
0x32: {  	s10 =	sld [smem:$0x3FB1];
	_ =	sdelay $0x3  }
0x33: {  	p0 =	seq.s32 s10, $0x1;
	s10 =	sld [smem:$0x3FB3];
	_ =	sdelay $0x3  }
0x34: {  	[smem:$0x3FB3] =	sst s10  }
0x35: {  	s10 =	sld [smem:$0x3FB2];
	_ =	sdelay $0x3  }
0x36: {  	p1 =	seq.s32 s10, $0x1;
	s10 =	sld [smem:$0x3FB3];
	_ =	sdelay $0x3  }
0x37: {  	[smem:$0x3FB3] =	sst s10  }
0x38: {  	s10 =	sld [smem:$0x3FB4]  }
0x39: {  	_ = 	snop;
	(pc) =	sbr.ind lr, $3  }
0x3a: {  	_ = 	snop  }
0x3b: {  	_ = 	snop  }
0x3c: {  	p2 =	seq.s32 s10, $0x1;
	s10 =	sld [smem:$0x3FB3]  }
0x3d: {  	_ =	shalt  }
0x3e: {  	_ =	shalt  }
0x3f: {  	_ =	shalt  }
0x40: {  	_ =	shalt  }
0x41: {  	_ =	shalt  }
0x42: {  	_ =	shalt  }
0x43: {  	_ =	shalt  }
0x44: {  	_ =	shalt  }
0x45: {  	_ =	shalt  }
0x46: {  	_ =	shalt  }
0x47: {  	_ =	shalt  }
0x48: {  	_ =	shalt  }
0x49: {  	_ =	shalt  }
0x4a: {  	_ =	shalt  }
0x4b: {  	_ =	shalt  }
0x4c: {  	_ =	shalt  }
0x4d: {  	_ =	shalt  }
0x4e: {  	_ =	shalt  }
0x4f: {  	_ =	shalt  }
0x50: {  	_ =	shalt  }
0x51: {  	_ =	shalt  }
0x52: {  	_ =	shalt  }
0x53: {  	_ =	shalt  }
0x54: {  	_ =	shalt  }
0x55: {  	_ =	shalt  }
0x56: {  	_ =	shalt  }
0x57: {  	_ =	shalt  }
0x58: {  	_ =	shalt  }
0x59: {  	_ =	shalt  }
0x5a: {  	_ =	shalt  }
0x5b: {  	_ =	shalt  }
0x5c: {  	_ =	shalt  }
0x5d: {  	_ =	shalt  }
0x5e: {  	_ =	shalt  }
0x5f: {  	_ =	shalt  }
0x60: {  	_ =	shalt  }
0x61: {  	_ =	shalt  }
0x62: {  	_ =	shalt  }
0x63: {  	_ =	shalt  }
0x64: {  	_ =	shalt  }
0x65: {  	_ =	shalt  }
0x66: {  	_ =	shalt  }
0x67: {  	_ =	shalt  }
0x68: {  	_ =	shalt  }
0x69: {  	_ =	shalt  }
0x6a: {  	_ =	shalt  }
0x6b: {  	_ =	shalt  }
0x6c: {  	_ =	shalt  }
0x6d: {  	_ =	shalt  }
0x6e: {  	_ =	shalt  }
0x6f: {  	_ =	shalt  }
0x70: {  	_ =	shalt  }
0x71: {  	_ =	shalt  }
0x72: {  	_ =	shalt  }
0x73: {  	_ =	shalt  }
0x74: {  	_ =	shalt  }
0x75: {  	_ =	shalt  }
0x76: {  	_ =	shalt  }
0x77: {  	_ =	shalt  }
0x78: {  	_ =	shalt  }
0x79: {  	_ =	shalt  }
0x7a: {  	_ =	shalt  }
0x7b: {  	_ =	shalt  }
0x7c: {  	_ =	shalt  }
0x7d: {  	_ =	shalt  }
0x7e: {  	_ =	shalt  }
0x7f: {  	_ =	shalt  }
0x80: {  	_ =	shalt  }
0x81: {  	_ =	shalt  }
0x82: {  	_ =	shalt  }
0x83: {  	_ =	shalt  }
0x84: {  	_ =	shalt  }
0x85: {  	_ =	shalt  }
0x86: {  	_ =	shalt  }
0x87: {  	_ =	shalt  }
.Lfunc_end0:
.L_simem_size_0:
called_computation_lowered:
.L_overlay_start_0:
0x88: {  	s2 =	sld [smem:$0x3FD9]  }
0x89: {  	s3 =	sld [smem:$0x3FFE];
	_ =	sdelay $0x1  }
0x8a: {  	s1 =	srdreg.scid  }
0x8b: {  	s0 =	sand.u32 $0x1, s1  }
0x8c: {  	s17 =	sshll.u32 s0, $0xA;
	s2 =	sadd.s32 s3, s2  }
0x8d: {  	s2 =	sadd.s32 s2, s17  }
0x8e: {  	[smem:$0x3FBF] =	sst s2  }
0x8f: {  	_ = 	snop  }
0x90: {  	s2 =	sld [smem:$0x3FD0];
	(tm) =	ssettm $0x1  }
0x91: {  	s18 =	sld [smem:$0x3FFB];
	_ =	sdelay $0x3  }
0x92: {  	_ =	strace s18  }
0x93: {  	s3 =	sld [smem:$0x3FFC];
	_ =	sdelay $0x3  }
0x94: {  	_ =	strace s3  }
0x95: {  	s3 =	sld [smem:$0x3FFD];
	_ =	sdelay $0x3  }
0x96: {  	_ =	strace s3  }
0x97: {  	_ =	strace $0x8FFFFFFF  }
0x98: {  	s19 =	sld [smem:$0x3FDB];
	_ =	sdelay $0x1  }
0x99: {  	s4 =	simm.s32 $_scs_section_size  }
0x9a: {  	s5 =	simm.s32 $_size__tile_overlayer_lowered;
	s6 =	simm.s32 $_tile_overlayer_lowered  }
0x9b: {  	s22 =	simm.s32 $0x1BFF;
	s21 =	sshll.u32 s6, $0x1;
	s3 =	sadd.s32 s4, s19  }
0x9c: {  	s7 =	simm.s32 $0x0;
	s20 =	sshll.u32 s5, $0x1;
	s5 =	sadd.s32 s21, s3  }
0x9d: {  	[timem:s7], [sflag:s22] =	dma.local [hbm:s5], s20  }
0x9e: {  	_ =	swait.ge [sflag:s22], s20  }
0x9f: {  	s4 =	ssub.s32 $0x0, s20;
	[sflag:s22] =	ssyncset.done $0x0  }
0xa0: {  	[sflag:s22] =	ssyncadd.s32 s4;
	_ =	sdelay $0x1  }
0xa1: {  	s23 =	simm.s32 $0x1B8B  }
0xa2: {  	_ =	swait.ge [sflag:s23], $0x1  }
0xa3: {  	[sflag:s23] =	ssyncset.done $0x0  }
0xa4: {  	s25 =	simm.s32 $0x1B8E;
	s24 =	sld [smem:$0x3FFE];
	[sflag:s23] =	ssyncadd.s32 $0xFFFFFFFF  }
0xa5: {  	s26 =	simm.s32 $execute0_lowered;
	[smem:$0x3FD2] =	sst s25  }
0xa6: {  	s5 =	sshll.u32 s26, $0x1;
	_ =	strace $0x80000046;
	[dreg:$0x1] =	wrdreg $0xFFFFFFFF  }
0xa7: {  	s28 =	simm.s32 $_size_execute0_lowered;
	s3 =	sadd.s32 s3, s5;
	[dreg:$0x0] =	wrdreg $0x0  }
0xa8: {  	s5 =	sshll.u32 s28, $0x1;
	[dreg:$0x2] =	wrdreg s3  }
0xa9: {  	[dreg:$0x3] =	wrdreg s5  }
0xaa: {  	[dreg:$0x4] =	wrdreg $0xC0  }
0xab: {  	_ =	task [dreg:s7], $0x5FFFF  }
0xac: {  	[dreg:$0x1] =	wrdreg $0xFFFFFFFF  }
0xad: {  	[dreg:$0x0] =	wrdreg $0x60  }
0xae: {  	[dreg:$0x2] =	wrdreg s24  }
0xaf: {  	[dreg:$0x3] =	wrdreg s2  }
0xb0: {  	[dreg:$0x4] =	wrdreg $0x68000  }
0xb1: {  	[dreg:$0x5] =	wrdreg $0x9  }
0xb2: {  	_ =	task.clear_ibuf [dreg:s7], $0x6FFFF;
	_ =	strace $0x90000046  }
0xb3: {  	s29 =	simm.s32 $0x9;
	_ =	strace $0x80000048  }
0xb4: {  	_ =	swait.ge [sflag:s29], $0x1  }
0xb5: {  	[sflag:s29] =	ssyncadd.s32 $0xFFFFFFFF  }
0xb6: {  	_ =	strace $0x90000048  }
0xb7: {  	_ =	sfence  }
0xb8: {  	s30 =	sld [smem:$0x0];
	_ =	sdelay $0x2  }
0xb9: {  	s31 =	sshll.u32 s1, $0xD;
	s1 =	sshrl.u32 s1, $0x2  }
0xba: {  	s3 =	sand.u32 $0x4000, s31;
	s1 =	sadd.s32 s1, s30  }
0xbb: {  	s0 =	sor.u32 s3, s0;
	s1 =	sshll.u32 s1, $0x11  }
0xbc: {  	s0 =	sor.u32 s1, s0  }
0xbd: {  	s0 =	sadd.s32 $0x8F2B, s0  }
0xbe: {  	[sflag:s0] =	ssyncadd.remote.s32 $0x1  }
0xbf: {  	_ =	sfence.sel $0xFFFF  }
0xc0: {  	[dreg:$0x0] =	wrdreg $0xFFFFFFFF;
	(pc) =	sbr.abs _section_cstart, $3  }
0xc1: {  	[dreg:$0x1] =	wrdreg $0xFFFFFFFF  }
0xc2: {  	_ =	task.clear_ibuf [dreg:s7], $0x2FFFF;
	_ =	strace $0x9FFFFFFF  }
0xc3: {  	(tm) =	ssettm $0x7FFFFFFF  }
tec
execute0_lowered:
.L_overlay_start_1:
0x0: {  	(tag) =	ssettag $0x1  }
0x1: {  	s6 =	rddreg [dreg:$0x0]  }
0x2: {  	s1 =	rddreg [dreg:$0x1]  }
0x3: {  	s2 =	rddreg [dreg:$0x2];
	s3 =	srdreg.scid  }
0x4: {  	s0 =	rddreg [dreg:$0x3];
	s4 =	simm.s32 $0x0;
	s13 =	simm.s32 $0x50  }
0x5: {  	s14 =	simm.s32 $0x1;
	s7 =	sand.u32 $0x1, s3;
	s3 =	stileid.u32  }
0x6: {  	s15 =	simm.s32 $0x0;
	[smem:$0x7FF] =	sst s4;
	s5 =	smul.u32 $0x140000, s7  }
0x7: {  	s8 =	smul.u32 $0x14000, s3;
	_ =	strace $0x80000047;
	s9 =	sshll.u32 s3, $0xB  }
0x8: {  	s29 =	ssub.s32 $0x2, s7;
	s12 =	smul.u32 $0x50000, s3;
	s31 =	sshll.u32 s3, $0x6  }
0x9: {  	s7 =	sshll.u32 s7, $0xF;
	s9 =	sadd.s32 s9, s6;
	s11 =	sshrl.u32 s29, $0x1  }
0xa: {  	s5 =	sadd.s32 s8, s5;
	s11 =	ssub.s32 s29, s11;
	s30 =	sshrl.u32 s12, $0x2  }
0xb: {  	s7 =	sadd.s32 s7, s9;
	s10 =	sshrl.u32 s5, $0x3;
	s5 =	sadd.s32 $0x13000, s6  }
0xc: {  	s12 =	sadd.s32 s30, s2;
	s7 =	sadd.s32 $0x3000, s7;
	s9 =	smax.u32 s11, $0x1  }
0xd: {  	s11 =	simm.s32 $0x2;
	s10 =	sadd.s32 s10, s6;
	s6 =	sor.u32 $0x1C02, s31  }
0xe: {  	s8 =	sadd.s32 $0x13600, s10;
	s10 =	sshrl.u32 s12, $0x3;
	s12 =	simm.s32 $0x4000  }
.LBB2_1:
0xf: {  	[spmem:s10], [sflag:s6] =	dma.local [hbm:s1], $0x2800  }
0x10: {  	_ =	swait.ge [sflag:s11], $0x2800  }
0x11: {  	[sflag:s11] =	ssyncset.done $0x0  }
0x12: {  	[sflag:s11] =	ssyncadd.s32 $0xFFFFD800  }
0x13: {  	[tilespmem:s12], [sflag:$0x2] =	stream.linear.gather [hbm4b:s5+s4], $0x2800, $0x38;
	[tilespmem:$0x1A800] =	vst v63  }
0x14: {  	_ =	swait.ge [sflag:s11], $0x2800  }
0x15: {  	[sflag:s11] =	ssyncset.done $0x0  }
0x16: {  	[sflag:s11] =	ssyncadd.s32 $0xFFFFD800  }
0x17: {  	[tilespmem:s4], [sflag:$0x2] =	stream.linear.gather [hbm4b:s7+s4], $0x3E80, $0x38;
	[tilespmem:$0x1A800] =	vst v63  }
0x18: {  	_ =	swait.ge [sflag:s11], $0x3E80  }
0x19: {  	[sflag:s11] =	ssyncset.done $0x0  }
0x1a: {  	[sflag:s11] =	ssyncadd.s32 $0xFFFFC180  }
0x1b: {  	s16 =	simm.s32 $0x0;
	[bflag:$0x0] =	sbarrier.arrive $0xFFFF  }
.LBB2_2:
0x1c: {  	p0 =	sne.s32 s16, $0xF800  }
.Ltmp0:
0x1d: {  	_ = 	snop;
	(pc) =	sbr.rel @p0 .LBB2_2-.Ltmp0, $3  }
0x1e: {  	_ =	sdelay $0x1  }
0x1f: {  	s17 =	sshra.s32 s16, $0x2;
	s16 =	sadd.s32 $0x200, s16  }
0x20: {  	[spmem:s2] =	stream.indirect.scatter.add.f32 [tilespmem:s12], [sflag:$0x1], $0x80, s17, s13, $0xb8;
	[tilespmem:$0x1A800] =	vst v63  }
0x21: {  	_ =	swait.ge [sflag:s14], $0x2800  }
0x22: {  	s16 =	simm.s32 $0x7C;
	[sflag:s14] =	ssyncset.done $0x0  }
.LBB2_4:
0x23: {  	p0 =	sne.s32 s16, $0x1;
	s16 =	sadd.s32 $0xFFFFFFFF, s16;
	[sflag:s14] =	ssyncadd.s32 $0xFFFFD800  }
.Ltmp1:
0x24: {  	(pc) =	sbr.rel @p0 .LBB2_4-.Ltmp1, $3  }
0x25: {  	_ =	sdelay $0x1  }
0x26: {  	_ =	swait.ge [sflag:s14], $0x2800  }
0x27: {  	[sflag:s14] =	ssyncset.done $0x0  }
0x28: {  	s15 =	sadd.s32 $0x1, s15  }
0x29: {  	[sflag:s14] =	ssyncadd.s32 $0xFFFFD800;
	p0 =	sne.s32 s15, s9  }
.Ltmp2:
0x2a: {  	[bflag:$0x0] =	sbarrier.arrive $0xFFFF;
	(pc) =	sbr.rel @p0 .LBB2_1-.Ltmp2, $4  }
0x2b: {  	[hbm:s8], [sflag:s6] =	dma.local [spmem:s10], $0x2800  }
0x2c: {  	_ =	swait.ge [sflag:s11], $0x2800  }
0x2d: {  	[sflag:s11] =	ssyncset.done $0x0  }
0x2e: {  	[sflag:s11] =	ssyncadd.s32 $0xFFFFD800  }
0x2f: {  	_ =	sfence.sel $0x180000  }
0x30: {  	[bflag:$0x0] =	sbarrier.arrive $0xFFFF  }
0x31: {  	p0 =	sne.s32 s3, $0x0;
	_ =	strace $0x90000047  }
0x32: {  	s0 =	sadd.s32 @!p0 $0x100000, s0;
	[bflag:$0x2] =	sbarrier.arrive $0xFFFF  }
0x33: {  	[sflag:s0] =	ssyncadd.tile.s32 @!p0 $0x1;
	_ =	shalt  }
.Lfunc_end2:
_tile_overlayer_lowered:
.L_overlay_start_2:
0x34: {  	(tag) =	ssettag $0x2  }
0x35: {  	s0 =	rddreg [dreg:$0x0];
	s2 =	stileid.u32  }
0x36: {  	s1 =	rddreg [dreg:$0x1];
	p0 =	sne.s32 s2, $0x0  }
0x37: {  	s3 =	rddreg [dreg:$0x2];
	[bflag:$0x3] =	sbarrier.arrive $0xFFFF;
	s2 =	simm.s32 @!p0 $0x1C02  }
0x38: {  	[timem:s3], [sflag:s2] =	dma.local @!p0 [hbm:s0], s1  }
0x39: {  	s0 =	simm.s32 @!p0 $0x2  }
0x3a: {  	_ =	swait.ge @!p0 [sflag:s0], s1  }
0x3b: {  	s1 =	ssub.s32 @!p0 $0x0, s1;
	[sflag:s0] =	ssyncset.done @!p0 $0x0  }
0x3c: {  	[sflag:s0] =	ssyncadd.s32 @!p0 s1  }
0x3d: {  	[bflag:$0x3] =	sbarrier.arrive $0xFFFF  }
0x3e: {  	_ =	shalt  }

// kernel: kernel.13.cloned.1.call-start
scs
__scs_entry_jumppad:
0x0: {  	(pc) =	sbr.rel $0x88, $3  }
0x1: {  	(tag) =	ssettag $0x0;
	lr =	simm.s32 $0x1  }
0x2: {  	[smem:$0x3F98] =	sst lr;
	_ =	strace $0xD0000000  }
0x3: {  	_ = 	snop  }
0x4: {  	_ = 	snop  }
0x5: {  	_ = 	snop  }
0x6: {  	_ = 	snop  }
0x7: {  	_ = 	snop  }
__scs_overlays_trampoline_lowered:
0x8: {  	[smem:$0x3FA7] =	sst s0  }
0x9: {  	[smem:$0x3FA8] =	sst s1  }
0xa: {  	[smem:$0x3FA9] =	sst s2  }
0xb: {  	[smem:$0x3FAA] =	sst s3  }
0xc: {  	[smem:$0x3FAB] =	sst s4  }
0xd: {  	[smem:$0x3FAC] =	sst s5  }
0xe: {  	[smem:$0x3FAD] =	sst s6  }
0xf: {  	[smem:$0x3FAE] =	sst s7  }
0x10: {  	[smem:$0x3FAF] =	sst s8  }
0x11: {  	[smem:$0x3FB0] =	sst s9;
	s0 =	simm.s32 @!p0 $0x0  }
0x12: {  	s1 =	sld [smem:$0x3F96];
	s0 =	simm.s32 @p0 $0x1  }
0x13: {  	[smem:$0x3FB1] =	sst s0;
	s0 =	simm.s32 @!p1 $0x0  }
0x14: {  	s2 =	sld [smem:$0x3F95];
	s0 =	simm.s32 @p1 $0x1  }
0x15: {  	[smem:$0x3FB2] =	sst s0;
	s0 =	simm.s32 @!p2 $0x0  }
0x16: {  	s3 =	sld [smem:$0x3FDB];
	s0 =	simm.s32 @p2 $0x1  }
0x17: {  	s4 =	simm.s32 $0x1BF5;
	[smem:$0x3FB4] =	sst s0  }
0x18: {  	s0 =	sld [smem:$0x3F97];
	_ =	swait.ge [sflag:s4], $0x0  }
0x19: {  	s7 =	sld [smem:$0x3F98]  }
0x1a: {  	s8 =	sadd.s32 $0xFFFFE003, lr  }
0x1b: {  	s9 =	sadd.s32 $0xFFFFFEF7, lr;
	s5 =	simm.s32 $0xFFFFFFFF;
	p2 =	slt.u32 s8, $0xFFFFF086  }
0x1c: {  	p1 =	slt.u32 s9, $0xF7A;
	s5 =	simm.s32 @!p2 $0x0  }
0x1d: {  	s5 =	simm.s32 @p1 $0x1;
	p0 =	seq.s32 s7, s2  }
0x1e: {  	s7 =	smul.u32 @!p0 $0xF7A, s2;
	p2 =	seq.s32 @!p0 s5, $0x0  }
0x1f: {  	s9 =	smul.u32 $0xF7A, s1;
	s8 =	simm.s32 @!p0 $0x1BF5;
	p2 =	por !p2, p0  }
0x20: {  	[sflag:s8] =	ssyncset.s32 @!p0 $0xFFFFF086;
	s6 =	sadd.s32 @!p0 s3, s7;
	s7 =	simm.s32 @!p0 $0x108  }
0x21: {  	s3 =	sadd.s32 s3, s9;
	s6 =	sadd.s32 @!p0 $0x88, s6;
	s7 =	simm.s32 @p2 $0x1082  }
0x22: {  	[simem:s7], [sflag:s8] =	dma.local @!p0 [hbm:s6], $0xF7A  }
0x23: {  	s9 =	sor.u32 $0xD0000000, s2;
	s6 =	simm.s32 $0x108;
	_ =	swait.ge @!p0 [sflag:s8], $0x0  }
0x24: {  	s3 =	sadd.s32 $0x88, s3;
	s6 =	simm.s32 @!p1 $0x1082;
	[sflag:s4] =	ssyncset.s32 $0xFFFFF086  }
0x25: {  	[simem:s6], [sflag:s4] =	dma.local [hbm:s3], $0xF7A  }
0x26: {  	[smem:$0x3F98] =	sst s1;
	(tag) =	ssettag s2;
	_ =	strace s9  }
0x27: {  	s1 =	sld [smem:$0x3FA8]  }
0x28: {  	s2 =	sld [smem:$0x3FA9]  }
0x29: {  	s4 =	sld [smem:$0x3FAB]  }
0x2a: {  	p0 =	seq.s32 s5, $0x0;
	s5 =	sld [smem:$0x3FAC]  }
0x2b: {  	s6 =	sld [smem:$0x3FAD]  }
0x2c: {  	s7 =	sld [smem:$0x3FAE]  }
0x2d: {  	s3 =	simm.s32 $0x108;
	s8 =	sld [smem:$0x3FAF]  }
0x2e: {  	s3 =	simm.s32 @!p0 $0x1082;
	s9 =	sld [smem:$0x3FB0]  }
0x2f: {  	lr =	sadd.s32 s0, s3;
	s0 =	sld [smem:$0x3FA7]  }
0x30: {  	s3 =	sld [smem:$0x3FAA]  }
0x31: {  	[smem:$0x3FB3] =	sst s10  }
0x32: {  	s10 =	sld [smem:$0x3FB1];
	_ =	sdelay $0x3  }
0x33: {  	p0 =	seq.s32 s10, $0x1;
	s10 =	sld [smem:$0x3FB3];
	_ =	sdelay $0x3  }
0x34: {  	[smem:$0x3FB3] =	sst s10  }
0x35: {  	s10 =	sld [smem:$0x3FB2];
	_ =	sdelay $0x3  }
0x36: {  	p1 =	seq.s32 s10, $0x1;
	s10 =	sld [smem:$0x3FB3];
	_ =	sdelay $0x3  }
0x37: {  	[smem:$0x3FB3] =	sst s10  }
0x38: {  	s10 =	sld [smem:$0x3FB4]  }
0x39: {  	_ = 	snop;
	(pc) =	sbr.ind lr, $3  }
0x3a: {  	_ = 	snop  }
0x3b: {  	_ = 	snop  }
0x3c: {  	p2 =	seq.s32 s10, $0x1;
	s10 =	sld [smem:$0x3FB3]  }
0x3d: {  	_ =	shalt  }
0x3e: {  	_ =	shalt  }
0x3f: {  	_ =	shalt  }
0x40: {  	_ =	shalt  }
0x41: {  	_ =	shalt  }
0x42: {  	_ =	shalt  }
0x43: {  	_ =	shalt  }
0x44: {  	_ =	shalt  }
0x45: {  	_ =	shalt  }
0x46: {  	_ =	shalt  }
0x47: {  	_ =	shalt  }
0x48: {  	_ =	shalt  }
0x49: {  	_ =	shalt  }
0x4a: {  	_ =	shalt  }
0x4b: {  	_ =	shalt  }
0x4c: {  	_ =	shalt  }
0x4d: {  	_ =	shalt  }
0x4e: {  	_ =	shalt  }
0x4f: {  	_ =	shalt  }
0x50: {  	_ =	shalt  }
0x51: {  	_ =	shalt  }
0x52: {  	_ =	shalt  }
0x53: {  	_ =	shalt  }
0x54: {  	_ =	shalt  }
0x55: {  	_ =	shalt  }
0x56: {  	_ =	shalt  }
0x57: {  	_ =	shalt  }
0x58: {  	_ =	shalt  }
0x59: {  	_ =	shalt  }
0x5a: {  	_ =	shalt  }
0x5b: {  	_ =	shalt  }
0x5c: {  	_ =	shalt  }
0x5d: {  	_ =	shalt  }
0x5e: {  	_ =	shalt  }
0x5f: {  	_ =	shalt  }
0x60: {  	_ =	shalt  }
0x61: {  	_ =	shalt  }
0x62: {  	_ =	shalt  }
0x63: {  	_ =	shalt  }
0x64: {  	_ =	shalt  }
0x65: {  	_ =	shalt  }
0x66: {  	_ =	shalt  }
0x67: {  	_ =	shalt  }
0x68: {  	_ =	shalt  }
0x69: {  	_ =	shalt  }
0x6a: {  	_ =	shalt  }
0x6b: {  	_ =	shalt  }
0x6c: {  	_ =	shalt  }
0x6d: {  	_ =	shalt  }
0x6e: {  	_ =	shalt  }
0x6f: {  	_ =	shalt  }
0x70: {  	_ =	shalt  }
0x71: {  	_ =	shalt  }
0x72: {  	_ =	shalt  }
0x73: {  	_ =	shalt  }
0x74: {  	_ =	shalt  }
0x75: {  	_ =	shalt  }
0x76: {  	_ =	shalt  }
0x77: {  	_ =	shalt  }
0x78: {  	_ =	shalt  }
0x79: {  	_ =	shalt  }
0x7a: {  	_ =	shalt  }
0x7b: {  	_ =	shalt  }
0x7c: {  	_ =	shalt  }
0x7d: {  	_ =	shalt  }
0x7e: {  	_ =	shalt  }
0x7f: {  	_ =	shalt  }
0x80: {  	_ =	shalt  }
0x81: {  	_ =	shalt  }
0x82: {  	_ =	shalt  }
0x83: {  	_ =	shalt  }
0x84: {  	_ =	shalt  }
0x85: {  	_ =	shalt  }
0x86: {  	_ =	shalt  }
0x87: {  	_ =	shalt  }
.Lfunc_end0:
.L_simem_size_0:
called_computation.1_lowered:
.L_overlay_start_0:
0x88: {  	s2 =	sld [smem:$0x3FD9]  }
0x89: {  	s3 =	sld [smem:$0x3FFE];
	_ =	sdelay $0x1  }
0x8a: {  	s1 =	srdreg.scid  }
0x8b: {  	s0 =	sand.u32 $0x1, s1  }
0x8c: {  	s17 =	sshll.u32 s0, $0xA;
	s2 =	sadd.s32 s3, s2  }
0x8d: {  	s2 =	sadd.s32 s2, s17  }
0x8e: {  	[smem:$0x3FBF] =	sst s2  }
0x8f: {  	_ = 	snop  }
0x90: {  	s2 =	sld [smem:$0x3FD0];
	(tm) =	ssettm $0x1  }
0x91: {  	s18 =	sld [smem:$0x3FFB];
	_ =	sdelay $0x3  }
0x92: {  	_ =	strace s18  }
0x93: {  	s3 =	sld [smem:$0x3FFC];
	_ =	sdelay $0x3  }
0x94: {  	_ =	strace s3  }
0x95: {  	s3 =	sld [smem:$0x3FFD];
	_ =	sdelay $0x3  }
0x96: {  	_ =	strace s3  }
0x97: {  	_ =	strace $0x8FFFFFFF  }
0x98: {  	s19 =	sld [smem:$0x3FDB];
	_ =	sdelay $0x1  }
0x99: {  	s4 =	simm.s32 $_scs_section_size  }
0x9a: {  	s5 =	simm.s32 $_size__tile_overlayer_lowered;
	s6 =	simm.s32 $_tile_overlayer_lowered  }
0x9b: {  	s22 =	simm.s32 $0x1BFF;
	s21 =	sshll.u32 s6, $0x1;
	s3 =	sadd.s32 s4, s19  }
0x9c: {  	s7 =	simm.s32 $0x0;
	s20 =	sshll.u32 s5, $0x1;
	s5 =	sadd.s32 s21, s3  }
0x9d: {  	[timem:s7], [sflag:s22] =	dma.local [hbm:s5], s20  }
0x9e: {  	_ =	swait.ge [sflag:s22], s20  }
0x9f: {  	s4 =	ssub.s32 $0x0, s20;
	[sflag:s22] =	ssyncset.done $0x0  }
0xa0: {  	[sflag:s22] =	ssyncadd.s32 s4;
	_ =	sdelay $0x1  }
0xa1: {  	s23 =	simm.s32 $0x1B8B  }
0xa2: {  	_ =	swait.ge [sflag:s23], $0x1  }
0xa3: {  	[sflag:s23] =	ssyncset.done $0x0  }
0xa4: {  	s25 =	simm.s32 $0x1B8E;
	s24 =	sld [smem:$0x3FFE];
	[sflag:s23] =	ssyncadd.s32 $0xFFFFFFFF  }
0xa5: {  	s26 =	simm.s32 $execute0_lowered;
	[smem:$0x3FD2] =	sst s25  }
0xa6: {  	s5 =	sshll.u32 s26, $0x1;
	_ =	strace $0x80000049;
	[dreg:$0x1] =	wrdreg $0xFFFFFFFF  }
0xa7: {  	s28 =	simm.s32 $_size_execute0_lowered;
	s3 =	sadd.s32 s3, s5;
	[dreg:$0x0] =	wrdreg $0x0  }
0xa8: {  	s5 =	sshll.u32 s28, $0x1;
	[dreg:$0x2] =	wrdreg s3  }
0xa9: {  	[dreg:$0x3] =	wrdreg s5  }
0xaa: {  	[dreg:$0x4] =	wrdreg $0xC0  }
0xab: {  	_ =	task [dreg:s7], $0x5FFFF  }
0xac: {  	[dreg:$0x1] =	wrdreg $0xFFFFFFFF  }
0xad: {  	[dreg:$0x0] =	wrdreg $0x60  }
0xae: {  	[dreg:$0x2] =	wrdreg s2  }
0xaf: {  	[dreg:$0x3] =	wrdreg s24  }
0xb0: {  	[dreg:$0x4] =	wrdreg $0xBA000  }
0xb1: {  	[dreg:$0x5] =	wrdreg $0x9  }
0xb2: {  	_ =	task.clear_ibuf [dreg:s7], $0x6FFFF;
	_ =	strace $0x90000049  }
0xb3: {  	s29 =	simm.s32 $0x9;
	_ =	strace $0x8000004B  }
0xb4: {  	_ =	swait.ge [sflag:s29], $0x1  }
0xb5: {  	[sflag:s29] =	ssyncadd.s32 $0xFFFFFFFF  }
0xb6: {  	_ =	strace $0x9000004B  }
0xb7: {  	_ =	sfence  }
0xb8: {  	s30 =	sld [smem:$0x0];
	_ =	sdelay $0x2  }
0xb9: {  	s31 =	sshll.u32 s1, $0xD;
	s1 =	sshrl.u32 s1, $0x2  }
0xba: {  	s3 =	sand.u32 $0x4000, s31;
	s1 =	sadd.s32 s1, s30  }
0xbb: {  	s0 =	sor.u32 s3, s0;
	s1 =	sshll.u32 s1, $0x11  }
0xbc: {  	s0 =	sor.u32 s1, s0  }
0xbd: {  	s0 =	sadd.s32 $0x8F2B, s0  }
0xbe: {  	[sflag:s0] =	ssyncadd.remote.s32 $0x1  }
0xbf: {  	_ =	sfence.sel $0xFFFF  }
0xc0: {  	[dreg:$0x0] =	wrdreg $0xFFFFFFFF;
	(pc) =	sbr.abs _section_cstart, $3  }
0xc1: {  	[dreg:$0x1] =	wrdreg $0xFFFFFFFF  }
0xc2: {  	_ =	task.clear_ibuf [dreg:s7], $0x2FFFF;
	_ =	strace $0x9FFFFFFF  }
0xc3: {  	(tm) =	ssettm $0x7FFFFFFF  }
tec
execute0_lowered:
.L_overlay_start_1:
0x0: {  	(tag) =	ssettag $0x1  }
0x1: {  	s1 =	rddreg [dreg:$0x0]  }
0x2: {  	s0 =	rddreg [dreg:$0x1]  }
0x3: {  	s2 =	rddreg [dreg:$0x2];
	s4 =	simm.s32 $0x0  }
0x4: {  	s3 =	srdreg.scid;
	s10 =	stileid.u32;
	s22 =	simm.s32 $0xA  }
0x5: {  	s29 =	simm.s32 $0x8;
	s31 =	simm.s32 $0x9200;
	s9 =	smul.u32 $0x14000, s10  }
0x6: {  	s3 =	sand.u32 $0x1, s3;
	s8 =	sshll.u32 s10, $0xE;
	s10 =	smul.u32 $0x50000, s10  }
0x7: {  	[smem:$0x7FF] =	sst s4;
	s5 =	sadd.s32 $0x63600, s0;
	s7 =	smul.u32 $0x140000, s3  }
0x8: {  	s6 =	sshll.u32 s3, $0x12;
	_ =	strace $0x8000004A;
	s3 =	ssub.s32 $0x2, s3  }
0x9: {  	s6 =	sor.u32 s8, s6;
	s23 =	sshrl.u32 s3, $0x1;
	s25 =	sshrl.u32 s10, $0x2  }
0xa: {  	s8 =	sshrl.u32 s6, $0x3;
	s7 =	sadd.s32 s9, s7;
	s3 =	ssub.s32 s3, s23  }
0xb: {  	s23 =	simm.s32 $0x80;
	s7 =	sshrl.u32 s7, $0x3;
	s11 =	sadd.s32 s8, s0  }
0xc: {  	s8 =	sadd.s32 s5, s8;
	s20 =	smax.u32 s3, $0x1;
	s3 =	simm.s32 $0x0  }
0xd: {  	s0 =	sadd.s32 s7, s0;
	s24 =	sadd.s32 $0x3000, s11;
	s26 =	sadd.s32 $0x10, s8  }
0xe: {  	s28 =	sadd.s32 $0x20, s8;
	s11 =	sadd.s32 s25, s2;
	[dreg:$0x4] =	wrdreg s24  }
.Ltmp0:
0xf: {  	s25 =	simm.s32 $0x7;
	[dreg:$0x5] =	wrdreg s26;
	(pc) =	sbr.rel .LBB2_1-.Ltmp0, $4  }
0x10: {  	[dreg:$0x6] =	wrdreg s28;
	s30 =	sadd.s32 $0x2800, s11;
	s13 =	sadd.s32 $0x5000, s11  }
0x11: {  	s14 =	sadd.s32 $0x7800, s11;
	s15 =	sadd.s32 $0xA000, s11;
	s16 =	sadd.s32 $0xC800, s11  }
0x12: {  	s17 =	sadd.s32 $0xF000, s11;
	s18 =	sadd.s32 $0x11800, s11;
	s19 =	sadd.s32 $0x13000, s0  }
0x13: {  	v0 =	vimm.f32 $0.0e+00;
	s26 =	simm.s32 $0x50;
	s0 =	simm.s32 $0x5;
	[dreg:$0x7] =	wrdreg s30  }
.LBB2_9:
0x14: {  	_ =	swait.ge [sflag:s0], $0x2800;
	s7 =	stileid.u32  }
0x15: {  	s9 =	sshrl.u32 s11, $0x3;
	s3 =	sadd.s32 $0x1, s3;
	[sflag:s0] =	ssyncset.done $0x0  }
0x16: {  	s7 =	sshll.u32 s7, $0x6;
	p0 =	sne.s32 s3, s20;
	[sflag:s0] =	ssyncadd.s32 $0xFFFFD800  }
.Ltmp1:
0x17: {  	s7 =	sor.u32 $0x1C0A, s7;
	[bflag:$0x0] =	sbarrier.arrive $0xFFFF;
	(pc) =	sbr.rel @!p0 .LBB2_10-.Ltmp1, $4  }
0x18: {  	[hbm:s19], [sflag:s7] =	dma.local [spmem:s9], $0x2800  }
0x19: {  	_ =	swait.ge [sflag:s22], $0x2800  }
0x1a: {  	[sflag:s22] =	ssyncset.done $0x0  }
0x1b: {  	[sflag:s22] =	ssyncadd.s32 $0xFFFFD800  }
.LBB2_1:
0x1c: {  	s7 =	rddreg [dreg:$0x4];
	s9 =	simm.s32 $0x200  }
0x1d: {  	[tilespmem:s9], [sflag:$0xA] =	stream.linear.gather [hbm4b:s7+s4], $0x3E80, $0x38;
	[tilespmem:$0x1FA00] =	vst v63  }
0x1e: {  	_ =	swait.ge [sflag:s22], $0x3E80  }
0x1f: {  	[sflag:s22] =	ssyncset.done $0x0  }
0x20: {  	[sflag:s22] =	ssyncadd.s32 $0xFFFFC180  }
0x21: {  	[tilespmem:s4], [sflag:$0x7] =	stream.linear.gather [hbm4b:s8+s4], $0x80, $0x38;
	[tilespmem:$0x1FA00] =	vst v63  }
0x22: {  	s12 =	rddreg [dreg:$0x5]  }
0x23: {  	[tilespmem:s23], [sflag:$0x8] =	stream.linear.gather [hbm4b:s12+s4], $0x80, $0x38;
	[tilespmem:$0x1FA00] =	vst v63  }
0x24: {  	s24 =	simm.s32 $0x100;
	s21 =	rddreg [dreg:$0x6]  }
0x25: {  	[tilespmem:s24], [sflag:$0x9] =	stream.linear.gather [hbm4b:s21+s4], $0x80, $0x38;
	[tilespmem:$0x1FA00] =	vst v63  }
0x26: {  	_ =	swait.ge [sflag:s25], $0x80  }
0x27: {  	[sflag:s25] =	ssyncset.done $0x0  }
0x28: {  	s28 =	simm.s32 $0x4200;
	[sflag:s25] =	ssyncadd.s32 $0xFFFFFF80  }
0x29: {  	[tilespmem:s28], [sflag:$0x1] =	stream.indirect.gather [hbm4b:s1+s26], $0x80, s4, s26, $0xb8;
	[tilespmem:$0x1FA00] =	vst v63  }
0x2a: {  	_ =	swait.ge [sflag:s29], $0x80  }
0x2b: {  	s30 =	simm.s32 $0x6A00;
	[sflag:s29] =	ssyncset.done $0x0  }
0x2c: {  	s21 =	simm.s32 $0x0;
	s24 =	simm.s32 $0x200;
	[sflag:s29] =	ssyncadd.s32 $0xFFFFFF80  }
0x2d: {  	[tilespmem:s30], [sflag:$0x2] =	stream.indirect.gather [hbm4b:s1+s26], $0x80, s23, s26, $0xb8;
	[tilespmem:$0x1FA00] =	vst v63  }
.LBB2_2:
0x2e: {  	p0 =	sne.s32 s24, $0x9E00;
	[tilespmem:s21+$0x9270] =	vst v0  }
0x2f: {  	[tilespmem:s21+$0x9200] =	vst v0  }
0x30: {  	[tilespmem:s21+$0x9210] =	vst v0  }
.Ltmp2:
0x31: {  	[tilespmem:s21+$0x9220] =	vst v0;
	(pc) =	sbr.rel @p0 .LBB2_2-.Ltmp2, $4  }
0x32: {  	[tilespmem:s21+$0x9230] =	vst v0  }
0x33: {  	[tilespmem:s21+$0x9240] =	vst v0  }
0x34: {  	[tilespmem:s21+$0x9250] =	vst v0  }
0x35: {  	[tilespmem:s21+$0x9260] =	vst v0;
	s21 =	sshra.s32 s24, $0x2;
	s24 =	sadd.s32 $0x200, s24  }
0x36: {  	[tilespmem:s21+$0x9270] =	vst v0  }
0x37: {  	[tilespmem:s21+$0x9200] =	vst v0  }
0x38: {  	[tilespmem:s21+$0x9210] =	vst v0  }
0x39: {  	[tilespmem:s21+$0x9220] =	vst v0  }
0x3a: {  	[tilespmem:s21+$0x9230] =	vst v0  }
0x3b: {  	[tilespmem:s21+$0x9240] =	vst v0  }
0x3c: {  	[tilespmem:s21+$0x9250] =	vst v0  }
0x3d: {  	[tilespmem:s21+$0x9260] =	vst v0  }
0x3e: {  	[spmem:s11] =	stream.linear.scatter [tilespmem:s31], [sflag:$0xA], $0x2800, $0x38;
	[tilespmem:$0x1FA00] =	vst v63  }
0x3f: {  	_ =	swait.ge [sflag:s22], $0x2800  }
0x40: {  	[sflag:s22] =	ssyncset.done $0x0  }
0x41: {  	s7 =	rddreg [dreg:$0x7];
	[sflag:s22] =	ssyncadd.s32 $0xFFFFD800  }
0x42: {  	[spmem:s7] =	stream.linear.scatter [tilespmem:s31], [sflag:$0xA], $0x2800, $0x38;
	[tilespmem:$0x1FA00] =	vst v63  }
0x43: {  	_ =	swait.ge [sflag:s22], $0x2800  }
0x44: {  	[sflag:s22] =	ssyncset.done $0x0  }
0x45: {  	[sflag:s22] =	ssyncadd.s32 $0xFFFFD800  }
0x46: {  	[spmem:s13] =	stream.linear.scatter [tilespmem:s31], [sflag:$0xA], $0x2800, $0x38;
	[tilespmem:$0x1FA00] =	vst v63  }
0x47: {  	_ =	swait.ge [sflag:s22], $0x2800  }
0x48: {  	[sflag:s22] =	ssyncset.done $0x0  }
0x49: {  	[sflag:s22] =	ssyncadd.s32 $0xFFFFD800  }
0x4a: {  	[spmem:s14] =	stream.linear.scatter [tilespmem:s31], [sflag:$0xA], $0x2800, $0x38;
	[tilespmem:$0x1FA00] =	vst v63  }
0x4b: {  	_ =	swait.ge [sflag:s22], $0x2800  }
0x4c: {  	[sflag:s22] =	ssyncset.done $0x0  }
0x4d: {  	[sflag:s22] =	ssyncadd.s32 $0xFFFFD800  }
0x4e: {  	[spmem:s15] =	stream.linear.scatter [tilespmem:s31], [sflag:$0xA], $0x2800, $0x38;
	[tilespmem:$0x1FA00] =	vst v63  }
0x4f: {  	_ =	swait.ge [sflag:s22], $0x2800  }
0x50: {  	[sflag:s22] =	ssyncset.done $0x0  }
0x51: {  	[sflag:s22] =	ssyncadd.s32 $0xFFFFD800  }
0x52: {  	[spmem:s16] =	stream.linear.scatter [tilespmem:s31], [sflag:$0xA], $0x2800, $0x38;
	[tilespmem:$0x1FA00] =	vst v63  }
0x53: {  	_ =	swait.ge [sflag:s22], $0x2800  }
0x54: {  	[sflag:s22] =	ssyncset.done $0x0  }
0x55: {  	[sflag:s22] =	ssyncadd.s32 $0xFFFFD800  }
0x56: {  	[spmem:s17] =	stream.linear.scatter [tilespmem:s31], [sflag:$0xA], $0x2800, $0x38;
	[tilespmem:$0x1FA00] =	vst v63  }
0x57: {  	_ =	swait.ge [sflag:s22], $0x2800  }
0x58: {  	[sflag:s22] =	ssyncset.done $0x0  }
0x59: {  	[sflag:s22] =	ssyncadd.s32 $0xFFFFD800  }
0x5a: {  	[spmem:s18] =	stream.linear.scatter [tilespmem:s31], [sflag:$0xA], $0x2800, $0x38;
	[tilespmem:$0x1FA00] =	vst v63  }
.Ltmp3:
0x5b: {  	_ =	swait.ge [sflag:s22], $0x2800;
	(pc) =	sbr.rel .LBB2_4-.Ltmp3, $4  }
0x5c: {  	[sflag:s22] =	ssyncset.done $0x0  }
0x5d: {  	[sflag:s22] =	ssyncadd.s32 $0xFFFFD800  }
0x5e: {  	[bflag:$0x0] =	sbarrier.arrive $0xFFFF  }
0x5f: {  	s21 =	simm.s32 $0x0;
	s24 =	simm.s32 $0x200;
	s28 =	simm.s32 $0x180  }
.LBB2_5:
0x60: {  	s7 =	sadd.s32 $0x3, s21  }
0x61: {  	s9 =	smul.u32 $0xAB, s7;
	_ =	sdelay $0x1  }
0x62: {  	s9 =	sshrl.u32 s9, $0x9  }
0x63: {  	s9 =	sand.u32 $0x7F, s9  }
0x64: {  	s10 =	sand.u32 $0x7C00, s28;
	s9 =	smul.u32 $0x3, s9  }
0x65: {  	s12 =	sand.u32 $0x380, s28;
	s10 =	sadd.s32 s6, s10  }
0x66: {  	s10 =	sor.u32 s12, s10;
	s7 =	ssub.s32 s7, s9  }
0x67: {  	s30 =	simm.s32 @p0 $0x2;
	s10 =	sshrl.u32 s10, $0x3;
	s7 =	sand.u32 $0xFF, s7  }
0x68: {  	s9 =	sadd.s32 s5, s10;
	s12 =	sshll.u32 s7, $0x7;
	s7 =	sadd.s32 $0x7, s7  }
0x69: {  	[tilespmem:s12], [sflag:s7] =	stream.linear.gather [hbm4b:s9+s4], $0x80, $0x38;
	[tilespmem:$0x1FA00] =	vst v63  }
.LBB2_7:
0x6a: {  	s7 =	sadd.s32 $0x7, s30;
	s9 =	smul.u32 $0xA000, s30  }
0x6b: {  	_ =	swait.ge [sflag:s7], $0x80  }
0x6c: {  	s10 =	sshll.u32 s30, $0x7;
	[sflag:s7] =	ssyncset.done $0x0;
	s9 =	sshrl.u32 s9, $0x2  }
0x6d: {  	s30 =	sadd.s32 $0x1, s30;
	[sflag:s7] =	ssyncadd.s32 $0xFFFFFF80;
	s12 =	sadd.s32 $0x4200, s9  }
0x6e: {  	[tilespmem:s12], [sflag:s30] =	stream.indirect.gather [hbm4b:s1+s26], $0x80, s10, s26, $0xb8;
	[tilespmem:$0x1FA00] =	vst v63  }
.LBB2_8:
0x6f: {  	s21 =	sadd.s32 $0x1, s21  }
0x70: {  	p0 =	sne.s32 s21, $0x7D  }
.Ltmp4:
0x71: {  	_ = 	snop;
	(pc) =	sbr.rel @!p0 .LBB2_9-.Ltmp4, $2  }
0x72: {  	_ =	sdelay $0x2  }
0x73: {  	s24 =	sadd.s32 $0x80, s24;
	s28 =	sadd.s32 $0x80, s28  }
.LBB2_4:
0x74: {  	s30 =	smul.u32 $0xAB, s21;
	_ =	sdelay $0x1  }
0x75: {  	s30 =	sshrl.u32 s30, $0x9  }
0x76: {  	s30 =	sand.u32 $0x7F, s30  }
0x77: {  	s30 =	smul.u32 $0x3, s30  }
0x78: {  	p0 =	seq.s32 s21, $0x0  }
0x79: {  	s7 =	sadd.s32 @!p0 $0x2, s21;
	s30 =	ssub.s32 s21, s30  }
0x7a: {  	s12 =	sand.u32 @!p0 $0xFF, s7;
	s30 =	sand.u32 $0xFF, s30  }
0x7b: {  	s12 =	smul.u32 @!p0 $0xAB, s12;
	s10 =	sadd.s32 $0x1, s30  }
0x7c: {  	s9 =	smul.u32 $0xA000, s30;
	_ =	swait.ge [sflag:s10], $0x2800  }
0x7d: {  	p1 =	sgt.u32 @!p0 s21, $0x79;
	[sflag:s10] =	ssyncset.done $0x0  }
0x7e: {  	s9 =	sshrl.u32 s9, $0x2;
	[sflag:s10] =	ssyncadd.s32 $0xFFFFD800;
	s10 =	sshrl.u32 @!p0 s12, $0x9  }
0x7f: {  	s9 =	sadd.s32 $0x4200, s9;
	s12 =	sor.u32 $0x4, s30;
	s10 =	smul.u32 @!p0 $0x3, s10  }
0x80: {  	[spmem:s2] =	stream.indirect.scatter.add.f32 [tilespmem:s9], [sflag:s12], $0x80, s24, s26, $0xb8;
	[tilespmem:$0x1FA00] =	vst v63  }
0x81: {  	p1 =	por p0, !p1;
	s7 =	ssub.s32 @!p0 s7, s10  }
.Ltmp5:
0x82: {  	s30 =	sand.u32 @!p0 $0xFF, s7;
	(pc) =	sbr.rel @p1 .LBB2_5-.Ltmp5, $4  }
0x83: {  	s7 =	sor.u32 @!p0 $0x4, s30  }
0x84: {  	_ =	swait.ge @!p0 [sflag:s7], $0x2800  }
0x85: {  	[sflag:s7] =	ssyncset.done @!p0 $0x0  }
0x86: {  	[sflag:s7] =	ssyncadd.s32 @!p0 $0xFFFFD800  }
0x87: {  	p0 =	sne.s32 s21, $0x7A  }
.Ltmp6:
0x88: {  	_ = 	snop;
	(pc) =	sbr.rel @p0 .LBB2_8-.Ltmp6, $4  }
.Ltmp7:
0x89: {  	_ = 	snop;
	(pc) =	sbr.rel @!p0 .LBB2_7-.Ltmp7, $4  }
0x8a: {  	_ = 	snop  }
0x8b: {  	_ = 	snop  }
0x8c: {  	_ = 	snop  }
0x8d: {  	_ = 	snop  }
.LBB2_10:
0x8e: {  	_ =	sfence.sel $0x180000  }
0x8f: {  	[bflag:$0x0] =	sbarrier.arrive $0xFFFF  }
0x90: {  	_ =	strace $0x9000004A  }
0x91: {  	s0 =	stileid.u32;
	[bflag:$0x2] =	sbarrier.arrive $0xFFFF  }
0x92: {  	p0 =	sne.s32 s0, $0x0;
	s0 =	rddreg [dreg:$0x3]  }
0x93: {  	s0 =	sadd.s32 @!p0 $0x100000, s0  }
0x94: {  	[sflag:s0] =	ssyncadd.tile.s32 @!p0 $0x1;
	_ =	shalt  }
.Lfunc_end2:
_tile_overlayer_lowered:
.L_overlay_start_2:
0x95: {  	(tag) =	ssettag $0x2  }
0x96: {  	s0 =	rddreg [dreg:$0x0];
	s2 =	stileid.u32  }
0x97: {  	s1 =	rddreg [dreg:$0x1];
	p0 =	sne.s32 s2, $0x0  }
0x98: {  	s3 =	rddreg [dreg:$0x2];
	[bflag:$0x3] =	sbarrier.arrive $0xFFFF;
	s2 =	simm.s32 @!p0 $0x1C0A  }
0x99: {  	[timem:s3], [sflag:s2] =	dma.local @!p0 [hbm:s0], s1  }
0x9a: {  	s0 =	simm.s32 @!p0 $0xA  }
0x9b: {  	_ =	swait.ge @!p0 [sflag:s0], s1  }
0x9c: {  	s1 =	ssub.s32 @!p0 $0x0, s1;
	[sflag:s0] =	ssyncset.done @!p0 $0x0  }
0x9d: {  	[sflag:s0] =	ssyncadd.s32 @!p0 s1  }
0x9e: {  	[bflag:$0x3] =	sbarrier.arrive $0xFFFF  }
0x9f: {  	_ =	shalt  }

// kernel: kernel.16.cloned.1.call-start
scs
__scs_entry_jumppad:
0x0: {  	(pc) =	sbr.rel $0x88, $3  }
0x1: {  	(tag) =	ssettag $0x0;
	lr =	simm.s32 $0x1  }
0x2: {  	[smem:$0x3F98] =	sst lr;
	_ =	strace $0xD0000000  }
0x3: {  	_ = 	snop  }
0x4: {  	_ = 	snop  }
0x5: {  	_ = 	snop  }
0x6: {  	_ = 	snop  }
0x7: {  	_ = 	snop  }
__scs_overlays_trampoline_lowered:
0x8: {  	[smem:$0x3FA7] =	sst s0  }
0x9: {  	[smem:$0x3FA8] =	sst s1  }
0xa: {  	[smem:$0x3FA9] =	sst s2  }
0xb: {  	[smem:$0x3FAA] =	sst s3  }
0xc: {  	[smem:$0x3FAB] =	sst s4  }
0xd: {  	[smem:$0x3FAC] =	sst s5  }
0xe: {  	[smem:$0x3FAD] =	sst s6  }
0xf: {  	[smem:$0x3FAE] =	sst s7  }
0x10: {  	[smem:$0x3FAF] =	sst s8  }
0x11: {  	[smem:$0x3FB0] =	sst s9;
	s0 =	simm.s32 @!p0 $0x0  }
0x12: {  	s1 =	sld [smem:$0x3F96];
	s0 =	simm.s32 @p0 $0x1  }
0x13: {  	[smem:$0x3FB1] =	sst s0;
	s0 =	simm.s32 @!p1 $0x0  }
0x14: {  	s2 =	sld [smem:$0x3F95];
	s0 =	simm.s32 @p1 $0x1  }
0x15: {  	[smem:$0x3FB2] =	sst s0;
	s0 =	simm.s32 @!p2 $0x0  }
0x16: {  	s3 =	sld [smem:$0x3FDB];
	s0 =	simm.s32 @p2 $0x1  }
0x17: {  	s4 =	simm.s32 $0x1BF5;
	[smem:$0x3FB4] =	sst s0  }
0x18: {  	s0 =	sld [smem:$0x3F97];
	_ =	swait.ge [sflag:s4], $0x0  }
0x19: {  	s7 =	sld [smem:$0x3F98]  }
0x1a: {  	s8 =	sadd.s32 $0xFFFFE003, lr  }
0x1b: {  	s9 =	sadd.s32 $0xFFFFFEF7, lr;
	s5 =	simm.s32 $0xFFFFFFFF;
	p2 =	slt.u32 s8, $0xFFFFF086  }
0x1c: {  	p1 =	slt.u32 s9, $0xF7A;
	s5 =	simm.s32 @!p2 $0x0  }
0x1d: {  	s5 =	simm.s32 @p1 $0x1;
	p0 =	seq.s32 s7, s2  }
0x1e: {  	s7 =	smul.u32 @!p0 $0xF7A, s2;
	p2 =	seq.s32 @!p0 s5, $0x0  }
0x1f: {  	s9 =	smul.u32 $0xF7A, s1;
	s8 =	simm.s32 @!p0 $0x1BF5;
	p2 =	por !p2, p0  }
0x20: {  	[sflag:s8] =	ssyncset.s32 @!p0 $0xFFFFF086;
	s6 =	sadd.s32 @!p0 s3, s7;
	s7 =	simm.s32 @!p0 $0x108  }
0x21: {  	s3 =	sadd.s32 s3, s9;
	s6 =	sadd.s32 @!p0 $0x88, s6;
	s7 =	simm.s32 @p2 $0x1082  }
0x22: {  	[simem:s7], [sflag:s8] =	dma.local @!p0 [hbm:s6], $0xF7A  }
0x23: {  	s9 =	sor.u32 $0xD0000000, s2;
	s6 =	simm.s32 $0x108;
	_ =	swait.ge @!p0 [sflag:s8], $0x0  }
0x24: {  	s3 =	sadd.s32 $0x88, s3;
	s6 =	simm.s32 @!p1 $0x1082;
	[sflag:s4] =	ssyncset.s32 $0xFFFFF086  }
0x25: {  	[simem:s6], [sflag:s4] =	dma.local [hbm:s3], $0xF7A  }
0x26: {  	[smem:$0x3F98] =	sst s1;
	(tag) =	ssettag s2;
	_ =	strace s9  }
0x27: {  	s1 =	sld [smem:$0x3FA8]  }
0x28: {  	s2 =	sld [smem:$0x3FA9]  }
0x29: {  	s4 =	sld [smem:$0x3FAB]  }
0x2a: {  	p0 =	seq.s32 s5, $0x0;
	s5 =	sld [smem:$0x3FAC]  }
0x2b: {  	s6 =	sld [smem:$0x3FAD]  }
0x2c: {  	s7 =	sld [smem:$0x3FAE]  }
0x2d: {  	s3 =	simm.s32 $0x108;
	s8 =	sld [smem:$0x3FAF]  }
0x2e: {  	s3 =	simm.s32 @!p0 $0x1082;
	s9 =	sld [smem:$0x3FB0]  }
0x2f: {  	lr =	sadd.s32 s0, s3;
	s0 =	sld [smem:$0x3FA7]  }
0x30: {  	s3 =	sld [smem:$0x3FAA]  }
0x31: {  	[smem:$0x3FB3] =	sst s10  }
0x32: {  	s10 =	sld [smem:$0x3FB1];
	_ =	sdelay $0x3  }
0x33: {  	p0 =	seq.s32 s10, $0x1;
	s10 =	sld [smem:$0x3FB3];
	_ =	sdelay $0x3  }
0x34: {  	[smem:$0x3FB3] =	sst s10  }
0x35: {  	s10 =	sld [smem:$0x3FB2];
	_ =	sdelay $0x3  }
0x36: {  	p1 =	seq.s32 s10, $0x1;
	s10 =	sld [smem:$0x3FB3];
	_ =	sdelay $0x3  }
0x37: {  	[smem:$0x3FB3] =	sst s10  }
0x38: {  	s10 =	sld [smem:$0x3FB4]  }
0x39: {  	_ = 	snop;
	(pc) =	sbr.ind lr, $3  }
0x3a: {  	_ = 	snop  }
0x3b: {  	_ = 	snop  }
0x3c: {  	p2 =	seq.s32 s10, $0x1;
	s10 =	sld [smem:$0x3FB3]  }
0x3d: {  	_ =	shalt  }
0x3e: {  	_ =	shalt  }
0x3f: {  	_ =	shalt  }
0x40: {  	_ =	shalt  }
0x41: {  	_ =	shalt  }
0x42: {  	_ =	shalt  }
0x43: {  	_ =	shalt  }
0x44: {  	_ =	shalt  }
0x45: {  	_ =	shalt  }
0x46: {  	_ =	shalt  }
0x47: {  	_ =	shalt  }
0x48: {  	_ =	shalt  }
0x49: {  	_ =	shalt  }
0x4a: {  	_ =	shalt  }
0x4b: {  	_ =	shalt  }
0x4c: {  	_ =	shalt  }
0x4d: {  	_ =	shalt  }
0x4e: {  	_ =	shalt  }
0x4f: {  	_ =	shalt  }
0x50: {  	_ =	shalt  }
0x51: {  	_ =	shalt  }
0x52: {  	_ =	shalt  }
0x53: {  	_ =	shalt  }
0x54: {  	_ =	shalt  }
0x55: {  	_ =	shalt  }
0x56: {  	_ =	shalt  }
0x57: {  	_ =	shalt  }
0x58: {  	_ =	shalt  }
0x59: {  	_ =	shalt  }
0x5a: {  	_ =	shalt  }
0x5b: {  	_ =	shalt  }
0x5c: {  	_ =	shalt  }
0x5d: {  	_ =	shalt  }
0x5e: {  	_ =	shalt  }
0x5f: {  	_ =	shalt  }
0x60: {  	_ =	shalt  }
0x61: {  	_ =	shalt  }
0x62: {  	_ =	shalt  }
0x63: {  	_ =	shalt  }
0x64: {  	_ =	shalt  }
0x65: {  	_ =	shalt  }
0x66: {  	_ =	shalt  }
0x67: {  	_ =	shalt  }
0x68: {  	_ =	shalt  }
0x69: {  	_ =	shalt  }
0x6a: {  	_ =	shalt  }
0x6b: {  	_ =	shalt  }
0x6c: {  	_ =	shalt  }
0x6d: {  	_ =	shalt  }
0x6e: {  	_ =	shalt  }
0x6f: {  	_ =	shalt  }
0x70: {  	_ =	shalt  }
0x71: {  	_ =	shalt  }
0x72: {  	_ =	shalt  }
0x73: {  	_ =	shalt  }
0x74: {  	_ =	shalt  }
0x75: {  	_ =	shalt  }
0x76: {  	_ =	shalt  }
0x77: {  	_ =	shalt  }
0x78: {  	_ =	shalt  }
0x79: {  	_ =	shalt  }
0x7a: {  	_ =	shalt  }
0x7b: {  	_ =	shalt  }
0x7c: {  	_ =	shalt  }
0x7d: {  	_ =	shalt  }
0x7e: {  	_ =	shalt  }
0x7f: {  	_ =	shalt  }
0x80: {  	_ =	shalt  }
0x81: {  	_ =	shalt  }
0x82: {  	_ =	shalt  }
0x83: {  	_ =	shalt  }
0x84: {  	_ =	shalt  }
0x85: {  	_ =	shalt  }
0x86: {  	_ =	shalt  }
0x87: {  	_ =	shalt  }
.Lfunc_end0:
.L_simem_size_0:
called_computation.2_lowered:
.L_overlay_start_0:
0x88: {  	s2 =	sld [smem:$0x3FD9]  }
0x89: {  	s3 =	sld [smem:$0x3FFE];
	_ =	sdelay $0x1  }
0x8a: {  	s1 =	srdreg.scid  }
0x8b: {  	s0 =	sand.u32 $0x1, s1  }
0x8c: {  	s17 =	sshll.u32 s0, $0xA;
	s2 =	sadd.s32 s3, s2  }
0x8d: {  	s2 =	sadd.s32 s2, s17  }
0x8e: {  	[smem:$0x3FBF] =	sst s2  }
0x8f: {  	_ = 	snop  }
0x90: {  	s2 =	sld [smem:$0x3FD0];
	(tm) =	ssettm $0x1  }
0x91: {  	s18 =	sld [smem:$0x3FFB];
	_ =	sdelay $0x3  }
0x92: {  	_ =	strace s18  }
0x93: {  	s3 =	sld [smem:$0x3FFC];
	_ =	sdelay $0x3  }
0x94: {  	_ =	strace s3  }
0x95: {  	s3 =	sld [smem:$0x3FFD];
	_ =	sdelay $0x3  }
0x96: {  	_ =	strace s3  }
0x97: {  	_ =	strace $0x8FFFFFFF  }
0x98: {  	s19 =	sld [smem:$0x3FDB];
	_ =	sdelay $0x1  }
0x99: {  	s4 =	simm.s32 $_scs_section_size  }
0x9a: {  	s5 =	simm.s32 $_size__tile_overlayer_lowered;
	s6 =	simm.s32 $_tile_overlayer_lowered  }
0x9b: {  	s22 =	simm.s32 $0x1BFF;
	s21 =	sshll.u32 s6, $0x1;
	s3 =	sadd.s32 s4, s19  }
0x9c: {  	s7 =	simm.s32 $0x0;
	s20 =	sshll.u32 s5, $0x1;
	s5 =	sadd.s32 s21, s3  }
0x9d: {  	[timem:s7], [sflag:s22] =	dma.local [hbm:s5], s20  }
0x9e: {  	_ =	swait.ge [sflag:s22], s20  }
0x9f: {  	s4 =	ssub.s32 $0x0, s20;
	[sflag:s22] =	ssyncset.done $0x0  }
0xa0: {  	[sflag:s22] =	ssyncadd.s32 s4;
	_ =	sdelay $0x1  }
0xa1: {  	s23 =	simm.s32 $0x1B8B  }
0xa2: {  	_ =	swait.ge [sflag:s23], $0x1  }
0xa3: {  	[sflag:s23] =	ssyncset.done $0x0  }
0xa4: {  	s25 =	simm.s32 $0x1B8E;
	s24 =	sld [smem:$0x3FFE];
	[sflag:s23] =	ssyncadd.s32 $0xFFFFFFFF  }
0xa5: {  	s26 =	simm.s32 $execute0_lowered;
	[smem:$0x3FD2] =	sst s25  }
0xa6: {  	s5 =	sshll.u32 s26, $0x1;
	_ =	strace $0x8000004C;
	[dreg:$0x1] =	wrdreg $0xFFFFFFFF  }
0xa7: {  	s28 =	simm.s32 $_size_execute0_lowered;
	s3 =	sadd.s32 s3, s5;
	[dreg:$0x0] =	wrdreg $0x0  }
0xa8: {  	s5 =	sshll.u32 s28, $0x1;
	[dreg:$0x2] =	wrdreg s3  }
0xa9: {  	[dreg:$0x3] =	wrdreg s5  }
0xaa: {  	[dreg:$0x4] =	wrdreg $0xC0  }
0xab: {  	_ =	task [dreg:s7], $0x5FFFF  }
0xac: {  	[dreg:$0x1] =	wrdreg $0xFFFFFFFF  }
0xad: {  	[dreg:$0x0] =	wrdreg $0x60  }
0xae: {  	[dreg:$0x2] =	wrdreg s2  }
0xaf: {  	[dreg:$0x3] =	wrdreg s24  }
0xb0: {  	[dreg:$0x4] =	wrdreg $0xBA000  }
0xb1: {  	[dreg:$0x5] =	wrdreg $0x9  }
0xb2: {  	_ =	task.clear_ibuf [dreg:s7], $0x6FFFF;
	_ =	strace $0x9000004C  }
0xb3: {  	s29 =	simm.s32 $0x9;
	_ =	strace $0x8000004E  }
0xb4: {  	_ =	swait.ge [sflag:s29], $0x1  }
0xb5: {  	[sflag:s29] =	ssyncadd.s32 $0xFFFFFFFF  }
0xb6: {  	_ =	strace $0x9000004E  }
0xb7: {  	_ =	sfence  }
0xb8: {  	s30 =	sld [smem:$0x0];
	_ =	sdelay $0x2  }
0xb9: {  	s31 =	sshll.u32 s1, $0xD;
	s1 =	sshrl.u32 s1, $0x2  }
0xba: {  	s3 =	sand.u32 $0x4000, s31;
	s1 =	sadd.s32 s1, s30  }
0xbb: {  	s0 =	sor.u32 s3, s0;
	s1 =	sshll.u32 s1, $0x11  }
0xbc: {  	s0 =	sor.u32 s1, s0  }
0xbd: {  	s0 =	sadd.s32 $0x8F2B, s0  }
0xbe: {  	[sflag:s0] =	ssyncadd.remote.s32 $0x1  }
0xbf: {  	_ =	sfence.sel $0xFFFF  }
0xc0: {  	[dreg:$0x0] =	wrdreg $0xFFFFFFFF;
	(pc) =	sbr.abs _section_cstart, $3  }
0xc1: {  	[dreg:$0x1] =	wrdreg $0xFFFFFFFF  }
0xc2: {  	_ =	task.clear_ibuf [dreg:s7], $0x2FFFF;
	_ =	strace $0x9FFFFFFF  }
0xc3: {  	(tm) =	ssettm $0x7FFFFFFF  }
tec
execute0_lowered:
.L_overlay_start_1:
0x0: {  	(tag) =	ssettag $0x1  }
0x1: {  	s1 =	rddreg [dreg:$0x0]  }
0x2: {  	s0 =	rddreg [dreg:$0x1]  }
0x3: {  	s2 =	rddreg [dreg:$0x2];
	s4 =	simm.s32 $0x0  }
0x4: {  	s3 =	srdreg.scid;
	s10 =	stileid.u32;
	s22 =	simm.s32 $0xA  }
0x5: {  	s29 =	simm.s32 $0x8;
	s31 =	simm.s32 $0x9200;
	s9 =	smul.u32 $0x14000, s10  }
0x6: {  	s3 =	sand.u32 $0x1, s3;
	s8 =	sshll.u32 s10, $0xE;
	s10 =	smul.u32 $0x50000, s10  }
0x7: {  	[smem:$0x7FF] =	sst s4;
	s5 =	sadd.s32 $0x63600, s0;
	s7 =	smul.u32 $0x140000, s3  }
0x8: {  	s6 =	sshll.u32 s3, $0x12;
	_ =	strace $0x8000004D;
	s3 =	ssub.s32 $0x2, s3  }
0x9: {  	s6 =	sor.u32 s8, s6;
	s23 =	sshrl.u32 s3, $0x1;
	s25 =	sshrl.u32 s10, $0x2  }
0xa: {  	s8 =	sshrl.u32 s6, $0x3;
	s7 =	sadd.s32 s9, s7;
	s3 =	ssub.s32 s3, s23  }
0xb: {  	s23 =	simm.s32 $0x80;
	s7 =	sshrl.u32 s7, $0x3;
	s11 =	sadd.s32 s8, s0  }
0xc: {  	s8 =	sadd.s32 s5, s8;
	s20 =	smax.u32 s3, $0x1;
	s3 =	simm.s32 $0x0  }
0xd: {  	s0 =	sadd.s32 s7, s0;
	s24 =	sadd.s32 $0x3000, s11;
	s26 =	sadd.s32 $0x10, s8  }
0xe: {  	s28 =	sadd.s32 $0x20, s8;
	s11 =	sadd.s32 s25, s2;
	[dreg:$0x4] =	wrdreg s24  }
.Ltmp0:
0xf: {  	s25 =	simm.s32 $0x7;
	[dreg:$0x5] =	wrdreg s26;
	(pc) =	sbr.rel .LBB2_1-.Ltmp0, $4  }
0x10: {  	[dreg:$0x6] =	wrdreg s28;
	s30 =	sadd.s32 $0x2800, s11;
	s13 =	sadd.s32 $0x5000, s11  }
0x11: {  	s14 =	sadd.s32 $0x7800, s11;
	s15 =	sadd.s32 $0xA000, s11;
	s16 =	sadd.s32 $0xC800, s11  }
0x12: {  	s17 =	sadd.s32 $0xF000, s11;
	s18 =	sadd.s32 $0x11800, s11;
	s19 =	sadd.s32 $0x13000, s0  }
0x13: {  	v0 =	vimm.f32 $0.0e+00;
	s26 =	simm.s32 $0x50;
	s0 =	simm.s32 $0x5;
	[dreg:$0x7] =	wrdreg s30  }
.LBB2_9:
0x14: {  	_ =	swait.ge [sflag:s0], $0x2800;
	s7 =	stileid.u32  }
0x15: {  	s9 =	sshrl.u32 s11, $0x3;
	s3 =	sadd.s32 $0x1, s3;
	[sflag:s0] =	ssyncset.done $0x0  }
0x16: {  	s7 =	sshll.u32 s7, $0x6;
	p0 =	sne.s32 s3, s20;
	[sflag:s0] =	ssyncadd.s32 $0xFFFFD800  }
.Ltmp1:
0x17: {  	s7 =	sor.u32 $0x1C0A, s7;
	[bflag:$0x0] =	sbarrier.arrive $0xFFFF;
	(pc) =	sbr.rel @!p0 .LBB2_10-.Ltmp1, $4  }
0x18: {  	[hbm:s19], [sflag:s7] =	dma.local [spmem:s9], $0x2800  }
0x19: {  	_ =	swait.ge [sflag:s22], $0x2800  }
0x1a: {  	[sflag:s22] =	ssyncset.done $0x0  }
0x1b: {  	[sflag:s22] =	ssyncadd.s32 $0xFFFFD800  }
.LBB2_1:
0x1c: {  	s7 =	rddreg [dreg:$0x4];
	s9 =	simm.s32 $0x200  }
0x1d: {  	[tilespmem:s9], [sflag:$0xA] =	stream.linear.gather [hbm4b:s7+s4], $0x3E80, $0x38;
	[tilespmem:$0x1FA00] =	vst v63  }
0x1e: {  	_ =	swait.ge [sflag:s22], $0x3E80  }
0x1f: {  	[sflag:s22] =	ssyncset.done $0x0  }
0x20: {  	[sflag:s22] =	ssyncadd.s32 $0xFFFFC180  }
0x21: {  	[tilespmem:s4], [sflag:$0x7] =	stream.linear.gather [hbm4b:s8+s4], $0x80, $0x38;
	[tilespmem:$0x1FA00] =	vst v63  }
0x22: {  	s12 =	rddreg [dreg:$0x5]  }
0x23: {  	[tilespmem:s23], [sflag:$0x8] =	stream.linear.gather [hbm4b:s12+s4], $0x80, $0x38;
	[tilespmem:$0x1FA00] =	vst v63  }
0x24: {  	s24 =	simm.s32 $0x100;
	s21 =	rddreg [dreg:$0x6]  }
0x25: {  	[tilespmem:s24], [sflag:$0x9] =	stream.linear.gather [hbm4b:s21+s4], $0x80, $0x38;
	[tilespmem:$0x1FA00] =	vst v63  }
0x26: {  	_ =	swait.ge [sflag:s25], $0x80  }
0x27: {  	[sflag:s25] =	ssyncset.done $0x0  }
0x28: {  	s28 =	simm.s32 $0x4200;
	[sflag:s25] =	ssyncadd.s32 $0xFFFFFF80  }
0x29: {  	[tilespmem:s28], [sflag:$0x1] =	stream.indirect.gather [hbm4b:s1+s26], $0x80, s4, s26, $0xb8;
	[tilespmem:$0x1FA00] =	vst v63  }
0x2a: {  	_ =	swait.ge [sflag:s29], $0x80  }
0x2b: {  	s30 =	simm.s32 $0x6A00;
	[sflag:s29] =	ssyncset.done $0x0  }
0x2c: {  	s21 =	simm.s32 $0x0;
	s24 =	simm.s32 $0x200;
	[sflag:s29] =	ssyncadd.s32 $0xFFFFFF80  }
0x2d: {  	[tilespmem:s30], [sflag:$0x2] =	stream.indirect.gather [hbm4b:s1+s26], $0x80, s23, s26, $0xb8;
	[tilespmem:$0x1FA00] =	vst v63  }
.LBB2_2:
0x2e: {  	p0 =	sne.s32 s24, $0x9E00;
	[tilespmem:s21+$0x9270] =	vst v0  }
0x2f: {  	[tilespmem:s21+$0x9200] =	vst v0  }
0x30: {  	[tilespmem:s21+$0x9210] =	vst v0  }
.Ltmp2:
0x31: {  	[tilespmem:s21+$0x9220] =	vst v0;
	(pc) =	sbr.rel @p0 .LBB2_2-.Ltmp2, $4  }
0x32: {  	[tilespmem:s21+$0x9230] =	vst v0  }
0x33: {  	[tilespmem:s21+$0x9240] =	vst v0  }
0x34: {  	[tilespmem:s21+$0x9250] =	vst v0  }
0x35: {  	[tilespmem:s21+$0x9260] =	vst v0;
	s21 =	sshra.s32 s24, $0x2;
	s24 =	sadd.s32 $0x200, s24  }
0x36: {  	[tilespmem:s21+$0x9270] =	vst v0  }
0x37: {  	[tilespmem:s21+$0x9200] =	vst v0  }
0x38: {  	[tilespmem:s21+$0x9210] =	vst v0  }
0x39: {  	[tilespmem:s21+$0x9220] =	vst v0  }
0x3a: {  	[tilespmem:s21+$0x9230] =	vst v0  }
0x3b: {  	[tilespmem:s21+$0x9240] =	vst v0  }
0x3c: {  	[tilespmem:s21+$0x9250] =	vst v0  }
0x3d: {  	[tilespmem:s21+$0x9260] =	vst v0  }
0x3e: {  	[spmem:s11] =	stream.linear.scatter [tilespmem:s31], [sflag:$0xA], $0x2800, $0x38;
	[tilespmem:$0x1FA00] =	vst v63  }
0x3f: {  	_ =	swait.ge [sflag:s22], $0x2800  }
0x40: {  	[sflag:s22] =	ssyncset.done $0x0  }
0x41: {  	s7 =	rddreg [dreg:$0x7];
	[sflag:s22] =	ssyncadd.s32 $0xFFFFD800  }
0x42: {  	[spmem:s7] =	stream.linear.scatter [tilespmem:s31], [sflag:$0xA], $0x2800, $0x38;
	[tilespmem:$0x1FA00] =	vst v63  }
0x43: {  	_ =	swait.ge [sflag:s22], $0x2800  }
0x44: {  	[sflag:s22] =	ssyncset.done $0x0  }
0x45: {  	[sflag:s22] =	ssyncadd.s32 $0xFFFFD800  }
0x46: {  	[spmem:s13] =	stream.linear.scatter [tilespmem:s31], [sflag:$0xA], $0x2800, $0x38;
	[tilespmem:$0x1FA00] =	vst v63  }
0x47: {  	_ =	swait.ge [sflag:s22], $0x2800  }
0x48: {  	[sflag:s22] =	ssyncset.done $0x0  }
0x49: {  	[sflag:s22] =	ssyncadd.s32 $0xFFFFD800  }
0x4a: {  	[spmem:s14] =	stream.linear.scatter [tilespmem:s31], [sflag:$0xA], $0x2800, $0x38;
	[tilespmem:$0x1FA00] =	vst v63  }
0x4b: {  	_ =	swait.ge [sflag:s22], $0x2800  }
0x4c: {  	[sflag:s22] =	ssyncset.done $0x0  }
0x4d: {  	[sflag:s22] =	ssyncadd.s32 $0xFFFFD800  }
0x4e: {  	[spmem:s15] =	stream.linear.scatter [tilespmem:s31], [sflag:$0xA], $0x2800, $0x38;
	[tilespmem:$0x1FA00] =	vst v63  }
0x4f: {  	_ =	swait.ge [sflag:s22], $0x2800  }
0x50: {  	[sflag:s22] =	ssyncset.done $0x0  }
0x51: {  	[sflag:s22] =	ssyncadd.s32 $0xFFFFD800  }
0x52: {  	[spmem:s16] =	stream.linear.scatter [tilespmem:s31], [sflag:$0xA], $0x2800, $0x38;
	[tilespmem:$0x1FA00] =	vst v63  }
0x53: {  	_ =	swait.ge [sflag:s22], $0x2800  }
0x54: {  	[sflag:s22] =	ssyncset.done $0x0  }
0x55: {  	[sflag:s22] =	ssyncadd.s32 $0xFFFFD800  }
0x56: {  	[spmem:s17] =	stream.linear.scatter [tilespmem:s31], [sflag:$0xA], $0x2800, $0x38;
	[tilespmem:$0x1FA00] =	vst v63  }
0x57: {  	_ =	swait.ge [sflag:s22], $0x2800  }
0x58: {  	[sflag:s22] =	ssyncset.done $0x0  }
0x59: {  	[sflag:s22] =	ssyncadd.s32 $0xFFFFD800  }
0x5a: {  	[spmem:s18] =	stream.linear.scatter [tilespmem:s31], [sflag:$0xA], $0x2800, $0x38;
	[tilespmem:$0x1FA00] =	vst v63  }
.Ltmp3:
0x5b: {  	_ =	swait.ge [sflag:s22], $0x2800;
	(pc) =	sbr.rel .LBB2_4-.Ltmp3, $4  }
0x5c: {  	[sflag:s22] =	ssyncset.done $0x0  }
0x5d: {  	[sflag:s22] =	ssyncadd.s32 $0xFFFFD800  }
0x5e: {  	[bflag:$0x0] =	sbarrier.arrive $0xFFFF  }
0x5f: {  	s21 =	simm.s32 $0x0;
	s24 =	simm.s32 $0x200;
	s28 =	simm.s32 $0x180  }
.LBB2_5:
0x60: {  	s7 =	sadd.s32 $0x3, s21  }
0x61: {  	s9 =	smul.u32 $0xAB, s7;
	_ =	sdelay $0x1  }
0x62: {  	s9 =	sshrl.u32 s9, $0x9  }
0x63: {  	s9 =	sand.u32 $0x7F, s9  }
0x64: {  	s10 =	sand.u32 $0x7C00, s28;
	s9 =	smul.u32 $0x3, s9  }
0x65: {  	s12 =	sand.u32 $0x380, s28;
	s10 =	sadd.s32 s6, s10  }
0x66: {  	s10 =	sor.u32 s12, s10;
	s7 =	ssub.s32 s7, s9  }
0x67: {  	s30 =	simm.s32 @p0 $0x2;
	s10 =	sshrl.u32 s10, $0x3;
	s7 =	sand.u32 $0xFF, s7  }
0x68: {  	s9 =	sadd.s32 s5, s10;
	s12 =	sshll.u32 s7, $0x7;
	s7 =	sadd.s32 $0x7, s7  }
0x69: {  	[tilespmem:s12], [sflag:s7] =	stream.linear.gather [hbm4b:s9+s4], $0x80, $0x38;
	[tilespmem:$0x1FA00] =	vst v63  }
.LBB2_7:
0x6a: {  	s7 =	sadd.s32 $0x7, s30;
	s9 =	smul.u32 $0xA000, s30  }
0x6b: {  	_ =	swait.ge [sflag:s7], $0x80  }
0x6c: {  	s10 =	sshll.u32 s30, $0x7;
	[sflag:s7] =	ssyncset.done $0x0;
	s9 =	sshrl.u32 s9, $0x2  }
0x6d: {  	s30 =	sadd.s32 $0x1, s30;
	[sflag:s7] =	ssyncadd.s32 $0xFFFFFF80;
	s12 =	sadd.s32 $0x4200, s9  }
0x6e: {  	[tilespmem:s12], [sflag:s30] =	stream.indirect.gather [hbm4b:s1+s26], $0x80, s10, s26, $0xb8;
	[tilespmem:$0x1FA00] =	vst v63  }
.LBB2_8:
0x6f: {  	s21 =	sadd.s32 $0x1, s21  }
0x70: {  	p0 =	sne.s32 s21, $0x7D  }
.Ltmp4:
0x71: {  	_ = 	snop;
	(pc) =	sbr.rel @!p0 .LBB2_9-.Ltmp4, $2  }
0x72: {  	_ =	sdelay $0x2  }
0x73: {  	s24 =	sadd.s32 $0x80, s24;
	s28 =	sadd.s32 $0x80, s28  }
.LBB2_4:
0x74: {  	s30 =	smul.u32 $0xAB, s21;
	_ =	sdelay $0x1  }
0x75: {  	s30 =	sshrl.u32 s30, $0x9  }
0x76: {  	s30 =	sand.u32 $0x7F, s30  }
0x77: {  	s30 =	smul.u32 $0x3, s30  }
0x78: {  	p0 =	seq.s32 s21, $0x0  }
0x79: {  	s7 =	sadd.s32 @!p0 $0x2, s21;
	s30 =	ssub.s32 s21, s30  }
0x7a: {  	s12 =	sand.u32 @!p0 $0xFF, s7;
	s30 =	sand.u32 $0xFF, s30  }
0x7b: {  	s12 =	smul.u32 @!p0 $0xAB, s12;
	s10 =	sadd.s32 $0x1, s30  }
0x7c: {  	s9 =	smul.u32 $0xA000, s30;
	_ =	swait.ge [sflag:s10], $0x2800  }
0x7d: {  	p1 =	sgt.u32 @!p0 s21, $0x79;
	[sflag:s10] =	ssyncset.done $0x0  }
0x7e: {  	s9 =	sshrl.u32 s9, $0x2;
	[sflag:s10] =	ssyncadd.s32 $0xFFFFD800;
	s10 =	sshrl.u32 @!p0 s12, $0x9  }
0x7f: {  	s9 =	sadd.s32 $0x4200, s9;
	s12 =	sor.u32 $0x4, s30;
	s10 =	smul.u32 @!p0 $0x3, s10  }
0x80: {  	[spmem:s2] =	stream.indirect.scatter.add.f32 [tilespmem:s9], [sflag:s12], $0x80, s24, s26, $0xb8;
	[tilespmem:$0x1FA00] =	vst v63  }
0x81: {  	p1 =	por p0, !p1;
	s7 =	ssub.s32 @!p0 s7, s10  }
.Ltmp5:
0x82: {  	s30 =	sand.u32 @!p0 $0xFF, s7;
	(pc) =	sbr.rel @p1 .LBB2_5-.Ltmp5, $4  }
0x83: {  	s7 =	sor.u32 @!p0 $0x4, s30  }
0x84: {  	_ =	swait.ge @!p0 [sflag:s7], $0x2800  }
0x85: {  	[sflag:s7] =	ssyncset.done @!p0 $0x0  }
0x86: {  	[sflag:s7] =	ssyncadd.s32 @!p0 $0xFFFFD800  }
0x87: {  	p0 =	sne.s32 s21, $0x7A  }
.Ltmp6:
0x88: {  	_ = 	snop;
	(pc) =	sbr.rel @p0 .LBB2_8-.Ltmp6, $4  }
.Ltmp7:
0x89: {  	_ = 	snop;
	(pc) =	sbr.rel @!p0 .LBB2_7-.Ltmp7, $4  }
0x8a: {  	_ = 	snop  }
0x8b: {  	_ = 	snop  }
0x8c: {  	_ = 	snop  }
0x8d: {  	_ = 	snop  }
.LBB2_10:
0x8e: {  	_ =	sfence.sel $0x180000  }
0x8f: {  	[bflag:$0x0] =	sbarrier.arrive $0xFFFF  }
0x90: {  	_ =	strace $0x9000004D  }
0x91: {  	s0 =	stileid.u32;
	[bflag:$0x2] =	sbarrier.arrive $0xFFFF  }
0x92: {  	p0 =	sne.s32 s0, $0x0;
	s0 =	rddreg [dreg:$0x3]  }
0x93: {  	s0 =	sadd.s32 @!p0 $0x100000, s0  }
0x94: {  	[sflag:s0] =	ssyncadd.tile.s32 @!p0 $0x1;
	_ =	shalt  }
.Lfunc_end2:
_tile_overlayer_lowered:
.L_overlay_start_2:
0x95: {  	(tag) =	ssettag $0x2  }
0x96: {  	s0 =	rddreg [dreg:$0x0];
	s2 =	stileid.u32  }
0x97: {  	s1 =	rddreg [dreg:$0x1];
	p0 =	sne.s32 s2, $0x0  }
0x98: {  	s3 =	rddreg [dreg:$0x2];
	[bflag:$0x3] =	sbarrier.arrive $0xFFFF;
	s2 =	simm.s32 @!p0 $0x1C0A  }
0x99: {  	[timem:s3], [sflag:s2] =	dma.local @!p0 [hbm:s0], s1  }
0x9a: {  	s0 =	simm.s32 @!p0 $0xA  }
0x9b: {  	_ =	swait.ge @!p0 [sflag:s0], s1  }
0x9c: {  	s1 =	ssub.s32 @!p0 $0x0, s1;
	[sflag:s0] =	ssyncset.done @!p0 $0x0  }
0x9d: {  	[sflag:s0] =	ssyncadd.s32 @!p0 s1  }
0x9e: {  	[bflag:$0x3] =	sbarrier.arrive $0xFFFF  }
0x9f: {  	_ =	shalt  }

// kernel: kernel.19.cloned.1.call-start
scs
__scs_entry_jumppad:
0x0: {  	(pc) =	sbr.rel $0x88, $3  }
0x1: {  	(tag) =	ssettag $0x0;
	lr =	simm.s32 $0x1  }
0x2: {  	[smem:$0x3F98] =	sst lr;
	_ =	strace $0xD0000000  }
0x3: {  	_ = 	snop  }
0x4: {  	_ = 	snop  }
0x5: {  	_ = 	snop  }
0x6: {  	_ = 	snop  }
0x7: {  	_ = 	snop  }
__scs_overlays_trampoline_lowered:
0x8: {  	[smem:$0x3FA7] =	sst s0  }
0x9: {  	[smem:$0x3FA8] =	sst s1  }
0xa: {  	[smem:$0x3FA9] =	sst s2  }
0xb: {  	[smem:$0x3FAA] =	sst s3  }
0xc: {  	[smem:$0x3FAB] =	sst s4  }
0xd: {  	[smem:$0x3FAC] =	sst s5  }
0xe: {  	[smem:$0x3FAD] =	sst s6  }
0xf: {  	[smem:$0x3FAE] =	sst s7  }
0x10: {  	[smem:$0x3FAF] =	sst s8  }
0x11: {  	[smem:$0x3FB0] =	sst s9;
	s0 =	simm.s32 @!p0 $0x0  }
0x12: {  	s1 =	sld [smem:$0x3F96];
	s0 =	simm.s32 @p0 $0x1  }
0x13: {  	[smem:$0x3FB1] =	sst s0;
	s0 =	simm.s32 @!p1 $0x0  }
0x14: {  	s2 =	sld [smem:$0x3F95];
	s0 =	simm.s32 @p1 $0x1  }
0x15: {  	[smem:$0x3FB2] =	sst s0;
	s0 =	simm.s32 @!p2 $0x0  }
0x16: {  	s3 =	sld [smem:$0x3FDB];
	s0 =	simm.s32 @p2 $0x1  }
0x17: {  	s4 =	simm.s32 $0x1BF5;
	[smem:$0x3FB4] =	sst s0  }
0x18: {  	s0 =	sld [smem:$0x3F97];
	_ =	swait.ge [sflag:s4], $0x0  }
0x19: {  	s7 =	sld [smem:$0x3F98]  }
0x1a: {  	s8 =	sadd.s32 $0xFFFFE003, lr  }
0x1b: {  	s9 =	sadd.s32 $0xFFFFFEF7, lr;
	s5 =	simm.s32 $0xFFFFFFFF;
	p2 =	slt.u32 s8, $0xFFFFF086  }
0x1c: {  	p1 =	slt.u32 s9, $0xF7A;
	s5 =	simm.s32 @!p2 $0x0  }
0x1d: {  	s5 =	simm.s32 @p1 $0x1;
	p0 =	seq.s32 s7, s2  }
0x1e: {  	s7 =	smul.u32 @!p0 $0xF7A, s2;
	p2 =	seq.s32 @!p0 s5, $0x0  }
0x1f: {  	s9 =	smul.u32 $0xF7A, s1;
	s8 =	simm.s32 @!p0 $0x1BF5;
	p2 =	por !p2, p0  }
0x20: {  	[sflag:s8] =	ssyncset.s32 @!p0 $0xFFFFF086;
	s6 =	sadd.s32 @!p0 s3, s7;
	s7 =	simm.s32 @!p0 $0x108  }
0x21: {  	s3 =	sadd.s32 s3, s9;
	s6 =	sadd.s32 @!p0 $0x88, s6;
	s7 =	simm.s32 @p2 $0x1082  }
0x22: {  	[simem:s7], [sflag:s8] =	dma.local @!p0 [hbm:s6], $0xF7A  }
0x23: {  	s9 =	sor.u32 $0xD0000000, s2;
	s6 =	simm.s32 $0x108;
	_ =	swait.ge @!p0 [sflag:s8], $0x0  }
0x24: {  	s3 =	sadd.s32 $0x88, s3;
	s6 =	simm.s32 @!p1 $0x1082;
	[sflag:s4] =	ssyncset.s32 $0xFFFFF086  }
0x25: {  	[simem:s6], [sflag:s4] =	dma.local [hbm:s3], $0xF7A  }
0x26: {  	[smem:$0x3F98] =	sst s1;
	(tag) =	ssettag s2;
	_ =	strace s9  }
0x27: {  	s1 =	sld [smem:$0x3FA8]  }
0x28: {  	s2 =	sld [smem:$0x3FA9]  }
0x29: {  	s4 =	sld [smem:$0x3FAB]  }
0x2a: {  	p0 =	seq.s32 s5, $0x0;
	s5 =	sld [smem:$0x3FAC]  }
0x2b: {  	s6 =	sld [smem:$0x3FAD]  }
0x2c: {  	s7 =	sld [smem:$0x3FAE]  }
0x2d: {  	s3 =	simm.s32 $0x108;
	s8 =	sld [smem:$0x3FAF]  }
0x2e: {  	s3 =	simm.s32 @!p0 $0x1082;
	s9 =	sld [smem:$0x3FB0]  }
0x2f: {  	lr =	sadd.s32 s0, s3;
	s0 =	sld [smem:$0x3FA7]  }
0x30: {  	s3 =	sld [smem:$0x3FAA]  }
0x31: {  	[smem:$0x3FB3] =	sst s10  }
0x32: {  	s10 =	sld [smem:$0x3FB1];
	_ =	sdelay $0x3  }
0x33: {  	p0 =	seq.s32 s10, $0x1;
	s10 =	sld [smem:$0x3FB3];
	_ =	sdelay $0x3  }
0x34: {  	[smem:$0x3FB3] =	sst s10  }
0x35: {  	s10 =	sld [smem:$0x3FB2];
	_ =	sdelay $0x3  }
0x36: {  	p1 =	seq.s32 s10, $0x1;
	s10 =	sld [smem:$0x3FB3];
	_ =	sdelay $0x3  }
0x37: {  	[smem:$0x3FB3] =	sst s10  }
0x38: {  	s10 =	sld [smem:$0x3FB4]  }
0x39: {  	_ = 	snop;
	(pc) =	sbr.ind lr, $3  }
0x3a: {  	_ = 	snop  }
0x3b: {  	_ = 	snop  }
0x3c: {  	p2 =	seq.s32 s10, $0x1;
	s10 =	sld [smem:$0x3FB3]  }
0x3d: {  	_ =	shalt  }
0x3e: {  	_ =	shalt  }
0x3f: {  	_ =	shalt  }
0x40: {  	_ =	shalt  }
0x41: {  	_ =	shalt  }
0x42: {  	_ =	shalt  }
0x43: {  	_ =	shalt  }
0x44: {  	_ =	shalt  }
0x45: {  	_ =	shalt  }
0x46: {  	_ =	shalt  }
0x47: {  	_ =	shalt  }
0x48: {  	_ =	shalt  }
0x49: {  	_ =	shalt  }
0x4a: {  	_ =	shalt  }
0x4b: {  	_ =	shalt  }
0x4c: {  	_ =	shalt  }
0x4d: {  	_ =	shalt  }
0x4e: {  	_ =	shalt  }
0x4f: {  	_ =	shalt  }
0x50: {  	_ =	shalt  }
0x51: {  	_ =	shalt  }
0x52: {  	_ =	shalt  }
0x53: {  	_ =	shalt  }
0x54: {  	_ =	shalt  }
0x55: {  	_ =	shalt  }
0x56: {  	_ =	shalt  }
0x57: {  	_ =	shalt  }
0x58: {  	_ =	shalt  }
0x59: {  	_ =	shalt  }
0x5a: {  	_ =	shalt  }
0x5b: {  	_ =	shalt  }
0x5c: {  	_ =	shalt  }
0x5d: {  	_ =	shalt  }
0x5e: {  	_ =	shalt  }
0x5f: {  	_ =	shalt  }
0x60: {  	_ =	shalt  }
0x61: {  	_ =	shalt  }
0x62: {  	_ =	shalt  }
0x63: {  	_ =	shalt  }
0x64: {  	_ =	shalt  }
0x65: {  	_ =	shalt  }
0x66: {  	_ =	shalt  }
0x67: {  	_ =	shalt  }
0x68: {  	_ =	shalt  }
0x69: {  	_ =	shalt  }
0x6a: {  	_ =	shalt  }
0x6b: {  	_ =	shalt  }
0x6c: {  	_ =	shalt  }
0x6d: {  	_ =	shalt  }
0x6e: {  	_ =	shalt  }
0x6f: {  	_ =	shalt  }
0x70: {  	_ =	shalt  }
0x71: {  	_ =	shalt  }
0x72: {  	_ =	shalt  }
0x73: {  	_ =	shalt  }
0x74: {  	_ =	shalt  }
0x75: {  	_ =	shalt  }
0x76: {  	_ =	shalt  }
0x77: {  	_ =	shalt  }
0x78: {  	_ =	shalt  }
0x79: {  	_ =	shalt  }
0x7a: {  	_ =	shalt  }
0x7b: {  	_ =	shalt  }
0x7c: {  	_ =	shalt  }
0x7d: {  	_ =	shalt  }
0x7e: {  	_ =	shalt  }
0x7f: {  	_ =	shalt  }
0x80: {  	_ =	shalt  }
0x81: {  	_ =	shalt  }
0x82: {  	_ =	shalt  }
0x83: {  	_ =	shalt  }
0x84: {  	_ =	shalt  }
0x85: {  	_ =	shalt  }
0x86: {  	_ =	shalt  }
0x87: {  	_ =	shalt  }
.Lfunc_end0:
.L_simem_size_0:
called_computation.3_lowered:
.L_overlay_start_0:
0x88: {  	s2 =	sld [smem:$0x3FD9]  }
0x89: {  	s3 =	sld [smem:$0x3FFE];
	_ =	sdelay $0x1  }
0x8a: {  	s1 =	srdreg.scid  }
0x8b: {  	s0 =	sand.u32 $0x1, s1  }
0x8c: {  	s17 =	sshll.u32 s0, $0xA;
	s2 =	sadd.s32 s3, s2  }
0x8d: {  	s2 =	sadd.s32 s2, s17  }
0x8e: {  	[smem:$0x3FBF] =	sst s2  }
0x8f: {  	_ = 	snop  }
0x90: {  	s2 =	sld [smem:$0x3FD0];
	(tm) =	ssettm $0x1  }
0x91: {  	s18 =	sld [smem:$0x3FFB];
	_ =	sdelay $0x3  }
0x92: {  	_ =	strace s18  }
0x93: {  	s3 =	sld [smem:$0x3FFC];
	_ =	sdelay $0x3  }
0x94: {  	_ =	strace s3  }
0x95: {  	s3 =	sld [smem:$0x3FFD];
	_ =	sdelay $0x3  }
0x96: {  	_ =	strace s3  }
0x97: {  	_ =	strace $0x8FFFFFFF  }
0x98: {  	s19 =	sld [smem:$0x3FDB];
	_ =	sdelay $0x1  }
0x99: {  	s4 =	simm.s32 $_scs_section_size  }
0x9a: {  	s5 =	simm.s32 $_size__tile_overlayer_lowered;
	s6 =	simm.s32 $_tile_overlayer_lowered  }
0x9b: {  	s22 =	simm.s32 $0x1BFF;
	s21 =	sshll.u32 s6, $0x1;
	s3 =	sadd.s32 s4, s19  }
0x9c: {  	s7 =	simm.s32 $0x0;
	s20 =	sshll.u32 s5, $0x1;
	s5 =	sadd.s32 s21, s3  }
0x9d: {  	[timem:s7], [sflag:s22] =	dma.local [hbm:s5], s20  }
0x9e: {  	_ =	swait.ge [sflag:s22], s20  }
0x9f: {  	s4 =	ssub.s32 $0x0, s20;
	[sflag:s22] =	ssyncset.done $0x0  }
0xa0: {  	[sflag:s22] =	ssyncadd.s32 s4;
	_ =	sdelay $0x1  }
0xa1: {  	s23 =	simm.s32 $0x1B8B  }
0xa2: {  	_ =	swait.ge [sflag:s23], $0x1  }
0xa3: {  	[sflag:s23] =	ssyncset.done $0x0  }
0xa4: {  	s25 =	simm.s32 $0x1B8E;
	s24 =	sld [smem:$0x3FFE];
	[sflag:s23] =	ssyncadd.s32 $0xFFFFFFFF  }
0xa5: {  	s26 =	simm.s32 $execute0_lowered;
	[smem:$0x3FD2] =	sst s25  }
0xa6: {  	s5 =	sshll.u32 s26, $0x1;
	_ =	strace $0x8000004F;
	[dreg:$0x1] =	wrdreg $0xFFFFFFFF  }
0xa7: {  	s28 =	simm.s32 $_size_execute0_lowered;
	s3 =	sadd.s32 s3, s5;
	[dreg:$0x0] =	wrdreg $0x0  }
0xa8: {  	s5 =	sshll.u32 s28, $0x1;
	[dreg:$0x2] =	wrdreg s3  }
0xa9: {  	[dreg:$0x3] =	wrdreg s5  }
0xaa: {  	[dreg:$0x4] =	wrdreg $0xC0  }
0xab: {  	_ =	task [dreg:s7], $0x5FFFF  }
0xac: {  	[dreg:$0x1] =	wrdreg $0xFFFFFFFF  }
0xad: {  	[dreg:$0x0] =	wrdreg $0x60  }
0xae: {  	[dreg:$0x2] =	wrdreg s2  }
0xaf: {  	[dreg:$0x3] =	wrdreg s24  }
0xb0: {  	[dreg:$0x4] =	wrdreg $0xBA000  }
0xb1: {  	[dreg:$0x5] =	wrdreg $0x9  }
0xb2: {  	_ =	task.clear_ibuf [dreg:s7], $0x6FFFF;
	_ =	strace $0x9000004F  }
0xb3: {  	s29 =	simm.s32 $0x9;
	_ =	strace $0x80000051  }
0xb4: {  	_ =	swait.ge [sflag:s29], $0x1  }
0xb5: {  	[sflag:s29] =	ssyncadd.s32 $0xFFFFFFFF  }
0xb6: {  	_ =	strace $0x90000051  }
0xb7: {  	_ =	sfence  }
0xb8: {  	s30 =	sld [smem:$0x0];
	_ =	sdelay $0x2  }
0xb9: {  	s31 =	sshll.u32 s1, $0xD;
	s1 =	sshrl.u32 s1, $0x2  }
0xba: {  	s3 =	sand.u32 $0x4000, s31;
	s1 =	sadd.s32 s1, s30  }
0xbb: {  	s0 =	sor.u32 s3, s0;
	s1 =	sshll.u32 s1, $0x11  }
0xbc: {  	s0 =	sor.u32 s1, s0  }
0xbd: {  	s0 =	sadd.s32 $0x8F2B, s0  }
0xbe: {  	[sflag:s0] =	ssyncadd.remote.s32 $0x1  }
0xbf: {  	_ =	sfence.sel $0xFFFF  }
0xc0: {  	[dreg:$0x0] =	wrdreg $0xFFFFFFFF;
	(pc) =	sbr.abs _section_cstart, $3  }
0xc1: {  	[dreg:$0x1] =	wrdreg $0xFFFFFFFF  }
0xc2: {  	_ =	task.clear_ibuf [dreg:s7], $0x2FFFF;
	_ =	strace $0x9FFFFFFF  }
0xc3: {  	(tm) =	ssettm $0x7FFFFFFF  }
tec
execute0_lowered:
.L_overlay_start_1:
0x0: {  	(tag) =	ssettag $0x1  }
0x1: {  	s1 =	rddreg [dreg:$0x0]  }
0x2: {  	s0 =	rddreg [dreg:$0x1]  }
0x3: {  	s2 =	rddreg [dreg:$0x2];
	s4 =	simm.s32 $0x0  }
0x4: {  	s3 =	srdreg.scid;
	s10 =	stileid.u32;
	s22 =	simm.s32 $0xA  }
0x5: {  	s29 =	simm.s32 $0x8;
	s31 =	simm.s32 $0x9200;
	s9 =	smul.u32 $0x14000, s10  }
0x6: {  	s3 =	sand.u32 $0x1, s3;
	s8 =	sshll.u32 s10, $0xE;
	s10 =	smul.u32 $0x50000, s10  }
0x7: {  	[smem:$0x7FF] =	sst s4;
	s5 =	sadd.s32 $0x63600, s0;
	s7 =	smul.u32 $0x140000, s3  }
0x8: {  	s6 =	sshll.u32 s3, $0x12;
	_ =	strace $0x80000050;
	s3 =	ssub.s32 $0x2, s3  }
0x9: {  	s6 =	sor.u32 s8, s6;
	s23 =	sshrl.u32 s3, $0x1;
	s25 =	sshrl.u32 s10, $0x2  }
0xa: {  	s8 =	sshrl.u32 s6, $0x3;
	s7 =	sadd.s32 s9, s7;
	s3 =	ssub.s32 s3, s23  }
0xb: {  	s23 =	simm.s32 $0x80;
	s7 =	sshrl.u32 s7, $0x3;
	s11 =	sadd.s32 s8, s0  }
0xc: {  	s8 =	sadd.s32 s5, s8;
	s20 =	smax.u32 s3, $0x1;
	s3 =	simm.s32 $0x0  }
0xd: {  	s0 =	sadd.s32 s7, s0;
	s24 =	sadd.s32 $0x3000, s11;
	s26 =	sadd.s32 $0x10, s8  }
0xe: {  	s28 =	sadd.s32 $0x20, s8;
	s11 =	sadd.s32 s25, s2;
	[dreg:$0x4] =	wrdreg s24  }
.Ltmp0:
0xf: {  	s25 =	simm.s32 $0x7;
	[dreg:$0x5] =	wrdreg s26;
	(pc) =	sbr.rel .LBB2_1-.Ltmp0, $4  }
0x10: {  	[dreg:$0x6] =	wrdreg s28;
	s30 =	sadd.s32 $0x2800, s11;
	s13 =	sadd.s32 $0x5000, s11  }
0x11: {  	s14 =	sadd.s32 $0x7800, s11;
	s15 =	sadd.s32 $0xA000, s11;
	s16 =	sadd.s32 $0xC800, s11  }
0x12: {  	s17 =	sadd.s32 $0xF000, s11;
	s18 =	sadd.s32 $0x11800, s11;
	s19 =	sadd.s32 $0x13000, s0  }
0x13: {  	v0 =	vimm.f32 $0.0e+00;
	s26 =	simm.s32 $0x50;
	s0 =	simm.s32 $0x5;
	[dreg:$0x7] =	wrdreg s30  }
.LBB2_9:
0x14: {  	_ =	swait.ge [sflag:s0], $0x2800;
	s7 =	stileid.u32  }
0x15: {  	s9 =	sshrl.u32 s11, $0x3;
	s3 =	sadd.s32 $0x1, s3;
	[sflag:s0] =	ssyncset.done $0x0  }
0x16: {  	s7 =	sshll.u32 s7, $0x6;
	p0 =	sne.s32 s3, s20;
	[sflag:s0] =	ssyncadd.s32 $0xFFFFD800  }
.Ltmp1:
0x17: {  	s7 =	sor.u32 $0x1C0A, s7;
	[bflag:$0x0] =	sbarrier.arrive $0xFFFF;
	(pc) =	sbr.rel @!p0 .LBB2_10-.Ltmp1, $4  }
0x18: {  	[hbm:s19], [sflag:s7] =	dma.local [spmem:s9], $0x2800  }
0x19: {  	_ =	swait.ge [sflag:s22], $0x2800  }
0x1a: {  	[sflag:s22] =	ssyncset.done $0x0  }
0x1b: {  	[sflag:s22] =	ssyncadd.s32 $0xFFFFD800  }
.LBB2_1:
0x1c: {  	s7 =	rddreg [dreg:$0x4];
	s9 =	simm.s32 $0x200  }
0x1d: {  	[tilespmem:s9], [sflag:$0xA] =	stream.linear.gather [hbm4b:s7+s4], $0x3E80, $0x38;
	[tilespmem:$0x1FA00] =	vst v63  }
0x1e: {  	_ =	swait.ge [sflag:s22], $0x3E80  }
0x1f: {  	[sflag:s22] =	ssyncset.done $0x0  }
0x20: {  	[sflag:s22] =	ssyncadd.s32 $0xFFFFC180  }
0x21: {  	[tilespmem:s4], [sflag:$0x7] =	stream.linear.gather [hbm4b:s8+s4], $0x80, $0x38;
	[tilespmem:$0x1FA00] =	vst v63  }
0x22: {  	s12 =	rddreg [dreg:$0x5]  }
0x23: {  	[tilespmem:s23], [sflag:$0x8] =	stream.linear.gather [hbm4b:s12+s4], $0x80, $0x38;
	[tilespmem:$0x1FA00] =	vst v63  }
0x24: {  	s24 =	simm.s32 $0x100;
	s21 =	rddreg [dreg:$0x6]  }
0x25: {  	[tilespmem:s24], [sflag:$0x9] =	stream.linear.gather [hbm4b:s21+s4], $0x80, $0x38;
	[tilespmem:$0x1FA00] =	vst v63  }
0x26: {  	_ =	swait.ge [sflag:s25], $0x80  }
0x27: {  	[sflag:s25] =	ssyncset.done $0x0  }
0x28: {  	s28 =	simm.s32 $0x4200;
	[sflag:s25] =	ssyncadd.s32 $0xFFFFFF80  }
0x29: {  	[tilespmem:s28], [sflag:$0x1] =	stream.indirect.gather [hbm4b:s1+s26], $0x80, s4, s26, $0xb8;
	[tilespmem:$0x1FA00] =	vst v63  }
0x2a: {  	_ =	swait.ge [sflag:s29], $0x80  }
0x2b: {  	s30 =	simm.s32 $0x6A00;
	[sflag:s29] =	ssyncset.done $0x0  }
0x2c: {  	s21 =	simm.s32 $0x0;
	s24 =	simm.s32 $0x200;
	[sflag:s29] =	ssyncadd.s32 $0xFFFFFF80  }
0x2d: {  	[tilespmem:s30], [sflag:$0x2] =	stream.indirect.gather [hbm4b:s1+s26], $0x80, s23, s26, $0xb8;
	[tilespmem:$0x1FA00] =	vst v63  }
.LBB2_2:
0x2e: {  	p0 =	sne.s32 s24, $0x9E00;
	[tilespmem:s21+$0x9270] =	vst v0  }
0x2f: {  	[tilespmem:s21+$0x9200] =	vst v0  }
0x30: {  	[tilespmem:s21+$0x9210] =	vst v0  }
.Ltmp2:
0x31: {  	[tilespmem:s21+$0x9220] =	vst v0;
	(pc) =	sbr.rel @p0 .LBB2_2-.Ltmp2, $4  }
0x32: {  	[tilespmem:s21+$0x9230] =	vst v0  }
0x33: {  	[tilespmem:s21+$0x9240] =	vst v0  }
0x34: {  	[tilespmem:s21+$0x9250] =	vst v0  }
0x35: {  	[tilespmem:s21+$0x9260] =	vst v0;
	s21 =	sshra.s32 s24, $0x2;
	s24 =	sadd.s32 $0x200, s24  }
0x36: {  	[tilespmem:s21+$0x9270] =	vst v0  }
0x37: {  	[tilespmem:s21+$0x9200] =	vst v0  }
0x38: {  	[tilespmem:s21+$0x9210] =	vst v0  }
0x39: {  	[tilespmem:s21+$0x9220] =	vst v0  }
0x3a: {  	[tilespmem:s21+$0x9230] =	vst v0  }
0x3b: {  	[tilespmem:s21+$0x9240] =	vst v0  }
0x3c: {  	[tilespmem:s21+$0x9250] =	vst v0  }
0x3d: {  	[tilespmem:s21+$0x9260] =	vst v0  }
0x3e: {  	[spmem:s11] =	stream.linear.scatter [tilespmem:s31], [sflag:$0xA], $0x2800, $0x38;
	[tilespmem:$0x1FA00] =	vst v63  }
0x3f: {  	_ =	swait.ge [sflag:s22], $0x2800  }
0x40: {  	[sflag:s22] =	ssyncset.done $0x0  }
0x41: {  	s7 =	rddreg [dreg:$0x7];
	[sflag:s22] =	ssyncadd.s32 $0xFFFFD800  }
0x42: {  	[spmem:s7] =	stream.linear.scatter [tilespmem:s31], [sflag:$0xA], $0x2800, $0x38;
	[tilespmem:$0x1FA00] =	vst v63  }
0x43: {  	_ =	swait.ge [sflag:s22], $0x2800  }
0x44: {  	[sflag:s22] =	ssyncset.done $0x0  }
0x45: {  	[sflag:s22] =	ssyncadd.s32 $0xFFFFD800  }
0x46: {  	[spmem:s13] =	stream.linear.scatter [tilespmem:s31], [sflag:$0xA], $0x2800, $0x38;
	[tilespmem:$0x1FA00] =	vst v63  }
0x47: {  	_ =	swait.ge [sflag:s22], $0x2800  }
0x48: {  	[sflag:s22] =	ssyncset.done $0x0  }
0x49: {  	[sflag:s22] =	ssyncadd.s32 $0xFFFFD800  }
0x4a: {  	[spmem:s14] =	stream.linear.scatter [tilespmem:s31], [sflag:$0xA], $0x2800, $0x38;
	[tilespmem:$0x1FA00] =	vst v63  }
0x4b: {  	_ =	swait.ge [sflag:s22], $0x2800  }
0x4c: {  	[sflag:s22] =	ssyncset.done $0x0  }
0x4d: {  	[sflag:s22] =	ssyncadd.s32 $0xFFFFD800  }
0x4e: {  	[spmem:s15] =	stream.linear.scatter [tilespmem:s31], [sflag:$0xA], $0x2800, $0x38;
	[tilespmem:$0x1FA00] =	vst v63  }
0x4f: {  	_ =	swait.ge [sflag:s22], $0x2800  }
0x50: {  	[sflag:s22] =	ssyncset.done $0x0  }
0x51: {  	[sflag:s22] =	ssyncadd.s32 $0xFFFFD800  }
0x52: {  	[spmem:s16] =	stream.linear.scatter [tilespmem:s31], [sflag:$0xA], $0x2800, $0x38;
	[tilespmem:$0x1FA00] =	vst v63  }
0x53: {  	_ =	swait.ge [sflag:s22], $0x2800  }
0x54: {  	[sflag:s22] =	ssyncset.done $0x0  }
0x55: {  	[sflag:s22] =	ssyncadd.s32 $0xFFFFD800  }
0x56: {  	[spmem:s17] =	stream.linear.scatter [tilespmem:s31], [sflag:$0xA], $0x2800, $0x38;
	[tilespmem:$0x1FA00] =	vst v63  }
0x57: {  	_ =	swait.ge [sflag:s22], $0x2800  }
0x58: {  	[sflag:s22] =	ssyncset.done $0x0  }
0x59: {  	[sflag:s22] =	ssyncadd.s32 $0xFFFFD800  }
0x5a: {  	[spmem:s18] =	stream.linear.scatter [tilespmem:s31], [sflag:$0xA], $0x2800, $0x38;
	[tilespmem:$0x1FA00] =	vst v63  }
.Ltmp3:
0x5b: {  	_ =	swait.ge [sflag:s22], $0x2800;
	(pc) =	sbr.rel .LBB2_4-.Ltmp3, $4  }
0x5c: {  	[sflag:s22] =	ssyncset.done $0x0  }
0x5d: {  	[sflag:s22] =	ssyncadd.s32 $0xFFFFD800  }
0x5e: {  	[bflag:$0x0] =	sbarrier.arrive $0xFFFF  }
0x5f: {  	s21 =	simm.s32 $0x0;
	s24 =	simm.s32 $0x200;
	s28 =	simm.s32 $0x180  }
.LBB2_5:
0x60: {  	s7 =	sadd.s32 $0x3, s21  }
0x61: {  	s9 =	smul.u32 $0xAB, s7;
	_ =	sdelay $0x1  }
0x62: {  	s9 =	sshrl.u32 s9, $0x9  }
0x63: {  	s9 =	sand.u32 $0x7F, s9  }
0x64: {  	s10 =	sand.u32 $0x7C00, s28;
	s9 =	smul.u32 $0x3, s9  }
0x65: {  	s12 =	sand.u32 $0x380, s28;
	s10 =	sadd.s32 s6, s10  }
0x66: {  	s10 =	sor.u32 s12, s10;
	s7 =	ssub.s32 s7, s9  }
0x67: {  	s30 =	simm.s32 @p0 $0x2;
	s10 =	sshrl.u32 s10, $0x3;
	s7 =	sand.u32 $0xFF, s7  }
0x68: {  	s9 =	sadd.s32 s5, s10;
	s12 =	sshll.u32 s7, $0x7;
	s7 =	sadd.s32 $0x7, s7  }
0x69: {  	[tilespmem:s12], [sflag:s7] =	stream.linear.gather [hbm4b:s9+s4], $0x80, $0x38;
	[tilespmem:$0x1FA00] =	vst v63  }
.LBB2_7:
0x6a: {  	s7 =	sadd.s32 $0x7, s30;
	s9 =	smul.u32 $0xA000, s30  }
0x6b: {  	_ =	swait.ge [sflag:s7], $0x80  }
0x6c: {  	s10 =	sshll.u32 s30, $0x7;
	[sflag:s7] =	ssyncset.done $0x0;
	s9 =	sshrl.u32 s9, $0x2  }
0x6d: {  	s30 =	sadd.s32 $0x1, s30;
	[sflag:s7] =	ssyncadd.s32 $0xFFFFFF80;
	s12 =	sadd.s32 $0x4200, s9  }
0x6e: {  	[tilespmem:s12], [sflag:s30] =	stream.indirect.gather [hbm4b:s1+s26], $0x80, s10, s26, $0xb8;
	[tilespmem:$0x1FA00] =	vst v63  }
.LBB2_8:
0x6f: {  	s21 =	sadd.s32 $0x1, s21  }
0x70: {  	p0 =	sne.s32 s21, $0x7D  }
.Ltmp4:
0x71: {  	_ = 	snop;
	(pc) =	sbr.rel @!p0 .LBB2_9-.Ltmp4, $2  }
0x72: {  	_ =	sdelay $0x2  }
0x73: {  	s24 =	sadd.s32 $0x80, s24;
	s28 =	sadd.s32 $0x80, s28  }
.LBB2_4:
0x74: {  	s30 =	smul.u32 $0xAB, s21;
	_ =	sdelay $0x1  }
0x75: {  	s30 =	sshrl.u32 s30, $0x9  }
0x76: {  	s30 =	sand.u32 $0x7F, s30  }
0x77: {  	s30 =	smul.u32 $0x3, s30  }
0x78: {  	p0 =	seq.s32 s21, $0x0  }
0x79: {  	s7 =	sadd.s32 @!p0 $0x2, s21;
	s30 =	ssub.s32 s21, s30  }
0x7a: {  	s12 =	sand.u32 @!p0 $0xFF, s7;
	s30 =	sand.u32 $0xFF, s30  }
0x7b: {  	s12 =	smul.u32 @!p0 $0xAB, s12;
	s10 =	sadd.s32 $0x1, s30  }
0x7c: {  	s9 =	smul.u32 $0xA000, s30;
	_ =	swait.ge [sflag:s10], $0x2800  }
0x7d: {  	p1 =	sgt.u32 @!p0 s21, $0x79;
	[sflag:s10] =	ssyncset.done $0x0  }
0x7e: {  	s9 =	sshrl.u32 s9, $0x2;
	[sflag:s10] =	ssyncadd.s32 $0xFFFFD800;
	s10 =	sshrl.u32 @!p0 s12, $0x9  }
0x7f: {  	s9 =	sadd.s32 $0x4200, s9;
	s12 =	sor.u32 $0x4, s30;
	s10 =	smul.u32 @!p0 $0x3, s10  }
0x80: {  	[spmem:s2] =	stream.indirect.scatter.add.f32 [tilespmem:s9], [sflag:s12], $0x80, s24, s26, $0xb8;
	[tilespmem:$0x1FA00] =	vst v63  }
0x81: {  	p1 =	por p0, !p1;
	s7 =	ssub.s32 @!p0 s7, s10  }
.Ltmp5:
0x82: {  	s30 =	sand.u32 @!p0 $0xFF, s7;
	(pc) =	sbr.rel @p1 .LBB2_5-.Ltmp5, $4  }
0x83: {  	s7 =	sor.u32 @!p0 $0x4, s30  }
0x84: {  	_ =	swait.ge @!p0 [sflag:s7], $0x2800  }
0x85: {  	[sflag:s7] =	ssyncset.done @!p0 $0x0  }
0x86: {  	[sflag:s7] =	ssyncadd.s32 @!p0 $0xFFFFD800  }
0x87: {  	p0 =	sne.s32 s21, $0x7A  }
.Ltmp6:
0x88: {  	_ = 	snop;
	(pc) =	sbr.rel @p0 .LBB2_8-.Ltmp6, $4  }
.Ltmp7:
0x89: {  	_ = 	snop;
	(pc) =	sbr.rel @!p0 .LBB2_7-.Ltmp7, $4  }
0x8a: {  	_ = 	snop  }
0x8b: {  	_ = 	snop  }
0x8c: {  	_ = 	snop  }
0x8d: {  	_ = 	snop  }
.LBB2_10:
0x8e: {  	_ =	sfence.sel $0x180000  }
0x8f: {  	[bflag:$0x0] =	sbarrier.arrive $0xFFFF  }
0x90: {  	_ =	strace $0x90000050  }
0x91: {  	s0 =	stileid.u32;
	[bflag:$0x2] =	sbarrier.arrive $0xFFFF  }
0x92: {  	p0 =	sne.s32 s0, $0x0;
	s0 =	rddreg [dreg:$0x3]  }
0x93: {  	s0 =	sadd.s32 @!p0 $0x100000, s0  }
0x94: {  	[sflag:s0] =	ssyncadd.tile.s32 @!p0 $0x1;
	_ =	shalt  }
.Lfunc_end2:
_tile_overlayer_lowered:
.L_overlay_start_2:
0x95: {  	(tag) =	ssettag $0x2  }
0x96: {  	s0 =	rddreg [dreg:$0x0];
	s2 =	stileid.u32  }
0x97: {  	s1 =	rddreg [dreg:$0x1];
	p0 =	sne.s32 s2, $0x0  }
0x98: {  	s3 =	rddreg [dreg:$0x2];
	[bflag:$0x3] =	sbarrier.arrive $0xFFFF;
	s2 =	simm.s32 @!p0 $0x1C0A  }
0x99: {  	[timem:s3], [sflag:s2] =	dma.local @!p0 [hbm:s0], s1  }
0x9a: {  	s0 =	simm.s32 @!p0 $0xA  }
0x9b: {  	_ =	swait.ge @!p0 [sflag:s0], s1  }
0x9c: {  	s1 =	ssub.s32 @!p0 $0x0, s1;
	[sflag:s0] =	ssyncset.done @!p0 $0x0  }
0x9d: {  	[sflag:s0] =	ssyncadd.s32 @!p0 s1  }
0x9e: {  	[bflag:$0x3] =	sbarrier.arrive $0xFFFF  }
0x9f: {  	_ =	shalt  }

</sc_bundles>
